<compile_context>
chip_gen: v7x
topology: tpu7x:2x2x1
jax: 0.10.2.dev20260603
libtpu: 0.0.44.dev20260713+nightly
codegen_flags: <defaults>
</compile_context>

<pallas_src>
import functools

import jax
import jax.numpy as jnp
from jax import lax
from jax.experimental import pallas as pl
from jax.experimental.pallas import tpu as pltpu
from jax.experimental.pallas import tpu_sc as plsc

N_NODES = 10000
N_EDGES = 320000
D_FEAT = 128
CHANNELS = 128

NC = 2
NS = 16
NW = NC * NS
CH = 128
G0 = 104
G1 = 56
GMAX = max(G0, G1)
TOT = NS * (G0 + G1)
ROWS_STAGED = TOT + 32
E_PAD = ROWS_STAGED * CH
IB = 16
N_PAD = 10240
ROWS_PER_TILE = N_PAD // NS


def _sc_aggregate(x, srcm, dstm, wm):
    mesh = plsc.VectorSubcoreMesh(
        core_axis_name="c", subcore_axis_name="s",
        num_cores=NC, num_subcores=NS)

    @functools.partial(
        pl.kernel,
        out_type=jax.ShapeDtypeStruct((NC, N_PAD, D_FEAT), jnp.float32),
        mesh=mesh,
        scratch_types=[
            pltpu.VMEM((GMAX, CH), jnp.int32),
            pltpu.VMEM((GMAX, CH), jnp.int32),
            pltpu.VMEM((IB, CH), jnp.float32),
            pltpu.VMEM((CH, D_FEAT), jnp.float32),
            pltpu.VMEM_SHARED((N_PAD, D_FEAT), jnp.float32),
            pltpu.SemaphoreType.DMA,
        ],
    )
    def body(x_hbm, src_hbm, dst_hbm, w_hbm, out_hbm,
             src_v, dst_v, w_v, rows_v, acc, sem):
        cid = lax.axis_index("c")
        sid = lax.axis_index("s")
        base = jnp.where(cid == 0, sid * G0, NS * G0 + sid * G1)
        ntile = jnp.where(cid == 0, G0, G1)

        zvec = jnp.zeros((16,), jnp.float32)

        def zfill(i, _):
            for j in range(D_FEAT // 16):
                rows_v[i, pl.ds(j * 16, 16)] = zvec
            return 0

        lax.fori_loop(0, CH, zfill, 0)
        for r in range(ROWS_PER_TILE // CH):
            pltpu.sync_copy(rows_v,
                            acc.at[pl.ds(sid * ROWS_PER_TILE + r * CH, CH)])
        plsc.subcore_barrier()

        bb = pl.multiple_of(base, 8)
        pltpu.sync_copy(src_hbm.at[pl.ds(bb, GMAX)], src_v)
        pltpu.sync_copy(dst_hbm.at[pl.ds(bb, GMAX)], dst_v)

        def chunk(c, _):
            kk = lax.rem(c, IB)

            @pl.when(kk == 0)
            def _():
                cc = pl.multiple_of(base + (c - kk), 8)
                pltpu.sync_copy(w_hbm.at[pl.ds(cc, IB)], w_v)

            pltpu.async_copy(x_hbm.at[src_v.at[c]], rows_v, sem).wait()

            def scale(g, _):
                wrow = w_v[kk, pl.ds(g * 16, 16)]
                for t in range(16):
                    wsp = lax.gather(
                        wrow, jnp.full((16, 1), t, jnp.int32),
                        lax.GatherDimensionNumbers(
                            offset_dims=(), collapsed_slice_dims=(0,),
                            start_index_map=(0,)),
                        slice_sizes=(1,),
                        mode=lax.GatherScatterMode.PROMISE_IN_BOUNDS)
                    e = g * 16 + t
                    for j in range(D_FEAT // 16):
                        sl = (e, pl.ds(j * 16, 16))
                        rows_v[sl] = rows_v[sl] * wsp
                return 0

            lax.fori_loop(0, CH // 16, scale, 0)

            pltpu.sync_copy(rows_v, acc.at[dst_v.at[c]], add=True)
            return 0

        lax.fori_loop(0, ntile, chunk, 0)
        plsc.subcore_barrier()

        pltpu.sync_copy(acc.at[pl.ds(sid * ROWS_PER_TILE, ROWS_PER_TILE)],
                        out_hbm.at[cid, pl.ds(sid * ROWS_PER_TILE,
                                              ROWS_PER_TILE)])

    return body(x, srcm, dstm, wm)


def _tc_combine(p, W, b2):
    BLK = 1024

    def body(p_ref, w_ref, b_ref, o_ref):
        s = p_ref[0] + p_ref[1]
        o_ref[...] = jnp.dot(s, w_ref[...],
                             preferred_element_type=jnp.float32) + b_ref[...]

    return pl.pallas_call(
        body,
        grid=(N_PAD // BLK,),
        in_specs=[
            pl.BlockSpec((NC, BLK, D_FEAT), lambda i: (0, i, 0)),
            pl.BlockSpec((D_FEAT, CHANNELS), lambda i: (0, 0)),
            pl.BlockSpec((1, CHANNELS), lambda i: (0, 0)),
        ],
        out_specs=pl.BlockSpec((BLK, CHANNELS), lambda i: (i, 0)),
        out_shape=jax.ShapeDtypeStruct((N_PAD, CHANNELS), jnp.float32),
    )(p, W, b2)


def kernel(x, edge_index, edge_weight, W, b):
    pad = E_PAD - N_EDGES
    src = jnp.concatenate([edge_index[0], jnp.zeros((pad,), jnp.int32)])
    dst = jnp.concatenate([edge_index[1], jnp.zeros((pad,), jnp.int32)])
    w = jnp.concatenate([edge_weight, jnp.zeros((pad,), jnp.float32)])
    srcm = src.reshape(ROWS_STAGED, CH)
    dstm = dst.reshape(ROWS_STAGED, CH)
    wm = w.reshape(ROWS_STAGED, CH)

    p = _sc_aggregate(x, srcm, dstm, wm)
    return _tc_combine(p, W, b.reshape(1, CHANNELS))[:N_NODES]

# --- scband reference (transcript-rebuilt; emitter-appended) ---
"""Pipeline reference for scband-graph-conv-70231305224360 (READ-ONLY COPY).

The authoritative reference and input builder live on the scoring server;
editing this copy changes nothing except your own understanding.
"""

import jax, jax.numpy as jnp
import numpy as np

N_NODES = 10000
N_EDGES = 320000
D_FEAT = 128
CHANNELS = 128

def setup_inputs(seed: int = 0) -> dict:
    key = jax.random.key(seed)
    k1, k2, k3, k4 = jax.random.split(key, 4)
    x = jax.random.normal(k1, (N_NODES, D_FEAT), dtype=jnp.float32)
    edge_index = jax.random.randint(k2, (2, N_EDGES), 0, N_NODES, dtype=jnp.int64 if jax.config.jax_enable_x64 else jnp.int32).astype(jnp.int32)
    edge_weight = jax.random.uniform(k3, (N_EDGES,), dtype=jnp.float32)
    # Learned parameters sized per init_kwargs (glorot-style scale)
    W = jax.random.normal(k4, (D_FEAT, CHANNELS), dtype=jnp.float32) * (1.0 / np.sqrt(D_FEAT))
    b = jnp.zeros((CHANNELS,), dtype=jnp.float32)
    return {"x": x, "edge_index": edge_index, "edge_weight": edge_weight, "W": W, "b": b}

def reference(x, edge_index, edge_weight, W, b):
    # GraphConv: Z = fltr @ (X W) + b, where fltr is the normalized adjacency
    # (sparse NxN matrix given in COO form: edge_index rows=src/dst, edge_weight=values).
    xw = jnp.dot(x, W)  # dense transform: [N, channels]
    src = edge_index[0]
    dst = edge_index[1]
    msgs = jnp.take(xw, src, axis=0) * edge_weight[:, None]  # gather + scale
    out = jax.ops.segment_sum(msgs, dst, num_segments=x.shape[0])  # scatter-add (sparse matmul)
    out = out + b  # use_bias=True
    # activation=None -> identity
    return out

if __name__ == "__main__":
    import jax
    _d = setup_inputs()
    print(jax.jit(kernel)(*tuple(_d.values())))

</pallas_src>

<mosaic_0001>
#map = affine_map<(d0, d1) -> (0, 0)>
#map1 = affine_map<(d0, d1) -> (0, 0, 0)>
module attributes {stable_mosaic.version = 14 : i64} {
  func.func @body(%arg0: i32, %arg1: i32, %arg2: memref<10000x128xf32, #tpu.memory_space<hbm>>, %arg3: memref<2592x128xi32, #tpu.memory_space<hbm>>, %arg4: memref<2592x128xi32, #tpu.memory_space<hbm>>, %arg5: memref<2592x128xf32, #tpu.memory_space<hbm>>, %arg6: memref<2x10240x128xf32, #tpu.memory_space<hbm>>, %arg7: memref<104x128xi32, #tpu.memory_space<vmem>>, %arg8: memref<104x128xi32, #tpu.memory_space<vmem>>, %arg9: memref<16x128xf32, #tpu.memory_space<vmem>>, %arg10: memref<128x128xf32, #tpu.memory_space<vmem>>, %arg11: memref<10240x128xf32, #tpu.memory_space<vmem_shared>>, %arg12: memref<!tpu.dma_semaphore, #tpu.memory_space<semaphore_mem>>) attributes {dimension_semantics = [#tpu.dimension_semantics<core_parallel>, #tpu.dimension_semantics<subcore_parallel>], iteration_bounds = array<i64: 2, 16>, scalar_prefetch = 0 : i64, scratch_operands = 6 : i64, tpu.core_type = #tpu.core_type<sc_vector_subcore>, window_params = [{transform_indices = #map}, {transform_indices = #map}, {transform_indices = #map}, {transform_indices = #map}, {transform_indices = #map1}]} {
    %eq3A = arith.constant 0 : i32
    %eq3A_0 = arith.cmpi eq, %arg0, %eq3A : i32
    %mul3A = arith.constant 104 : i32
    %mul3A_1 = arith.muli %arg1, %mul3A : i32
    %mul3A_2 = arith.constant 56 : i32
    %mul3A_3 = arith.muli %arg1, %mul3A_2 : i32
    %add3A = arith.constant 1664 : i32
    %add3A_4 = arith.addi %add3A, %mul3A_3 : i32
    %select_n3A = arith.select %eq3A_0, %mul3A_1, %add3A_4 : i32
    %eq3A_5 = arith.constant 0 : i32
    %eq3A_6 = arith.cmpi eq, %arg0, %eq3A_5 : i32
    %jit3A = arith.constant 104 : i32
    %jit3A_7 = arith.constant 56 : i32
    %select_n3A_8 = arith.select %eq3A_6, %jit3A, %jit3A_7 : i32
    %broadcast_in_dim3A = arith.constant 0.000000e+00 : f32
    %broadcast_in_dim3A_9 = vector.broadcast %broadcast_in_dim3A : f32 to vector<16xf32>
    %scan3A = arith.constant 0 : i32
    %scan3A_10 = arith.constant 0 : i32
    %scan3A_11 = arith.constant 128 : i32
    %scan3A_12 = arith.addi %scan3A_10, %scan3A_11 : i32
    %scan3A_13 = arith.constant 1 : i32
    %scan3A_14 = scf.for %scan3A_52 = %scan3A_10 to %scan3A_12 step %scan3A_13 iter_args(%scan3A_53 = %scan3A) -> (i32)  : i32 {
      %swap3A = arith.index_cast %scan3A_52 : i32 to index
      %swap3A_54 = arith.constant 0 : index
      %swap3A_55 = tpu.vector_load %arg10[%swap3A, %swap3A_54] {strides = array<i32>} : memref<128x128xf32, #tpu.memory_space<vmem>>, vector<1x16xf32>,
      %swap3A_56 = vector.shape_cast %swap3A_55 : vector<1x16xf32> to vector<16xf32>
      %swap3A_57 = vector.shape_cast %broadcast_in_dim3A_9 : vector<16xf32> to vector<1x16xf32>
      tpu.vector_store %arg10[%swap3A, %swap3A_54], %swap3A_57 {strides = array<i32>} : memref<128x128xf32, #tpu.memory_space<vmem>>, vector<1x16xf32>,
      %swap3A_58 = arith.index_cast %scan3A_52 : i32 to index
      %swap3A_59 = arith.constant 16 : index
      %swap3A_60 = tpu.vector_load %arg10[%swap3A_58, %swap3A_59] {strides = array<i32>} : memref<128x128xf32, #tpu.memory_space<vmem>>, vector<1x16xf32>,
      %swap3A_61 = vector.shape_cast %swap3A_60 : vector<1x16xf32> to vector<16xf32>
      %swap3A_62 = vector.shape_cast %broadcast_in_dim3A_9 : vector<16xf32> to vector<1x16xf32>
      tpu.vector_store %arg10[%swap3A_58, %swap3A_59], %swap3A_62 {strides = array<i32>} : memref<128x128xf32, #tpu.memory_space<vmem>>, vector<1x16xf32>,
      %swap3A_63 = arith.index_cast %scan3A_52 : i32 to index
      %swap3A_64 = arith.constant 32 : index
      %swap3A_65 = tpu.vector_load %arg10[%swap3A_63, %swap3A_64] {strides = array<i32>} : memref<128x128xf32, #tpu.memory_space<vmem>>, vector<1x16xf32>,
      %swap3A_66 = vector.shape_cast %swap3A_65 : vector<1x16xf32> to vector<16xf32>
      %swap3A_67 = vector.shape_cast %broadcast_in_dim3A_9 : vector<16xf32> to vector<1x16xf32>
      tpu.vector_store %arg10[%swap3A_63, %swap3A_64], %swap3A_67 {strides = array<i32>} : memref<128x128xf32, #tpu.memory_space<vmem>>, vector<1x16xf32>,
      %swap3A_68 = arith.index_cast %scan3A_52 : i32 to index
      %swap3A_69 = arith.constant 48 : index
      %swap3A_70 = tpu.vector_load %arg10[%swap3A_68, %swap3A_69] {strides = array<i32>} : memref<128x128xf32, #tpu.memory_space<vmem>>, vector<1x16xf32>,
      %swap3A_71 = vector.shape_cast %swap3A_70 : vector<1x16xf32> to vector<16xf32>
      %swap3A_72 = vector.shape_cast %broadcast_in_dim3A_9 : vector<16xf32> to vector<1x16xf32>
      tpu.vector_store %arg10[%swap3A_68, %swap3A_69], %swap3A_72 {strides = array<i32>} : memref<128x128xf32, #tpu.memory_space<vmem>>, vector<1x16xf32>,
      %swap3A_73 = arith.index_cast %scan3A_52 : i32 to index
      %swap3A_74 = arith.constant 64 : index
      %swap3A_75 = tpu.vector_load %arg10[%swap3A_73, %swap3A_74] {strides = array<i32>} : memref<128x128xf32, #tpu.memory_space<vmem>>, vector<1x16xf32>,
      %swap3A_76 = vector.shape_cast %swap3A_75 : vector<1x16xf32> to vector<16xf32>
      %swap3A_77 = vector.shape_cast %broadcast_in_dim3A_9 : vector<16xf32> to vector<1x16xf32>
      tpu.vector_store %arg10[%swap3A_73, %swap3A_74], %swap3A_77 {strides = array<i32>} : memref<128x128xf32, #tpu.memory_space<vmem>>, vector<1x16xf32>,
      %swap3A_78 = arith.index_cast %scan3A_52 : i32 to index
      %swap3A_79 = arith.constant 80 : index
      %swap3A_80 = tpu.vector_load %arg10[%swap3A_78, %swap3A_79] {strides = array<i32>} : memref<128x128xf32, #tpu.memory_space<vmem>>, vector<1x16xf32>,
      %swap3A_81 = vector.shape_cast %swap3A_80 : vector<1x16xf32> to vector<16xf32>
      %swap3A_82 = vector.shape_cast %broadcast_in_dim3A_9 : vector<16xf32> to vector<1x16xf32>
      tpu.vector_store %arg10[%swap3A_78, %swap3A_79], %swap3A_82 {strides = array<i32>} : memref<128x128xf32, #tpu.memory_space<vmem>>, vector<1x16xf32>,
      %swap3A_83 = arith.index_cast %scan3A_52 : i32 to index
      %swap3A_84 = arith.constant 96 : index
      %swap3A_85 = tpu.vector_load %arg10[%swap3A_83, %swap3A_84] {strides = array<i32>} : memref<128x128xf32, #tpu.memory_space<vmem>>, vector<1x16xf32>,
      %swap3A_86 = vector.shape_cast %swap3A_85 : vector<1x16xf32> to vector<16xf32>
      %swap3A_87 = vector.shape_cast %broadcast_in_dim3A_9 : vector<16xf32> to vector<1x16xf32>
      tpu.vector_store %arg10[%swap3A_83, %swap3A_84], %swap3A_87 {strides = array<i32>} : memref<128x128xf32, #tpu.memory_space<vmem>>, vector<1x16xf32>,
      %swap3A_88 = arith.index_cast %scan3A_52 : i32 to index
      %swap3A_89 = arith.constant 112 : index
      %swap3A_90 = tpu.vector_load %arg10[%swap3A_88, %swap3A_89] {strides = array<i32>} : memref<128x128xf32, #tpu.memory_space<vmem>>, vector<1x16xf32>,
      %swap3A_91 = vector.shape_cast %swap3A_90 : vector<1x16xf32> to vector<16xf32>
      %swap3A_92 = vector.shape_cast %broadcast_in_dim3A_9 : vector<16xf32> to vector<1x16xf32>
      tpu.vector_store %arg10[%swap3A_88, %swap3A_89], %swap3A_92 {strides = array<i32>} : memref<128x128xf32, #tpu.memory_space<vmem>>, vector<1x16xf32>,
      %scan3A_93 = arith.constant 0 : i32
      scf.yield %scan3A_93 : i32
    }
    %scan3A_15 = arith.constant 128 : i32
    %mul3A_16 = arith.constant 640 : i32
    %mul3A_17 = arith.muli %arg1, %mul3A_16 : i32
    %add3A_18 = arith.constant 0 : i32
    %add3A_19 = arith.addi %mul3A_17, %add3A_18 : i32
    "tpu.region"() ({
      %run_scoped3A = tpu.sem_alloc : memref<!tpu.dma_semaphore, #tpu.memory_space<semaphore_mem>>
      %dma_start3A = arith.constant 0 : i32
      %dma_start3A_52 = tpu.memref_slice %arg11[%add3A_19, %dma_start3A] : memref<10240x128xf32, #tpu.memory_space<vmem_shared>> -> memref<128x128xf32, #tpu.memory_space<vmem_shared>>
      %dma_start3A_53 = arith.constant 0 : i32
      %dma_start3A_54 = tpu.memref_slice %arg11[%add3A_19, %dma_start3A_53] : memref<10240x128xf32, #tpu.memory_space<vmem_shared>> -> memref<128x128xf32, #tpu.memory_space<vmem_shared>>
      tpu.enqueue_dma source(%arg10 : memref<128x128xf32, #tpu.memory_space<vmem>>) target(%dma_start3A_54 : memref<128x128xf32, #tpu.memory_space<vmem_shared>>) target_semaphore(%run_scoped3A : memref<!tpu.dma_semaphore, #tpu.memory_space<semaphore_mem>>)
      %dma_wait3A = arith.constant 0 : i32
      %dma_wait3A_55 = tpu.memref_slice %arg11[%add3A_19, %dma_wait3A] : memref<10240x128xf32, #tpu.memory_space<vmem_shared>> -> memref<128x128xf32, #tpu.memory_space<vmem_shared>>
      %dma_wait3A_56 = arith.constant 0 : i32
      %dma_wait3A_57 = tpu.memref_slice %arg11[%add3A_19, %dma_wait3A_56] : memref<10240x128xf32, #tpu.memory_space<vmem_shared>> -> memref<128x128xf32, #tpu.memory_space<vmem_shared>>
      tpu.wait_dma2 semaphore(%run_scoped3A : memref<!tpu.dma_semaphore, #tpu.memory_space<semaphore_mem>>) src(%arg10 : memref<128x128xf32, #tpu.memory_space<vmem>>) dst(%dma_wait3A_57 : memref<128x128xf32, #tpu.memory_space<vmem_shared>>)
      tpu.yield
    }) : () -> ()
    %mul3A_20 = arith.constant 640 : i32
    %mul3A_21 = arith.muli %arg1, %mul3A_20 : i32
    %add3A_22 = arith.constant 128 : i32
    %add3A_23 = arith.addi %mul3A_21, %add3A_22 : i32
    "tpu.region"() ({
      %run_scoped3A = tpu.sem_alloc : memref<!tpu.dma_semaphore, #tpu.memory_space<semaphore_mem>>
      %dma_start3A = arith.constant 0 : i32
      %dma_start3A_52 = tpu.memref_slice %arg11[%add3A_23, %dma_start3A] : memref<10240x128xf32, #tpu.memory_space<vmem_shared>> -> memref<128x128xf32, #tpu.memory_space<vmem_shared>>
      %dma_start3A_53 = arith.constant 0 : i32
      %dma_start3A_54 = tpu.memref_slice %arg11[%add3A_23, %dma_start3A_53] : memref<10240x128xf32, #tpu.memory_space<vmem_shared>> -> memref<128x128xf32, #tpu.memory_space<vmem_shared>>
      tpu.enqueue_dma source(%arg10 : memref<128x128xf32, #tpu.memory_space<vmem>>) target(%dma_start3A_54 : memref<128x128xf32, #tpu.memory_space<vmem_shared>>) target_semaphore(%run_scoped3A : memref<!tpu.dma_semaphore, #tpu.memory_space<semaphore_mem>>)
      %dma_wait3A = arith.constant 0 : i32
      %dma_wait3A_55 = tpu.memref_slice %arg11[%add3A_23, %dma_wait3A] : memref<10240x128xf32, #tpu.memory_space<vmem_shared>> -> memref<128x128xf32, #tpu.memory_space<vmem_shared>>
      %dma_wait3A_56 = arith.constant 0 : i32
      %dma_wait3A_57 = tpu.memref_slice %arg11[%add3A_23, %dma_wait3A_56] : memref<10240x128xf32, #tpu.memory_space<vmem_shared>> -> memref<128x128xf32, #tpu.memory_space<vmem_shared>>
      tpu.wait_dma2 semaphore(%run_scoped3A : memref<!tpu.dma_semaphore, #tpu.memory_space<semaphore_mem>>) src(%arg10 : memref<128x128xf32, #tpu.memory_space<vmem>>) dst(%dma_wait3A_57 : memref<128x128xf32, #tpu.memory_space<vmem_shared>>)
      tpu.yield
    }) : () -> ()
    %mul3A_24 = arith.constant 640 : i32
    %mul3A_25 = arith.muli %arg1, %mul3A_24 : i32
    %add3A_26 = arith.constant 256 : i32
    %add3A_27 = arith.addi %mul3A_25, %add3A_26 : i32
    "tpu.region"() ({
      %run_scoped3A = tpu.sem_alloc : memref<!tpu.dma_semaphore, #tpu.memory_space<semaphore_mem>>
      %dma_start3A = arith.constant 0 : i32
      %dma_start3A_52 = tpu.memref_slice %arg11[%add3A_27, %dma_start3A] : memref<10240x128xf32, #tpu.memory_space<vmem_shared>> -> memref<128x128xf32, #tpu.memory_space<vmem_shared>>
      %dma_start3A_53 = arith.constant 0 : i32
      %dma_start3A_54 = tpu.memref_slice %arg11[%add3A_27, %dma_start3A_53] : memref<10240x128xf32, #tpu.memory_space<vmem_shared>> -> memref<128x128xf32, #tpu.memory_space<vmem_shared>>
      tpu.enqueue_dma source(%arg10 : memref<128x128xf32, #tpu.memory_space<vmem>>) target(%dma_start3A_54 : memref<128x128xf32, #tpu.memory_space<vmem_shared>>) target_semaphore(%run_scoped3A : memref<!tpu.dma_semaphore, #tpu.memory_space<semaphore_mem>>)
      %dma_wait3A = arith.constant 0 : i32
      %dma_wait3A_55 = tpu.memref_slice %arg11[%add3A_27, %dma_wait3A] : memref<10240x128xf32, #tpu.memory_space<vmem_shared>> -> memref<128x128xf32, #tpu.memory_space<vmem_shared>>
      %dma_wait3A_56 = arith.constant 0 : i32
      %dma_wait3A_57 = tpu.memref_slice %arg11[%add3A_27, %dma_wait3A_56] : memref<10240x128xf32, #tpu.memory_space<vmem_shared>> -> memref<128x128xf32, #tpu.memory_space<vmem_shared>>
      tpu.wait_dma2 semaphore(%run_scoped3A : memref<!tpu.dma_semaphore, #tpu.memory_space<semaphore_mem>>) src(%arg10 : memref<128x128xf32, #tpu.memory_space<vmem>>) dst(%dma_wait3A_57 : memref<128x128xf32, #tpu.memory_space<vmem_shared>>)
      tpu.yield
    }) : () -> ()
    %mul3A_28 = arith.constant 640 : i32
    %mul3A_29 = arith.muli %arg1, %mul3A_28 : i32
    %add3A_30 = arith.constant 384 : i32
    %add3A_31 = arith.addi %mul3A_29, %add3A_30 : i32
    "tpu.region"() ({
      %run_scoped3A = tpu.sem_alloc : memref<!tpu.dma_semaphore, #tpu.memory_space<semaphore_mem>>
      %dma_start3A = arith.constant 0 : i32
      %dma_start3A_52 = tpu.memref_slice %arg11[%add3A_31, %dma_start3A] : memref<10240x128xf32, #tpu.memory_space<vmem_shared>> -> memref<128x128xf32, #tpu.memory_space<vmem_shared>>
      %dma_start3A_53 = arith.constant 0 : i32
      %dma_start3A_54 = tpu.memref_slice %arg11[%add3A_31, %dma_start3A_53] : memref<10240x128xf32, #tpu.memory_space<vmem_shared>> -> memref<128x128xf32, #tpu.memory_space<vmem_shared>>
      tpu.enqueue_dma source(%arg10 : memref<128x128xf32, #tpu.memory_space<vmem>>) target(%dma_start3A_54 : memref<128x128xf32, #tpu.memory_space<vmem_shared>>) target_semaphore(%run_scoped3A : memref<!tpu.dma_semaphore, #tpu.memory_space<semaphore_mem>>)
      %dma_wait3A = arith.constant 0 : i32
      %dma_wait3A_55 = tpu.memref_slice %arg11[%add3A_31, %dma_wait3A] : memref<10240x128xf32, #tpu.memory_space<vmem_shared>> -> memref<128x128xf32, #tpu.memory_space<vmem_shared>>
      %dma_wait3A_56 = arith.constant 0 : i32
      %dma_wait3A_57 = tpu.memref_slice %arg11[%add3A_31, %dma_wait3A_56] : memref<10240x128xf32, #tpu.memory_space<vmem_shared>> -> memref<128x128xf32, #tpu.memory_space<vmem_shared>>
      tpu.wait_dma2 semaphore(%run_scoped3A : memref<!tpu.dma_semaphore, #tpu.memory_space<semaphore_mem>>) src(%arg10 : memref<128x128xf32, #tpu.memory_space<vmem>>) dst(%dma_wait3A_57 : memref<128x128xf32, #tpu.memory_space<vmem_shared>>)
      tpu.yield
    }) : () -> ()
    %mul3A_32 = arith.constant 640 : i32
    %mul3A_33 = arith.muli %arg1, %mul3A_32 : i32
    %add3A_34 = arith.constant 512 : i32
    %add3A_35 = arith.addi %mul3A_33, %add3A_34 : i32
    "tpu.region"() ({
      %run_scoped3A = tpu.sem_alloc : memref<!tpu.dma_semaphore, #tpu.memory_space<semaphore_mem>>
      %dma_start3A = arith.constant 0 : i32
      %dma_start3A_52 = tpu.memref_slice %arg11[%add3A_35, %dma_start3A] : memref<10240x128xf32, #tpu.memory_space<vmem_shared>> -> memref<128x128xf32, #tpu.memory_space<vmem_shared>>
      %dma_start3A_53 = arith.constant 0 : i32
      %dma_start3A_54 = tpu.memref_slice %arg11[%add3A_35, %dma_start3A_53] : memref<10240x128xf32, #tpu.memory_space<vmem_shared>> -> memref<128x128xf32, #tpu.memory_space<vmem_shared>>
      tpu.enqueue_dma source(%arg10 : memref<128x128xf32, #tpu.memory_space<vmem>>) target(%dma_start3A_54 : memref<128x128xf32, #tpu.memory_space<vmem_shared>>) target_semaphore(%run_scoped3A : memref<!tpu.dma_semaphore, #tpu.memory_space<semaphore_mem>>)
      %dma_wait3A = arith.constant 0 : i32
      %dma_wait3A_55 = tpu.memref_slice %arg11[%add3A_35, %dma_wait3A] : memref<10240x128xf32, #tpu.memory_space<vmem_shared>> -> memref<128x128xf32, #tpu.memory_space<vmem_shared>>
      %dma_wait3A_56 = arith.constant 0 : i32
      %dma_wait3A_57 = tpu.memref_slice %arg11[%add3A_35, %dma_wait3A_56] : memref<10240x128xf32, #tpu.memory_space<vmem_shared>> -> memref<128x128xf32, #tpu.memory_space<vmem_shared>>
      tpu.wait_dma2 semaphore(%run_scoped3A : memref<!tpu.dma_semaphore, #tpu.memory_space<semaphore_mem>>) src(%arg10 : memref<128x128xf32, #tpu.memory_space<vmem>>) dst(%dma_wait3A_57 : memref<128x128xf32, #tpu.memory_space<vmem_shared>>)
      tpu.yield
    }) : () -> ()
    %barrier3A = arith.constant 0 : index
    tpu.barrier barrier_id(%barrier3A)
    %multiple_of3A = tpu.assume_multiple %select_n3A, 8 : i32
    "tpu.region"() ({
      %run_scoped3A = tpu.sem_alloc : memref<!tpu.dma_semaphore, #tpu.memory_space<semaphore_mem>>
      %dma_start3A = arith.constant 0 : i32
      %dma_start3A_52 = tpu.memref_slice %arg3[%multiple_of3A, %dma_start3A] : memref<2592x128xi32, #tpu.memory_space<hbm>> -> memref<104x128xi32, #tpu.memory_space<hbm>>
      %dma_start3A_53 = arith.constant 0 : i32
      %dma_start3A_54 = tpu.memref_slice %arg3[%multiple_of3A, %dma_start3A_53] : memref<2592x128xi32, #tpu.memory_space<hbm>> -> memref<104x128xi32, #tpu.memory_space<hbm>>
      tpu.enqueue_dma source(%dma_start3A_54 : memref<104x128xi32, #tpu.memory_space<hbm>>) target(%arg7 : memref<104x128xi32, #tpu.memory_space<vmem>>) target_semaphore(%run_scoped3A : memref<!tpu.dma_semaphore, #tpu.memory_space<semaphore_mem>>)
      %dma_wait3A = arith.constant 0 : i32
      %dma_wait3A_55 = tpu.memref_slice %arg3[%multiple_of3A, %dma_wait3A] : memref<2592x128xi32, #tpu.memory_space<hbm>> -> memref<104x128xi32, #tpu.memory_space<hbm>>
      %dma_wait3A_56 = arith.constant 0 : i32
      %dma_wait3A_57 = tpu.memref_slice %arg3[%multiple_of3A, %dma_wait3A_56] : memref<2592x128xi32, #tpu.memory_space<hbm>> -> memref<104x128xi32, #tpu.memory_space<hbm>>
      tpu.wait_dma2 semaphore(%run_scoped3A : memref<!tpu.dma_semaphore, #tpu.memory_space<semaphore_mem>>) src(%dma_wait3A_57 : memref<104x128xi32, #tpu.memory_space<hbm>>) dst(%arg7 : memref<104x128xi32, #tpu.memory_space<vmem>>)
      tpu.yield
    }) : () -> ()
    "tpu.region"() ({
      %run_scoped3A = tpu.sem_alloc : memref<!tpu.dma_semaphore, #tpu.memory_space<semaphore_mem>>
      %dma_start3A = arith.constant 0 : i32
      %dma_start3A_52 = tpu.memref_slice %arg4[%multiple_of3A, %dma_start3A] : memref<2592x128xi32, #tpu.memory_space<hbm>> -> memref<104x128xi32, #tpu.memory_space<hbm>>
      %dma_start3A_53 = arith.constant 0 : i32
      %dma_start3A_54 = tpu.memref_slice %arg4[%multiple_of3A, %dma_start3A_53] : memref<2592x128xi32, #tpu.memory_space<hbm>> -> memref<104x128xi32, #tpu.memory_space<hbm>>
      tpu.enqueue_dma source(%dma_start3A_54 : memref<104x128xi32, #tpu.memory_space<hbm>>) target(%arg8 : memref<104x128xi32, #tpu.memory_space<vmem>>) target_semaphore(%run_scoped3A : memref<!tpu.dma_semaphore, #tpu.memory_space<semaphore_mem>>)
      %dma_wait3A = arith.constant 0 : i32
      %dma_wait3A_55 = tpu.memref_slice %arg4[%multiple_of3A, %dma_wait3A] : memref<2592x128xi32, #tpu.memory_space<hbm>> -> memref<104x128xi32, #tpu.memory_space<hbm>>
      %dma_wait3A_56 = arith.constant 0 : i32
      %dma_wait3A_57 = tpu.memref_slice %arg4[%multiple_of3A, %dma_wait3A_56] : memref<2592x128xi32, #tpu.memory_space<hbm>> -> memref<104x128xi32, #tpu.memory_space<hbm>>
      tpu.wait_dma2 semaphore(%run_scoped3A : memref<!tpu.dma_semaphore, #tpu.memory_space<semaphore_mem>>) src(%dma_wait3A_57 : memref<104x128xi32, #tpu.memory_space<hbm>>) dst(%arg8 : memref<104x128xi32, #tpu.memory_space<vmem>>)
      tpu.yield
    }) : () -> ()
    %while3A = arith.constant 0 : i32
    %while3A_36 = arith.constant 0 : i32
    %while3A_37 = arith.subi %select_n3A_8, %while3A : i32
    %while3A_38 = arith.addi %while3A, %while3A_37 : i32
    %while3A_39 = arith.constant 1 : i32
    %while3A_40 = arith.divsi %while3A_37, %while3A_39 : i32
    %while3A_41 = arith.muli %while3A_40, %while3A_39 : i32
    %while3A_42 = arith.addi %while3A, %while3A_41 : i32
    %while3A_43 = arith.constant 1 : i32
    %while3A_44 = scf.for %while3A_52 = %while3A to %while3A_42 step %while3A_43 iter_args(%while3A_53 = %while3A_36) -> (i32)  : i32 {
      %rem3A = arith.constant 16 : i32
      %rem3A_54 = arith.remsi %while3A_52, %rem3A : i32
      %eq3A_55 = arith.constant 0 : i32
      %eq3A_56 = arith.cmpi eq, %rem3A_54, %eq3A_55 : i32
      %convert_element_type3A = arith.extui %eq3A_56 : i1 to i32
      %cond3A = arith.constant 0 : i32
      %cond3A_57 = arith.cmpi ne, %convert_element_type3A, %cond3A : i32
      scf.if %cond3A_57 {
        %sub3A = arith.subi %while3A_52, %rem3A_54 : i32
        %add3A_76 = arith.addi %select_n3A, %sub3A : i32
        %multiple_of3A_77 = tpu.assume_multiple %add3A_76, 8 : i32
        "tpu.region"() ({
          %run_scoped3A = tpu.sem_alloc : memref<!tpu.dma_semaphore, #tpu.memory_space<semaphore_mem>>
          %dma_start3A_78 = arith.constant 0 : i32
          %dma_start3A_79 = tpu.memref_slice %arg5[%multiple_of3A_77, %dma_start3A_78] : memref<2592x128xf32, #tpu.memory_space<hbm>> -> memref<16x128xf32, #tpu.memory_space<hbm>>
          %dma_start3A_80 = arith.constant 0 : i32
          %dma_start3A_81 = tpu.memref_slice %arg5[%multiple_of3A_77, %dma_start3A_80] : memref<2592x128xf32, #tpu.memory_space<hbm>> -> memref<16x128xf32, #tpu.memory_space<hbm>>
          tpu.enqueue_dma source(%dma_start3A_81 : memref<16x128xf32, #tpu.memory_space<hbm>>) target(%arg9 : memref<16x128xf32, #tpu.memory_space<vmem>>) target_semaphore(%run_scoped3A : memref<!tpu.dma_semaphore, #tpu.memory_space<semaphore_mem>>)
          %dma_wait3A_82 = arith.constant 0 : i32
          %dma_wait3A_83 = tpu.memref_slice %arg5[%multiple_of3A_77, %dma_wait3A_82] : memref<2592x128xf32, #tpu.memory_space<hbm>> -> memref<16x128xf32, #tpu.memory_space<hbm>>
          %dma_wait3A_84 = arith.constant 0 : i32
          %dma_wait3A_85 = tpu.memref_slice %arg5[%multiple_of3A_77, %dma_wait3A_84] : memref<2592x128xf32, #tpu.memory_space<hbm>> -> memref<16x128xf32, #tpu.memory_space<hbm>>
          tpu.wait_dma2 semaphore(%run_scoped3A : memref<!tpu.dma_semaphore, #tpu.memory_space<semaphore_mem>>) src(%dma_wait3A_85 : memref<16x128xf32, #tpu.memory_space<hbm>>) dst(%arg9 : memref<16x128xf32, #tpu.memory_space<vmem>>)
          tpu.yield
        }) : () -> ()
      } else {
      }
      %dma_start3A = arith.constant 0 : i32
      %dma_start3A_58 = tpu.memref_slice %arg7[%while3A_52, %dma_start3A] : memref<104x128xi32, #tpu.memory_space<vmem>> -> memref<1x128xi32, #tpu.memory_space<vmem>>
      %dma_start3A_59 = tpu.memref_squeeze %dma_start3A_58 : memref<1x128xi32, #tpu.memory_space<vmem>> -> memref<128xi32, #tpu.memory_space<vmem>>
      %dma_start3A_60 = arith.constant 0 : i32
      %dma_start3A_61 = arith.constant 0 : i32
      %dma_start3A_62 = tpu.memref_slice %arg2[%dma_start3A_60, %dma_start3A_61] : memref<10000x128xf32, #tpu.memory_space<hbm>> -> memref<10000x128xf32, #tpu.memory_space<hbm>>
      tpu.enqueue_indirect_dma source(%dma_start3A_62 : memref<10000x128xf32, #tpu.memory_space<hbm>>) target(%arg10 : memref<128x128xf32, #tpu.memory_space<vmem>>) offsets(%dma_start3A_59 : memref<128xi32, #tpu.memory_space<vmem>>) semaphore(%arg12 : memref<!tpu.dma_semaphore, #tpu.memory_space<semaphore_mem>>)
      %dma_wait3A = arith.constant 0 : i32
      %dma_wait3A_63 = tpu.memref_slice %arg7[%while3A_52, %dma_wait3A] : memref<104x128xi32, #tpu.memory_space<vmem>> -> memref<1x128xi32, #tpu.memory_space<vmem>>
      %dma_wait3A_64 = tpu.memref_squeeze %dma_wait3A_63 : memref<1x128xi32, #tpu.memory_space<vmem>> -> memref<128xi32, #tpu.memory_space<vmem>>
      %dma_wait3A_65 = arith.constant 0 : i32
      %dma_wait3A_66 = arith.constant 0 : i32
      %dma_wait3A_67 = tpu.memref_slice %arg2[%dma_wait3A_65, %dma_wait3A_66] : memref<10000x128xf32, #tpu.memory_space<hbm>> -> memref<10000x128xf32, #tpu.memory_space<hbm>>
      tpu.wait_indirect_dma semaphore(%arg12 : memref<!tpu.dma_semaphore, #tpu.memory_space<semaphore_mem>>) src(%dma_wait3A_67 : memref<10000x128xf32, #tpu.memory_space<hbm>>) dst(%arg10 : memref<128x128xf32, #tpu.memory_space<vmem>>)
      %scan3A_68 = arith.constant 0 : i32
      %scan3A_69 = arith.constant 0 : i32
      %scan3A_70 = arith.constant 8 : i32
      %scan3A_71 = arith.addi %scan3A_69, %scan3A_70 : i32
      %scan3A_72 = arith.constant 1 : i32
      %scan3A_73 = scf.for %scan3A_76 = %scan3A_69 to %scan3A_71 step %scan3A_72 iter_args(%scan3A_77 = %scan3A_68) -> (i32)  : i32 {
        %mul3A_78 = arith.constant 16 : i32
        %mul3A_79 = arith.muli %scan3A_76, %mul3A_78 : i32
        %get3A = arith.index_cast %rem3A_54 : i32 to index
        %get3A_80 = arith.index_cast %mul3A_79 : i32 to index
        %get3A_81 = tpu.vector_load %arg9[%get3A, %get3A_80] {strides = array<i32>} : memref<16x128xf32, #tpu.memory_space<vmem>>, vector<1x16xf32>,
        %get3A_82 = vector.shape_cast %get3A_81 : vector<1x16xf32> to vector<16xf32>
        %broadcast_in_dim3A_83 = arith.constant 0 : i32
        %broadcast_in_dim3A_84 = vector.broadcast %broadcast_in_dim3A_83 : i32 to vector<16x1xi32>
        %gather3A = vector.shape_cast %broadcast_in_dim3A_84 : vector<16x1xi32> to vector<16xi32>
        %gather3A_85 = tpu.dynamic_gather %get3A_82[%gather3A] in [0] : vector<16xf32>, vector<16xi32> -> vector<16xf32>
        %mul3A_86 = arith.constant 16 : i32
        %mul3A_87 = arith.muli %scan3A_76, %mul3A_86 : i32
        %add3A_88 = arith.constant 0 : i32
        %add3A_89 = arith.addi %mul3A_87, %add3A_88 : i32
        %get3A_90 = arith.index_cast %add3A_89 : i32 to index
        %get3A_91 = arith.constant 0 : index
        %get3A_92 = tpu.vector_load %arg10[%get3A_90, %get3A_91] {strides = array<i32>} : memref<128x128xf32, #tpu.memory_space<vmem>>, vector<1x16xf32>,
        %get3A_93 = vector.shape_cast %get3A_92 : vector<1x16xf32> to vector<16xf32>
        %mul3A_94 = arith.mulf %get3A_93, %gather3A_85 : vector<16xf32>
        %swap3A = arith.index_cast %add3A_89 : i32 to index
        %swap3A_95 = arith.constant 0 : index
        %swap3A_96 = tpu.vector_load %arg10[%swap3A, %swap3A_95] {strides = array<i32>} : memref<128x128xf32, #tpu.memory_space<vmem>>, vector<1x16xf32>,
        %swap3A_97 = vector.shape_cast %swap3A_96 : vector<1x16xf32> to vector<16xf32>
        %swap3A_98 = vector.shape_cast %mul3A_94 : vector<16xf32> to vector<1x16xf32>
        tpu.vector_store %arg10[%swap3A, %swap3A_95], %swap3A_98 {strides = array<i32>} : memref<128x128xf32, #tpu.memory_space<vmem>>, vector<1x16xf32>,
        %get3A_99 = arith.index_cast %add3A_89 : i32 to index
        %get3A_100 = arith.constant 16 : index
        %get3A_101 = tpu.vector_load %arg10[%get3A_99, %get3A_100] {strides = array<i32>} : memref<128x128xf32, #tpu.memory_space<vmem>>, vector<1x16xf32>,
        %get3A_102 = vector.shape_cast %get3A_101 : vector<1x16xf32> to vector<16xf32>
        %mul3A_103 = arith.mulf %get3A_102, %gather3A_85 : vector<16xf32>
        %swap3A_104 = arith.index_cast %add3A_89 : i32 to index
        %swap3A_105 = arith.constant 16 : index
        %swap3A_106 = tpu.vector_load %arg10[%swap3A_104, %swap3A_105] {strides = array<i32>} : memref<128x128xf32, #tpu.memory_space<vmem>>, vector<1x16xf32>,
        %swap3A_107 = vector.shape_cast %swap3A_106 : vector<1x16xf32> to vector<16xf32>
        %swap3A_108 = vector.shape_cast %mul3A_103 : vector<16xf32> to vector<1x16xf32>
        tpu.vector_store %arg10[%swap3A_104, %swap3A_105], %swap3A_108 {strides = array<i32>} : memref<128x128xf32, #tpu.memory_space<vmem>>, vector<1x16xf32>,
        %get3A_109 = arith.index_cast %add3A_89 : i32 to index
        %get3A_110 = arith.constant 32 : index
        %get3A_111 = tpu.vector_load %arg10[%get3A_109, %get3A_110] {strides = array<i32>} : memref<128x128xf32, #tpu.memory_space<vmem>>, vector<1x16xf32>,
        %get3A_112 = vector.shape_cast %get3A_111 : vector<1x16xf32> to vector<16xf32>
        %mul3A_113 = arith.mulf %get3A_112, %gather3A_85 : vector<16xf32>
        %swap3A_114 = arith.index_cast %add3A_89 : i32 to index
        %swap3A_115 = arith.constant 32 : index
        %swap3A_116 = tpu.vector_load %arg10[%swap3A_114, %swap3A_115] {strides = array<i32>} : memref<128x128xf32, #tpu.memory_space<vmem>>, vector<1x16xf32>,
        %swap3A_117 = vector.shape_cast %swap3A_116 : vector<1x16xf32> to vector<16xf32>
        %swap3A_118 = vector.shape_cast %mul3A_113 : vector<16xf32> to vector<1x16xf32>
        tpu.vector_store %arg10[%swap3A_114, %swap3A_115], %swap3A_118 {strides = array<i32>} : memref<128x128xf32, #tpu.memory_space<vmem>>, vector<1x16xf32>,
        %get3A_119 = arith.index_cast %add3A_89 : i32 to index
        %get3A_120 = arith.constant 48 : index
        %get3A_121 = tpu.vector_load %arg10[%get3A_119, %get3A_120] {strides = array<i32>} : memref<128x128xf32, #tpu.memory_space<vmem>>, vector<1x16xf32>,
        %get3A_122 = vector.shape_cast %get3A_121 : vector<1x16xf32> to vector<16xf32>
        %mul3A_123 = arith.mulf %get3A_122, %gather3A_85 : vector<16xf32>
        %swap3A_124 = arith.index_cast %add3A_89 : i32 to index
        %swap3A_125 = arith.constant 48 : index
        %swap3A_126 = tpu.vector_load %arg10[%swap3A_124, %swap3A_125] {strides = array<i32>} : memref<128x128xf32, #tpu.memory_space<vmem>>, vector<1x16xf32>,
        %swap3A_127 = vector.shape_cast %swap3A_126 : vector<1x16xf32> to vector<16xf32>
        %swap3A_128 = vector.shape_cast %mul3A_123 : vector<16xf32> to vector<1x16xf32>
        tpu.vector_store %arg10[%swap3A_124, %swap3A_125], %swap3A_128 {strides = array<i32>} : memref<128x128xf32, #tpu.memory_space<vmem>>, vector<1x16xf32>,
        %get3A_129 = arith.index_cast %add3A_89 : i32 to index
        %get3A_130 = arith.constant 64 : index
        %get3A_131 = tpu.vector_load %arg10[%get3A_129, %get3A_130] {strides = array<i32>} : memref<128x128xf32, #tpu.memory_space<vmem>>, vector<1x16xf32>,
        %get3A_132 = vector.shape_cast %get3A_131 : vector<1x16xf32> to vector<16xf32>
        %mul3A_133 = arith.mulf %get3A_132, %gather3A_85 : vector<16xf32>
        %swap3A_134 = arith.index_cast %add3A_89 : i32 to index
        %swap3A_135 = arith.constant 64 : index
        %swap3A_136 = tpu.vector_load %arg10[%swap3A_134, %swap3A_135] {strides = array<i32>} : memref<128x128xf32, #tpu.memory_space<vmem>>, vector<1x16xf32>,
        %swap3A_137 = vector.shape_cast %swap3A_136 : vector<1x16xf32> to vector<16xf32>
        %swap3A_138 = vector.shape_cast %mul3A_133 : vector<16xf32> to vector<1x16xf32>
        tpu.vector_store %arg10[%swap3A_134, %swap3A_135], %swap3A_138 {strides = array<i32>} : memref<128x128xf32, #tpu.memory_space<vmem>>, vector<1x16xf32>,
        %get3A_139 = arith.index_cast %add3A_89 : i32 to index
        %get3A_140 = arith.constant 80 : index
        %get3A_141 = tpu.vector_load %arg10[%get3A_139, %get3A_140] {strides = array<i32>} : memref<128x128xf32, #tpu.memory_space<vmem>>, vector<1x16xf32>,
        %get3A_142 = vector.shape_cast %get3A_141 : vector<1x16xf32> to vector<16xf32>
        %mul3A_143 = arith.mulf %get3A_142, %gather3A_85 : vector<16xf32>
        %swap3A_144 = arith.index_cast %add3A_89 : i32 to index
        %swap3A_145 = arith.constant 80 : index
        %swap3A_146 = tpu.vector_load %arg10[%swap3A_144, %swap3A_145] {strides = array<i32>} : memref<128x128xf32, #tpu.memory_space<vmem>>, vector<1x16xf32>,
        %swap3A_147 = vector.shape_cast %swap3A_146 : vector<1x16xf32> to vector<16xf32>
        %swap3A_148 = vector.shape_cast %mul3A_143 : vector<16xf32> to vector<1x16xf32>
        tpu.vector_store %arg10[%swap3A_144, %swap3A_145], %swap3A_148 {strides = array<i32>} : memref<128x128xf32, #tpu.memory_space<vmem>>, vector<1x16xf32>,
        %get3A_149 = arith.index_cast %add3A_89 : i32 to index
        %get3A_150 = arith.constant 96 : index
        %get3A_151 = tpu.vector_load %arg10[%get3A_149, %get3A_150] {strides = array<i32>} : memref<128x128xf32, #tpu.memory_space<vmem>>, vector<1x16xf32>,
        %get3A_152 = vector.shape_cast %get3A_151 : vector<1x16xf32> to vector<16xf32>
        %mul3A_153 = arith.mulf %get3A_152, %gather3A_85 : vector<16xf32>
        %swap3A_154 = arith.index_cast %add3A_89 : i32 to index
        %swap3A_155 = arith.constant 96 : index
        %swap3A_156 = tpu.vector_load %arg10[%swap3A_154, %swap3A_155] {strides = array<i32>} : memref<128x128xf32, #tpu.memory_space<vmem>>, vector<1x16xf32>,
        %swap3A_157 = vector.shape_cast %swap3A_156 : vector<1x16xf32> to vector<16xf32>
        %swap3A_158 = vector.shape_cast %mul3A_153 : vector<16xf32> to vector<1x16xf32>
        tpu.vector_store %arg10[%swap3A_154, %swap3A_155], %swap3A_158 {strides = array<i32>} : memref<128x128xf32, #tpu.memory_space<vmem>>, vector<1x16xf32>,
        %get3A_159 = arith.index_cast %add3A_89 : i32 to index
        %get3A_160 = arith.constant 112 : index
        %get3A_161 = tpu.vector_load %arg10[%get3A_159, %get3A_160] {strides = array<i32>} : memref<128x128xf32, #tpu.memory_space<vmem>>, vector<1x16xf32>,
        %get3A_162 = vector.shape_cast %get3A_161 : vector<1x16xf32> to vector<16xf32>
        %mul3A_163 = arith.mulf %get3A_162, %gather3A_85 : vector<16xf32>
        %swap3A_164 = arith.index_cast %add3A_89 : i32 to index
        %swap3A_165 = arith.constant 112 : index
        %swap3A_166 = tpu.vector_load %arg10[%swap3A_164, %swap3A_165] {strides = array<i32>} : memref<128x128xf32, #tpu.memory_space<vmem>>, vector<1x16xf32>,
        %swap3A_167 = vector.shape_cast %swap3A_166 : vector<1x16xf32> to vector<16xf32>
        %swap3A_168 = vector.shape_cast %mul3A_163 : vector<16xf32> to vector<1x16xf32>
        tpu.vector_store %arg10[%swap3A_164, %swap3A_165], %swap3A_168 {strides = array<i32>} : memref<128x128xf32, #tpu.memory_space<vmem>>, vector<1x16xf32>,
        %broadcast_in_dim3A_169 = arith.constant 1 : i32
        %broadcast_in_dim3A_170 = vector.broadcast %broadcast_in_dim3A_169 : i32 to vector<16x1xi32>
        %gather3A_171 = vector.shape_cast %broadcast_in_dim3A_170 : vector<16x1xi32> to vector<16xi32>
        %gather3A_172 = tpu.dynamic_gather %get3A_82[%gather3A_171] in [0] : vector<16xf32>, vector<16xi32> -> vector<16xf32>
        %mul3A_173 = arith.constant 16 : i32
        %mul3A_174 = arith.muli %scan3A_76, %mul3A_173 : i32
        %add3A_175 = arith.constant 1 : i32
        %add3A_176 = arith.addi %mul3A_174, %add3A_175 : i32
        %get3A_177 = arith.index_cast %add3A_176 : i32 to index
        %get3A_178 = arith.constant 0 : index
        %get3A_179 = tpu.vector_load %arg10[%get3A_177, %get3A_178] {strides = array<i32>} : memref<128x128xf32, #tpu.memory_space<vmem>>, vector<1x16xf32>,
        %get3A_180 = vector.shape_cast %get3A_179 : vector<1x16xf32> to vector<16xf32>
        %mul3A_181 = arith.mulf %get3A_180, %gather3A_172 : vector<16xf32>
        %swap3A_182 = arith.index_cast %add3A_176 : i32 to index
        %swap3A_183 = arith.constant 0 : index
        %swap3A_184 = tpu.vector_load %arg10[%swap3A_182, %swap3A_183] {strides = array<i32>} : memref<128x128xf32, #tpu.memory_space<vmem>>, vector<1x16xf32>,
        %swap3A_185 = vector.shape_cast %swap3A_184 : vector<1x16xf32> to vector<16xf32>
        %swap3A_186 = vector.shape_cast %mul3A_181 : vector<16xf32> to vector<1x16xf32>
        tpu.vector_store %arg10[%swap3A_182, %swap3A_183], %swap3A_186 {strides = array<i32>} : memref<128x128xf32, #tpu.memory_space<vmem>>, vector<1x16xf32>,
        %get3A_187 = arith.index_cast %add3A_176 : i32 to index
        %get3A_188 = arith.constant 16 : index
        %get3A_189 = tpu.vector_load %arg10[%get3A_187, %get3A_188] {strides = array<i32>} : memref<128x128xf32, #tpu.memory_space<vmem>>, vector<1x16xf32>,
        %get3A_190 = vector.shape_cast %get3A_189 : vector<1x16xf32> to vector<16xf32>
        %mul3A_191 = arith.mulf %get3A_190, %gather3A_172 : vector<16xf32>
        %swap3A_192 = arith.index_cast %add3A_176 : i32 to index
        %swap3A_193 = arith.constant 16 : index
        %swap3A_194 = tpu.vector_load %arg10[%swap3A_192, %swap3A_193] {strides = array<i32>} : memref<128x128xf32, #tpu.memory_space<vmem>>, vector<1x16xf32>,
        %swap3A_195 = vector.shape_cast %swap3A_194 : vector<1x16xf32> to vector<16xf32>
        %swap3A_196 = vector.shape_cast %mul3A_191 : vector<16xf32> to vector<1x16xf32>
        tpu.vector_store %arg10[%swap3A_192, %swap3A_193], %swap3A_196 {strides = array<i32>} : memref<128x128xf32, #tpu.memory_space<vmem>>, vector<1x16xf32>,
        %get3A_197 = arith.index_cast %add3A_176 : i32 to index
        %get3A_198 = arith.constant 32 : index
        %get3A_199 = tpu.vector_load %arg10[%get3A_197, %get3A_198] {strides = array<i32>} : memref<128x128xf32, #tpu.memory_space<vmem>>, vector<1x16xf32>,
        %get3A_200 = vector.shape_cast %get3A_199 : vector<1x16xf32> to vector<16xf32>
        %mul3A_201 = arith.mulf %get3A_200, %gather3A_172 : vector<16xf32>
        %swap3A_202 = arith.index_cast %add3A_176 : i32 to index
        %swap3A_203 = arith.constant 32 : index
        %swap3A_204 = tpu.vector_load %arg10[%swap3A_202, %swap3A_203] {strides = array<i32>} : memref<128x128xf32, #tpu.memory_space<vmem>>, vector<1x16xf32>,
        %swap3A_205 = vector.shape_cast %swap3A_204 : vector<1x16xf32> to vector<16xf32>
        %swap3A_206 = vector.shape_cast %mul3A_201 : vector<16xf32> to vector<1x16xf32>
        tpu.vector_store %arg10[%swap3A_202, %swap3A_203], %swap3A_206 {strides = array<i32>} : memref<128x128xf32, #tpu.memory_space<vmem>>, vector<1x16xf32>,
        %get3A_207 = arith.index_cast %add3A_176 : i32 to index
        %get3A_208 = arith.constant 48 : index
        %get3A_209 = tpu.vector_load %arg10[%get3A_207, %get3A_208] {strides = array<i32>} : memref<128x128xf32, #tpu.memory_space<vmem>>, vector<1x16xf32>,
        %get3A_210 = vector.shape_cast %get3A_209 : vector<1x16xf32> to vector<16xf32>
        %mul3A_211 = arith.mulf %get3A_210, %gather3A_172 : vector<16xf32>
        %swap3A_212 = arith.index_cast %add3A_176 : i32 to index
        %swap3A_213 = arith.constant 48 : index
        %swap3A_214 = tpu.vector_load %arg10[%swap3A_212, %swap3A_213] {strides = array<i32>} : memref<128x128xf32, #tpu.memory_space<vmem>>, vector<1x16xf32>,
        %swap3A_215 = vector.shape_cast %swap3A_214 : vector<1x16xf32> to vector<16xf32>
        %swap3A_216 = vector.shape_cast %mul3A_211 : vector<16xf32> to vector<1x16xf32>
        tpu.vector_store %arg10[%swap3A_212, %swap3A_213], %swap3A_216 {strides = array<i32>} : memref<128x128xf32, #tpu.memory_space<vmem>>, vector<1x16xf32>,
        %get3A_217 = arith.index_cast %add3A_176 : i32 to index
        %get3A_218 = arith.constant 64 : index
        %get3A_219 = tpu.vector_load %arg10[%get3A_217, %get3A_218] {strides = array<i32>} : memref<128x128xf32, #tpu.memory_space<vmem>>, vector<1x16xf32>,
        %get3A_220 = vector.shape_cast %get3A_219 : vector<1x16xf32> to vector<16xf32>
        %mul3A_221 = arith.mulf %get3A_220, %gather3A_172 : vector<16xf32>
        %swap3A_222 = arith.index_cast %add3A_176 : i32 to index
        %swap3A_223 = arith.constant 64 : index
        %swap3A_224 = tpu.vector_load %arg10[%swap3A_222, %swap3A_223] {strides = array<i32>} : memref<128x128xf32, #tpu.memory_space<vmem>>, vector<1x16xf32>,
        %swap3A_225 = vector.shape_cast %swap3A_224 : vector<1x16xf32> to vector<16xf32>
        %swap3A_226 = vector.shape_cast %mul3A_221 : vector<16xf32> to vector<1x16xf32>
        tpu.vector_store %arg10[%swap3A_222, %swap3A_223], %swap3A_226 {strides = array<i32>} : memref<128x128xf32, #tpu.memory_space<vmem>>, vector<1x16xf32>,
        %get3A_227 = arith.index_cast %add3A_176 : i32 to index
        %get3A_228 = arith.constant 80 : index
        %get3A_229 = tpu.vector_load %arg10[%get3A_227, %get3A_228] {strides = array<i32>} : memref<128x128xf32, #tpu.memory_space<vmem>>, vector<1x16xf32>,
        %get3A_230 = vector.shape_cast %get3A_229 : vector<1x16xf32> to vector<16xf32>
        %mul3A_231 = arith.mulf %get3A_230, %gather3A_172 : vector<16xf32>
        %swap3A_232 = arith.index_cast %add3A_176 : i32 to index
        %swap3A_233 = arith.constant 80 : index
        %swap3A_234 = tpu.vector_load %arg10[%swap3A_232, %swap3A_233] {strides = array<i32>} : memref<128x128xf32, #tpu.memory_space<vmem>>, vector<1x16xf32>,
        %swap3A_235 = vector.shape_cast %swap3A_234 : vector<1x16xf32> to vector<16xf32>
        %swap3A_236 = vector.shape_cast %mul3A_231 : vector<16xf32> to vector<1x16xf32>
        tpu.vector_store %arg10[%swap3A_232, %swap3A_233], %swap3A_236 {strides = array<i32>} : memref<128x128xf32, #tpu.memory_space<vmem>>, vector<1x16xf32>,
        %get3A_237 = arith.index_cast %add3A_176 : i32 to index
        %get3A_238 = arith.constant 96 : index
        %get3A_239 = tpu.vector_load %arg10[%get3A_237, %get3A_238] {strides = array<i32>} : memref<128x128xf32, #tpu.memory_space<vmem>>, vector<1x16xf32>,
        %get3A_240 = vector.shape_cast %get3A_239 : vector<1x16xf32> to vector<16xf32>
        %mul3A_241 = arith.mulf %get3A_240, %gather3A_172 : vector<16xf32>
        %swap3A_242 = arith.index_cast %add3A_176 : i32 to index
        %swap3A_243 = arith.constant 96 : index
        %swap3A_244 = tpu.vector_load %arg10[%swap3A_242, %swap3A_243] {strides = array<i32>} : memref<128x128xf32, #tpu.memory_space<vmem>>, vector<1x16xf32>,
        %swap3A_245 = vector.shape_cast %swap3A_244 : vector<1x16xf32> to vector<16xf32>
        %swap3A_246 = vector.shape_cast %mul3A_241 : vector<16xf32> to vector<1x16xf32>
        tpu.vector_store %arg10[%swap3A_242, %swap3A_243], %swap3A_246 {strides = array<i32>} : memref<128x128xf32, #tpu.memory_space<vmem>>, vector<1x16xf32>,
        %get3A_247 = arith.index_cast %add3A_176 : i32 to index
        %get3A_248 = arith.constant 112 : index
        %get3A_249 = tpu.vector_load %arg10[%get3A_247, %get3A_248] {strides = array<i32>} : memref<128x128xf32, #tpu.memory_space<vmem>>, vector<1x16xf32>,
        %get3A_250 = vector.shape_cast %get3A_249 : vector<1x16xf32> to vector<16xf32>
        %mul3A_251 = arith.mulf %get3A_250, %gather3A_172 : vector<16xf32>
        %swap3A_252 = arith.index_cast %add3A_176 : i32 to index
        %swap3A_253 = arith.constant 112 : index
        %swap3A_254 = tpu.vector_load %arg10[%swap3A_252, %swap3A_253] {strides = array<i32>} : memref<128x128xf32, #tpu.memory_space<vmem>>, vector<1x16xf32>,
        %swap3A_255 = vector.shape_cast %swap3A_254 : vector<1x16xf32> to vector<16xf32>
        %swap3A_256 = vector.shape_cast %mul3A_251 : vector<16xf32> to vector<1x16xf32>
        tpu.vector_store %arg10[%swap3A_252, %swap3A_253], %swap3A_256 {strides = array<i32>} : memref<128x128xf32, #tpu.memory_space<vmem>>, vector<1x16xf32>,
        %broadcast_in_dim3A_257 = arith.constant 2 : i32
        %broadcast_in_dim3A_258 = vector.broadcast %broadcast_in_dim3A_257 : i32 to vector<16x1xi32>
        %gather3A_259 = vector.shape_cast %broadcast_in_dim3A_258 : vector<16x1xi32> to vector<16xi32>
        %gather3A_260 = tpu.dynamic_gather %get3A_82[%gather3A_259] in [0] : vector<16xf32>, vector<16xi32> -> vector<16xf32>
        %mul3A_261 = arith.constant 16 : i32
        %mul3A_262 = arith.muli %scan3A_76, %mul3A_261 : i32
        %add3A_263 = arith.constant 2 : i32
        %add3A_264 = arith.addi %mul3A_262, %add3A_263 : i32
        %get3A_265 = arith.index_cast %add3A_264 : i32 to index
        %get3A_266 = arith.constant 0 : index
        %get3A_267 = tpu.vector_load %arg10[%get3A_265, %get3A_266] {strides = array<i32>} : memref<128x128xf32, #tpu.memory_space<vmem>>, vector<1x16xf32>,
        %get3A_268 = vector.shape_cast %get3A_267 : vector<1x16xf32> to vector<16xf32>
        %mul3A_269 = arith.mulf %get3A_268, %gather3A_260 : vector<16xf32>
        %swap3A_270 = arith.index_cast %add3A_264 : i32 to index
        %swap3A_271 = arith.constant 0 : index
        %swap3A_272 = tpu.vector_load %arg10[%swap3A_270, %swap3A_271] {strides = array<i32>} : memref<128x128xf32, #tpu.memory_space<vmem>>, vector<1x16xf32>,
        %swap3A_273 = vector.shape_cast %swap3A_272 : vector<1x16xf32> to vector<16xf32>
        %swap3A_274 = vector.shape_cast %mul3A_269 : vector<16xf32> to vector<1x16xf32>
        tpu.vector_store %arg10[%swap3A_270, %swap3A_271], %swap3A_274 {strides = array<i32>} : memref<128x128xf32, #tpu.memory_space<vmem>>, vector<1x16xf32>,
        %get3A_275 = arith.index_cast %add3A_264 : i32 to index
        %get3A_276 = arith.constant 16 : index
        %get3A_277 = tpu.vector_load %arg10[%get3A_275, %get3A_276] {strides = array<i32>} : memref<128x128xf32, #tpu.memory_space<vmem>>, vector<1x16xf32>,
        %get3A_278 = vector.shape_cast %get3A_277 : vector<1x16xf32> to vector<16xf32>
        %mul3A_279 = arith.mulf %get3A_278, %gather3A_260 : vector<16xf32>
        %swap3A_280 = arith.index_cast %add3A_264 : i32 to index
        %swap3A_281 = arith.constant 16 : index
        %swap3A_282 = tpu.vector_load %arg10[%swap3A_280, %swap3A_281] {strides = array<i32>} : memref<128x128xf32, #tpu.memory_space<vmem>>, vector<1x16xf32>,
        %swap3A_283 = vector.shape_cast %swap3A_282 : vector<1x16xf32> to vector<16xf32>
        %swap3A_284 = vector.shape_cast %mul3A_279 : vector<16xf32> to vector<1x16xf32>
        tpu.vector_store %arg10[%swap3A_280, %swap3A_281], %swap3A_284 {strides = array<i32>} : memref<128x128xf32, #tpu.memory_space<vmem>>, vector<1x16xf32>,
        %get3A_285 = arith.index_cast %add3A_264 : i32 to index
        %get3A_286 = arith.constant 32 : index
        %get3A_287 = tpu.vector_load %arg10[%get3A_285, %get3A_286] {strides = array<i32>} : memref<128x128xf32, #tpu.memory_space<vmem>>, vector<1x16xf32>,
        %get3A_288 = vector.shape_cast %get3A_287 : vector<1x16xf32> to vector<16xf32>
        %mul3A_289 = arith.mulf %get3A_288, %gather3A_260 : vector<16xf32>
        %swap3A_290 = arith.index_cast %add3A_264 : i32 to index
        %swap3A_291 = arith.constant 32 : index
        %swap3A_292 = tpu.vector_load %arg10[%swap3A_290, %swap3A_291] {strides = array<i32>} : memref<128x128xf32, #tpu.memory_space<vmem>>, vector<1x16xf32>,
        %swap3A_293 = vector.shape_cast %swap3A_292 : vector<1x16xf32> to vector<16xf32>
        %swap3A_294 = vector.shape_cast %mul3A_289 : vector<16xf32> to vector<1x16xf32>
        tpu.vector_store %arg10[%swap3A_290, %swap3A_291], %swap3A_294 {strides = array<i32>} : memref<128x128xf32, #tpu.memory_space<vmem>>, vector<1x16xf32>,
        %get3A_295 = arith.index_cast %add3A_264 : i32 to index
        %get3A_296 = arith.constant 48 : index
        %get3A_297 = tpu.vector_load %arg10[%get3A_295, %get3A_296] {strides = array<i32>} : memref<128x128xf32, #tpu.memory_space<vmem>>, vector<1x16xf32>,
        %get3A_298 = vector.shape_cast %get3A_297 : vector<1x16xf32> to vector<16xf32>
        %mul3A_299 = arith.mulf %get3A_298, %gather3A_260 : vector<16xf32>
        %swap3A_300 = arith.index_cast %add3A_264 : i32 to index
        %swap3A_301 = arith.constant 48 : index
        %swap3A_302 = tpu.vector_load %arg10[%swap3A_300, %swap3A_301] {strides = array<i32>} : memref<128x128xf32, #tpu.memory_space<vmem>>, vector<1x16xf32>,
        %swap3A_303 = vector.shape_cast %swap3A_302 : vector<1x16xf32> to vector<16xf32>
        %swap3A_304 = vector.shape_cast %mul3A_299 : vector<16xf32> to vector<1x16xf32>
        tpu.vector_store %arg10[%swap3A_300, %swap3A_301], %swap3A_304 {strides = array<i32>} : memref<128x128xf32, #tpu.memory_space<vmem>>, vector<1x16xf32>,
        %get3A_305 = arith.index_cast %add3A_264 : i32 to index
        %get3A_306 = arith.constant 64 : index
        %get3A_307 = tpu.vector_load %arg10[%get3A_305, %get3A_306] {strides = array<i32>} : memref<128x128xf32, #tpu.memory_space<vmem>>, vector<1x16xf32>,
        %get3A_308 = vector.shape_cast %get3A_307 : vector<1x16xf32> to vector<16xf32>
        %mul3A_309 = arith.mulf %get3A_308, %gather3A_260 : vector<16xf32>
        %swap3A_310 = arith.index_cast %add3A_264 : i32 to index
        %swap3A_311 = arith.constant 64 : index
        %swap3A_312 = tpu.vector_load %arg10[%swap3A_310, %swap3A_311] {strides = array<i32>} : memref<128x128xf32, #tpu.memory_space<vmem>>, vector<1x16xf32>,
        %swap3A_313 = vector.shape_cast %swap3A_312 : vector<1x16xf32> to vector<16xf32>
        %swap3A_314 = vector.shape_cast %mul3A_309 : vector<16xf32> to vector<1x16xf32>
        tpu.vector_store %arg10[%swap3A_310, %swap3A_311], %swap3A_314 {strides = array<i32>} : memref<128x128xf32, #tpu.memory_space<vmem>>, vector<1x16xf32>,
        %get3A_315 = arith.index_cast %add3A_264 : i32 to index
        %get3A_316 = arith.constant 80 : index
        %get3A_317 = tpu.vector_load %arg10[%get3A_315, %get3A_316] {strides = array<i32>} : memref<128x128xf32, #tpu.memory_space<vmem>>, vector<1x16xf32>,
        %get3A_318 = vector.shape_cast %get3A_317 : vector<1x16xf32> to vector<16xf32>
        %mul3A_319 = arith.mulf %get3A_318, %gather3A_260 : vector<16xf32>
        %swap3A_320 = arith.index_cast %add3A_264 : i32 to index
        %swap3A_321 = arith.constant 80 : index
        %swap3A_322 = tpu.vector_load %arg10[%swap3A_320, %swap3A_321] {strides = array<i32>} : memref<128x128xf32, #tpu.memory_space<vmem>>, vector<1x16xf32>,
        %swap3A_323 = vector.shape_cast %swap3A_322 : vector<1x16xf32> to vector<16xf32>
        %swap3A_324 = vector.shape_cast %mul3A_319 : vector<16xf32> to vector<1x16xf32>
        tpu.vector_store %arg10[%swap3A_320, %swap3A_321], %swap3A_324 {strides = array<i32>} : memref<128x128xf32, #tpu.memory_space<vmem>>, vector<1x16xf32>,
        %get3A_325 = arith.index_cast %add3A_264 : i32 to index
        %get3A_326 = arith.constant 96 : index
        %get3A_327 = tpu.vector_load %arg10[%get3A_325, %get3A_326] {strides = array<i32>} : memref<128x128xf32, #tpu.memory_space<vmem>>, vector<1x16xf32>,
        %get3A_328 = vector.shape_cast %get3A_327 : vector<1x16xf32> to vector<16xf32>
        %mul3A_329 = arith.mulf %get3A_328, %gather3A_260 : vector<16xf32>
        %swap3A_330 = arith.index_cast %add3A_264 : i32 to index
        %swap3A_331 = arith.constant 96 : index
        %swap3A_332 = tpu.vector_load %arg10[%swap3A_330, %swap3A_331] {strides = array<i32>} : memref<128x128xf32, #tpu.memory_space<vmem>>, vector<1x16xf32>,
        %swap3A_333 = vector.shape_cast %swap3A_332 : vector<1x16xf32> to vector<16xf32>
        %swap3A_334 = vector.shape_cast %mul3A_329 : vector<16xf32> to vector<1x16xf32>
        tpu.vector_store %arg10[%swap3A_330, %swap3A_331], %swap3A_334 {strides = array<i32>} : memref<128x128xf32, #tpu.memory_space<vmem>>, vector<1x16xf32>,
        %get3A_335 = arith.index_cast %add3A_264 : i32 to index
        %get3A_336 = arith.constant 112 : index
        %get3A_337 = tpu.vector_load %arg10[%get3A_335, %get3A_336] {strides = array<i32>} : memref<128x128xf32, #tpu.memory_space<vmem>>, vector<1x16xf32>,
        %get3A_338 = vector.shape_cast %get3A_337 : vector<1x16xf32> to vector<16xf32>
        %mul3A_339 = arith.mulf %get3A_338, %gather3A_260 : vector<16xf32>
        %swap3A_340 = arith.index_cast %add3A_264 : i32 to index
        %swap3A_341 = arith.constant 112 : index
        %swap3A_342 = tpu.vector_load %arg10[%swap3A_340, %swap3A_341] {strides = array<i32>} : memref<128x128xf32, #tpu.memory_space<vmem>>, vector<1x16xf32>,
        %swap3A_343 = vector.shape_cast %swap3A_342 : vector<1x16xf32> to vector<16xf32>
        %swap3A_344 = vector.shape_cast %mul3A_339 : vector<16xf32> to vector<1x16xf32>
        tpu.vector_store %arg10[%swap3A_340, %swap3A_341], %swap3A_344 {strides = array<i32>} : memref<128x128xf32, #tpu.memory_space<vmem>>, vector<1x16xf32>,
        %broadcast_in_dim3A_345 = arith.constant 3 : i32
        %broadcast_in_dim3A_346 = vector.broadcast %broadcast_in_dim3A_345 : i32 to vector<16x1xi32>
        %gather3A_347 = vector.shape_cast %broadcast_in_dim3A_346 : vector<16x1xi32> to vector<16xi32>
        %gather3A_348 = tpu.dynamic_gather %get3A_82[%gather3A_347] in [0] : vector<16xf32>, vector<16xi32> -> vector<16xf32>
        %mul3A_349 = arith.constant 16 : i32
        %mul3A_350 = arith.muli %scan3A_76, %mul3A_349 : i32
        %add3A_351 = arith.constant 3 : i32
        %add3A_352 = arith.addi %mul3A_350, %add3A_351 : i32
        %get3A_353 = arith.index_cast %add3A_352 : i32 to index
        %get3A_354 = arith.constant 0 : index
        %get3A_355 = tpu.vector_load %arg10[%get3A_353, %get3A_354] {strides = array<i32>} : memref<128x128xf32, #tpu.memory_space<vmem>>, vector<1x16xf32>,
        %get3A_356 = vector.shape_cast %get3A_355 : vector<1x16xf32> to vector<16xf32>
        %mul3A_357 = arith.mulf %get3A_356, %gather3A_348 : vector<16xf32>
        %swap3A_358 = arith.index_cast %add3A_352 : i32 to index
        %swap3A_359 = arith.constant 0 : index
        %swap3A_360 = tpu.vector_load %arg10[%swap3A_358, %swap3A_359] {strides = array<i32>} : memref<128x128xf32, #tpu.memory_space<vmem>>, vector<1x16xf32>,
        %swap3A_361 = vector.shape_cast %swap3A_360 : vector<1x16xf32> to vector<16xf32>
        %swap3A_362 = vector.shape_cast %mul3A_357 : vector<16xf32> to vector<1x16xf32>
        tpu.vector_store %arg10[%swap3A_358, %swap3A_359], %swap3A_362 {strides = array<i32>} : memref<128x128xf32, #tpu.memory_space<vmem>>, vector<1x16xf32>,
        %get3A_363 = arith.index_cast %add3A_352 : i32 to index
        %get3A_364 = arith.constant 16 : index
        %get3A_365 = tpu.vector_load %arg10[%get3A_363, %get3A_364] {strides = array<i32>} : memref<128x128xf32, #tpu.memory_space<vmem>>, vector<1x16xf32>,
        %get3A_366 = vector.shape_cast %get3A_365 : vector<1x16xf32> to vector<16xf32>
        %mul3A_367 = arith.mulf %get3A_366, %gather3A_348 : vector<16xf32>
        %swap3A_368 = arith.index_cast %add3A_352 : i32 to index
        %swap3A_369 = arith.constant 16 : index
        %swap3A_370 = tpu.vector_load %arg10[%swap3A_368, %swap3A_369] {strides = array<i32>} : memref<128x128xf32, #tpu.memory_space<vmem>>, vector<1x16xf32>,
        %swap3A_371 = vector.shape_cast %swap3A_370 : vector<1x16xf32> to vector<16xf32>
        %swap3A_372 = vector.shape_cast %mul3A_367 : vector<16xf32> to vector<1x16xf32>
        tpu.vector_store %arg10[%swap3A_368, %swap3A_369], %swap3A_372 {strides = array<i32>} : memref<128x128xf32, #tpu.memory_space<vmem>>, vector<1x16xf32>,
        %get3A_373 = arith.index_cast %add3A_352 : i32 to index
        %get3A_374 = arith.constant 32 : index
        %get3A_375 = tpu.vector_load %arg10[%get3A_373, %get3A_374] {strides = array<i32>} : memref<128x128xf32, #tpu.memory_space<vmem>>, vector<1x16xf32>,
        %get3A_376 = vector.shape_cast %get3A_375 : vector<1x16xf32> to vector<16xf32>
        %mul3A_377 = arith.mulf %get3A_376, %gather3A_348 : vector<16xf32>
        %swap3A_378 = arith.index_cast %add3A_352 : i32 to index
        %swap3A_379 = arith.constant 32 : index
        %swap3A_380 = tpu.vector_load %arg10[%swap3A_378, %swap3A_379] {strides = array<i32>} : memref<128x128xf32, #tpu.memory_space<vmem>>, vector<1x16xf32>,
        %swap3A_381 = vector.shape_cast %swap3A_380 : vector<1x16xf32> to vector<16xf32>
        %swap3A_382 = vector.shape_cast %mul3A_377 : vector<16xf32> to vector<1x16xf32>
        tpu.vector_store %arg10[%swap3A_378, %swap3A_379], %swap3A_382 {strides = array<i32>} : memref<128x128xf32, #tpu.memory_space<vmem>>, vector<1x16xf32>,
        %get3A_383 = arith.index_cast %add3A_352 : i32 to index
        %get3A_384 = arith.constant 48 : index
        %get3A_385 = tpu.vector_load %arg10[%get3A_383, %get3A_384] {strides = array<i32>} : memref<128x128xf32, #tpu.memory_space<vmem>>, vector<1x16xf32>,
        %get3A_386 = vector.shape_cast %get3A_385 : vector<1x16xf32> to vector<16xf32>
        %mul3A_387 = arith.mulf %get3A_386, %gather3A_348 : vector<16xf32>
        %swap3A_388 = arith.index_cast %add3A_352 : i32 to index
        %swap3A_389 = arith.constant 48 : index
        %swap3A_390 = tpu.vector_load %arg10[%swap3A_388, %swap3A_389] {strides = array<i32>} : memref<128x128xf32, #tpu.memory_space<vmem>>, vector<1x16xf32>,
        %swap3A_391 = vector.shape_cast %swap3A_390 : vector<1x16xf32> to vector<16xf32>
        %swap3A_392 = vector.shape_cast %mul3A_387 : vector<16xf32> to vector<1x16xf32>
        tpu.vector_store %arg10[%swap3A_388, %swap3A_389], %swap3A_392 {strides = array<i32>} : memref<128x128xf32, #tpu.memory_space<vmem>>, vector<1x16xf32>,
        %get3A_393 = arith.index_cast %add3A_352 : i32 to index
        %get3A_394 = arith.constant 64 : index
        %get3A_395 = tpu.vector_load %arg10[%get3A_393, %get3A_394] {strides = array<i32>} : memref<128x128xf32, #tpu.memory_space<vmem>>, vector<1x16xf32>,
        %get3A_396 = vector.shape_cast %get3A_395 : vector<1x16xf32> to vector<16xf32>
        %mul3A_397 = arith.mulf %get3A_396, %gather3A_348 : vector<16xf32>
        %swap3A_398 = arith.index_cast %add3A_352 : i32 to index
        %swap3A_399 = arith.constant 64 : index
        %swap3A_400 = tpu.vector_load %arg10[%swap3A_398, %swap3A_399] {strides = array<i32>} : memref<128x128xf32, #tpu.memory_space<vmem>>, vector<1x16xf32>,
        %swap3A_401 = vector.shape_cast %swap3A_400 : vector<1x16xf32> to vector<16xf32>
        %swap3A_402 = vector.shape_cast %mul3A_397 : vector<16xf32> to vector<1x16xf32>
        tpu.vector_store %arg10[%swap3A_398, %swap3A_399], %swap3A_402 {strides = array<i32>} : memref<128x128xf32, #tpu.memory_space<vmem>>, vector<1x16xf32>,
        %get3A_403 = arith.index_cast %add3A_352 : i32 to index
        %get3A_404 = arith.constant 80 : index
        %get3A_405 = tpu.vector_load %arg10[%get3A_403, %get3A_404] {strides = array<i32>} : memref<128x128xf32, #tpu.memory_space<vmem>>, vector<1x16xf32>,
        %get3A_406 = vector.shape_cast %get3A_405 : vector<1x16xf32> to vector<16xf32>
        %mul3A_407 = arith.mulf %get3A_406, %gather3A_348 : vector<16xf32>
        %swap3A_408 = arith.index_cast %add3A_352 : i32 to index
        %swap3A_409 = arith.constant 80 : index
        %swap3A_410 = tpu.vector_load %arg10[%swap3A_408, %swap3A_409] {strides = array<i32>} : memref<128x128xf32, #tpu.memory_space<vmem>>, vector<1x16xf32>,
        %swap3A_411 = vector.shape_cast %swap3A_410 : vector<1x16xf32> to vector<16xf32>
        %swap3A_412 = vector.shape_cast %mul3A_407 : vector<16xf32> to vector<1x16xf32>
        tpu.vector_store %arg10[%swap3A_408, %swap3A_409], %swap3A_412 {strides = array<i32>} : memref<128x128xf32, #tpu.memory_space<vmem>>, vector<1x16xf32>,
        %get3A_413 = arith.index_cast %add3A_352 : i32 to index
        %get3A_414 = arith.constant 96 : index
        %get3A_415 = tpu.vector_load %arg10[%get3A_413, %get3A_414] {strides = array<i32>} : memref<128x128xf32, #tpu.memory_space<vmem>>, vector<1x16xf32>,
        %get3A_416 = vector.shape_cast %get3A_415 : vector<1x16xf32> to vector<16xf32>
        %mul3A_417 = arith.mulf %get3A_416, %gather3A_348 : vector<16xf32>
        %swap3A_418 = arith.index_cast %add3A_352 : i32 to index
        %swap3A_419 = arith.constant 96 : index
        %swap3A_420 = tpu.vector_load %arg10[%swap3A_418, %swap3A_419] {strides = array<i32>} : memref<128x128xf32, #tpu.memory_space<vmem>>, vector<1x16xf32>,
        %swap3A_421 = vector.shape_cast %swap3A_420 : vector<1x16xf32> to vector<16xf32>
        %swap3A_422 = vector.shape_cast %mul3A_417 : vector<16xf32> to vector<1x16xf32>
        tpu.vector_store %arg10[%swap3A_418, %swap3A_419], %swap3A_422 {strides = array<i32>} : memref<128x128xf32, #tpu.memory_space<vmem>>, vector<1x16xf32>,
        %get3A_423 = arith.index_cast %add3A_352 : i32 to index
        %get3A_424 = arith.constant 112 : index
        %get3A_425 = tpu.vector_load %arg10[%get3A_423, %get3A_424] {strides = array<i32>} : memref<128x128xf32, #tpu.memory_space<vmem>>, vector<1x16xf32>,
        %get3A_426 = vector.shape_cast %get3A_425 : vector<1x16xf32> to vector<16xf32>
        %mul3A_427 = arith.mulf %get3A_426, %gather3A_348 : vector<16xf32>
        %swap3A_428 = arith.index_cast %add3A_352 : i32 to index
        %swap3A_429 = arith.constant 112 : index
        %swap3A_430 = tpu.vector_load %arg10[%swap3A_428, %swap3A_429] {strides = array<i32>} : memref<128x128xf32, #tpu.memory_space<vmem>>, vector<1x16xf32>,
        %swap3A_431 = vector.shape_cast %swap3A_430 : vector<1x16xf32> to vector<16xf32>
        %swap3A_432 = vector.shape_cast %mul3A_427 : vector<16xf32> to vector<1x16xf32>
        tpu.vector_store %arg10[%swap3A_428, %swap3A_429], %swap3A_432 {strides = array<i32>} : memref<128x128xf32, #tpu.memory_space<vmem>>, vector<1x16xf32>,
        %broadcast_in_dim3A_433 = arith.constant 4 : i32
        %broadcast_in_dim3A_434 = vector.broadcast %broadcast_in_dim3A_433 : i32 to vector<16x1xi32>
        %gather3A_435 = vector.shape_cast %broadcast_in_dim3A_434 : vector<16x1xi32> to vector<16xi32>
        %gather3A_436 = tpu.dynamic_gather %get3A_82[%gather3A_435] in [0] : vector<16xf32>, vector<16xi32> -> vector<16xf32>
        %mul3A_437 = arith.constant 16 : i32
        %mul3A_438 = arith.muli %scan3A_76, %mul3A_437 : i32
        %add3A_439 = arith.constant 4 : i32
        %add3A_440 = arith.addi %mul3A_438, %add3A_439 : i32
        %get3A_441 = arith.index_cast %add3A_440 : i32 to index
        %get3A_442 = arith.constant 0 : index
        %get3A_443 = tpu.vector_load %arg10[%get3A_441, %get3A_442] {strides = array<i32>} : memref<128x128xf32, #tpu.memory_space<vmem>>, vector<1x16xf32>,
        %get3A_444 = vector.shape_cast %get3A_443 : vector<1x16xf32> to vector<16xf32>
        %mul3A_445 = arith.mulf %get3A_444, %gather3A_436 : vector<16xf32>
        %swap3A_446 = arith.index_cast %add3A_440 : i32 to index
        %swap3A_447 = arith.constant 0 : index
        %swap3A_448 = tpu.vector_load %arg10[%swap3A_446, %swap3A_447] {strides = array<i32>} : memref<128x128xf32, #tpu.memory_space<vmem>>, vector<1x16xf32>,
        %swap3A_449 = vector.shape_cast %swap3A_448 : vector<1x16xf32> to vector<16xf32>
        %swap3A_450 = vector.shape_cast %mul3A_445 : vector<16xf32> to vector<1x16xf32>
        tpu.vector_store %arg10[%swap3A_446, %swap3A_447], %swap3A_450 {strides = array<i32>} : memref<128x128xf32, #tpu.memory_space<vmem>>, vector<1x16xf32>,
        %get3A_451 = arith.index_cast %add3A_440 : i32 to index
        %get3A_452 = arith.constant 16 : index
        %get3A_453 = tpu.vector_load %arg10[%get3A_451, %get3A_452] {strides = array<i32>} : memref<128x128xf32, #tpu.memory_space<vmem>>, vector<1x16xf32>,
        %get3A_454 = vector.shape_cast %get3A_453 : vector<1x16xf32> to vector<16xf32>
        %mul3A_455 = arith.mulf %get3A_454, %gather3A_436 : vector<16xf32>
        %swap3A_456 = arith.index_cast %add3A_440 : i32 to index
        %swap3A_457 = arith.constant 16 : index
        %swap3A_458 = tpu.vector_load %arg10[%swap3A_456, %swap3A_457] {strides = array<i32>} : memref<128x128xf32, #tpu.memory_space<vmem>>, vector<1x16xf32>,
        %swap3A_459 = vector.shape_cast %swap3A_458 : vector<1x16xf32> to vector<16xf32>
        %swap3A_460 = vector.shape_cast %mul3A_455 : vector<16xf32> to vector<1x16xf32>
        tpu.vector_store %arg10[%swap3A_456, %swap3A_457], %swap3A_460 {strides = array<i32>} : memref<128x128xf32, #tpu.memory_space<vmem>>, vector<1x16xf32>,
        %get3A_461 = arith.index_cast %add3A_440 : i32 to index
        %get3A_462 = arith.constant 32 : index
        %get3A_463 = tpu.vector_load %arg10[%get3A_461, %get3A_462] {strides = array<i32>} : memref<128x128xf32, #tpu.memory_space<vmem>>, vector<1x16xf32>,
        %get3A_464 = vector.shape_cast %get3A_463 : vector<1x16xf32> to vector<16xf32>
        %mul3A_465 = arith.mulf %get3A_464, %gather3A_436 : vector<16xf32>
        %swap3A_466 = arith.index_cast %add3A_440 : i32 to index
        %swap3A_467 = arith.constant 32 : index
        %swap3A_468 = tpu.vector_load %arg10[%swap3A_466, %swap3A_467] {strides = array<i32>} : memref<128x128xf32, #tpu.memory_space<vmem>>, vector<1x16xf32>,
        %swap3A_469 = vector.shape_cast %swap3A_468 : vector<1x16xf32> to vector<16xf32>
        %swap3A_470 = vector.shape_cast %mul3A_465 : vector<16xf32> to vector<1x16xf32>
        tpu.vector_store %arg10[%swap3A_466, %swap3A_467], %swap3A_470 {strides = array<i32>} : memref<128x128xf32, #tpu.memory_space<vmem>>, vector<1x16xf32>,
        %get3A_471 = arith.index_cast %add3A_440 : i32 to index
        %get3A_472 = arith.constant 48 : index
        %get3A_473 = tpu.vector_load %arg10[%get3A_471, %get3A_472] {strides = array<i32>} : memref<128x128xf32, #tpu.memory_space<vmem>>, vector<1x16xf32>,
        %get3A_474 = vector.shape_cast %get3A_473 : vector<1x16xf32> to vector<16xf32>
        %mul3A_475 = arith.mulf %get3A_474, %gather3A_436 : vector<16xf32>
        %swap3A_476 = arith.index_cast %add3A_440 : i32 to index
        %swap3A_477 = arith.constant 48 : index
        %swap3A_478 = tpu.vector_load %arg10[%swap3A_476, %swap3A_477] {strides = array<i32>} : memref<128x128xf32, #tpu.memory_space<vmem>>, vector<1x16xf32>,
        %swap3A_479 = vector.shape_cast %swap3A_478 : vector<1x16xf32> to vector<16xf32>
        %swap3A_480 = vector.shape_cast %mul3A_475 : vector<16xf32> to vector<1x16xf32>
        tpu.vector_store %arg10[%swap3A_476, %swap3A_477], %swap3A_480 {strides = array<i32>} : memref<128x128xf32, #tpu.memory_space<vmem>>, vector<1x16xf32>,
        %get3A_481 = arith.index_cast %add3A_440 : i32 to index
        %get3A_482 = arith.constant 64 : index
        %get3A_483 = tpu.vector_load %arg10[%get3A_481, %get3A_482] {strides = array<i32>} : memref<128x128xf32, #tpu.memory_space<vmem>>, vector<1x16xf32>,
        %get3A_484 = vector.shape_cast %get3A_483 : vector<1x16xf32> to vector<16xf32>
        %mul3A_485 = arith.mulf %get3A_484, %gather3A_436 : vector<16xf32>
        %swap3A_486 = arith.index_cast %add3A_440 : i32 to index
        %swap3A_487 = arith.constant 64 : index
        %swap3A_488 = tpu.vector_load %arg10[%swap3A_486, %swap3A_487] {strides = array<i32>} : memref<128x128xf32, #tpu.memory_space<vmem>>, vector<1x16xf32>,
        %swap3A_489 = vector.shape_cast %swap3A_488 : vector<1x16xf32> to vector<16xf32>
        %swap3A_490 = vector.shape_cast %mul3A_485 : vector<16xf32> to vector<1x16xf32>
        tpu.vector_store %arg10[%swap3A_486, %swap3A_487], %swap3A_490 {strides = array<i32>} : memref<128x128xf32, #tpu.memory_space<vmem>>, vector<1x16xf32>,
        %get3A_491 = arith.index_cast %add3A_440 : i32 to index
        %get3A_492 = arith.constant 80 : index
        %get3A_493 = tpu.vector_load %arg10[%get3A_491, %get3A_492] {strides = array<i32>} : memref<128x128xf32, #tpu.memory_space<vmem>>, vector<1x16xf32>,
        %get3A_494 = vector.shape_cast %get3A_493 : vector<1x16xf32> to vector<16xf32>
        %mul3A_495 = arith.mulf %get3A_494, %gather3A_436 : vector<16xf32>
        %swap3A_496 = arith.index_cast %add3A_440 : i32 to index
        %swap3A_497 = arith.constant 80 : index
        %swap3A_498 = tpu.vector_load %arg10[%swap3A_496, %swap3A_497] {strides = array<i32>} : memref<128x128xf32, #tpu.memory_space<vmem>>, vector<1x16xf32>,
        %swap3A_499 = vector.shape_cast %swap3A_498 : vector<1x16xf32> to vector<16xf32>
        %swap3A_500 = vector.shape_cast %mul3A_495 : vector<16xf32> to vector<1x16xf32>
        tpu.vector_store %arg10[%swap3A_496, %swap3A_497], %swap3A_500 {strides = array<i32>} : memref<128x128xf32, #tpu.memory_space<vmem>>, vector<1x16xf32>,
        %get3A_501 = arith.index_cast %add3A_440 : i32 to index
        %get3A_502 = arith.constant 96 : index
        %get3A_503 = tpu.vector_load %arg10[%get3A_501, %get3A_502] {strides = array<i32>} : memref<128x128xf32, #tpu.memory_space<vmem>>, vector<1x16xf32>,
        %get3A_504 = vector.shape_cast %get3A_503 : vector<1x16xf32> to vector<16xf32>
        %mul3A_505 = arith.mulf %get3A_504, %gather3A_436 : vector<16xf32>
        %swap3A_506 = arith.index_cast %add3A_440 : i32 to index
        %swap3A_507 = arith.constant 96 : index
        %swap3A_508 = tpu.vector_load %arg10[%swap3A_506, %swap3A_507] {strides = array<i32>} : memref<128x128xf32, #tpu.memory_space<vmem>>, vector<1x16xf32>,
        %swap3A_509 = vector.shape_cast %swap3A_508 : vector<1x16xf32> to vector<16xf32>
        %swap3A_510 = vector.shape_cast %mul3A_505 : vector<16xf32> to vector<1x16xf32>
        tpu.vector_store %arg10[%swap3A_506, %swap3A_507], %swap3A_510 {strides = array<i32>} : memref<128x128xf32, #tpu.memory_space<vmem>>, vector<1x16xf32>,
        %get3A_511 = arith.index_cast %add3A_440 : i32 to index
        %get3A_512 = arith.constant 112 : index
        %get3A_513 = tpu.vector_load %arg10[%get3A_511, %get3A_512] {strides = array<i32>} : memref<128x128xf32, #tpu.memory_space<vmem>>, vector<1x16xf32>,
        %get3A_514 = vector.shape_cast %get3A_513 : vector<1x16xf32> to vector<16xf32>
        %mul3A_515 = arith.mulf %get3A_514, %gather3A_436 : vector<16xf32>
        %swap3A_516 = arith.index_cast %add3A_440 : i32 to index
        %swap3A_517 = arith.constant 112 : index
        %swap3A_518 = tpu.vector_load %arg10[%swap3A_516, %swap3A_517] {strides = array<i32>} : memref<128x128xf32, #tpu.memory_space<vmem>>, vector<1x16xf32>,
        %swap3A_519 = vector.shape_cast %swap3A_518 : vector<1x16xf32> to vector<16xf32>
        %swap3A_520 = vector.shape_cast %mul3A_515 : vector<16xf32> to vector<1x16xf32>
        tpu.vector_store %arg10[%swap3A_516, %swap3A_517], %swap3A_520 {strides = array<i32>} : memref<128x128xf32, #tpu.memory_space<vmem>>, vector<1x16xf32>,
        %broadcast_in_dim3A_521 = arith.constant 5 : i32
        %broadcast_in_dim3A_522 = vector.broadcast %broadcast_in_dim3A_521 : i32 to vector<16x1xi32>
        %gather3A_523 = vector.shape_cast %broadcast_in_dim3A_522 : vector<16x1xi32> to vector<16xi32>
        %gather3A_524 = tpu.dynamic_gather %get3A_82[%gather3A_523] in [0] : vector<16xf32>, vector<16xi32> -> vector<16xf32>
        %mul3A_525 = arith.constant 16 : i32
        %mul3A_526 = arith.muli %scan3A_76, %mul3A_525 : i32
        %add3A_527 = arith.constant 5 : i32
        %add3A_528 = arith.addi %mul3A_526, %add3A_527 : i32
        %get3A_529 = arith.index_cast %add3A_528 : i32 to index
        %get3A_530 = arith.constant 0 : index
        %get3A_531 = tpu.vector_load %arg10[%get3A_529, %get3A_530] {strides = array<i32>} : memref<128x128xf32, #tpu.memory_space<vmem>>, vector<1x16xf32>,
        %get3A_532 = vector.shape_cast %get3A_531 : vector<1x16xf32> to vector<16xf32>
        %mul3A_533 = arith.mulf %get3A_532, %gather3A_524 : vector<16xf32>
        %swap3A_534 = arith.index_cast %add3A_528 : i32 to index
        %swap3A_535 = arith.constant 0 : index
        %swap3A_536 = tpu.vector_load %arg10[%swap3A_534, %swap3A_535] {strides = array<i32>} : memref<128x128xf32, #tpu.memory_space<vmem>>, vector<1x16xf32>,
        %swap3A_537 = vector.shape_cast %swap3A_536 : vector<1x16xf32> to vector<16xf32>
        %swap3A_538 = vector.shape_cast %mul3A_533 : vector<16xf32> to vector<1x16xf32>
        tpu.vector_store %arg10[%swap3A_534, %swap3A_535], %swap3A_538 {strides = array<i32>} : memref<128x128xf32, #tpu.memory_space<vmem>>, vector<1x16xf32>,
        %get3A_539 = arith.index_cast %add3A_528 : i32 to index
        %get3A_540 = arith.constant 16 : index
        %get3A_541 = tpu.vector_load %arg10[%get3A_539, %get3A_540] {strides = array<i32>} : memref<128x128xf32, #tpu.memory_space<vmem>>, vector<1x16xf32>,
        %get3A_542 = vector.shape_cast %get3A_541 : vector<1x16xf32> to vector<16xf32>
        %mul3A_543 = arith.mulf %get3A_542, %gather3A_524 : vector<16xf32>
        %swap3A_544 = arith.index_cast %add3A_528 : i32 to index
        %swap3A_545 = arith.constant 16 : index
        %swap3A_546 = tpu.vector_load %arg10[%swap3A_544, %swap3A_545] {strides = array<i32>} : memref<128x128xf32, #tpu.memory_space<vmem>>, vector<1x16xf32>,
        %swap3A_547 = vector.shape_cast %swap3A_546 : vector<1x16xf32> to vector<16xf32>
        %swap3A_548 = vector.shape_cast %mul3A_543 : vector<16xf32> to vector<1x16xf32>
        tpu.vector_store %arg10[%swap3A_544, %swap3A_545], %swap3A_548 {strides = array<i32>} : memref<128x128xf32, #tpu.memory_space<vmem>>, vector<1x16xf32>,
        %get3A_549 = arith.index_cast %add3A_528 : i32 to index
        %get3A_550 = arith.constant 32 : index
        %get3A_551 = tpu.vector_load %arg10[%get3A_549, %get3A_550] {strides = array<i32>} : memref<128x128xf32, #tpu.memory_space<vmem>>, vector<1x16xf32>,
        %get3A_552 = vector.shape_cast %get3A_551 : vector<1x16xf32> to vector<16xf32>
        %mul3A_553 = arith.mulf %get3A_552, %gather3A_524 : vector<16xf32>
        %swap3A_554 = arith.index_cast %add3A_528 : i32 to index
        %swap3A_555 = arith.constant 32 : index
        %swap3A_556 = tpu.vector_load %arg10[%swap3A_554, %swap3A_555] {strides = array<i32>} : memref<128x128xf32, #tpu.memory_space<vmem>>, vector<1x16xf32>,
        %swap3A_557 = vector.shape_cast %swap3A_556 : vector<1x16xf32> to vector<16xf32>
        %swap3A_558 = vector.shape_cast %mul3A_553 : vector<16xf32> to vector<1x16xf32>
        tpu.vector_store %arg10[%swap3A_554, %swap3A_555], %swap3A_558 {strides = array<i32>} : memref<128x128xf32, #tpu.memory_space<vmem>>, vector<1x16xf32>,
        %get3A_559 = arith.index_cast %add3A_528 : i32 to index
        %get3A_560 = arith.constant 48 : index
        %get3A_561 = tpu.vector_load %arg10[%get3A_559, %get3A_560] {strides = array<i32>} : memref<128x128xf32, #tpu.memory_space<vmem>>, vector<1x16xf32>,
        %get3A_562 = vector.shape_cast %get3A_561 : vector<1x16xf32> to vector<16xf32>
        %mul3A_563 = arith.mulf %get3A_562, %gather3A_524 : vector<16xf32>
        %swap3A_564 = arith.index_cast %add3A_528 : i32 to index
        %swap3A_565 = arith.constant 48 : index
        %swap3A_566 = tpu.vector_load %arg10[%swap3A_564, %swap3A_565] {strides = array<i32>} : memref<128x128xf32, #tpu.memory_space<vmem>>, vector<1x16xf32>,
        %swap3A_567 = vector.shape_cast %swap3A_566 : vector<1x16xf32> to vector<16xf32>
        %swap3A_568 = vector.shape_cast %mul3A_563 : vector<16xf32> to vector<1x16xf32>
        tpu.vector_store %arg10[%swap3A_564, %swap3A_565], %swap3A_568 {strides = array<i32>} : memref<128x128xf32, #tpu.memory_space<vmem>>, vector<1x16xf32>,
        %get3A_569 = arith.index_cast %add3A_528 : i32 to index
        %get3A_570 = arith.constant 64 : index
        %get3A_571 = tpu.vector_load %arg10[%get3A_569, %get3A_570] {strides = array<i32>} : memref<128x128xf32, #tpu.memory_space<vmem>>, vector<1x16xf32>,
        %get3A_572 = vector.shape_cast %get3A_571 : vector<1x16xf32> to vector<16xf32>
        %mul3A_573 = arith.mulf %get3A_572, %gather3A_524 : vector<16xf32>
        %swap3A_574 = arith.index_cast %add3A_528 : i32 to index
        %swap3A_575 = arith.constant 64 : index
        %swap3A_576 = tpu.vector_load %arg10[%swap3A_574, %swap3A_575] {strides = array<i32>} : memref<128x128xf32, #tpu.memory_space<vmem>>, vector<1x16xf32>,
        %swap3A_577 = vector.shape_cast %swap3A_576 : vector<1x16xf32> to vector<16xf32>
        %swap3A_578 = vector.shape_cast %mul3A_573 : vector<16xf32> to vector<1x16xf32>
        tpu.vector_store %arg10[%swap3A_574, %swap3A_575], %swap3A_578 {strides = array<i32>} : memref<128x128xf32, #tpu.memory_space<vmem>>, vector<1x16xf32>,
        %get3A_579 = arith.index_cast %add3A_528 : i32 to index
        %get3A_580 = arith.constant 80 : index
        %get3A_581 = tpu.vector_load %arg10[%get3A_579, %get3A_580] {strides = array<i32>} : memref<128x128xf32, #tpu.memory_space<vmem>>, vector<1x16xf32>,
        %get3A_582 = vector.shape_cast %get3A_581 : vector<1x16xf32> to vector<16xf32>
        %mul3A_583 = arith.mulf %get3A_582, %gather3A_524 : vector<16xf32>
        %swap3A_584 = arith.index_cast %add3A_528 : i32 to index
        %swap3A_585 = arith.constant 80 : index
        %swap3A_586 = tpu.vector_load %arg10[%swap3A_584, %swap3A_585] {strides = array<i32>} : memref<128x128xf32, #tpu.memory_space<vmem>>, vector<1x16xf32>,
        %swap3A_587 = vector.shape_cast %swap3A_586 : vector<1x16xf32> to vector<16xf32>
        %swap3A_588 = vector.shape_cast %mul3A_583 : vector<16xf32> to vector<1x16xf32>
        tpu.vector_store %arg10[%swap3A_584, %swap3A_585], %swap3A_588 {strides = array<i32>} : memref<128x128xf32, #tpu.memory_space<vmem>>, vector<1x16xf32>,
        %get3A_589 = arith.index_cast %add3A_528 : i32 to index
        %get3A_590 = arith.constant 96 : index
        %get3A_591 = tpu.vector_load %arg10[%get3A_589, %get3A_590] {strides = array<i32>} : memref<128x128xf32, #tpu.memory_space<vmem>>, vector<1x16xf32>,
        %get3A_592 = vector.shape_cast %get3A_591 : vector<1x16xf32> to vector<16xf32>
        %mul3A_593 = arith.mulf %get3A_592, %gather3A_524 : vector<16xf32>
        %swap3A_594 = arith.index_cast %add3A_528 : i32 to index
        %swap3A_595 = arith.constant 96 : index
        %swap3A_596 = tpu.vector_load %arg10[%swap3A_594, %swap3A_595] {strides = array<i32>} : memref<128x128xf32, #tpu.memory_space<vmem>>, vector<1x16xf32>,
        %swap3A_597 = vector.shape_cast %swap3A_596 : vector<1x16xf32> to vector<16xf32>
        %swap3A_598 = vector.shape_cast %mul3A_593 : vector<16xf32> to vector<1x16xf32>
        tpu.vector_store %arg10[%swap3A_594, %swap3A_595], %swap3A_598 {strides = array<i32>} : memref<128x128xf32, #tpu.memory_space<vmem>>, vector<1x16xf32>,
        %get3A_599 = arith.index_cast %add3A_528 : i32 to index
        %get3A_600 = arith.constant 112 : index
        %get3A_601 = tpu.vector_load %arg10[%get3A_599, %get3A_600] {strides = array<i32>} : memref<128x128xf32, #tpu.memory_space<vmem>>, vector<1x16xf32>,
        %get3A_602 = vector.shape_cast %get3A_601 : vector<1x16xf32> to vector<16xf32>
        %mul3A_603 = arith.mulf %get3A_602, %gather3A_524 : vector<16xf32>
        %swap3A_604 = arith.index_cast %add3A_528 : i32 to index
        %swap3A_605 = arith.constant 112 : index
        %swap3A_606 = tpu.vector_load %arg10[%swap3A_604, %swap3A_605] {strides = array<i32>} : memref<128x128xf32, #tpu.memory_space<vmem>>, vector<1x16xf32>,
        %swap3A_607 = vector.shape_cast %swap3A_606 : vector<1x16xf32> to vector<16xf32>
        %swap3A_608 = vector.shape_cast %mul3A_603 : vector<16xf32> to vector<1x16xf32>
        tpu.vector_store %arg10[%swap3A_604, %swap3A_605], %swap3A_608 {strides = array<i32>} : memref<128x128xf32, #tpu.memory_space<vmem>>, vector<1x16xf32>,
        %broadcast_in_dim3A_609 = arith.constant 6 : i32
        %broadcast_in_dim3A_610 = vector.broadcast %broadcast_in_dim3A_609 : i32 to vector<16x1xi32>
        %gather3A_611 = vector.shape_cast %broadcast_in_dim3A_610 : vector<16x1xi32> to vector<16xi32>
        %gather3A_612 = tpu.dynamic_gather %get3A_82[%gather3A_611] in [0] : vector<16xf32>, vector<16xi32> -> vector<16xf32>
        %mul3A_613 = arith.constant 16 : i32
        %mul3A_614 = arith.muli %scan3A_76, %mul3A_613 : i32
        %add3A_615 = arith.constant 6 : i32
        %add3A_616 = arith.addi %mul3A_614, %add3A_615 : i32
        %get3A_617 = arith.index_cast %add3A_616 : i32 to index
        %get3A_618 = arith.constant 0 : index
        %get3A_619 = tpu.vector_load %arg10[%get3A_617, %get3A_618] {strides = array<i32>} : memref<128x128xf32, #tpu.memory_space<vmem>>, vector<1x16xf32>,
        %get3A_620 = vector.shape_cast %get3A_619 : vector<1x16xf32> to vector<16xf32>
        %mul3A_621 = arith.mulf %get3A_620, %gather3A_612 : vector<16xf32>
        %swap3A_622 = arith.index_cast %add3A_616 : i32 to index
        %swap3A_623 = arith.constant 0 : index
        %swap3A_624 = tpu.vector_load %arg10[%swap3A_622, %swap3A_623] {strides = array<i32>} : memref<128x128xf32, #tpu.memory_space<vmem>>, vector<1x16xf32>,
        %swap3A_625 = vector.shape_cast %swap3A_624 : vector<1x16xf32> to vector<16xf32>
        %swap3A_626 = vector.shape_cast %mul3A_621 : vector<16xf32> to vector<1x16xf32>
        tpu.vector_store %arg10[%swap3A_622, %swap3A_623], %swap3A_626 {strides = array<i32>} : memref<128x128xf32, #tpu.memory_space<vmem>>, vector<1x16xf32>,
        %get3A_627 = arith.index_cast %add3A_616 : i32 to index
        %get3A_628 = arith.constant 16 : index
        %get3A_629 = tpu.vector_load %arg10[%get3A_627, %get3A_628] {strides = array<i32>} : memref<128x128xf32, #tpu.memory_space<vmem>>, vector<1x16xf32>,
        %get3A_630 = vector.shape_cast %get3A_629 : vector<1x16xf32> to vector<16xf32>
        %mul3A_631 = arith.mulf %get3A_630, %gather3A_612 : vector<16xf32>
        %swap3A_632 = arith.index_cast %add3A_616 : i32 to index
        %swap3A_633 = arith.constant 16 : index
        %swap3A_634 = tpu.vector_load %arg10[%swap3A_632, %swap3A_633] {strides = array<i32>} : memref<128x128xf32, #tpu.memory_space<vmem>>, vector<1x16xf32>,
        %swap3A_635 = vector.shape_cast %swap3A_634 : vector<1x16xf32> to vector<16xf32>
        %swap3A_636 = vector.shape_cast %mul3A_631 : vector<16xf32> to vector<1x16xf32>
        tpu.vector_store %arg10[%swap3A_632, %swap3A_633], %swap3A_636 {strides = array<i32>} : memref<128x128xf32, #tpu.memory_space<vmem>>, vector<1x16xf32>,
        %get3A_637 = arith.index_cast %add3A_616 : i32 to index
        %get3A_638 = arith.constant 32 : index
        %get3A_639 = tpu.vector_load %arg10[%get3A_637, %get3A_638] {strides = array<i32>} : memref<128x128xf32, #tpu.memory_space<vmem>>, vector<1x16xf32>,
        %get3A_640 = vector.shape_cast %get3A_639 : vector<1x16xf32> to vector<16xf32>
        %mul3A_641 = arith.mulf %get3A_640, %gather3A_612 : vector<16xf32>
        %swap3A_642 = arith.index_cast %add3A_616 : i32 to index
        %swap3A_643 = arith.constant 32 : index
        %swap3A_644 = tpu.vector_load %arg10[%swap3A_642, %swap3A_643] {strides = array<i32>} : memref<128x128xf32, #tpu.memory_space<vmem>>, vector<1x16xf32>,
        %swap3A_645 = vector.shape_cast %swap3A_644 : vector<1x16xf32> to vector<16xf32>
        %swap3A_646 = vector.shape_cast %mul3A_641 : vector<16xf32> to vector<1x16xf32>
        tpu.vector_store %arg10[%swap3A_642, %swap3A_643], %swap3A_646 {strides = array<i32>} : memref<128x128xf32, #tpu.memory_space<vmem>>, vector<1x16xf32>,
        %get3A_647 = arith.index_cast %add3A_616 : i32 to index
        %get3A_648 = arith.constant 48 : index
        %get3A_649 = tpu.vector_load %arg10[%get3A_647, %get3A_648] {strides = array<i32>} : memref<128x128xf32, #tpu.memory_space<vmem>>, vector<1x16xf32>,
        %get3A_650 = vector.shape_cast %get3A_649 : vector<1x16xf32> to vector<16xf32>
        %mul3A_651 = arith.mulf %get3A_650, %gather3A_612 : vector<16xf32>
        %swap3A_652 = arith.index_cast %add3A_616 : i32 to index
        %swap3A_653 = arith.constant 48 : index
        %swap3A_654 = tpu.vector_load %arg10[%swap3A_652, %swap3A_653] {strides = array<i32>} : memref<128x128xf32, #tpu.memory_space<vmem>>, vector<1x16xf32>,
        %swap3A_655 = vector.shape_cast %swap3A_654 : vector<1x16xf32> to vector<16xf32>
        %swap3A_656 = vector.shape_cast %mul3A_651 : vector<16xf32> to vector<1x16xf32>
        tpu.vector_store %arg10[%swap3A_652, %swap3A_653], %swap3A_656 {strides = array<i32>} : memref<128x128xf32, #tpu.memory_space<vmem>>, vector<1x16xf32>,
        %get3A_657 = arith.index_cast %add3A_616 : i32 to index
        %get3A_658 = arith.constant 64 : index
        %get3A_659 = tpu.vector_load %arg10[%get3A_657, %get3A_658] {strides = array<i32>} : memref<128x128xf32, #tpu.memory_space<vmem>>, vector<1x16xf32>,
        %get3A_660 = vector.shape_cast %get3A_659 : vector<1x16xf32> to vector<16xf32>
        %mul3A_661 = arith.mulf %get3A_660, %gather3A_612 : vector<16xf32>
        %swap3A_662 = arith.index_cast %add3A_616 : i32 to index
        %swap3A_663 = arith.constant 64 : index
        %swap3A_664 = tpu.vector_load %arg10[%swap3A_662, %swap3A_663] {strides = array<i32>} : memref<128x128xf32, #tpu.memory_space<vmem>>, vector<1x16xf32>,
        %swap3A_665 = vector.shape_cast %swap3A_664 : vector<1x16xf32> to vector<16xf32>
        %swap3A_666 = vector.shape_cast %mul3A_661 : vector<16xf32> to vector<1x16xf32>
        tpu.vector_store %arg10[%swap3A_662, %swap3A_663], %swap3A_666 {strides = array<i32>} : memref<128x128xf32, #tpu.memory_space<vmem>>, vector<1x16xf32>,
        %get3A_667 = arith.index_cast %add3A_616 : i32 to index
        %get3A_668 = arith.constant 80 : index
        %get3A_669 = tpu.vector_load %arg10[%get3A_667, %get3A_668] {strides = array<i32>} : memref<128x128xf32, #tpu.memory_space<vmem>>, vector<1x16xf32>,
        %get3A_670 = vector.shape_cast %get3A_669 : vector<1x16xf32> to vector<16xf32>
        %mul3A_671 = arith.mulf %get3A_670, %gather3A_612 : vector<16xf32>
        %swap3A_672 = arith.index_cast %add3A_616 : i32 to index
        %swap3A_673 = arith.constant 80 : index
        %swap3A_674 = tpu.vector_load %arg10[%swap3A_672, %swap3A_673] {strides = array<i32>} : memref<128x128xf32, #tpu.memory_space<vmem>>, vector<1x16xf32>,
        %swap3A_675 = vector.shape_cast %swap3A_674 : vector<1x16xf32> to vector<16xf32>
        %swap3A_676 = vector.shape_cast %mul3A_671 : vector<16xf32> to vector<1x16xf32>
        tpu.vector_store %arg10[%swap3A_672, %swap3A_673], %swap3A_676 {strides = array<i32>} : memref<128x128xf32, #tpu.memory_space<vmem>>, vector<1x16xf32>,
        %get3A_677 = arith.index_cast %add3A_616 : i32 to index
        %get3A_678 = arith.constant 96 : index
        %get3A_679 = tpu.vector_load %arg10[%get3A_677, %get3A_678] {strides = array<i32>} : memref<128x128xf32, #tpu.memory_space<vmem>>, vector<1x16xf32>,
        %get3A_680 = vector.shape_cast %get3A_679 : vector<1x16xf32> to vector<16xf32>
        %mul3A_681 = arith.mulf %get3A_680, %gather3A_612 : vector<16xf32>
        %swap3A_682 = arith.index_cast %add3A_616 : i32 to index
        %swap3A_683 = arith.constant 96 : index
        %swap3A_684 = tpu.vector_load %arg10[%swap3A_682, %swap3A_683] {strides = array<i32>} : memref<128x128xf32, #tpu.memory_space<vmem>>, vector<1x16xf32>,
        %swap3A_685 = vector.shape_cast %swap3A_684 : vector<1x16xf32> to vector<16xf32>
        %swap3A_686 = vector.shape_cast %mul3A_681 : vector<16xf32> to vector<1x16xf32>
        tpu.vector_store %arg10[%swap3A_682, %swap3A_683], %swap3A_686 {strides = array<i32>} : memref<128x128xf32, #tpu.memory_space<vmem>>, vector<1x16xf32>,
        %get3A_687 = arith.index_cast %add3A_616 : i32 to index
        %get3A_688 = arith.constant 112 : index
        %get3A_689 = tpu.vector_load %arg10[%get3A_687, %get3A_688] {strides = array<i32>} : memref<128x128xf32, #tpu.memory_space<vmem>>, vector<1x16xf32>,
        %get3A_690 = vector.shape_cast %get3A_689 : vector<1x16xf32> to vector<16xf32>
        %mul3A_691 = arith.mulf %get3A_690, %gather3A_612 : vector<16xf32>
        %swap3A_692 = arith.index_cast %add3A_616 : i32 to index
        %swap3A_693 = arith.constant 112 : index
        %swap3A_694 = tpu.vector_load %arg10[%swap3A_692, %swap3A_693] {strides = array<i32>} : memref<128x128xf32, #tpu.memory_space<vmem>>, vector<1x16xf32>,
        %swap3A_695 = vector.shape_cast %swap3A_694 : vector<1x16xf32> to vector<16xf32>
        %swap3A_696 = vector.shape_cast %mul3A_691 : vector<16xf32> to vector<1x16xf32>
        tpu.vector_store %arg10[%swap3A_692, %swap3A_693], %swap3A_696 {strides = array<i32>} : memref<128x128xf32, #tpu.memory_space<vmem>>, vector<1x16xf32>,
        %broadcast_in_dim3A_697 = arith.constant 7 : i32
        %broadcast_in_dim3A_698 = vector.broadcast %broadcast_in_dim3A_697 : i32 to vector<16x1xi32>
        %gather3A_699 = vector.shape_cast %broadcast_in_dim3A_698 : vector<16x1xi32> to vector<16xi32>
        %gather3A_700 = tpu.dynamic_gather %get3A_82[%gather3A_699] in [0] : vector<16xf32>, vector<16xi32> -> vector<16xf32>
        %mul3A_701 = arith.constant 16 : i32
        %mul3A_702 = arith.muli %scan3A_76, %mul3A_701 : i32
        %add3A_703 = arith.constant 7 : i32
        %add3A_704 = arith.addi %mul3A_702, %add3A_703 : i32
        %get3A_705 = arith.index_cast %add3A_704 : i32 to index
        %get3A_706 = arith.constant 0 : index
        %get3A_707 = tpu.vector_load %arg10[%get3A_705, %get3A_706] {strides = array<i32>} : memref<128x128xf32, #tpu.memory_space<vmem>>, vector<1x16xf32>,
        %get3A_708 = vector.shape_cast %get3A_707 : vector<1x16xf32> to vector<16xf32>
        %mul3A_709 = arith.mulf %get3A_708, %gather3A_700 : vector<16xf32>
        %swap3A_710 = arith.index_cast %add3A_704 : i32 to index
        %swap3A_711 = arith.constant 0 : index
        %swap3A_712 = tpu.vector_load %arg10[%swap3A_710, %swap3A_711] {strides = array<i32>} : memref<128x128xf32, #tpu.memory_space<vmem>>, vector<1x16xf32>,
        %swap3A_713 = vector.shape_cast %swap3A_712 : vector<1x16xf32> to vector<16xf32>
        %swap3A_714 = vector.shape_cast %mul3A_709 : vector<16xf32> to vector<1x16xf32>
        tpu.vector_store %arg10[%swap3A_710, %swap3A_711], %swap3A_714 {strides = array<i32>} : memref<128x128xf32, #tpu.memory_space<vmem>>, vector<1x16xf32>,
        %get3A_715 = arith.index_cast %add3A_704 : i32 to index
        %get3A_716 = arith.constant 16 : index
        %get3A_717 = tpu.vector_load %arg10[%get3A_715, %get3A_716] {strides = array<i32>} : memref<128x128xf32, #tpu.memory_space<vmem>>, vector<1x16xf32>,
        %get3A_718 = vector.shape_cast %get3A_717 : vector<1x16xf32> to vector<16xf32>
        %mul3A_719 = arith.mulf %get3A_718, %gather3A_700 : vector<16xf32>
        %swap3A_720 = arith.index_cast %add3A_704 : i32 to index
        %swap3A_721 = arith.constant 16 : index
        %swap3A_722 = tpu.vector_load %arg10[%swap3A_720, %swap3A_721] {strides = array<i32>} : memref<128x128xf32, #tpu.memory_space<vmem>>, vector<1x16xf32>,
        %swap3A_723 = vector.shape_cast %swap3A_722 : vector<1x16xf32> to vector<16xf32>
        %swap3A_724 = vector.shape_cast %mul3A_719 : vector<16xf32> to vector<1x16xf32>
        tpu.vector_store %arg10[%swap3A_720, %swap3A_721], %swap3A_724 {strides = array<i32>} : memref<128x128xf32, #tpu.memory_space<vmem>>, vector<1x16xf32>,
        %get3A_725 = arith.index_cast %add3A_704 : i32 to index
        %get3A_726 = arith.constant 32 : index
        %get3A_727 = tpu.vector_load %arg10[%get3A_725, %get3A_726] {strides = array<i32>} : memref<128x128xf32, #tpu.memory_space<vmem>>, vector<1x16xf32>,
        %get3A_728 = vector.shape_cast %get3A_727 : vector<1x16xf32> to vector<16xf32>
        %mul3A_729 = arith.mulf %get3A_728, %gather3A_700 : vector<16xf32>
        %swap3A_730 = arith.index_cast %add3A_704 : i32 to index
        %swap3A_731 = arith.constant 32 : index
        %swap3A_732 = tpu.vector_load %arg10[%swap3A_730, %swap3A_731] {strides = array<i32>} : memref<128x128xf32, #tpu.memory_space<vmem>>, vector<1x16xf32>,
        %swap3A_733 = vector.shape_cast %swap3A_732 : vector<1x16xf32> to vector<16xf32>
        %swap3A_734 = vector.shape_cast %mul3A_729 : vector<16xf32> to vector<1x16xf32>
        tpu.vector_store %arg10[%swap3A_730, %swap3A_731], %swap3A_734 {strides = array<i32>} : memref<128x128xf32, #tpu.memory_space<vmem>>, vector<1x16xf32>,
        %get3A_735 = arith.index_cast %add3A_704 : i32 to index
        %get3A_736 = arith.constant 48 : index
        %get3A_737 = tpu.vector_load %arg10[%get3A_735, %get3A_736] {strides = array<i32>} : memref<128x128xf32, #tpu.memory_space<vmem>>, vector<1x16xf32>,
        %get3A_738 = vector.shape_cast %get3A_737 : vector<1x16xf32> to vector<16xf32>
        %mul3A_739 = arith.mulf %get3A_738, %gather3A_700 : vector<16xf32>
        %swap3A_740 = arith.index_cast %add3A_704 : i32 to index
        %swap3A_741 = arith.constant 48 : index
        %swap3A_742 = tpu.vector_load %arg10[%swap3A_740, %swap3A_741] {strides = array<i32>} : memref<128x128xf32, #tpu.memory_space<vmem>>, vector<1x16xf32>,
        %swap3A_743 = vector.shape_cast %swap3A_742 : vector<1x16xf32> to vector<16xf32>
        %swap3A_744 = vector.shape_cast %mul3A_739 : vector<16xf32> to vector<1x16xf32>
        tpu.vector_store %arg10[%swap3A_740, %swap3A_741], %swap3A_744 {strides = array<i32>} : memref<128x128xf32, #tpu.memory_space<vmem>>, vector<1x16xf32>,
        %get3A_745 = arith.index_cast %add3A_704 : i32 to index
        %get3A_746 = arith.constant 64 : index
        %get3A_747 = tpu.vector_load %arg10[%get3A_745, %get3A_746] {strides = array<i32>} : memref<128x128xf32, #tpu.memory_space<vmem>>, vector<1x16xf32>,
        %get3A_748 = vector.shape_cast %get3A_747 : vector<1x16xf32> to vector<16xf32>
        %mul3A_749 = arith.mulf %get3A_748, %gather3A_700 : vector<16xf32>
        %swap3A_750 = arith.index_cast %add3A_704 : i32 to index
        %swap3A_751 = arith.constant 64 : index
        %swap3A_752 = tpu.vector_load %arg10[%swap3A_750, %swap3A_751] {strides = array<i32>} : memref<128x128xf32, #tpu.memory_space<vmem>>, vector<1x16xf32>,
        %swap3A_753 = vector.shape_cast %swap3A_752 : vector<1x16xf32> to vector<16xf32>
        %swap3A_754 = vector.shape_cast %mul3A_749 : vector<16xf32> to vector<1x16xf32>
        tpu.vector_store %arg10[%swap3A_750, %swap3A_751], %swap3A_754 {strides = array<i32>} : memref<128x128xf32, #tpu.memory_space<vmem>>, vector<1x16xf32>,
        %get3A_755 = arith.index_cast %add3A_704 : i32 to index
        %get3A_756 = arith.constant 80 : index
        %get3A_757 = tpu.vector_load %arg10[%get3A_755, %get3A_756] {strides = array<i32>} : memref<128x128xf32, #tpu.memory_space<vmem>>, vector<1x16xf32>,
        %get3A_758 = vector.shape_cast %get3A_757 : vector<1x16xf32> to vector<16xf32>
        %mul3A_759 = arith.mulf %get3A_758, %gather3A_700 : vector<16xf32>
        %swap3A_760 = arith.index_cast %add3A_704 : i32 to index
        %swap3A_761 = arith.constant 80 : index
        %swap3A_762 = tpu.vector_load %arg10[%swap3A_760, %swap3A_761] {strides = array<i32>} : memref<128x128xf32, #tpu.memory_space<vmem>>, vector<1x16xf32>,
        %swap3A_763 = vector.shape_cast %swap3A_762 : vector<1x16xf32> to vector<16xf32>
        %swap3A_764 = vector.shape_cast %mul3A_759 : vector<16xf32> to vector<1x16xf32>
        tpu.vector_store %arg10[%swap3A_760, %swap3A_761], %swap3A_764 {strides = array<i32>} : memref<128x128xf32, #tpu.memory_space<vmem>>, vector<1x16xf32>,
        %get3A_765 = arith.index_cast %add3A_704 : i32 to index
        %get3A_766 = arith.constant 96 : index
        %get3A_767 = tpu.vector_load %arg10[%get3A_765, %get3A_766] {strides = array<i32>} : memref<128x128xf32, #tpu.memory_space<vmem>>, vector<1x16xf32>,
        %get3A_768 = vector.shape_cast %get3A_767 : vector<1x16xf32> to vector<16xf32>
        %mul3A_769 = arith.mulf %get3A_768, %gather3A_700 : vector<16xf32>
        %swap3A_770 = arith.index_cast %add3A_704 : i32 to index
        %swap3A_771 = arith.constant 96 : index
        %swap3A_772 = tpu.vector_load %arg10[%swap3A_770, %swap3A_771] {strides = array<i32>} : memref<128x128xf32, #tpu.memory_space<vmem>>, vector<1x16xf32>,
        %swap3A_773 = vector.shape_cast %swap3A_772 : vector<1x16xf32> to vector<16xf32>
        %swap3A_774 = vector.shape_cast %mul3A_769 : vector<16xf32> to vector<1x16xf32>
        tpu.vector_store %arg10[%swap3A_770, %swap3A_771], %swap3A_774 {strides = array<i32>} : memref<128x128xf32, #tpu.memory_space<vmem>>, vector<1x16xf32>,
        %get3A_775 = arith.index_cast %add3A_704 : i32 to index
        %get3A_776 = arith.constant 112 : index
        %get3A_777 = tpu.vector_load %arg10[%get3A_775, %get3A_776] {strides = array<i32>} : memref<128x128xf32, #tpu.memory_space<vmem>>, vector<1x16xf32>,
        %get3A_778 = vector.shape_cast %get3A_777 : vector<1x16xf32> to vector<16xf32>
        %mul3A_779 = arith.mulf %get3A_778, %gather3A_700 : vector<16xf32>
        %swap3A_780 = arith.index_cast %add3A_704 : i32 to index
        %swap3A_781 = arith.constant 112 : index
        %swap3A_782 = tpu.vector_load %arg10[%swap3A_780, %swap3A_781] {strides = array<i32>} : memref<128x128xf32, #tpu.memory_space<vmem>>, vector<1x16xf32>,
        %swap3A_783 = vector.shape_cast %swap3A_782 : vector<1x16xf32> to vector<16xf32>
        %swap3A_784 = vector.shape_cast %mul3A_779 : vector<16xf32> to vector<1x16xf32>
        tpu.vector_store %arg10[%swap3A_780, %swap3A_781], %swap3A_784 {strides = array<i32>} : memref<128x128xf32, #tpu.memory_space<vmem>>, vector<1x16xf32>,
        %broadcast_in_dim3A_785 = arith.constant 8 : i32
        %broadcast_in_dim3A_786 = vector.broadcast %broadcast_in_dim3A_785 : i32 to vector<16x1xi32>
        %gather3A_787 = vector.shape_cast %broadcast_in_dim3A_786 : vector<16x1xi32> to vector<16xi32>
        %gather3A_788 = tpu.dynamic_gather %get3A_82[%gather3A_787] in [0] : vector<16xf32>, vector<16xi32> -> vector<16xf32>
        %mul3A_789 = arith.constant 16 : i32
        %mul3A_790 = arith.muli %scan3A_76, %mul3A_789 : i32
        %add3A_791 = arith.constant 8 : i32
        %add3A_792 = arith.addi %mul3A_790, %add3A_791 : i32
        %get3A_793 = arith.index_cast %add3A_792 : i32 to index
        %get3A_794 = arith.constant 0 : index
        %get3A_795 = tpu.vector_load %arg10[%get3A_793, %get3A_794] {strides = array<i32>} : memref<128x128xf32, #tpu.memory_space<vmem>>, vector<1x16xf32>,
        %get3A_796 = vector.shape_cast %get3A_795 : vector<1x16xf32> to vector<16xf32>
        %mul3A_797 = arith.mulf %get3A_796, %gather3A_788 : vector<16xf32>
        %swap3A_798 = arith.index_cast %add3A_792 : i32 to index
        %swap3A_799 = arith.constant 0 : index
        %swap3A_800 = tpu.vector_load %arg10[%swap3A_798, %swap3A_799] {strides = array<i32>} : memref<128x128xf32, #tpu.memory_space<vmem>>, vector<1x16xf32>,
        %swap3A_801 = vector.shape_cast %swap3A_800 : vector<1x16xf32> to vector<16xf32>
        %swap3A_802 = vector.shape_cast %mul3A_797 : vector<16xf32> to vector<1x16xf32>
        tpu.vector_store %arg10[%swap3A_798, %swap3A_799], %swap3A_802 {strides = array<i32>} : memref<128x128xf32, #tpu.memory_space<vmem>>, vector<1x16xf32>,
        %get3A_803 = arith.index_cast %add3A_792 : i32 to index
        %get3A_804 = arith.constant 16 : index
        %get3A_805 = tpu.vector_load %arg10[%get3A_803, %get3A_804] {strides = array<i32>} : memref<128x128xf32, #tpu.memory_space<vmem>>, vector<1x16xf32>,
        %get3A_806 = vector.shape_cast %get3A_805 : vector<1x16xf32> to vector<16xf32>
        %mul3A_807 = arith.mulf %get3A_806, %gather3A_788 : vector<16xf32>
        %swap3A_808 = arith.index_cast %add3A_792 : i32 to index
        %swap3A_809 = arith.constant 16 : index
        %swap3A_810 = tpu.vector_load %arg10[%swap3A_808, %swap3A_809] {strides = array<i32>} : memref<128x128xf32, #tpu.memory_space<vmem>>, vector<1x16xf32>,
        %swap3A_811 = vector.shape_cast %swap3A_810 : vector<1x16xf32> to vector<16xf32>
        %swap3A_812 = vector.shape_cast %mul3A_807 : vector<16xf32> to vector<1x16xf32>
        tpu.vector_store %arg10[%swap3A_808, %swap3A_809], %swap3A_812 {strides = array<i32>} : memref<128x128xf32, #tpu.memory_space<vmem>>, vector<1x16xf32>,
        %get3A_813 = arith.index_cast %add3A_792 : i32 to index
        %get3A_814 = arith.constant 32 : index
        %get3A_815 = tpu.vector_load %arg10[%get3A_813, %get3A_814] {strides = array<i32>} : memref<128x128xf32, #tpu.memory_space<vmem>>, vector<1x16xf32>,
        %get3A_816 = vector.shape_cast %get3A_815 : vector<1x16xf32> to vector<16xf32>
        %mul3A_817 = arith.mulf %get3A_816, %gather3A_788 : vector<16xf32>
        %swap3A_818 = arith.index_cast %add3A_792 : i32 to index
        %swap3A_819 = arith.constant 32 : index
        %swap3A_820 = tpu.vector_load %arg10[%swap3A_818, %swap3A_819] {strides = array<i32>} : memref<128x128xf32, #tpu.memory_space<vmem>>, vector<1x16xf32>,
        %swap3A_821 = vector.shape_cast %swap3A_820 : vector<1x16xf32> to vector<16xf32>
        %swap3A_822 = vector.shape_cast %mul3A_817 : vector<16xf32> to vector<1x16xf32>
        tpu.vector_store %arg10[%swap3A_818, %swap3A_819], %swap3A_822 {strides = array<i32>} : memref<128x128xf32, #tpu.memory_space<vmem>>, vector<1x16xf32>,
        %get3A_823 = arith.index_cast %add3A_792 : i32 to index
        %get3A_824 = arith.constant 48 : index
        %get3A_825 = tpu.vector_load %arg10[%get3A_823, %get3A_824] {strides = array<i32>} : memref<128x128xf32, #tpu.memory_space<vmem>>, vector<1x16xf32>,
        %get3A_826 = vector.shape_cast %get3A_825 : vector<1x16xf32> to vector<16xf32>
        %mul3A_827 = arith.mulf %get3A_826, %gather3A_788 : vector<16xf32>
        %swap3A_828 = arith.index_cast %add3A_792 : i32 to index
        %swap3A_829 = arith.constant 48 : index
        %swap3A_830 = tpu.vector_load %arg10[%swap3A_828, %swap3A_829] {strides = array<i32>} : memref<128x128xf32, #tpu.memory_space<vmem>>, vector<1x16xf32>,
        %swap3A_831 = vector.shape_cast %swap3A_830 : vector<1x16xf32> to vector<16xf32>
        %swap3A_832 = vector.shape_cast %mul3A_827 : vector<16xf32> to vector<1x16xf32>
        tpu.vector_store %arg10[%swap3A_828, %swap3A_829], %swap3A_832 {strides = array<i32>} : memref<128x128xf32, #tpu.memory_space<vmem>>, vector<1x16xf32>,
        %get3A_833 = arith.index_cast %add3A_792 : i32 to index
        %get3A_834 = arith.constant 64 : index
        %get3A_835 = tpu.vector_load %arg10[%get3A_833, %get3A_834] {strides = array<i32>} : memref<128x128xf32, #tpu.memory_space<vmem>>, vector<1x16xf32>,
        %get3A_836 = vector.shape_cast %get3A_835 : vector<1x16xf32> to vector<16xf32>
        %mul3A_837 = arith.mulf %get3A_836, %gather3A_788 : vector<16xf32>
        %swap3A_838 = arith.index_cast %add3A_792 : i32 to index
        %swap3A_839 = arith.constant 64 : index
        %swap3A_840 = tpu.vector_load %arg10[%swap3A_838, %swap3A_839] {strides = array<i32>} : memref<128x128xf32, #tpu.memory_space<vmem>>, vector<1x16xf32>,
        %swap3A_841 = vector.shape_cast %swap3A_840 : vector<1x16xf32> to vector<16xf32>
        %swap3A_842 = vector.shape_cast %mul3A_837 : vector<16xf32> to vector<1x16xf32>
        tpu.vector_store %arg10[%swap3A_838, %swap3A_839], %swap3A_842 {strides = array<i32>} : memref<128x128xf32, #tpu.memory_space<vmem>>, vector<1x16xf32>,
        %get3A_843 = arith.index_cast %add3A_792 : i32 to index
        %get3A_844 = arith.constant 80 : index
        %get3A_845 = tpu.vector_load %arg10[%get3A_843, %get3A_844] {strides = array<i32>} : memref<128x128xf32, #tpu.memory_space<vmem>>, vector<1x16xf32>,
        %get3A_846 = vector.shape_cast %get3A_845 : vector<1x16xf32> to vector<16xf32>
        %mul3A_847 = arith.mulf %get3A_846, %gather3A_788 : vector<16xf32>
        %swap3A_848 = arith.index_cast %add3A_792 : i32 to index
        %swap3A_849 = arith.constant 80 : index
        %swap3A_850 = tpu.vector_load %arg10[%swap3A_848, %swap3A_849] {strides = array<i32>} : memref<128x128xf32, #tpu.memory_space<vmem>>, vector<1x16xf32>,
        %swap3A_851 = vector.shape_cast %swap3A_850 : vector<1x16xf32> to vector<16xf32>
        %swap3A_852 = vector.shape_cast %mul3A_847 : vector<16xf32> to vector<1x16xf32>
        tpu.vector_store %arg10[%swap3A_848, %swap3A_849], %swap3A_852 {strides = array<i32>} : memref<128x128xf32, #tpu.memory_space<vmem>>, vector<1x16xf32>,
        %get3A_853 = arith.index_cast %add3A_792 : i32 to index
        %get3A_854 = arith.constant 96 : index
        %get3A_855 = tpu.vector_load %arg10[%get3A_853, %get3A_854] {strides = array<i32>} : memref<128x128xf32, #tpu.memory_space<vmem>>, vector<1x16xf32>,
        %get3A_856 = vector.shape_cast %get3A_855 : vector<1x16xf32> to vector<16xf32>
        %mul3A_857 = arith.mulf %get3A_856, %gather3A_788 : vector<16xf32>
        %swap3A_858 = arith.index_cast %add3A_792 : i32 to index
        %swap3A_859 = arith.constant 96 : index
        %swap3A_860 = tpu.vector_load %arg10[%swap3A_858, %swap3A_859] {strides = array<i32>} : memref<128x128xf32, #tpu.memory_space<vmem>>, vector<1x16xf32>,
        %swap3A_861 = vector.shape_cast %swap3A_860 : vector<1x16xf32> to vector<16xf32>
        %swap3A_862 = vector.shape_cast %mul3A_857 : vector<16xf32> to vector<1x16xf32>
        tpu.vector_store %arg10[%swap3A_858, %swap3A_859], %swap3A_862 {strides = array<i32>} : memref<128x128xf32, #tpu.memory_space<vmem>>, vector<1x16xf32>,
        %get3A_863 = arith.index_cast %add3A_792 : i32 to index
        %get3A_864 = arith.constant 112 : index
        %get3A_865 = tpu.vector_load %arg10[%get3A_863, %get3A_864] {strides = array<i32>} : memref<128x128xf32, #tpu.memory_space<vmem>>, vector<1x16xf32>,
        %get3A_866 = vector.shape_cast %get3A_865 : vector<1x16xf32> to vector<16xf32>
        %mul3A_867 = arith.mulf %get3A_866, %gather3A_788 : vector<16xf32>
        %swap3A_868 = arith.index_cast %add3A_792 : i32 to index
        %swap3A_869 = arith.constant 112 : index
        %swap3A_870 = tpu.vector_load %arg10[%swap3A_868, %swap3A_869] {strides = array<i32>} : memref<128x128xf32, #tpu.memory_space<vmem>>, vector<1x16xf32>,
        %swap3A_871 = vector.shape_cast %swap3A_870 : vector<1x16xf32> to vector<16xf32>
        %swap3A_872 = vector.shape_cast %mul3A_867 : vector<16xf32> to vector<1x16xf32>
        tpu.vector_store %arg10[%swap3A_868, %swap3A_869], %swap3A_872 {strides = array<i32>} : memref<128x128xf32, #tpu.memory_space<vmem>>, vector<1x16xf32>,
        %broadcast_in_dim3A_873 = arith.constant 9 : i32
        %broadcast_in_dim3A_874 = vector.broadcast %broadcast_in_dim3A_873 : i32 to vector<16x1xi32>
        %gather3A_875 = vector.shape_cast %broadcast_in_dim3A_874 : vector<16x1xi32> to vector<16xi32>
        %gather3A_876 = tpu.dynamic_gather %get3A_82[%gather3A_875] in [0] : vector<16xf32>, vector<16xi32> -> vector<16xf32>
        %mul3A_877 = arith.constant 16 : i32
        %mul3A_878 = arith.muli %scan3A_76, %mul3A_877 : i32
        %add3A_879 = arith.constant 9 : i32
        %add3A_880 = arith.addi %mul3A_878, %add3A_879 : i32
        %get3A_881 = arith.index_cast %add3A_880 : i32 to index
        %get3A_882 = arith.constant 0 : index
        %get3A_883 = tpu.vector_load %arg10[%get3A_881, %get3A_882] {strides = array<i32>} : memref<128x128xf32, #tpu.memory_space<vmem>>, vector<1x16xf32>,
        %get3A_884 = vector.shape_cast %get3A_883 : vector<1x16xf32> to vector<16xf32>
        %mul3A_885 = arith.mulf %get3A_884, %gather3A_876 : vector<16xf32>
        %swap3A_886 = arith.index_cast %add3A_880 : i32 to index
        %swap3A_887 = arith.constant 0 : index
        %swap3A_888 = tpu.vector_load %arg10[%swap3A_886, %swap3A_887] {strides = array<i32>} : memref<128x128xf32, #tpu.memory_space<vmem>>, vector<1x16xf32>,
        %swap3A_889 = vector.shape_cast %swap3A_888 : vector<1x16xf32> to vector<16xf32>
        %swap3A_890 = vector.shape_cast %mul3A_885 : vector<16xf32> to vector<1x16xf32>
        tpu.vector_store %arg10[%swap3A_886, %swap3A_887], %swap3A_890 {strides = array<i32>} : memref<128x128xf32, #tpu.memory_space<vmem>>, vector<1x16xf32>,
        %get3A_891 = arith.index_cast %add3A_880 : i32 to index
        %get3A_892 = arith.constant 16 : index
        %get3A_893 = tpu.vector_load %arg10[%get3A_891, %get3A_892] {strides = array<i32>} : memref<128x128xf32, #tpu.memory_space<vmem>>, vector<1x16xf32>,
        %get3A_894 = vector.shape_cast %get3A_893 : vector<1x16xf32> to vector<16xf32>
        %mul3A_895 = arith.mulf %get3A_894, %gather3A_876 : vector<16xf32>
        %swap3A_896 = arith.index_cast %add3A_880 : i32 to index
        %swap3A_897 = arith.constant 16 : index
        %swap3A_898 = tpu.vector_load %arg10[%swap3A_896, %swap3A_897] {strides = array<i32>} : memref<128x128xf32, #tpu.memory_space<vmem>>, vector<1x16xf32>,
        %swap3A_899 = vector.shape_cast %swap3A_898 : vector<1x16xf32> to vector<16xf32>
        %swap3A_900 = vector.shape_cast %mul3A_895 : vector<16xf32> to vector<1x16xf32>
        tpu.vector_store %arg10[%swap3A_896, %swap3A_897], %swap3A_900 {strides = array<i32>} : memref<128x128xf32, #tpu.memory_space<vmem>>, vector<1x16xf32>,
        %get3A_901 = arith.index_cast %add3A_880 : i32 to index
        %get3A_902 = arith.constant 32 : index
        %get3A_903 = tpu.vector_load %arg10[%get3A_901, %get3A_902] {strides = array<i32>} : memref<128x128xf32, #tpu.memory_space<vmem>>, vector<1x16xf32>,
        %get3A_904 = vector.shape_cast %get3A_903 : vector<1x16xf32> to vector<16xf32>
        %mul3A_905 = arith.mulf %get3A_904, %gather3A_876 : vector<16xf32>
        %swap3A_906 = arith.index_cast %add3A_880 : i32 to index
        %swap3A_907 = arith.constant 32 : index
        %swap3A_908 = tpu.vector_load %arg10[%swap3A_906, %swap3A_907] {strides = array<i32>} : memref<128x128xf32, #tpu.memory_space<vmem>>, vector<1x16xf32>,
        %swap3A_909 = vector.shape_cast %swap3A_908 : vector<1x16xf32> to vector<16xf32>
        %swap3A_910 = vector.shape_cast %mul3A_905 : vector<16xf32> to vector<1x16xf32>
        tpu.vector_store %arg10[%swap3A_906, %swap3A_907], %swap3A_910 {strides = array<i32>} : memref<128x128xf32, #tpu.memory_space<vmem>>, vector<1x16xf32>,
        %get3A_911 = arith.index_cast %add3A_880 : i32 to index
        %get3A_912 = arith.constant 48 : index
        %get3A_913 = tpu.vector_load %arg10[%get3A_911, %get3A_912] {strides = array<i32>} : memref<128x128xf32, #tpu.memory_space<vmem>>, vector<1x16xf32>,
        %get3A_914 = vector.shape_cast %get3A_913 : vector<1x16xf32> to vector<16xf32>
        %mul3A_915 = arith.mulf %get3A_914, %gather3A_876 : vector<16xf32>
        %swap3A_916 = arith.index_cast %add3A_880 : i32 to index
        %swap3A_917 = arith.constant 48 : index
        %swap3A_918 = tpu.vector_load %arg10[%swap3A_916, %swap3A_917] {strides = array<i32>} : memref<128x128xf32, #tpu.memory_space<vmem>>, vector<1x16xf32>,
        %swap3A_919 = vector.shape_cast %swap3A_918 : vector<1x16xf32> to vector<16xf32>
        %swap3A_920 = vector.shape_cast %mul3A_915 : vector<16xf32> to vector<1x16xf32>
        tpu.vector_store %arg10[%swap3A_916, %swap3A_917], %swap3A_920 {strides = array<i32>} : memref<128x128xf32, #tpu.memory_space<vmem>>, vector<1x16xf32>,
        %get3A_921 = arith.index_cast %add3A_880 : i32 to index
        %get3A_922 = arith.constant 64 : index
        %get3A_923 = tpu.vector_load %arg10[%get3A_921, %get3A_922] {strides = array<i32>} : memref<128x128xf32, #tpu.memory_space<vmem>>, vector<1x16xf32>,
        %get3A_924 = vector.shape_cast %get3A_923 : vector<1x16xf32> to vector<16xf32>
        %mul3A_925 = arith.mulf %get3A_924, %gather3A_876 : vector<16xf32>
        %swap3A_926 = arith.index_cast %add3A_880 : i32 to index
        %swap3A_927 = arith.constant 64 : index
        %swap3A_928 = tpu.vector_load %arg10[%swap3A_926, %swap3A_927] {strides = array<i32>} : memref<128x128xf32, #tpu.memory_space<vmem>>, vector<1x16xf32>,
        %swap3A_929 = vector.shape_cast %swap3A_928 : vector<1x16xf32> to vector<16xf32>
        %swap3A_930 = vector.shape_cast %mul3A_925 : vector<16xf32> to vector<1x16xf32>
        tpu.vector_store %arg10[%swap3A_926, %swap3A_927], %swap3A_930 {strides = array<i32>} : memref<128x128xf32, #tpu.memory_space<vmem>>, vector<1x16xf32>,
        %get3A_931 = arith.index_cast %add3A_880 : i32 to index
        %get3A_932 = arith.constant 80 : index
        %get3A_933 = tpu.vector_load %arg10[%get3A_931, %get3A_932] {strides = array<i32>} : memref<128x128xf32, #tpu.memory_space<vmem>>, vector<1x16xf32>,
        %get3A_934 = vector.shape_cast %get3A_933 : vector<1x16xf32> to vector<16xf32>
        %mul3A_935 = arith.mulf %get3A_934, %gather3A_876 : vector<16xf32>
        %swap3A_936 = arith.index_cast %add3A_880 : i32 to index
        %swap3A_937 = arith.constant 80 : index
        %swap3A_938 = tpu.vector_load %arg10[%swap3A_936, %swap3A_937] {strides = array<i32>} : memref<128x128xf32, #tpu.memory_space<vmem>>, vector<1x16xf32>,
        %swap3A_939 = vector.shape_cast %swap3A_938 : vector<1x16xf32> to vector<16xf32>
        %swap3A_940 = vector.shape_cast %mul3A_935 : vector<16xf32> to vector<1x16xf32>
        tpu.vector_store %arg10[%swap3A_936, %swap3A_937], %swap3A_940 {strides = array<i32>} : memref<128x128xf32, #tpu.memory_space<vmem>>, vector<1x16xf32>,
        %get3A_941 = arith.index_cast %add3A_880 : i32 to index
        %get3A_942 = arith.constant 96 : index
        %get3A_943 = tpu.vector_load %arg10[%get3A_941, %get3A_942] {strides = array<i32>} : memref<128x128xf32, #tpu.memory_space<vmem>>, vector<1x16xf32>,
        %get3A_944 = vector.shape_cast %get3A_943 : vector<1x16xf32> to vector<16xf32>
        %mul3A_945 = arith.mulf %get3A_944, %gather3A_876 : vector<16xf32>
        %swap3A_946 = arith.index_cast %add3A_880 : i32 to index
        %swap3A_947 = arith.constant 96 : index
        %swap3A_948 = tpu.vector_load %arg10[%swap3A_946, %swap3A_947] {strides = array<i32>} : memref<128x128xf32, #tpu.memory_space<vmem>>, vector<1x16xf32>,
        %swap3A_949 = vector.shape_cast %swap3A_948 : vector<1x16xf32> to vector<16xf32>
        %swap3A_950 = vector.shape_cast %mul3A_945 : vector<16xf32> to vector<1x16xf32>
        tpu.vector_store %arg10[%swap3A_946, %swap3A_947], %swap3A_950 {strides = array<i32>} : memref<128x128xf32, #tpu.memory_space<vmem>>, vector<1x16xf32>,
        %get3A_951 = arith.index_cast %add3A_880 : i32 to index
        %get3A_952 = arith.constant 112 : index
        %get3A_953 = tpu.vector_load %arg10[%get3A_951, %get3A_952] {strides = array<i32>} : memref<128x128xf32, #tpu.memory_space<vmem>>, vector<1x16xf32>,
        %get3A_954 = vector.shape_cast %get3A_953 : vector<1x16xf32> to vector<16xf32>
        %mul3A_955 = arith.mulf %get3A_954, %gather3A_876 : vector<16xf32>
        %swap3A_956 = arith.index_cast %add3A_880 : i32 to index
        %swap3A_957 = arith.constant 112 : index
        %swap3A_958 = tpu.vector_load %arg10[%swap3A_956, %swap3A_957] {strides = array<i32>} : memref<128x128xf32, #tpu.memory_space<vmem>>, vector<1x16xf32>,
        %swap3A_959 = vector.shape_cast %swap3A_958 : vector<1x16xf32> to vector<16xf32>
        %swap3A_960 = vector.shape_cast %mul3A_955 : vector<16xf32> to vector<1x16xf32>
        tpu.vector_store %arg10[%swap3A_956, %swap3A_957], %swap3A_960 {strides = array<i32>} : memref<128x128xf32, #tpu.memory_space<vmem>>, vector<1x16xf32>,
        %broadcast_in_dim3A_961 = arith.constant 10 : i32
        %broadcast_in_dim3A_962 = vector.broadcast %broadcast_in_dim3A_961 : i32 to vector<16x1xi32>
        %gather3A_963 = vector.shape_cast %broadcast_in_dim3A_962 : vector<16x1xi32> to vector<16xi32>
        %gather3A_964 = tpu.dynamic_gather %get3A_82[%gather3A_963] in [0] : vector<16xf32>, vector<16xi32> -> vector<16xf32>
        %mul3A_965 = arith.constant 16 : i32
        %mul3A_966 = arith.muli %scan3A_76, %mul3A_965 : i32
        %add3A_967 = arith.constant 10 : i32
        %add3A_968 = arith.addi %mul3A_966, %add3A_967 : i32
        %get3A_969 = arith.index_cast %add3A_968 : i32 to index
        %get3A_970 = arith.constant 0 : index
        %get3A_971 = tpu.vector_load %arg10[%get3A_969, %get3A_970] {strides = array<i32>} : memref<128x128xf32, #tpu.memory_space<vmem>>, vector<1x16xf32>,
        %get3A_972 = vector.shape_cast %get3A_971 : vector<1x16xf32> to vector<16xf32>
        %mul3A_973 = arith.mulf %get3A_972, %gather3A_964 : vector<16xf32>
        %swap3A_974 = arith.index_cast %add3A_968 : i32 to index
        %swap3A_975 = arith.constant 0 : index
        %swap3A_976 = tpu.vector_load %arg10[%swap3A_974, %swap3A_975] {strides = array<i32>} : memref<128x128xf32, #tpu.memory_space<vmem>>, vector<1x16xf32>,
        %swap3A_977 = vector.shape_cast %swap3A_976 : vector<1x16xf32> to vector<16xf32>
        %swap3A_978 = vector.shape_cast %mul3A_973 : vector<16xf32> to vector<1x16xf32>
        tpu.vector_store %arg10[%swap3A_974, %swap3A_975], %swap3A_978 {strides = array<i32>} : memref<128x128xf32, #tpu.memory_space<vmem>>, vector<1x16xf32>,
        %get3A_979 = arith.index_cast %add3A_968 : i32 to index
        %get3A_980 = arith.constant 16 : index
        %get3A_981 = tpu.vector_load %arg10[%get3A_979, %get3A_980] {strides = array<i32>} : memref<128x128xf32, #tpu.memory_space<vmem>>, vector<1x16xf32>,
        %get3A_982 = vector.shape_cast %get3A_981 : vector<1x16xf32> to vector<16xf32>
        %mul3A_983 = arith.mulf %get3A_982, %gather3A_964 : vector<16xf32>
        %swap3A_984 = arith.index_cast %add3A_968 : i32 to index
        %swap3A_985 = arith.constant 16 : index
        %swap3A_986 = tpu.vector_load %arg10[%swap3A_984, %swap3A_985] {strides = array<i32>} : memref<128x128xf32, #tpu.memory_space<vmem>>, vector<1x16xf32>,
        %swap3A_987 = vector.shape_cast %swap3A_986 : vector<1x16xf32> to vector<16xf32>
        %swap3A_988 = vector.shape_cast %mul3A_983 : vector<16xf32> to vector<1x16xf32>
        tpu.vector_store %arg10[%swap3A_984, %swap3A_985], %swap3A_988 {strides = array<i32>} : memref<128x128xf32, #tpu.memory_space<vmem>>, vector<1x16xf32>,
        %get3A_989 = arith.index_cast %add3A_968 : i32 to index
        %get3A_990 = arith.constant 32 : index
        %get3A_991 = tpu.vector_load %arg10[%get3A_989, %get3A_990] {strides = array<i32>} : memref<128x128xf32, #tpu.memory_space<vmem>>, vector<1x16xf32>,
        %get3A_992 = vector.shape_cast %get3A_991 : vector<1x16xf32> to vector<16xf32>
        %mul3A_993 = arith.mulf %get3A_992, %gather3A_964 : vector<16xf32>
        %swap3A_994 = arith.index_cast %add3A_968 : i32 to index
        %swap3A_995 = arith.constant 32 : index
        %swap3A_996 = tpu.vector_load %arg10[%swap3A_994, %swap3A_995] {strides = array<i32>} : memref<128x128xf32, #tpu.memory_space<vmem>>, vector<1x16xf32>,
        %swap3A_997 = vector.shape_cast %swap3A_996 : vector<1x16xf32> to vector<16xf32>
        %swap3A_998 = vector.shape_cast %mul3A_993 : vector<16xf32> to vector<1x16xf32>
        tpu.vector_store %arg10[%swap3A_994, %swap3A_995], %swap3A_998 {strides = array<i32>} : memref<128x128xf32, #tpu.memory_space<vmem>>, vector<1x16xf32>,
        %get3A_999 = arith.index_cast %add3A_968 : i32 to index
        %get3A_1000 = arith.constant 48 : index
        %get3A_1001 = tpu.vector_load %arg10[%get3A_999, %get3A_1000] {strides = array<i32>} : memref<128x128xf32, #tpu.memory_space<vmem>>, vector<1x16xf32>,
        %get3A_1002 = vector.shape_cast %get3A_1001 : vector<1x16xf32> to vector<16xf32>
        %mul3A_1003 = arith.mulf %get3A_1002, %gather3A_964 : vector<16xf32>
        %swap3A_1004 = arith.index_cast %add3A_968 : i32 to index
        %swap3A_1005 = arith.constant 48 : index
        %swap3A_1006 = tpu.vector_load %arg10[%swap3A_1004, %swap3A_1005] {strides = array<i32>} : memref<128x128xf32, #tpu.memory_space<vmem>>, vector<1x16xf32>,
        %swap3A_1007 = vector.shape_cast %swap3A_1006 : vector<1x16xf32> to vector<16xf32>
        %swap3A_1008 = vector.shape_cast %mul3A_1003 : vector<16xf32> to vector<1x16xf32>
        tpu.vector_store %arg10[%swap3A_1004, %swap3A_1005], %swap3A_1008 {strides = array<i32>} : memref<128x128xf32, #tpu.memory_space<vmem>>, vector<1x16xf32>,
        %get3A_1009 = arith.index_cast %add3A_968 : i32 to index
        %get3A_1010 = arith.constant 64 : index
        %get3A_1011 = tpu.vector_load %arg10[%get3A_1009, %get3A_1010] {strides = array<i32>} : memref<128x128xf32, #tpu.memory_space<vmem>>, vector<1x16xf32>,
        %get3A_1012 = vector.shape_cast %get3A_1011 : vector<1x16xf32> to vector<16xf32>
        %mul3A_1013 = arith.mulf %get3A_1012, %gather3A_964 : vector<16xf32>
        %swap3A_1014 = arith.index_cast %add3A_968 : i32 to index
        %swap3A_1015 = arith.constant 64 : index
        %swap3A_1016 = tpu.vector_load %arg10[%swap3A_1014, %swap3A_1015] {strides = array<i32>} : memref<128x128xf32, #tpu.memory_space<vmem>>, vector<1x16xf32>,
        %swap3A_1017 = vector.shape_cast %swap3A_1016 : vector<1x16xf32> to vector<16xf32>
        %swap3A_1018 = vector.shape_cast %mul3A_1013 : vector<16xf32> to vector<1x16xf32>
        tpu.vector_store %arg10[%swap3A_1014, %swap3A_1015], %swap3A_1018 {strides = array<i32>} : memref<128x128xf32, #tpu.memory_space<vmem>>, vector<1x16xf32>,
        %get3A_1019 = arith.index_cast %add3A_968 : i32 to index
        %get3A_1020 = arith.constant 80 : index
        %get3A_1021 = tpu.vector_load %arg10[%get3A_1019, %get3A_1020] {strides = array<i32>} : memref<128x128xf32, #tpu.memory_space<vmem>>, vector<1x16xf32>,
        %get3A_1022 = vector.shape_cast %get3A_1021 : vector<1x16xf32> to vector<16xf32>
        %mul3A_1023 = arith.mulf %get3A_1022, %gather3A_964 : vector<16xf32>
        %swap3A_1024 = arith.index_cast %add3A_968 : i32 to index
        %swap3A_1025 = arith.constant 80 : index
        %swap3A_1026 = tpu.vector_load %arg10[%swap3A_1024, %swap3A_1025] {strides = array<i32>} : memref<128x128xf32, #tpu.memory_space<vmem>>, vector<1x16xf32>,
        %swap3A_1027 = vector.shape_cast %swap3A_1026 : vector<1x16xf32> to vector<16xf32>
        %swap3A_1028 = vector.shape_cast %mul3A_1023 : vector<16xf32> to vector<1x16xf32>
        tpu.vector_store %arg10[%swap3A_1024, %swap3A_1025], %swap3A_1028 {strides = array<i32>} : memref<128x128xf32, #tpu.memory_space<vmem>>, vector<1x16xf32>,
        %get3A_1029 = arith.index_cast %add3A_968 : i32 to index
        %get3A_1030 = arith.constant 96 : index
        %get3A_1031 = tpu.vector_load %arg10[%get3A_1029, %get3A_1030] {strides = array<i32>} : memref<128x128xf32, #tpu.memory_space<vmem>>, vector<1x16xf32>,
        %get3A_1032 = vector.shape_cast %get3A_1031 : vector<1x16xf32> to vector<16xf32>
        %mul3A_1033 = arith.mulf %get3A_1032, %gather3A_964 : vector<16xf32>
        %swap3A_1034 = arith.index_cast %add3A_968 : i32 to index
        %swap3A_1035 = arith.constant 96 : index
        %swap3A_1036 = tpu.vector_load %arg10[%swap3A_1034, %swap3A_1035] {strides = array<i32>} : memref<128x128xf32, #tpu.memory_space<vmem>>, vector<1x16xf32>,
        %swap3A_1037 = vector.shape_cast %swap3A_1036 : vector<1x16xf32> to vector<16xf32>
        %swap3A_1038 = vector.shape_cast %mul3A_1033 : vector<16xf32> to vector<1x16xf32>
        tpu.vector_store %arg10[%swap3A_1034, %swap3A_1035], %swap3A_1038 {strides = array<i32>} : memref<128x128xf32, #tpu.memory_space<vmem>>, vector<1x16xf32>,
        %get3A_1039 = arith.index_cast %add3A_968 : i32 to index
        %get3A_1040 = arith.constant 112 : index
        %get3A_1041 = tpu.vector_load %arg10[%get3A_1039, %get3A_1040] {strides = array<i32>} : memref<128x128xf32, #tpu.memory_space<vmem>>, vector<1x16xf32>,
        %get3A_1042 = vector.shape_cast %get3A_1041 : vector<1x16xf32> to vector<16xf32>
        %mul3A_1043 = arith.mulf %get3A_1042, %gather3A_964 : vector<16xf32>
        %swap3A_1044 = arith.index_cast %add3A_968 : i32 to index
        %swap3A_1045 = arith.constant 112 : index
        %swap3A_1046 = tpu.vector_load %arg10[%swap3A_1044, %swap3A_1045] {strides = array<i32>} : memref<128x128xf32, #tpu.memory_space<vmem>>, vector<1x16xf32>,
        %swap3A_1047 = vector.shape_cast %swap3A_1046 : vector<1x16xf32> to vector<16xf32>
        %swap3A_1048 = vector.shape_cast %mul3A_1043 : vector<16xf32> to vector<1x16xf32>
        tpu.vector_store %arg10[%swap3A_1044, %swap3A_1045], %swap3A_1048 {strides = array<i32>} : memref<128x128xf32, #tpu.memory_space<vmem>>, vector<1x16xf32>,
        %broadcast_in_dim3A_1049 = arith.constant 11 : i32
        %broadcast_in_dim3A_1050 = vector.broadcast %broadcast_in_dim3A_1049 : i32 to vector<16x1xi32>
        %gather3A_1051 = vector.shape_cast %broadcast_in_dim3A_1050 : vector<16x1xi32> to vector<16xi32>
        %gather3A_1052 = tpu.dynamic_gather %get3A_82[%gather3A_1051] in [0] : vector<16xf32>, vector<16xi32> -> vector<16xf32>
        %mul3A_1053 = arith.constant 16 : i32
        %mul3A_1054 = arith.muli %scan3A_76, %mul3A_1053 : i32
        %add3A_1055 = arith.constant 11 : i32
        %add3A_1056 = arith.addi %mul3A_1054, %add3A_1055 : i32
        %get3A_1057 = arith.index_cast %add3A_1056 : i32 to index
        %get3A_1058 = arith.constant 0 : index
        %get3A_1059 = tpu.vector_load %arg10[%get3A_1057, %get3A_1058] {strides = array<i32>} : memref<128x128xf32, #tpu.memory_space<vmem>>, vector<1x16xf32>,
        %get3A_1060 = vector.shape_cast %get3A_1059 : vector<1x16xf32> to vector<16xf32>
        %mul3A_1061 = arith.mulf %get3A_1060, %gather3A_1052 : vector<16xf32>
        %swap3A_1062 = arith.index_cast %add3A_1056 : i32 to index
        %swap3A_1063 = arith.constant 0 : index
        %swap3A_1064 = tpu.vector_load %arg10[%swap3A_1062, %swap3A_1063] {strides = array<i32>} : memref<128x128xf32, #tpu.memory_space<vmem>>, vector<1x16xf32>,
        %swap3A_1065 = vector.shape_cast %swap3A_1064 : vector<1x16xf32> to vector<16xf32>
        %swap3A_1066 = vector.shape_cast %mul3A_1061 : vector<16xf32> to vector<1x16xf32>
        tpu.vector_store %arg10[%swap3A_1062, %swap3A_1063], %swap3A_1066 {strides = array<i32>} : memref<128x128xf32, #tpu.memory_space<vmem>>, vector<1x16xf32>,
        %get3A_1067 = arith.index_cast %add3A_1056 : i32 to index
        %get3A_1068 = arith.constant 16 : index
        %get3A_1069 = tpu.vector_load %arg10[%get3A_1067, %get3A_1068] {strides = array<i32>} : memref<128x128xf32, #tpu.memory_space<vmem>>, vector<1x16xf32>,
        %get3A_1070 = vector.shape_cast %get3A_1069 : vector<1x16xf32> to vector<16xf32>
        %mul3A_1071 = arith.mulf %get3A_1070, %gather3A_1052 : vector<16xf32>
        %swap3A_1072 = arith.index_cast %add3A_1056 : i32 to index
        %swap3A_1073 = arith.constant 16 : index
        %swap3A_1074 = tpu.vector_load %arg10[%swap3A_1072, %swap3A_1073] {strides = array<i32>} : memref<128x128xf32, #tpu.memory_space<vmem>>, vector<1x16xf32>,
        %swap3A_1075 = vector.shape_cast %swap3A_1074 : vector<1x16xf32> to vector<16xf32>
        %swap3A_1076 = vector.shape_cast %mul3A_1071 : vector<16xf32> to vector<1x16xf32>
        tpu.vector_store %arg10[%swap3A_1072, %swap3A_1073], %swap3A_1076 {strides = array<i32>} : memref<128x128xf32, #tpu.memory_space<vmem>>, vector<1x16xf32>,
        %get3A_1077 = arith.index_cast %add3A_1056 : i32 to index
        %get3A_1078 = arith.constant 32 : index
        %get3A_1079 = tpu.vector_load %arg10[%get3A_1077, %get3A_1078] {strides = array<i32>} : memref<128x128xf32, #tpu.memory_space<vmem>>, vector<1x16xf32>,
        %get3A_1080 = vector.shape_cast %get3A_1079 : vector<1x16xf32> to vector<16xf32>
        %mul3A_1081 = arith.mulf %get3A_1080, %gather3A_1052 : vector<16xf32>
        %swap3A_1082 = arith.index_cast %add3A_1056 : i32 to index
        %swap3A_1083 = arith.constant 32 : index
        %swap3A_1084 = tpu.vector_load %arg10[%swap3A_1082, %swap3A_1083] {strides = array<i32>} : memref<128x128xf32, #tpu.memory_space<vmem>>, vector<1x16xf32>,
        %swap3A_1085 = vector.shape_cast %swap3A_1084 : vector<1x16xf32> to vector<16xf32>
        %swap3A_1086 = vector.shape_cast %mul3A_1081 : vector<16xf32> to vector<1x16xf32>
        tpu.vector_store %arg10[%swap3A_1082, %swap3A_1083], %swap3A_1086 {strides = array<i32>} : memref<128x128xf32, #tpu.memory_space<vmem>>, vector<1x16xf32>,
        %get3A_1087 = arith.index_cast %add3A_1056 : i32 to index
        %get3A_1088 = arith.constant 48 : index
        %get3A_1089 = tpu.vector_load %arg10[%get3A_1087, %get3A_1088] {strides = array<i32>} : memref<128x128xf32, #tpu.memory_space<vmem>>, vector<1x16xf32>,
        %get3A_1090 = vector.shape_cast %get3A_1089 : vector<1x16xf32> to vector<16xf32>
        %mul3A_1091 = arith.mulf %get3A_1090, %gather3A_1052 : vector<16xf32>
        %swap3A_1092 = arith.index_cast %add3A_1056 : i32 to index
        %swap3A_1093 = arith.constant 48 : index
        %swap3A_1094 = tpu.vector_load %arg10[%swap3A_1092, %swap3A_1093] {strides = array<i32>} : memref<128x128xf32, #tpu.memory_space<vmem>>, vector<1x16xf32>,
        %swap3A_1095 = vector.shape_cast %swap3A_1094 : vector<1x16xf32> to vector<16xf32>
        %swap3A_1096 = vector.shape_cast %mul3A_1091 : vector<16xf32> to vector<1x16xf32>
        tpu.vector_store %arg10[%swap3A_1092, %swap3A_1093], %swap3A_1096 {strides = array<i32>} : memref<128x128xf32, #tpu.memory_space<vmem>>, vector<1x16xf32>,
        %get3A_1097 = arith.index_cast %add3A_1056 : i32 to index
        %get3A_1098 = arith.constant 64 : index
        %get3A_1099 = tpu.vector_load %arg10[%get3A_1097, %get3A_1098] {strides = array<i32>} : memref<128x128xf32, #tpu.memory_space<vmem>>, vector<1x16xf32>,
        %get3A_1100 = vector.shape_cast %get3A_1099 : vector<1x16xf32> to vector<16xf32>
        %mul3A_1101 = arith.mulf %get3A_1100, %gather3A_1052 : vector<16xf32>
        %swap3A_1102 = arith.index_cast %add3A_1056 : i32 to index
        %swap3A_1103 = arith.constant 64 : index
        %swap3A_1104 = tpu.vector_load %arg10[%swap3A_1102, %swap3A_1103] {strides = array<i32>} : memref<128x128xf32, #tpu.memory_space<vmem>>, vector<1x16xf32>,
        %swap3A_1105 = vector.shape_cast %swap3A_1104 : vector<1x16xf32> to vector<16xf32>
        %swap3A_1106 = vector.shape_cast %mul3A_1101 : vector<16xf32> to vector<1x16xf32>
        tpu.vector_store %arg10[%swap3A_1102, %swap3A_1103], %swap3A_1106 {strides = array<i32>} : memref<128x128xf32, #tpu.memory_space<vmem>>, vector<1x16xf32>,
        %get3A_1107 = arith.index_cast %add3A_1056 : i32 to index
        %get3A_1108 = arith.constant 80 : index
        %get3A_1109 = tpu.vector_load %arg10[%get3A_1107, %get3A_1108] {strides = array<i32>} : memref<128x128xf32, #tpu.memory_space<vmem>>, vector<1x16xf32>,
        %get3A_1110 = vector.shape_cast %get3A_1109 : vector<1x16xf32> to vector<16xf32>
        %mul3A_1111 = arith.mulf %get3A_1110, %gather3A_1052 : vector<16xf32>
        %swap3A_1112 = arith.index_cast %add3A_1056 : i32 to index
        %swap3A_1113 = arith.constant 80 : index
        %swap3A_1114 = tpu.vector_load %arg10[%swap3A_1112, %swap3A_1113] {strides = array<i32>} : memref<128x128xf32, #tpu.memory_space<vmem>>, vector<1x16xf32>,
        %swap3A_1115 = vector.shape_cast %swap3A_1114 : vector<1x16xf32> to vector<16xf32>
        %swap3A_1116 = vector.shape_cast %mul3A_1111 : vector<16xf32> to vector<1x16xf32>
        tpu.vector_store %arg10[%swap3A_1112, %swap3A_1113], %swap3A_1116 {strides = array<i32>} : memref<128x128xf32, #tpu.memory_space<vmem>>, vector<1x16xf32>,
        %get3A_1117 = arith.index_cast %add3A_1056 : i32 to index
        %get3A_1118 = arith.constant 96 : index
        %get3A_1119 = tpu.vector_load %arg10[%get3A_1117, %get3A_1118] {strides = array<i32>} : memref<128x128xf32, #tpu.memory_space<vmem>>, vector<1x16xf32>,
        %get3A_1120 = vector.shape_cast %get3A_1119 : vector<1x16xf32> to vector<16xf32>
        %mul3A_1121 = arith.mulf %get3A_1120, %gather3A_1052 : vector<16xf32>
        %swap3A_1122 = arith.index_cast %add3A_1056 : i32 to index
        %swap3A_1123 = arith.constant 96 : index
        %swap3A_1124 = tpu.vector_load %arg10[%swap3A_1122, %swap3A_1123] {strides = array<i32>} : memref<128x128xf32, #tpu.memory_space<vmem>>, vector<1x16xf32>,
        %swap3A_1125 = vector.shape_cast %swap3A_1124 : vector<1x16xf32> to vector<16xf32>
        %swap3A_1126 = vector.shape_cast %mul3A_1121 : vector<16xf32> to vector<1x16xf32>
        tpu.vector_store %arg10[%swap3A_1122, %swap3A_1123], %swap3A_1126 {strides = array<i32>} : memref<128x128xf32, #tpu.memory_space<vmem>>, vector<1x16xf32>,
        %get3A_1127 = arith.index_cast %add3A_1056 : i32 to index
        %get3A_1128 = arith.constant 112 : index
        %get3A_1129 = tpu.vector_load %arg10[%get3A_1127, %get3A_1128] {strides = array<i32>} : memref<128x128xf32, #tpu.memory_space<vmem>>, vector<1x16xf32>,
        %get3A_1130 = vector.shape_cast %get3A_1129 : vector<1x16xf32> to vector<16xf32>
        %mul3A_1131 = arith.mulf %get3A_1130, %gather3A_1052 : vector<16xf32>
        %swap3A_1132 = arith.index_cast %add3A_1056 : i32 to index
        %swap3A_1133 = arith.constant 112 : index
        %swap3A_1134 = tpu.vector_load %arg10[%swap3A_1132, %swap3A_1133] {strides = array<i32>} : memref<128x128xf32, #tpu.memory_space<vmem>>, vector<1x16xf32>,
        %swap3A_1135 = vector.shape_cast %swap3A_1134 : vector<1x16xf32> to vector<16xf32>
        %swap3A_1136 = vector.shape_cast %mul3A_1131 : vector<16xf32> to vector<1x16xf32>
        tpu.vector_store %arg10[%swap3A_1132, %swap3A_1133], %swap3A_1136 {strides = array<i32>} : memref<128x128xf32, #tpu.memory_space<vmem>>, vector<1x16xf32>,
        %broadcast_in_dim3A_1137 = arith.constant 12 : i32
        %broadcast_in_dim3A_1138 = vector.broadcast %broadcast_in_dim3A_1137 : i32 to vector<16x1xi32>
        %gather3A_1139 = vector.shape_cast %broadcast_in_dim3A_1138 : vector<16x1xi32> to vector<16xi32>
        %gather3A_1140 = tpu.dynamic_gather %get3A_82[%gather3A_1139] in [0] : vector<16xf32>, vector<16xi32> -> vector<16xf32>
        %mul3A_1141 = arith.constant 16 : i32
        %mul3A_1142 = arith.muli %scan3A_76, %mul3A_1141 : i32
        %add3A_1143 = arith.constant 12 : i32
        %add3A_1144 = arith.addi %mul3A_1142, %add3A_1143 : i32
        %get3A_1145 = arith.index_cast %add3A_1144 : i32 to index
        %get3A_1146 = arith.constant 0 : index
        %get3A_1147 = tpu.vector_load %arg10[%get3A_1145, %get3A_1146] {strides = array<i32>} : memref<128x128xf32, #tpu.memory_space<vmem>>, vector<1x16xf32>,
        %get3A_1148 = vector.shape_cast %get3A_1147 : vector<1x16xf32> to vector<16xf32>
        %mul3A_1149 = arith.mulf %get3A_1148, %gather3A_1140 : vector<16xf32>
        %swap3A_1150 = arith.index_cast %add3A_1144 : i32 to index
        %swap3A_1151 = arith.constant 0 : index
        %swap3A_1152 = tpu.vector_load %arg10[%swap3A_1150, %swap3A_1151] {strides = array<i32>} : memref<128x128xf32, #tpu.memory_space<vmem>>, vector<1x16xf32>,
        %swap3A_1153 = vector.shape_cast %swap3A_1152 : vector<1x16xf32> to vector<16xf32>
        %swap3A_1154 = vector.shape_cast %mul3A_1149 : vector<16xf32> to vector<1x16xf32>
        tpu.vector_store %arg10[%swap3A_1150, %swap3A_1151], %swap3A_1154 {strides = array<i32>} : memref<128x128xf32, #tpu.memory_space<vmem>>, vector<1x16xf32>,
        %get3A_1155 = arith.index_cast %add3A_1144 : i32 to index
        %get3A_1156 = arith.constant 16 : index
        %get3A_1157 = tpu.vector_load %arg10[%get3A_1155, %get3A_1156] {strides = array<i32>} : memref<128x128xf32, #tpu.memory_space<vmem>>, vector<1x16xf32>,
        %get3A_1158 = vector.shape_cast %get3A_1157 : vector<1x16xf32> to vector<16xf32>
        %mul3A_1159 = arith.mulf %get3A_1158, %gather3A_1140 : vector<16xf32>
        %swap3A_1160 = arith.index_cast %add3A_1144 : i32 to index
        %swap3A_1161 = arith.constant 16 : index
        %swap3A_1162 = tpu.vector_load %arg10[%swap3A_1160, %swap3A_1161] {strides = array<i32>} : memref<128x128xf32, #tpu.memory_space<vmem>>, vector<1x16xf32>,
        %swap3A_1163 = vector.shape_cast %swap3A_1162 : vector<1x16xf32> to vector<16xf32>
        %swap3A_1164 = vector.shape_cast %mul3A_1159 : vector<16xf32> to vector<1x16xf32>
        tpu.vector_store %arg10[%swap3A_1160, %swap3A_1161], %swap3A_1164 {strides = array<i32>} : memref<128x128xf32, #tpu.memory_space<vmem>>, vector<1x16xf32>,
        %get3A_1165 = arith.index_cast %add3A_1144 : i32 to index
        %get3A_1166 = arith.constant 32 : index
        %get3A_1167 = tpu.vector_load %arg10[%get3A_1165, %get3A_1166] {strides = array<i32>} : memref<128x128xf32, #tpu.memory_space<vmem>>, vector<1x16xf32>,
        %get3A_1168 = vector.shape_cast %get3A_1167 : vector<1x16xf32> to vector<16xf32>
        %mul3A_1169 = arith.mulf %get3A_1168, %gather3A_1140 : vector<16xf32>
        %swap3A_1170 = arith.index_cast %add3A_1144 : i32 to index
        %swap3A_1171 = arith.constant 32 : index
        %swap3A_1172 = tpu.vector_load %arg10[%swap3A_1170, %swap3A_1171] {strides = array<i32>} : memref<128x128xf32, #tpu.memory_space<vmem>>, vector<1x16xf32>,
        %swap3A_1173 = vector.shape_cast %swap3A_1172 : vector<1x16xf32> to vector<16xf32>
        %swap3A_1174 = vector.shape_cast %mul3A_1169 : vector<16xf32> to vector<1x16xf32>
        tpu.vector_store %arg10[%swap3A_1170, %swap3A_1171], %swap3A_1174 {strides = array<i32>} : memref<128x128xf32, #tpu.memory_space<vmem>>, vector<1x16xf32>,
        %get3A_1175 = arith.index_cast %add3A_1144 : i32 to index
        %get3A_1176 = arith.constant 48 : index
        %get3A_1177 = tpu.vector_load %arg10[%get3A_1175, %get3A_1176] {strides = array<i32>} : memref<128x128xf32, #tpu.memory_space<vmem>>, vector<1x16xf32>,
        %get3A_1178 = vector.shape_cast %get3A_1177 : vector<1x16xf32> to vector<16xf32>
        %mul3A_1179 = arith.mulf %get3A_1178, %gather3A_1140 : vector<16xf32>
        %swap3A_1180 = arith.index_cast %add3A_1144 : i32 to index
        %swap3A_1181 = arith.constant 48 : index
        %swap3A_1182 = tpu.vector_load %arg10[%swap3A_1180, %swap3A_1181] {strides = array<i32>} : memref<128x128xf32, #tpu.memory_space<vmem>>, vector<1x16xf32>,
        %swap3A_1183 = vector.shape_cast %swap3A_1182 : vector<1x16xf32> to vector<16xf32>
        %swap3A_1184 = vector.shape_cast %mul3A_1179 : vector<16xf32> to vector<1x16xf32>
        tpu.vector_store %arg10[%swap3A_1180, %swap3A_1181], %swap3A_1184 {strides = array<i32>} : memref<128x128xf32, #tpu.memory_space<vmem>>, vector<1x16xf32>,
        %get3A_1185 = arith.index_cast %add3A_1144 : i32 to index
        %get3A_1186 = arith.constant 64 : index
        %get3A_1187 = tpu.vector_load %arg10[%get3A_1185, %get3A_1186] {strides = array<i32>} : memref<128x128xf32, #tpu.memory_space<vmem>>, vector<1x16xf32>,
        %get3A_1188 = vector.shape_cast %get3A_1187 : vector<1x16xf32> to vector<16xf32>
        %mul3A_1189 = arith.mulf %get3A_1188, %gather3A_1140 : vector<16xf32>
        %swap3A_1190 = arith.index_cast %add3A_1144 : i32 to index
        %swap3A_1191 = arith.constant 64 : index
        %swap3A_1192 = tpu.vector_load %arg10[%swap3A_1190, %swap3A_1191] {strides = array<i32>} : memref<128x128xf32, #tpu.memory_space<vmem>>, vector<1x16xf32>,
        %swap3A_1193 = vector.shape_cast %swap3A_1192 : vector<1x16xf32> to vector<16xf32>
        %swap3A_1194 = vector.shape_cast %mul3A_1189 : vector<16xf32> to vector<1x16xf32>
        tpu.vector_store %arg10[%swap3A_1190, %swap3A_1191], %swap3A_1194 {strides = array<i32>} : memref<128x128xf32, #tpu.memory_space<vmem>>, vector<1x16xf32>,
        %get3A_1195 = arith.index_cast %add3A_1144 : i32 to index
        %get3A_1196 = arith.constant 80 : index
        %get3A_1197 = tpu.vector_load %arg10[%get3A_1195, %get3A_1196] {strides = array<i32>} : memref<128x128xf32, #tpu.memory_space<vmem>>, vector<1x16xf32>,
        %get3A_1198 = vector.shape_cast %get3A_1197 : vector<1x16xf32> to vector<16xf32>
        %mul3A_1199 = arith.mulf %get3A_1198, %gather3A_1140 : vector<16xf32>
        %swap3A_1200 = arith.index_cast %add3A_1144 : i32 to index
        %swap3A_1201 = arith.constant 80 : index
        %swap3A_1202 = tpu.vector_load %arg10[%swap3A_1200, %swap3A_1201] {strides = array<i32>} : memref<128x128xf32, #tpu.memory_space<vmem>>, vector<1x16xf32>,
        %swap3A_1203 = vector.shape_cast %swap3A_1202 : vector<1x16xf32> to vector<16xf32>
        %swap3A_1204 = vector.shape_cast %mul3A_1199 : vector<16xf32> to vector<1x16xf32>
        tpu.vector_store %arg10[%swap3A_1200, %swap3A_1201], %swap3A_1204 {strides = array<i32>} : memref<128x128xf32, #tpu.memory_space<vmem>>, vector<1x16xf32>,
        %get3A_1205 = arith.index_cast %add3A_1144 : i32 to index
        %get3A_1206 = arith.constant 96 : index
        %get3A_1207 = tpu.vector_load %arg10[%get3A_1205, %get3A_1206] {strides = array<i32>} : memref<128x128xf32, #tpu.memory_space<vmem>>, vector<1x16xf32>,
        %get3A_1208 = vector.shape_cast %get3A_1207 : vector<1x16xf32> to vector<16xf32>
        %mul3A_1209 = arith.mulf %get3A_1208, %gather3A_1140 : vector<16xf32>
        %swap3A_1210 = arith.index_cast %add3A_1144 : i32 to index
        %swap3A_1211 = arith.constant 96 : index
        %swap3A_1212 = tpu.vector_load %arg10[%swap3A_1210, %swap3A_1211] {strides = array<i32>} : memref<128x128xf32, #tpu.memory_space<vmem>>, vector<1x16xf32>,
        %swap3A_1213 = vector.shape_cast %swap3A_1212 : vector<1x16xf32> to vector<16xf32>
        %swap3A_1214 = vector.shape_cast %mul3A_1209 : vector<16xf32> to vector<1x16xf32>
        tpu.vector_store %arg10[%swap3A_1210, %swap3A_1211], %swap3A_1214 {strides = array<i32>} : memref<128x128xf32, #tpu.memory_space<vmem>>, vector<1x16xf32>,
        %get3A_1215 = arith.index_cast %add3A_1144 : i32 to index
        %get3A_1216 = arith.constant 112 : index
        %get3A_1217 = tpu.vector_load %arg10[%get3A_1215, %get3A_1216] {strides = array<i32>} : memref<128x128xf32, #tpu.memory_space<vmem>>, vector<1x16xf32>,
        %get3A_1218 = vector.shape_cast %get3A_1217 : vector<1x16xf32> to vector<16xf32>
        %mul3A_1219 = arith.mulf %get3A_1218, %gather3A_1140 : vector<16xf32>
        %swap3A_1220 = arith.index_cast %add3A_1144 : i32 to index
        %swap3A_1221 = arith.constant 112 : index
        %swap3A_1222 = tpu.vector_load %arg10[%swap3A_1220, %swap3A_1221] {strides = array<i32>} : memref<128x128xf32, #tpu.memory_space<vmem>>, vector<1x16xf32>,
        %swap3A_1223 = vector.shape_cast %swap3A_1222 : vector<1x16xf32> to vector<16xf32>
        %swap3A_1224 = vector.shape_cast %mul3A_1219 : vector<16xf32> to vector<1x16xf32>
        tpu.vector_store %arg10[%swap3A_1220, %swap3A_1221], %swap3A_1224 {strides = array<i32>} : memref<128x128xf32, #tpu.memory_space<vmem>>, vector<1x16xf32>,
        %broadcast_in_dim3A_1225 = arith.constant 13 : i32
        %broadcast_in_dim3A_1226 = vector.broadcast %broadcast_in_dim3A_1225 : i32 to vector<16x1xi32>
        %gather3A_1227 = vector.shape_cast %broadcast_in_dim3A_1226 : vector<16x1xi32> to vector<16xi32>
        %gather3A_1228 = tpu.dynamic_gather %get3A_82[%gather3A_1227] in [0] : vector<16xf32>, vector<16xi32> -> vector<16xf32>
        %mul3A_1229 = arith.constant 16 : i32
        %mul3A_1230 = arith.muli %scan3A_76, %mul3A_1229 : i32
        %add3A_1231 = arith.constant 13 : i32
        %add3A_1232 = arith.addi %mul3A_1230, %add3A_1231 : i32
        %get3A_1233 = arith.index_cast %add3A_1232 : i32 to index
        %get3A_1234 = arith.constant 0 : index
        %get3A_1235 = tpu.vector_load %arg10[%get3A_1233, %get3A_1234] {strides = array<i32>} : memref<128x128xf32, #tpu.memory_space<vmem>>, vector<1x16xf32>,
        %get3A_1236 = vector.shape_cast %get3A_1235 : vector<1x16xf32> to vector<16xf32>
        %mul3A_1237 = arith.mulf %get3A_1236, %gather3A_1228 : vector<16xf32>
        %swap3A_1238 = arith.index_cast %add3A_1232 : i32 to index
        %swap3A_1239 = arith.constant 0 : index
        %swap3A_1240 = tpu.vector_load %arg10[%swap3A_1238, %swap3A_1239] {strides = array<i32>} : memref<128x128xf32, #tpu.memory_space<vmem>>, vector<1x16xf32>,
        %swap3A_1241 = vector.shape_cast %swap3A_1240 : vector<1x16xf32> to vector<16xf32>
        %swap3A_1242 = vector.shape_cast %mul3A_1237 : vector<16xf32> to vector<1x16xf32>
        tpu.vector_store %arg10[%swap3A_1238, %swap3A_1239], %swap3A_1242 {strides = array<i32>} : memref<128x128xf32, #tpu.memory_space<vmem>>, vector<1x16xf32>,
        %get3A_1243 = arith.index_cast %add3A_1232 : i32 to index
        %get3A_1244 = arith.constant 16 : index
        %get3A_1245 = tpu.vector_load %arg10[%get3A_1243, %get3A_1244] {strides = array<i32>} : memref<128x128xf32, #tpu.memory_space<vmem>>, vector<1x16xf32>,
        %get3A_1246 = vector.shape_cast %get3A_1245 : vector<1x16xf32> to vector<16xf32>
        %mul3A_1247 = arith.mulf %get3A_1246, %gather3A_1228 : vector<16xf32>
        %swap3A_1248 = arith.index_cast %add3A_1232 : i32 to index
        %swap3A_1249 = arith.constant 16 : index
        %swap3A_1250 = tpu.vector_load %arg10[%swap3A_1248, %swap3A_1249] {strides = array<i32>} : memref<128x128xf32, #tpu.memory_space<vmem>>, vector<1x16xf32>,
        %swap3A_1251 = vector.shape_cast %swap3A_1250 : vector<1x16xf32> to vector<16xf32>
        %swap3A_1252 = vector.shape_cast %mul3A_1247 : vector<16xf32> to vector<1x16xf32>
        tpu.vector_store %arg10[%swap3A_1248, %swap3A_1249], %swap3A_1252 {strides = array<i32>} : memref<128x128xf32, #tpu.memory_space<vmem>>, vector<1x16xf32>,
        %get3A_1253 = arith.index_cast %add3A_1232 : i32 to index
        %get3A_1254 = arith.constant 32 : index
        %get3A_1255 = tpu.vector_load %arg10[%get3A_1253, %get3A_1254] {strides = array<i32>} : memref<128x128xf32, #tpu.memory_space<vmem>>, vector<1x16xf32>,
        %get3A_1256 = vector.shape_cast %get3A_1255 : vector<1x16xf32> to vector<16xf32>
        %mul3A_1257 = arith.mulf %get3A_1256, %gather3A_1228 : vector<16xf32>
        %swap3A_1258 = arith.index_cast %add3A_1232 : i32 to index
        %swap3A_1259 = arith.constant 32 : index
        %swap3A_1260 = tpu.vector_load %arg10[%swap3A_1258, %swap3A_1259] {strides = array<i32>} : memref<128x128xf32, #tpu.memory_space<vmem>>, vector<1x16xf32>,
        %swap3A_1261 = vector.shape_cast %swap3A_1260 : vector<1x16xf32> to vector<16xf32>
        %swap3A_1262 = vector.shape_cast %mul3A_1257 : vector<16xf32> to vector<1x16xf32>
        tpu.vector_store %arg10[%swap3A_1258, %swap3A_1259], %swap3A_1262 {strides = array<i32>} : memref<128x128xf32, #tpu.memory_space<vmem>>, vector<1x16xf32>,
        %get3A_1263 = arith.index_cast %add3A_1232 : i32 to index
        %get3A_1264 = arith.constant 48 : index
        %get3A_1265 = tpu.vector_load %arg10[%get3A_1263, %get3A_1264] {strides = array<i32>} : memref<128x128xf32, #tpu.memory_space<vmem>>, vector<1x16xf32>,
        %get3A_1266 = vector.shape_cast %get3A_1265 : vector<1x16xf32> to vector<16xf32>
        %mul3A_1267 = arith.mulf %get3A_1266, %gather3A_1228 : vector<16xf32>
        %swap3A_1268 = arith.index_cast %add3A_1232 : i32 to index
        %swap3A_1269 = arith.constant 48 : index
        %swap3A_1270 = tpu.vector_load %arg10[%swap3A_1268, %swap3A_1269] {strides = array<i32>} : memref<128x128xf32, #tpu.memory_space<vmem>>, vector<1x16xf32>,
        %swap3A_1271 = vector.shape_cast %swap3A_1270 : vector<1x16xf32> to vector<16xf32>
        %swap3A_1272 = vector.shape_cast %mul3A_1267 : vector<16xf32> to vector<1x16xf32>
        tpu.vector_store %arg10[%swap3A_1268, %swap3A_1269], %swap3A_1272 {strides = array<i32>} : memref<128x128xf32, #tpu.memory_space<vmem>>, vector<1x16xf32>,
        %get3A_1273 = arith.index_cast %add3A_1232 : i32 to index
        %get3A_1274 = arith.constant 64 : index
        %get3A_1275 = tpu.vector_load %arg10[%get3A_1273, %get3A_1274] {strides = array<i32>} : memref<128x128xf32, #tpu.memory_space<vmem>>, vector<1x16xf32>,
        %get3A_1276 = vector.shape_cast %get3A_1275 : vector<1x16xf32> to vector<16xf32>
        %mul3A_1277 = arith.mulf %get3A_1276, %gather3A_1228 : vector<16xf32>
        %swap3A_1278 = arith.index_cast %add3A_1232 : i32 to index
        %swap3A_1279 = arith.constant 64 : index
        %swap3A_1280 = tpu.vector_load %arg10[%swap3A_1278, %swap3A_1279] {strides = array<i32>} : memref<128x128xf32, #tpu.memory_space<vmem>>, vector<1x16xf32>,
        %swap3A_1281 = vector.shape_cast %swap3A_1280 : vector<1x16xf32> to vector<16xf32>
        %swap3A_1282 = vector.shape_cast %mul3A_1277 : vector<16xf32> to vector<1x16xf32>
        tpu.vector_store %arg10[%swap3A_1278, %swap3A_1279], %swap3A_1282 {strides = array<i32>} : memref<128x128xf32, #tpu.memory_space<vmem>>, vector<1x16xf32>,
        %get3A_1283 = arith.index_cast %add3A_1232 : i32 to index
        %get3A_1284 = arith.constant 80 : index
        %get3A_1285 = tpu.vector_load %arg10[%get3A_1283, %get3A_1284] {strides = array<i32>} : memref<128x128xf32, #tpu.memory_space<vmem>>, vector<1x16xf32>,
        %get3A_1286 = vector.shape_cast %get3A_1285 : vector<1x16xf32> to vector<16xf32>
        %mul3A_1287 = arith.mulf %get3A_1286, %gather3A_1228 : vector<16xf32>
        %swap3A_1288 = arith.index_cast %add3A_1232 : i32 to index
        %swap3A_1289 = arith.constant 80 : index
        %swap3A_1290 = tpu.vector_load %arg10[%swap3A_1288, %swap3A_1289] {strides = array<i32>} : memref<128x128xf32, #tpu.memory_space<vmem>>, vector<1x16xf32>,
        %swap3A_1291 = vector.shape_cast %swap3A_1290 : vector<1x16xf32> to vector<16xf32>
        %swap3A_1292 = vector.shape_cast %mul3A_1287 : vector<16xf32> to vector<1x16xf32>
        tpu.vector_store %arg10[%swap3A_1288, %swap3A_1289], %swap3A_1292 {strides = array<i32>} : memref<128x128xf32, #tpu.memory_space<vmem>>, vector<1x16xf32>,
        %get3A_1293 = arith.index_cast %add3A_1232 : i32 to index
        %get3A_1294 = arith.constant 96 : index
        %get3A_1295 = tpu.vector_load %arg10[%get3A_1293, %get3A_1294] {strides = array<i32>} : memref<128x128xf32, #tpu.memory_space<vmem>>, vector<1x16xf32>,
        %get3A_1296 = vector.shape_cast %get3A_1295 : vector<1x16xf32> to vector<16xf32>
        %mul3A_1297 = arith.mulf %get3A_1296, %gather3A_1228 : vector<16xf32>
        %swap3A_1298 = arith.index_cast %add3A_1232 : i32 to index
        %swap3A_1299 = arith.constant 96 : index
        %swap3A_1300 = tpu.vector_load %arg10[%swap3A_1298, %swap3A_1299] {strides = array<i32>} : memref<128x128xf32, #tpu.memory_space<vmem>>, vector<1x16xf32>,
        %swap3A_1301 = vector.shape_cast %swap3A_1300 : vector<1x16xf32> to vector<16xf32>
        %swap3A_1302 = vector.shape_cast %mul3A_1297 : vector<16xf32> to vector<1x16xf32>
        tpu.vector_store %arg10[%swap3A_1298, %swap3A_1299], %swap3A_1302 {strides = array<i32>} : memref<128x128xf32, #tpu.memory_space<vmem>>, vector<1x16xf32>,
        %get3A_1303 = arith.index_cast %add3A_1232 : i32 to index
        %get3A_1304 = arith.constant 112 : index
        %get3A_1305 = tpu.vector_load %arg10[%get3A_1303, %get3A_1304] {strides = array<i32>} : memref<128x128xf32, #tpu.memory_space<vmem>>, vector<1x16xf32>,
        %get3A_1306 = vector.shape_cast %get3A_1305 : vector<1x16xf32> to vector<16xf32>
        %mul3A_1307 = arith.mulf %get3A_1306, %gather3A_1228 : vector<16xf32>
        %swap3A_1308 = arith.index_cast %add3A_1232 : i32 to index
        %swap3A_1309 = arith.constant 112 : index
        %swap3A_1310 = tpu.vector_load %arg10[%swap3A_1308, %swap3A_1309] {strides = array<i32>} : memref<128x128xf32, #tpu.memory_space<vmem>>, vector<1x16xf32>,
        %swap3A_1311 = vector.shape_cast %swap3A_1310 : vector<1x16xf32> to vector<16xf32>
        %swap3A_1312 = vector.shape_cast %mul3A_1307 : vector<16xf32> to vector<1x16xf32>
        tpu.vector_store %arg10[%swap3A_1308, %swap3A_1309], %swap3A_1312 {strides = array<i32>} : memref<128x128xf32, #tpu.memory_space<vmem>>, vector<1x16xf32>,
        %broadcast_in_dim3A_1313 = arith.constant 14 : i32
        %broadcast_in_dim3A_1314 = vector.broadcast %broadcast_in_dim3A_1313 : i32 to vector<16x1xi32>
        %gather3A_1315 = vector.shape_cast %broadcast_in_dim3A_1314 : vector<16x1xi32> to vector<16xi32>
        %gather3A_1316 = tpu.dynamic_gather %get3A_82[%gather3A_1315] in [0] : vector<16xf32>, vector<16xi32> -> vector<16xf32>
        %mul3A_1317 = arith.constant 16 : i32
        %mul3A_1318 = arith.muli %scan3A_76, %mul3A_1317 : i32
        %add3A_1319 = arith.constant 14 : i32
        %add3A_1320 = arith.addi %mul3A_1318, %add3A_1319 : i32
        %get3A_1321 = arith.index_cast %add3A_1320 : i32 to index
        %get3A_1322 = arith.constant 0 : index
        %get3A_1323 = tpu.vector_load %arg10[%get3A_1321, %get3A_1322] {strides = array<i32>} : memref<128x128xf32, #tpu.memory_space<vmem>>, vector<1x16xf32>,
        %get3A_1324 = vector.shape_cast %get3A_1323 : vector<1x16xf32> to vector<16xf32>
        %mul3A_1325 = arith.mulf %get3A_1324, %gather3A_1316 : vector<16xf32>
        %swap3A_1326 = arith.index_cast %add3A_1320 : i32 to index
        %swap3A_1327 = arith.constant 0 : index
        %swap3A_1328 = tpu.vector_load %arg10[%swap3A_1326, %swap3A_1327] {strides = array<i32>} : memref<128x128xf32, #tpu.memory_space<vmem>>, vector<1x16xf32>,
        %swap3A_1329 = vector.shape_cast %swap3A_1328 : vector<1x16xf32> to vector<16xf32>
        %swap3A_1330 = vector.shape_cast %mul3A_1325 : vector<16xf32> to vector<1x16xf32>
        tpu.vector_store %arg10[%swap3A_1326, %swap3A_1327], %swap3A_1330 {strides = array<i32>} : memref<128x128xf32, #tpu.memory_space<vmem>>, vector<1x16xf32>,
        %get3A_1331 = arith.index_cast %add3A_1320 : i32 to index
        %get3A_1332 = arith.constant 16 : index
        %get3A_1333 = tpu.vector_load %arg10[%get3A_1331, %get3A_1332] {strides = array<i32>} : memref<128x128xf32, #tpu.memory_space<vmem>>, vector<1x16xf32>,
        %get3A_1334 = vector.shape_cast %get3A_1333 : vector<1x16xf32> to vector<16xf32>
        %mul3A_1335 = arith.mulf %get3A_1334, %gather3A_1316 : vector<16xf32>
        %swap3A_1336 = arith.index_cast %add3A_1320 : i32 to index
        %swap3A_1337 = arith.constant 16 : index
        %swap3A_1338 = tpu.vector_load %arg10[%swap3A_1336, %swap3A_1337] {strides = array<i32>} : memref<128x128xf32, #tpu.memory_space<vmem>>, vector<1x16xf32>,
        %swap3A_1339 = vector.shape_cast %swap3A_1338 : vector<1x16xf32> to vector<16xf32>
        %swap3A_1340 = vector.shape_cast %mul3A_1335 : vector<16xf32> to vector<1x16xf32>
        tpu.vector_store %arg10[%swap3A_1336, %swap3A_1337], %swap3A_1340 {strides = array<i32>} : memref<128x128xf32, #tpu.memory_space<vmem>>, vector<1x16xf32>,
        %get3A_1341 = arith.index_cast %add3A_1320 : i32 to index
        %get3A_1342 = arith.constant 32 : index
        %get3A_1343 = tpu.vector_load %arg10[%get3A_1341, %get3A_1342] {strides = array<i32>} : memref<128x128xf32, #tpu.memory_space<vmem>>, vector<1x16xf32>,
        %get3A_1344 = vector.shape_cast %get3A_1343 : vector<1x16xf32> to vector<16xf32>
        %mul3A_1345 = arith.mulf %get3A_1344, %gather3A_1316 : vector<16xf32>
        %swap3A_1346 = arith.index_cast %add3A_1320 : i32 to index
        %swap3A_1347 = arith.constant 32 : index
        %swap3A_1348 = tpu.vector_load %arg10[%swap3A_1346, %swap3A_1347] {strides = array<i32>} : memref<128x128xf32, #tpu.memory_space<vmem>>, vector<1x16xf32>,
        %swap3A_1349 = vector.shape_cast %swap3A_1348 : vector<1x16xf32> to vector<16xf32>
        %swap3A_1350 = vector.shape_cast %mul3A_1345 : vector<16xf32> to vector<1x16xf32>
        tpu.vector_store %arg10[%swap3A_1346, %swap3A_1347], %swap3A_1350 {strides = array<i32>} : memref<128x128xf32, #tpu.memory_space<vmem>>, vector<1x16xf32>,
        %get3A_1351 = arith.index_cast %add3A_1320 : i32 to index
        %get3A_1352 = arith.constant 48 : index
        %get3A_1353 = tpu.vector_load %arg10[%get3A_1351, %get3A_1352] {strides = array<i32>} : memref<128x128xf32, #tpu.memory_space<vmem>>, vector<1x16xf32>,
        %get3A_1354 = vector.shape_cast %get3A_1353 : vector<1x16xf32> to vector<16xf32>
        %mul3A_1355 = arith.mulf %get3A_1354, %gather3A_1316 : vector<16xf32>
        %swap3A_1356 = arith.index_cast %add3A_1320 : i32 to index
        %swap3A_1357 = arith.constant 48 : index
        %swap3A_1358 = tpu.vector_load %arg10[%swap3A_1356, %swap3A_1357] {strides = array<i32>} : memref<128x128xf32, #tpu.memory_space<vmem>>, vector<1x16xf32>,
        %swap3A_1359 = vector.shape_cast %swap3A_1358 : vector<1x16xf32> to vector<16xf32>
        %swap3A_1360 = vector.shape_cast %mul3A_1355 : vector<16xf32> to vector<1x16xf32>
        tpu.vector_store %arg10[%swap3A_1356, %swap3A_1357], %swap3A_1360 {strides = array<i32>} : memref<128x128xf32, #tpu.memory_space<vmem>>, vector<1x16xf32>,
        %get3A_1361 = arith.index_cast %add3A_1320 : i32 to index
        %get3A_1362 = arith.constant 64 : index
        %get3A_1363 = tpu.vector_load %arg10[%get3A_1361, %get3A_1362] {strides = array<i32>} : memref<128x128xf32, #tpu.memory_space<vmem>>, vector<1x16xf32>,
        %get3A_1364 = vector.shape_cast %get3A_1363 : vector<1x16xf32> to vector<16xf32>
        %mul3A_1365 = arith.mulf %get3A_1364, %gather3A_1316 : vector<16xf32>
        %swap3A_1366 = arith.index_cast %add3A_1320 : i32 to index
        %swap3A_1367 = arith.constant 64 : index
        %swap3A_1368 = tpu.vector_load %arg10[%swap3A_1366, %swap3A_1367] {strides = array<i32>} : memref<128x128xf32, #tpu.memory_space<vmem>>, vector<1x16xf32>,
        %swap3A_1369 = vector.shape_cast %swap3A_1368 : vector<1x16xf32> to vector<16xf32>
        %swap3A_1370 = vector.shape_cast %mul3A_1365 : vector<16xf32> to vector<1x16xf32>
        tpu.vector_store %arg10[%swap3A_1366, %swap3A_1367], %swap3A_1370 {strides = array<i32>} : memref<128x128xf32, #tpu.memory_space<vmem>>, vector<1x16xf32>,
        %get3A_1371 = arith.index_cast %add3A_1320 : i32 to index
        %get3A_1372 = arith.constant 80 : index
        %get3A_1373 = tpu.vector_load %arg10[%get3A_1371, %get3A_1372] {strides = array<i32>} : memref<128x128xf32, #tpu.memory_space<vmem>>, vector<1x16xf32>,
        %get3A_1374 = vector.shape_cast %get3A_1373 : vector<1x16xf32> to vector<16xf32>
        %mul3A_1375 = arith.mulf %get3A_1374, %gather3A_1316 : vector<16xf32>
        %swap3A_1376 = arith.index_cast %add3A_1320 : i32 to index
        %swap3A_1377 = arith.constant 80 : index
        %swap3A_1378 = tpu.vector_load %arg10[%swap3A_1376, %swap3A_1377] {strides = array<i32>} : memref<128x128xf32, #tpu.memory_space<vmem>>, vector<1x16xf32>,
        %swap3A_1379 = vector.shape_cast %swap3A_1378 : vector<1x16xf32> to vector<16xf32>
        %swap3A_1380 = vector.shape_cast %mul3A_1375 : vector<16xf32> to vector<1x16xf32>
        tpu.vector_store %arg10[%swap3A_1376, %swap3A_1377], %swap3A_1380 {strides = array<i32>} : memref<128x128xf32, #tpu.memory_space<vmem>>, vector<1x16xf32>,
        %get3A_1381 = arith.index_cast %add3A_1320 : i32 to index
        %get3A_1382 = arith.constant 96 : index
        %get3A_1383 = tpu.vector_load %arg10[%get3A_1381, %get3A_1382] {strides = array<i32>} : memref<128x128xf32, #tpu.memory_space<vmem>>, vector<1x16xf32>,
        %get3A_1384 = vector.shape_cast %get3A_1383 : vector<1x16xf32> to vector<16xf32>
        %mul3A_1385 = arith.mulf %get3A_1384, %gather3A_1316 : vector<16xf32>
        %swap3A_1386 = arith.index_cast %add3A_1320 : i32 to index
        %swap3A_1387 = arith.constant 96 : index
        %swap3A_1388 = tpu.vector_load %arg10[%swap3A_1386, %swap3A_1387] {strides = array<i32>} : memref<128x128xf32, #tpu.memory_space<vmem>>, vector<1x16xf32>,
        %swap3A_1389 = vector.shape_cast %swap3A_1388 : vector<1x16xf32> to vector<16xf32>
        %swap3A_1390 = vector.shape_cast %mul3A_1385 : vector<16xf32> to vector<1x16xf32>
        tpu.vector_store %arg10[%swap3A_1386, %swap3A_1387], %swap3A_1390 {strides = array<i32>} : memref<128x128xf32, #tpu.memory_space<vmem>>, vector<1x16xf32>,
        %get3A_1391 = arith.index_cast %add3A_1320 : i32 to index
        %get3A_1392 = arith.constant 112 : index
        %get3A_1393 = tpu.vector_load %arg10[%get3A_1391, %get3A_1392] {strides = array<i32>} : memref<128x128xf32, #tpu.memory_space<vmem>>, vector<1x16xf32>,
        %get3A_1394 = vector.shape_cast %get3A_1393 : vector<1x16xf32> to vector<16xf32>
        %mul3A_1395 = arith.mulf %get3A_1394, %gather3A_1316 : vector<16xf32>
        %swap3A_1396 = arith.index_cast %add3A_1320 : i32 to index
        %swap3A_1397 = arith.constant 112 : index
        %swap3A_1398 = tpu.vector_load %arg10[%swap3A_1396, %swap3A_1397] {strides = array<i32>} : memref<128x128xf32, #tpu.memory_space<vmem>>, vector<1x16xf32>,
        %swap3A_1399 = vector.shape_cast %swap3A_1398 : vector<1x16xf32> to vector<16xf32>
        %swap3A_1400 = vector.shape_cast %mul3A_1395 : vector<16xf32> to vector<1x16xf32>
        tpu.vector_store %arg10[%swap3A_1396, %swap3A_1397], %swap3A_1400 {strides = array<i32>} : memref<128x128xf32, #tpu.memory_space<vmem>>, vector<1x16xf32>,
        %broadcast_in_dim3A_1401 = arith.constant 15 : i32
        %broadcast_in_dim3A_1402 = vector.broadcast %broadcast_in_dim3A_1401 : i32 to vector<16x1xi32>
        %gather3A_1403 = vector.shape_cast %broadcast_in_dim3A_1402 : vector<16x1xi32> to vector<16xi32>
        %gather3A_1404 = tpu.dynamic_gather %get3A_82[%gather3A_1403] in [0] : vector<16xf32>, vector<16xi32> -> vector<16xf32>
        %mul3A_1405 = arith.constant 16 : i32
        %mul3A_1406 = arith.muli %scan3A_76, %mul3A_1405 : i32
        %add3A_1407 = arith.constant 15 : i32
        %add3A_1408 = arith.addi %mul3A_1406, %add3A_1407 : i32
        %get3A_1409 = arith.index_cast %add3A_1408 : i32 to index
        %get3A_1410 = arith.constant 0 : index
        %get3A_1411 = tpu.vector_load %arg10[%get3A_1409, %get3A_1410] {strides = array<i32>} : memref<128x128xf32, #tpu.memory_space<vmem>>, vector<1x16xf32>,
        %get3A_1412 = vector.shape_cast %get3A_1411 : vector<1x16xf32> to vector<16xf32>
        %mul3A_1413 = arith.mulf %get3A_1412, %gather3A_1404 : vector<16xf32>
        %swap3A_1414 = arith.index_cast %add3A_1408 : i32 to index
        %swap3A_1415 = arith.constant 0 : index
        %swap3A_1416 = tpu.vector_load %arg10[%swap3A_1414, %swap3A_1415] {strides = array<i32>} : memref<128x128xf32, #tpu.memory_space<vmem>>, vector<1x16xf32>,
        %swap3A_1417 = vector.shape_cast %swap3A_1416 : vector<1x16xf32> to vector<16xf32>
        %swap3A_1418 = vector.shape_cast %mul3A_1413 : vector<16xf32> to vector<1x16xf32>
        tpu.vector_store %arg10[%swap3A_1414, %swap3A_1415], %swap3A_1418 {strides = array<i32>} : memref<128x128xf32, #tpu.memory_space<vmem>>, vector<1x16xf32>,
        %get3A_1419 = arith.index_cast %add3A_1408 : i32 to index
        %get3A_1420 = arith.constant 16 : index
        %get3A_1421 = tpu.vector_load %arg10[%get3A_1419, %get3A_1420] {strides = array<i32>} : memref<128x128xf32, #tpu.memory_space<vmem>>, vector<1x16xf32>,
        %get3A_1422 = vector.shape_cast %get3A_1421 : vector<1x16xf32> to vector<16xf32>
        %mul3A_1423 = arith.mulf %get3A_1422, %gather3A_1404 : vector<16xf32>
        %swap3A_1424 = arith.index_cast %add3A_1408 : i32 to index
        %swap3A_1425 = arith.constant 16 : index
        %swap3A_1426 = tpu.vector_load %arg10[%swap3A_1424, %swap3A_1425] {strides = array<i32>} : memref<128x128xf32, #tpu.memory_space<vmem>>, vector<1x16xf32>,
        %swap3A_1427 = vector.shape_cast %swap3A_1426 : vector<1x16xf32> to vector<16xf32>
        %swap3A_1428 = vector.shape_cast %mul3A_1423 : vector<16xf32> to vector<1x16xf32>
        tpu.vector_store %arg10[%swap3A_1424, %swap3A_1425], %swap3A_1428 {strides = array<i32>} : memref<128x128xf32, #tpu.memory_space<vmem>>, vector<1x16xf32>,
        %get3A_1429 = arith.index_cast %add3A_1408 : i32 to index
        %get3A_1430 = arith.constant 32 : index
        %get3A_1431 = tpu.vector_load %arg10[%get3A_1429, %get3A_1430] {strides = array<i32>} : memref<128x128xf32, #tpu.memory_space<vmem>>, vector<1x16xf32>,
        %get3A_1432 = vector.shape_cast %get3A_1431 : vector<1x16xf32> to vector<16xf32>
        %mul3A_1433 = arith.mulf %get3A_1432, %gather3A_1404 : vector<16xf32>
        %swap3A_1434 = arith.index_cast %add3A_1408 : i32 to index
        %swap3A_1435 = arith.constant 32 : index
        %swap3A_1436 = tpu.vector_load %arg10[%swap3A_1434, %swap3A_1435] {strides = array<i32>} : memref<128x128xf32, #tpu.memory_space<vmem>>, vector<1x16xf32>,
        %swap3A_1437 = vector.shape_cast %swap3A_1436 : vector<1x16xf32> to vector<16xf32>
        %swap3A_1438 = vector.shape_cast %mul3A_1433 : vector<16xf32> to vector<1x16xf32>
        tpu.vector_store %arg10[%swap3A_1434, %swap3A_1435], %swap3A_1438 {strides = array<i32>} : memref<128x128xf32, #tpu.memory_space<vmem>>, vector<1x16xf32>,
        %get3A_1439 = arith.index_cast %add3A_1408 : i32 to index
        %get3A_1440 = arith.constant 48 : index
        %get3A_1441 = tpu.vector_load %arg10[%get3A_1439, %get3A_1440] {strides = array<i32>} : memref<128x128xf32, #tpu.memory_space<vmem>>, vector<1x16xf32>,
        %get3A_1442 = vector.shape_cast %get3A_1441 : vector<1x16xf32> to vector<16xf32>
        %mul3A_1443 = arith.mulf %get3A_1442, %gather3A_1404 : vector<16xf32>
        %swap3A_1444 = arith.index_cast %add3A_1408 : i32 to index
        %swap3A_1445 = arith.constant 48 : index
        %swap3A_1446 = tpu.vector_load %arg10[%swap3A_1444, %swap3A_1445] {strides = array<i32>} : memref<128x128xf32, #tpu.memory_space<vmem>>, vector<1x16xf32>,
        %swap3A_1447 = vector.shape_cast %swap3A_1446 : vector<1x16xf32> to vector<16xf32>
        %swap3A_1448 = vector.shape_cast %mul3A_1443 : vector<16xf32> to vector<1x16xf32>
        tpu.vector_store %arg10[%swap3A_1444, %swap3A_1445], %swap3A_1448 {strides = array<i32>} : memref<128x128xf32, #tpu.memory_space<vmem>>, vector<1x16xf32>,
        %get3A_1449 = arith.index_cast %add3A_1408 : i32 to index
        %get3A_1450 = arith.constant 64 : index
        %get3A_1451 = tpu.vector_load %arg10[%get3A_1449, %get3A_1450] {strides = array<i32>} : memref<128x128xf32, #tpu.memory_space<vmem>>, vector<1x16xf32>,
        %get3A_1452 = vector.shape_cast %get3A_1451 : vector<1x16xf32> to vector<16xf32>
        %mul3A_1453 = arith.mulf %get3A_1452, %gather3A_1404 : vector<16xf32>
        %swap3A_1454 = arith.index_cast %add3A_1408 : i32 to index
        %swap3A_1455 = arith.constant 64 : index
        %swap3A_1456 = tpu.vector_load %arg10[%swap3A_1454, %swap3A_1455] {strides = array<i32>} : memref<128x128xf32, #tpu.memory_space<vmem>>, vector<1x16xf32>,
        %swap3A_1457 = vector.shape_cast %swap3A_1456 : vector<1x16xf32> to vector<16xf32>
        %swap3A_1458 = vector.shape_cast %mul3A_1453 : vector<16xf32> to vector<1x16xf32>
        tpu.vector_store %arg10[%swap3A_1454, %swap3A_1455], %swap3A_1458 {strides = array<i32>} : memref<128x128xf32, #tpu.memory_space<vmem>>, vector<1x16xf32>,
        %get3A_1459 = arith.index_cast %add3A_1408 : i32 to index
        %get3A_1460 = arith.constant 80 : index
        %get3A_1461 = tpu.vector_load %arg10[%get3A_1459, %get3A_1460] {strides = array<i32>} : memref<128x128xf32, #tpu.memory_space<vmem>>, vector<1x16xf32>,
        %get3A_1462 = vector.shape_cast %get3A_1461 : vector<1x16xf32> to vector<16xf32>
        %mul3A_1463 = arith.mulf %get3A_1462, %gather3A_1404 : vector<16xf32>
        %swap3A_1464 = arith.index_cast %add3A_1408 : i32 to index
        %swap3A_1465 = arith.constant 80 : index
        %swap3A_1466 = tpu.vector_load %arg10[%swap3A_1464, %swap3A_1465] {strides = array<i32>} : memref<128x128xf32, #tpu.memory_space<vmem>>, vector<1x16xf32>,
        %swap3A_1467 = vector.shape_cast %swap3A_1466 : vector<1x16xf32> to vector<16xf32>
        %swap3A_1468 = vector.shape_cast %mul3A_1463 : vector<16xf32> to vector<1x16xf32>
        tpu.vector_store %arg10[%swap3A_1464, %swap3A_1465], %swap3A_1468 {strides = array<i32>} : memref<128x128xf32, #tpu.memory_space<vmem>>, vector<1x16xf32>,
        %get3A_1469 = arith.index_cast %add3A_1408 : i32 to index
        %get3A_1470 = arith.constant 96 : index
        %get3A_1471 = tpu.vector_load %arg10[%get3A_1469, %get3A_1470] {strides = array<i32>} : memref<128x128xf32, #tpu.memory_space<vmem>>, vector<1x16xf32>,
        %get3A_1472 = vector.shape_cast %get3A_1471 : vector<1x16xf32> to vector<16xf32>
        %mul3A_1473 = arith.mulf %get3A_1472, %gather3A_1404 : vector<16xf32>
        %swap3A_1474 = arith.index_cast %add3A_1408 : i32 to index
        %swap3A_1475 = arith.constant 96 : index
        %swap3A_1476 = tpu.vector_load %arg10[%swap3A_1474, %swap3A_1475] {strides = array<i32>} : memref<128x128xf32, #tpu.memory_space<vmem>>, vector<1x16xf32>,
        %swap3A_1477 = vector.shape_cast %swap3A_1476 : vector<1x16xf32> to vector<16xf32>
        %swap3A_1478 = vector.shape_cast %mul3A_1473 : vector<16xf32> to vector<1x16xf32>
        tpu.vector_store %arg10[%swap3A_1474, %swap3A_1475], %swap3A_1478 {strides = array<i32>} : memref<128x128xf32, #tpu.memory_space<vmem>>, vector<1x16xf32>,
        %get3A_1479 = arith.index_cast %add3A_1408 : i32 to index
        %get3A_1480 = arith.constant 112 : index
        %get3A_1481 = tpu.vector_load %arg10[%get3A_1479, %get3A_1480] {strides = array<i32>} : memref<128x128xf32, #tpu.memory_space<vmem>>, vector<1x16xf32>,
        %get3A_1482 = vector.shape_cast %get3A_1481 : vector<1x16xf32> to vector<16xf32>
        %mul3A_1483 = arith.mulf %get3A_1482, %gather3A_1404 : vector<16xf32>
        %swap3A_1484 = arith.index_cast %add3A_1408 : i32 to index
        %swap3A_1485 = arith.constant 112 : index
        %swap3A_1486 = tpu.vector_load %arg10[%swap3A_1484, %swap3A_1485] {strides = array<i32>} : memref<128x128xf32, #tpu.memory_space<vmem>>, vector<1x16xf32>,
        %swap3A_1487 = vector.shape_cast %swap3A_1486 : vector<1x16xf32> to vector<16xf32>
        %swap3A_1488 = vector.shape_cast %mul3A_1483 : vector<16xf32> to vector<1x16xf32>
        tpu.vector_store %arg10[%swap3A_1484, %swap3A_1485], %swap3A_1488 {strides = array<i32>} : memref<128x128xf32, #tpu.memory_space<vmem>>, vector<1x16xf32>,
        %scan3A_1489 = arith.constant 0 : i32
        scf.yield %scan3A_1489 : i32
      }
      %scan3A_74 = arith.constant 8 : i32
      "tpu.region"() ({
        %run_scoped3A = tpu.sem_alloc : memref<!tpu.dma_semaphore, #tpu.memory_space<semaphore_mem>>
        %dma_start3A_76 = arith.constant 0 : i32
        %dma_start3A_77 = tpu.memref_slice %arg8[%while3A_52, %dma_start3A_76] : memref<104x128xi32, #tpu.memory_space<vmem>> -> memref<1x128xi32, #tpu.memory_space<vmem>>
        %dma_start3A_78 = tpu.memref_squeeze %dma_start3A_77 : memref<1x128xi32, #tpu.memory_space<vmem>> -> memref<128xi32, #tpu.memory_space<vmem>>
        %dma_start3A_79 = arith.constant 0 : i32
        %dma_start3A_80 = arith.constant 0 : i32
        %dma_start3A_81 = tpu.memref_slice %arg11[%dma_start3A_79, %dma_start3A_80] : memref<10240x128xf32, #tpu.memory_space<vmem_shared>> -> memref<10240x128xf32, #tpu.memory_space<vmem_shared>>
        tpu.enqueue_indirect_dma source(%arg10 : memref<128x128xf32, #tpu.memory_space<vmem>>) target(%dma_start3A_81 : memref<10240x128xf32, #tpu.memory_space<vmem_shared>>) offsets(%dma_start3A_78 : memref<128xi32, #tpu.memory_space<vmem>>) semaphore(%run_scoped3A : memref<!tpu.dma_semaphore, #tpu.memory_space<semaphore_mem>>) {add = true}
        %dma_wait3A_82 = arith.constant 0 : i32
        %dma_wait3A_83 = tpu.memref_slice %arg8[%while3A_52, %dma_wait3A_82] : memref<104x128xi32, #tpu.memory_space<vmem>> -> memref<1x128xi32, #tpu.memory_space<vmem>>
        %dma_wait3A_84 = tpu.memref_squeeze %dma_wait3A_83 : memref<1x128xi32, #tpu.memory_space<vmem>> -> memref<128xi32, #tpu.memory_space<vmem>>
        %dma_wait3A_85 = arith.constant 0 : i32
        %dma_wait3A_86 = arith.constant 0 : i32
        %dma_wait3A_87 = tpu.memref_slice %arg11[%dma_wait3A_85, %dma_wait3A_86] : memref<10240x128xf32, #tpu.memory_space<vmem_shared>> -> memref<10240x128xf32, #tpu.memory_space<vmem_shared>>
        tpu.wait_indirect_dma semaphore(%run_scoped3A : memref<!tpu.dma_semaphore, #tpu.memory_space<semaphore_mem>>) src(%arg10 : memref<128x128xf32, #tpu.memory_space<vmem>>) dst(%dma_wait3A_87 : memref<10240x128xf32, #tpu.memory_space<vmem_shared>>)
        tpu.yield
      }) : () -> ()
      %while3A_75 = arith.constant 0 : i32
      scf.yield %while3A_75 : i32
    }
    %while3A_45 = arith.constant 1 : i32
    %while3A_46 = scf.for %while3A_52 = %while3A_42 to %while3A_38 step %while3A_45 iter_args(%while3A_53 = %while3A_44) -> (i32)  : i32 {
      %rem3A = arith.constant 16 : i32
      %rem3A_54 = arith.remsi %while3A_52, %rem3A : i32
      %eq3A_55 = arith.constant 0 : i32
      %eq3A_56 = arith.cmpi eq, %rem3A_54, %eq3A_55 : i32
      %convert_element_type3A = arith.extui %eq3A_56 : i1 to i32
      %cond3A = arith.constant 0 : i32
      %cond3A_57 = arith.cmpi ne, %convert_element_type3A, %cond3A : i32
      scf.if %cond3A_57 {
        %sub3A = arith.subi %while3A_52, %rem3A_54 : i32
        %add3A_76 = arith.addi %select_n3A, %sub3A : i32
        %multiple_of3A_77 = tpu.assume_multiple %add3A_76, 8 : i32
        "tpu.region"() ({
          %run_scoped3A = tpu.sem_alloc : memref<!tpu.dma_semaphore, #tpu.memory_space<semaphore_mem>>
          %dma_start3A_78 = arith.constant 0 : i32
          %dma_start3A_79 = tpu.memref_slice %arg5[%multiple_of3A_77, %dma_start3A_78] : memref<2592x128xf32, #tpu.memory_space<hbm>> -> memref<16x128xf32, #tpu.memory_space<hbm>>
          %dma_start3A_80 = arith.constant 0 : i32
          %dma_start3A_81 = tpu.memref_slice %arg5[%multiple_of3A_77, %dma_start3A_80] : memref<2592x128xf32, #tpu.memory_space<hbm>> -> memref<16x128xf32, #tpu.memory_space<hbm>>
          tpu.enqueue_dma source(%dma_start3A_81 : memref<16x128xf32, #tpu.memory_space<hbm>>) target(%arg9 : memref<16x128xf32, #tpu.memory_space<vmem>>) target_semaphore(%run_scoped3A : memref<!tpu.dma_semaphore, #tpu.memory_space<semaphore_mem>>)
          %dma_wait3A_82 = arith.constant 0 : i32
          %dma_wait3A_83 = tpu.memref_slice %arg5[%multiple_of3A_77, %dma_wait3A_82] : memref<2592x128xf32, #tpu.memory_space<hbm>> -> memref<16x128xf32, #tpu.memory_space<hbm>>
          %dma_wait3A_84 = arith.constant 0 : i32
          %dma_wait3A_85 = tpu.memref_slice %arg5[%multiple_of3A_77, %dma_wait3A_84] : memref<2592x128xf32, #tpu.memory_space<hbm>> -> memref<16x128xf32, #tpu.memory_space<hbm>>
          tpu.wait_dma2 semaphore(%run_scoped3A : memref<!tpu.dma_semaphore, #tpu.memory_space<semaphore_mem>>) src(%dma_wait3A_85 : memref<16x128xf32, #tpu.memory_space<hbm>>) dst(%arg9 : memref<16x128xf32, #tpu.memory_space<vmem>>)
          tpu.yield
        }) : () -> ()
      } else {
      }
      %dma_start3A = arith.constant 0 : i32
      %dma_start3A_58 = tpu.memref_slice %arg7[%while3A_52, %dma_start3A] : memref<104x128xi32, #tpu.memory_space<vmem>> -> memref<1x128xi32, #tpu.memory_space<vmem>>
      %dma_start3A_59 = tpu.memref_squeeze %dma_start3A_58 : memref<1x128xi32, #tpu.memory_space<vmem>> -> memref<128xi32, #tpu.memory_space<vmem>>
      %dma_start3A_60 = arith.constant 0 : i32
      %dma_start3A_61 = arith.constant 0 : i32
      %dma_start3A_62 = tpu.memref_slice %arg2[%dma_start3A_60, %dma_start3A_61] : memref<10000x128xf32, #tpu.memory_space<hbm>> -> memref<10000x128xf32, #tpu.memory_space<hbm>>
      tpu.enqueue_indirect_dma source(%dma_start3A_62 : memref<10000x128xf32, #tpu.memory_space<hbm>>) target(%arg10 : memref<128x128xf32, #tpu.memory_space<vmem>>) offsets(%dma_start3A_59 : memref<128xi32, #tpu.memory_space<vmem>>) semaphore(%arg12 : memref<!tpu.dma_semaphore, #tpu.memory_space<semaphore_mem>>)
      %dma_wait3A = arith.constant 0 : i32
      %dma_wait3A_63 = tpu.memref_slice %arg7[%while3A_52, %dma_wait3A] : memref<104x128xi32, #tpu.memory_space<vmem>> -> memref<1x128xi32, #tpu.memory_space<vmem>>
      %dma_wait3A_64 = tpu.memref_squeeze %dma_wait3A_63 : memref<1x128xi32, #tpu.memory_space<vmem>> -> memref<128xi32, #tpu.memory_space<vmem>>
      %dma_wait3A_65 = arith.constant 0 : i32
      %dma_wait3A_66 = arith.constant 0 : i32
      %dma_wait3A_67 = tpu.memref_slice %arg2[%dma_wait3A_65, %dma_wait3A_66] : memref<10000x128xf32, #tpu.memory_space<hbm>> -> memref<10000x128xf32, #tpu.memory_space<hbm>>
      tpu.wait_indirect_dma semaphore(%arg12 : memref<!tpu.dma_semaphore, #tpu.memory_space<semaphore_mem>>) src(%dma_wait3A_67 : memref<10000x128xf32, #tpu.memory_space<hbm>>) dst(%arg10 : memref<128x128xf32, #tpu.memory_space<vmem>>)
      %scan3A_68 = arith.constant 0 : i32
      %scan3A_69 = arith.constant 0 : i32
      %scan3A_70 = arith.constant 8 : i32
      %scan3A_71 = arith.addi %scan3A_69, %scan3A_70 : i32
      %scan3A_72 = arith.constant 1 : i32
      %scan3A_73 = scf.for %scan3A_76 = %scan3A_69 to %scan3A_71 step %scan3A_72 iter_args(%scan3A_77 = %scan3A_68) -> (i32)  : i32 {
        %mul3A_78 = arith.constant 16 : i32
        %mul3A_79 = arith.muli %scan3A_76, %mul3A_78 : i32
        %get3A = arith.index_cast %rem3A_54 : i32 to index
        %get3A_80 = arith.index_cast %mul3A_79 : i32 to index
        %get3A_81 = tpu.vector_load %arg9[%get3A, %get3A_80] {strides = array<i32>} : memref<16x128xf32, #tpu.memory_space<vmem>>, vector<1x16xf32>,
        %get3A_82 = vector.shape_cast %get3A_81 : vector<1x16xf32> to vector<16xf32>
        %broadcast_in_dim3A_83 = arith.constant 0 : i32
        %broadcast_in_dim3A_84 = vector.broadcast %broadcast_in_dim3A_83 : i32 to vector<16x1xi32>
        %gather3A = vector.shape_cast %broadcast_in_dim3A_84 : vector<16x1xi32> to vector<16xi32>
        %gather3A_85 = tpu.dynamic_gather %get3A_82[%gather3A] in [0] : vector<16xf32>, vector<16xi32> -> vector<16xf32>
        %mul3A_86 = arith.constant 16 : i32
        %mul3A_87 = arith.muli %scan3A_76, %mul3A_86 : i32
        %add3A_88 = arith.constant 0 : i32
        %add3A_89 = arith.addi %mul3A_87, %add3A_88 : i32
        %get3A_90 = arith.index_cast %add3A_89 : i32 to index
        %get3A_91 = arith.constant 0 : index
        %get3A_92 = tpu.vector_load %arg10[%get3A_90, %get3A_91] {strides = array<i32>} : memref<128x128xf32, #tpu.memory_space<vmem>>, vector<1x16xf32>,
        %get3A_93 = vector.shape_cast %get3A_92 : vector<1x16xf32> to vector<16xf32>
        %mul3A_94 = arith.mulf %get3A_93, %gather3A_85 : vector<16xf32>
        %swap3A = arith.index_cast %add3A_89 : i32 to index
        %swap3A_95 = arith.constant 0 : index
        %swap3A_96 = tpu.vector_load %arg10[%swap3A, %swap3A_95] {strides = array<i32>} : memref<128x128xf32, #tpu.memory_space<vmem>>, vector<1x16xf32>,
        %swap3A_97 = vector.shape_cast %swap3A_96 : vector<1x16xf32> to vector<16xf32>
        %swap3A_98 = vector.shape_cast %mul3A_94 : vector<16xf32> to vector<1x16xf32>
        tpu.vector_store %arg10[%swap3A, %swap3A_95], %swap3A_98 {strides = array<i32>} : memref<128x128xf32, #tpu.memory_space<vmem>>, vector<1x16xf32>,
        %get3A_99 = arith.index_cast %add3A_89 : i32 to index
        %get3A_100 = arith.constant 16 : index
        %get3A_101 = tpu.vector_load %arg10[%get3A_99, %get3A_100] {strides = array<i32>} : memref<128x128xf32, #tpu.memory_space<vmem>>, vector<1x16xf32>,
        %get3A_102 = vector.shape_cast %get3A_101 : vector<1x16xf32> to vector<16xf32>
        %mul3A_103 = arith.mulf %get3A_102, %gather3A_85 : vector<16xf32>
        %swap3A_104 = arith.index_cast %add3A_89 : i32 to index
        %swap3A_105 = arith.constant 16 : index
        %swap3A_106 = tpu.vector_load %arg10[%swap3A_104, %swap3A_105] {strides = array<i32>} : memref<128x128xf32, #tpu.memory_space<vmem>>, vector<1x16xf32>,
        %swap3A_107 = vector.shape_cast %swap3A_106 : vector<1x16xf32> to vector<16xf32>
        %swap3A_108 = vector.shape_cast %mul3A_103 : vector<16xf32> to vector<1x16xf32>
        tpu.vector_store %arg10[%swap3A_104, %swap3A_105], %swap3A_108 {strides = array<i32>} : memref<128x128xf32, #tpu.memory_space<vmem>>, vector<1x16xf32>,
        %get3A_109 = arith.index_cast %add3A_89 : i32 to index
        %get3A_110 = arith.constant 32 : index
        %get3A_111 = tpu.vector_load %arg10[%get3A_109, %get3A_110] {strides = array<i32>} : memref<128x128xf32, #tpu.memory_space<vmem>>, vector<1x16xf32>,
        %get3A_112 = vector.shape_cast %get3A_111 : vector<1x16xf32> to vector<16xf32>
        %mul3A_113 = arith.mulf %get3A_112, %gather3A_85 : vector<16xf32>
        %swap3A_114 = arith.index_cast %add3A_89 : i32 to index
        %swap3A_115 = arith.constant 32 : index
        %swap3A_116 = tpu.vector_load %arg10[%swap3A_114, %swap3A_115] {strides = array<i32>} : memref<128x128xf32, #tpu.memory_space<vmem>>, vector<1x16xf32>,
        %swap3A_117 = vector.shape_cast %swap3A_116 : vector<1x16xf32> to vector<16xf32>
        %swap3A_118 = vector.shape_cast %mul3A_113 : vector<16xf32> to vector<1x16xf32>
        tpu.vector_store %arg10[%swap3A_114, %swap3A_115], %swap3A_118 {strides = array<i32>} : memref<128x128xf32, #tpu.memory_space<vmem>>, vector<1x16xf32>,
        %get3A_119 = arith.index_cast %add3A_89 : i32 to index
        %get3A_120 = arith.constant 48 : index
        %get3A_121 = tpu.vector_load %arg10[%get3A_119, %get3A_120] {strides = array<i32>} : memref<128x128xf32, #tpu.memory_space<vmem>>, vector<1x16xf32>,
        %get3A_122 = vector.shape_cast %get3A_121 : vector<1x16xf32> to vector<16xf32>
        %mul3A_123 = arith.mulf %get3A_122, %gather3A_85 : vector<16xf32>
        %swap3A_124 = arith.index_cast %add3A_89 : i32 to index
        %swap3A_125 = arith.constant 48 : index
        %swap3A_126 = tpu.vector_load %arg10[%swap3A_124, %swap3A_125] {strides = array<i32>} : memref<128x128xf32, #tpu.memory_space<vmem>>, vector<1x16xf32>,
        %swap3A_127 = vector.shape_cast %swap3A_126 : vector<1x16xf32> to vector<16xf32>
        %swap3A_128 = vector.shape_cast %mul3A_123 : vector<16xf32> to vector<1x16xf32>
        tpu.vector_store %arg10[%swap3A_124, %swap3A_125], %swap3A_128 {strides = array<i32>} : memref<128x128xf32, #tpu.memory_space<vmem>>, vector<1x16xf32>,
        %get3A_129 = arith.index_cast %add3A_89 : i32 to index
        %get3A_130 = arith.constant 64 : index
        %get3A_131 = tpu.vector_load %arg10[%get3A_129, %get3A_130] {strides = array<i32>} : memref<128x128xf32, #tpu.memory_space<vmem>>, vector<1x16xf32>,
        %get3A_132 = vector.shape_cast %get3A_131 : vector<1x16xf32> to vector<16xf32>
        %mul3A_133 = arith.mulf %get3A_132, %gather3A_85 : vector<16xf32>
        %swap3A_134 = arith.index_cast %add3A_89 : i32 to index
        %swap3A_135 = arith.constant 64 : index
        %swap3A_136 = tpu.vector_load %arg10[%swap3A_134, %swap3A_135] {strides = array<i32>} : memref<128x128xf32, #tpu.memory_space<vmem>>, vector<1x16xf32>,
        %swap3A_137 = vector.shape_cast %swap3A_136 : vector<1x16xf32> to vector<16xf32>
        %swap3A_138 = vector.shape_cast %mul3A_133 : vector<16xf32> to vector<1x16xf32>
        tpu.vector_store %arg10[%swap3A_134, %swap3A_135], %swap3A_138 {strides = array<i32>} : memref<128x128xf32, #tpu.memory_space<vmem>>, vector<1x16xf32>,
        %get3A_139 = arith.index_cast %add3A_89 : i32 to index
        %get3A_140 = arith.constant 80 : index
        %get3A_141 = tpu.vector_load %arg10[%get3A_139, %get3A_140] {strides = array<i32>} : memref<128x128xf32, #tpu.memory_space<vmem>>, vector<1x16xf32>,
        %get3A_142 = vector.shape_cast %get3A_141 : vector<1x16xf32> to vector<16xf32>
        %mul3A_143 = arith.mulf %get3A_142, %gather3A_85 : vector<16xf32>
        %swap3A_144 = arith.index_cast %add3A_89 : i32 to index
        %swap3A_145 = arith.constant 80 : index
        %swap3A_146 = tpu.vector_load %arg10[%swap3A_144, %swap3A_145] {strides = array<i32>} : memref<128x128xf32, #tpu.memory_space<vmem>>, vector<1x16xf32>,
        %swap3A_147 = vector.shape_cast %swap3A_146 : vector<1x16xf32> to vector<16xf32>
        %swap3A_148 = vector.shape_cast %mul3A_143 : vector<16xf32> to vector<1x16xf32>
        tpu.vector_store %arg10[%swap3A_144, %swap3A_145], %swap3A_148 {strides = array<i32>} : memref<128x128xf32, #tpu.memory_space<vmem>>, vector<1x16xf32>,
        %get3A_149 = arith.index_cast %add3A_89 : i32 to index
        %get3A_150 = arith.constant 96 : index
        %get3A_151 = tpu.vector_load %arg10[%get3A_149, %get3A_150] {strides = array<i32>} : memref<128x128xf32, #tpu.memory_space<vmem>>, vector<1x16xf32>,
        %get3A_152 = vector.shape_cast %get3A_151 : vector<1x16xf32> to vector<16xf32>
        %mul3A_153 = arith.mulf %get3A_152, %gather3A_85 : vector<16xf32>
        %swap3A_154 = arith.index_cast %add3A_89 : i32 to index
        %swap3A_155 = arith.constant 96 : index
        %swap3A_156 = tpu.vector_load %arg10[%swap3A_154, %swap3A_155] {strides = array<i32>} : memref<128x128xf32, #tpu.memory_space<vmem>>, vector<1x16xf32>,
        %swap3A_157 = vector.shape_cast %swap3A_156 : vector<1x16xf32> to vector<16xf32>
        %swap3A_158 = vector.shape_cast %mul3A_153 : vector<16xf32> to vector<1x16xf32>
        tpu.vector_store %arg10[%swap3A_154, %swap3A_155], %swap3A_158 {strides = array<i32>} : memref<128x128xf32, #tpu.memory_space<vmem>>, vector<1x16xf32>,
        %get3A_159 = arith.index_cast %add3A_89 : i32 to index
        %get3A_160 = arith.constant 112 : index
        %get3A_161 = tpu.vector_load %arg10[%get3A_159, %get3A_160] {strides = array<i32>} : memref<128x128xf32, #tpu.memory_space<vmem>>, vector<1x16xf32>,
        %get3A_162 = vector.shape_cast %get3A_161 : vector<1x16xf32> to vector<16xf32>
        %mul3A_163 = arith.mulf %get3A_162, %gather3A_85 : vector<16xf32>
        %swap3A_164 = arith.index_cast %add3A_89 : i32 to index
        %swap3A_165 = arith.constant 112 : index
        %swap3A_166 = tpu.vector_load %arg10[%swap3A_164, %swap3A_165] {strides = array<i32>} : memref<128x128xf32, #tpu.memory_space<vmem>>, vector<1x16xf32>,
        %swap3A_167 = vector.shape_cast %swap3A_166 : vector<1x16xf32> to vector<16xf32>
        %swap3A_168 = vector.shape_cast %mul3A_163 : vector<16xf32> to vector<1x16xf32>
        tpu.vector_store %arg10[%swap3A_164, %swap3A_165], %swap3A_168 {strides = array<i32>} : memref<128x128xf32, #tpu.memory_space<vmem>>, vector<1x16xf32>,
        %broadcast_in_dim3A_169 = arith.constant 1 : i32
        %broadcast_in_dim3A_170 = vector.broadcast %broadcast_in_dim3A_169 : i32 to vector<16x1xi32>
        %gather3A_171 = vector.shape_cast %broadcast_in_dim3A_170 : vector<16x1xi32> to vector<16xi32>
        %gather3A_172 = tpu.dynamic_gather %get3A_82[%gather3A_171] in [0] : vector<16xf32>, vector<16xi32> -> vector<16xf32>
        %mul3A_173 = arith.constant 16 : i32
        %mul3A_174 = arith.muli %scan3A_76, %mul3A_173 : i32
        %add3A_175 = arith.constant 1 : i32
        %add3A_176 = arith.addi %mul3A_174, %add3A_175 : i32
        %get3A_177 = arith.index_cast %add3A_176 : i32 to index
        %get3A_178 = arith.constant 0 : index
        %get3A_179 = tpu.vector_load %arg10[%get3A_177, %get3A_178] {strides = array<i32>} : memref<128x128xf32, #tpu.memory_space<vmem>>, vector<1x16xf32>,
        %get3A_180 = vector.shape_cast %get3A_179 : vector<1x16xf32> to vector<16xf32>
        %mul3A_181 = arith.mulf %get3A_180, %gather3A_172 : vector<16xf32>
        %swap3A_182 = arith.index_cast %add3A_176 : i32 to index
        %swap3A_183 = arith.constant 0 : index
        %swap3A_184 = tpu.vector_load %arg10[%swap3A_182, %swap3A_183] {strides = array<i32>} : memref<128x128xf32, #tpu.memory_space<vmem>>, vector<1x16xf32>,
        %swap3A_185 = vector.shape_cast %swap3A_184 : vector<1x16xf32> to vector<16xf32>
        %swap3A_186 = vector.shape_cast %mul3A_181 : vector<16xf32> to vector<1x16xf32>
        tpu.vector_store %arg10[%swap3A_182, %swap3A_183], %swap3A_186 {strides = array<i32>} : memref<128x128xf32, #tpu.memory_space<vmem>>, vector<1x16xf32>,
        %get3A_187 = arith.index_cast %add3A_176 : i32 to index
        %get3A_188 = arith.constant 16 : index
        %get3A_189 = tpu.vector_load %arg10[%get3A_187, %get3A_188] {strides = array<i32>} : memref<128x128xf32, #tpu.memory_space<vmem>>, vector<1x16xf32>,
        %get3A_190 = vector.shape_cast %get3A_189 : vector<1x16xf32> to vector<16xf32>
        %mul3A_191 = arith.mulf %get3A_190, %gather3A_172 : vector<16xf32>
        %swap3A_192 = arith.index_cast %add3A_176 : i32 to index
        %swap3A_193 = arith.constant 16 : index
        %swap3A_194 = tpu.vector_load %arg10[%swap3A_192, %swap3A_193] {strides = array<i32>} : memref<128x128xf32, #tpu.memory_space<vmem>>, vector<1x16xf32>,
        %swap3A_195 = vector.shape_cast %swap3A_194 : vector<1x16xf32> to vector<16xf32>
        %swap3A_196 = vector.shape_cast %mul3A_191 : vector<16xf32> to vector<1x16xf32>
        tpu.vector_store %arg10[%swap3A_192, %swap3A_193], %swap3A_196 {strides = array<i32>} : memref<128x128xf32, #tpu.memory_space<vmem>>, vector<1x16xf32>,
        %get3A_197 = arith.index_cast %add3A_176 : i32 to index
        %get3A_198 = arith.constant 32 : index
        %get3A_199 = tpu.vector_load %arg10[%get3A_197, %get3A_198] {strides = array<i32>} : memref<128x128xf32, #tpu.memory_space<vmem>>, vector<1x16xf32>,
        %get3A_200 = vector.shape_cast %get3A_199 : vector<1x16xf32> to vector<16xf32>
        %mul3A_201 = arith.mulf %get3A_200, %gather3A_172 : vector<16xf32>
        %swap3A_202 = arith.index_cast %add3A_176 : i32 to index
        %swap3A_203 = arith.constant 32 : index
        %swap3A_204 = tpu.vector_load %arg10[%swap3A_202, %swap3A_203] {strides = array<i32>} : memref<128x128xf32, #tpu.memory_space<vmem>>, vector<1x16xf32>,
        %swap3A_205 = vector.shape_cast %swap3A_204 : vector<1x16xf32> to vector<16xf32>
        %swap3A_206 = vector.shape_cast %mul3A_201 : vector<16xf32> to vector<1x16xf32>
        tpu.vector_store %arg10[%swap3A_202, %swap3A_203], %swap3A_206 {strides = array<i32>} : memref<128x128xf32, #tpu.memory_space<vmem>>, vector<1x16xf32>,
        %get3A_207 = arith.index_cast %add3A_176 : i32 to index
        %get3A_208 = arith.constant 48 : index
        %get3A_209 = tpu.vector_load %arg10[%get3A_207, %get3A_208] {strides = array<i32>} : memref<128x128xf32, #tpu.memory_space<vmem>>, vector<1x16xf32>,
        %get3A_210 = vector.shape_cast %get3A_209 : vector<1x16xf32> to vector<16xf32>
        %mul3A_211 = arith.mulf %get3A_210, %gather3A_172 : vector<16xf32>
        %swap3A_212 = arith.index_cast %add3A_176 : i32 to index
        %swap3A_213 = arith.constant 48 : index
        %swap3A_214 = tpu.vector_load %arg10[%swap3A_212, %swap3A_213] {strides = array<i32>} : memref<128x128xf32, #tpu.memory_space<vmem>>, vector<1x16xf32>,
        %swap3A_215 = vector.shape_cast %swap3A_214 : vector<1x16xf32> to vector<16xf32>
        %swap3A_216 = vector.shape_cast %mul3A_211 : vector<16xf32> to vector<1x16xf32>
        tpu.vector_store %arg10[%swap3A_212, %swap3A_213], %swap3A_216 {strides = array<i32>} : memref<128x128xf32, #tpu.memory_space<vmem>>, vector<1x16xf32>,
        %get3A_217 = arith.index_cast %add3A_176 : i32 to index
        %get3A_218 = arith.constant 64 : index
        %get3A_219 = tpu.vector_load %arg10[%get3A_217, %get3A_218] {strides = array<i32>} : memref<128x128xf32, #tpu.memory_space<vmem>>, vector<1x16xf32>,
        %get3A_220 = vector.shape_cast %get3A_219 : vector<1x16xf32> to vector<16xf32>
        %mul3A_221 = arith.mulf %get3A_220, %gather3A_172 : vector<16xf32>
        %swap3A_222 = arith.index_cast %add3A_176 : i32 to index
        %swap3A_223 = arith.constant 64 : index
        %swap3A_224 = tpu.vector_load %arg10[%swap3A_222, %swap3A_223] {strides = array<i32>} : memref<128x128xf32, #tpu.memory_space<vmem>>, vector<1x16xf32>,
        %swap3A_225 = vector.shape_cast %swap3A_224 : vector<1x16xf32> to vector<16xf32>
        %swap3A_226 = vector.shape_cast %mul3A_221 : vector<16xf32> to vector<1x16xf32>
        tpu.vector_store %arg10[%swap3A_222, %swap3A_223], %swap3A_226 {strides = array<i32>} : memref<128x128xf32, #tpu.memory_space<vmem>>, vector<1x16xf32>,
        %get3A_227 = arith.index_cast %add3A_176 : i32 to index
        %get3A_228 = arith.constant 80 : index
        %get3A_229 = tpu.vector_load %arg10[%get3A_227, %get3A_228] {strides = array<i32>} : memref<128x128xf32, #tpu.memory_space<vmem>>, vector<1x16xf32>,
        %get3A_230 = vector.shape_cast %get3A_229 : vector<1x16xf32> to vector<16xf32>
        %mul3A_231 = arith.mulf %get3A_230, %gather3A_172 : vector<16xf32>
        %swap3A_232 = arith.index_cast %add3A_176 : i32 to index
        %swap3A_233 = arith.constant 80 : index
        %swap3A_234 = tpu.vector_load %arg10[%swap3A_232, %swap3A_233] {strides = array<i32>} : memref<128x128xf32, #tpu.memory_space<vmem>>, vector<1x16xf32>,
        %swap3A_235 = vector.shape_cast %swap3A_234 : vector<1x16xf32> to vector<16xf32>
        %swap3A_236 = vector.shape_cast %mul3A_231 : vector<16xf32> to vector<1x16xf32>
        tpu.vector_store %arg10[%swap3A_232, %swap3A_233], %swap3A_236 {strides = array<i32>} : memref<128x128xf32, #tpu.memory_space<vmem>>, vector<1x16xf32>,
        %get3A_237 = arith.index_cast %add3A_176 : i32 to index
        %get3A_238 = arith.constant 96 : index
        %get3A_239 = tpu.vector_load %arg10[%get3A_237, %get3A_238] {strides = array<i32>} : memref<128x128xf32, #tpu.memory_space<vmem>>, vector<1x16xf32>,
        %get3A_240 = vector.shape_cast %get3A_239 : vector<1x16xf32> to vector<16xf32>
        %mul3A_241 = arith.mulf %get3A_240, %gather3A_172 : vector<16xf32>
        %swap3A_242 = arith.index_cast %add3A_176 : i32 to index
        %swap3A_243 = arith.constant 96 : index
        %swap3A_244 = tpu.vector_load %arg10[%swap3A_242, %swap3A_243] {strides = array<i32>} : memref<128x128xf32, #tpu.memory_space<vmem>>, vector<1x16xf32>,
        %swap3A_245 = vector.shape_cast %swap3A_244 : vector<1x16xf32> to vector<16xf32>
        %swap3A_246 = vector.shape_cast %mul3A_241 : vector<16xf32> to vector<1x16xf32>
        tpu.vector_store %arg10[%swap3A_242, %swap3A_243], %swap3A_246 {strides = array<i32>} : memref<128x128xf32, #tpu.memory_space<vmem>>, vector<1x16xf32>,
        %get3A_247 = arith.index_cast %add3A_176 : i32 to index
        %get3A_248 = arith.constant 112 : index
        %get3A_249 = tpu.vector_load %arg10[%get3A_247, %get3A_248] {strides = array<i32>} : memref<128x128xf32, #tpu.memory_space<vmem>>, vector<1x16xf32>,
        %get3A_250 = vector.shape_cast %get3A_249 : vector<1x16xf32> to vector<16xf32>
        %mul3A_251 = arith.mulf %get3A_250, %gather3A_172 : vector<16xf32>
        %swap3A_252 = arith.index_cast %add3A_176 : i32 to index
        %swap3A_253 = arith.constant 112 : index
        %swap3A_254 = tpu.vector_load %arg10[%swap3A_252, %swap3A_253] {strides = array<i32>} : memref<128x128xf32, #tpu.memory_space<vmem>>, vector<1x16xf32>,
        %swap3A_255 = vector.shape_cast %swap3A_254 : vector<1x16xf32> to vector<16xf32>
        %swap3A_256 = vector.shape_cast %mul3A_251 : vector<16xf32> to vector<1x16xf32>
        tpu.vector_store %arg10[%swap3A_252, %swap3A_253], %swap3A_256 {strides = array<i32>} : memref<128x128xf32, #tpu.memory_space<vmem>>, vector<1x16xf32>,
        %broadcast_in_dim3A_257 = arith.constant 2 : i32
        %broadcast_in_dim3A_258 = vector.broadcast %broadcast_in_dim3A_257 : i32 to vector<16x1xi32>
        %gather3A_259 = vector.shape_cast %broadcast_in_dim3A_258 : vector<16x1xi32> to vector<16xi32>
        %gather3A_260 = tpu.dynamic_gather %get3A_82[%gather3A_259] in [0] : vector<16xf32>, vector<16xi32> -> vector<16xf32>
        %mul3A_261 = arith.constant 16 : i32
        %mul3A_262 = arith.muli %scan3A_76, %mul3A_261 : i32
        %add3A_263 = arith.constant 2 : i32
        %add3A_264 = arith.addi %mul3A_262, %add3A_263 : i32
        %get3A_265 = arith.index_cast %add3A_264 : i32 to index
        %get3A_266 = arith.constant 0 : index
        %get3A_267 = tpu.vector_load %arg10[%get3A_265, %get3A_266] {strides = array<i32>} : memref<128x128xf32, #tpu.memory_space<vmem>>, vector<1x16xf32>,
        %get3A_268 = vector.shape_cast %get3A_267 : vector<1x16xf32> to vector<16xf32>
        %mul3A_269 = arith.mulf %get3A_268, %gather3A_260 : vector<16xf32>
        %swap3A_270 = arith.index_cast %add3A_264 : i32 to index
        %swap3A_271 = arith.constant 0 : index
        %swap3A_272 = tpu.vector_load %arg10[%swap3A_270, %swap3A_271] {strides = array<i32>} : memref<128x128xf32, #tpu.memory_space<vmem>>, vector<1x16xf32>,
        %swap3A_273 = vector.shape_cast %swap3A_272 : vector<1x16xf32> to vector<16xf32>
        %swap3A_274 = vector.shape_cast %mul3A_269 : vector<16xf32> to vector<1x16xf32>
        tpu.vector_store %arg10[%swap3A_270, %swap3A_271], %swap3A_274 {strides = array<i32>} : memref<128x128xf32, #tpu.memory_space<vmem>>, vector<1x16xf32>,
        %get3A_275 = arith.index_cast %add3A_264 : i32 to index
        %get3A_276 = arith.constant 16 : index
        %get3A_277 = tpu.vector_load %arg10[%get3A_275, %get3A_276] {strides = array<i32>} : memref<128x128xf32, #tpu.memory_space<vmem>>, vector<1x16xf32>,
        %get3A_278 = vector.shape_cast %get3A_277 : vector<1x16xf32> to vector<16xf32>
        %mul3A_279 = arith.mulf %get3A_278, %gather3A_260 : vector<16xf32>
        %swap3A_280 = arith.index_cast %add3A_264 : i32 to index
        %swap3A_281 = arith.constant 16 : index
        %swap3A_282 = tpu.vector_load %arg10[%swap3A_280, %swap3A_281] {strides = array<i32>} : memref<128x128xf32, #tpu.memory_space<vmem>>, vector<1x16xf32>,
        %swap3A_283 = vector.shape_cast %swap3A_282 : vector<1x16xf32> to vector<16xf32>
        %swap3A_284 = vector.shape_cast %mul3A_279 : vector<16xf32> to vector<1x16xf32>
        tpu.vector_store %arg10[%swap3A_280, %swap3A_281], %swap3A_284 {strides = array<i32>} : memref<128x128xf32, #tpu.memory_space<vmem>>, vector<1x16xf32>,
        %get3A_285 = arith.index_cast %add3A_264 : i32 to index
        %get3A_286 = arith.constant 32 : index
        %get3A_287 = tpu.vector_load %arg10[%get3A_285, %get3A_286] {strides = array<i32>} : memref<128x128xf32, #tpu.memory_space<vmem>>, vector<1x16xf32>,
        %get3A_288 = vector.shape_cast %get3A_287 : vector<1x16xf32> to vector<16xf32>
        %mul3A_289 = arith.mulf %get3A_288, %gather3A_260 : vector<16xf32>
        %swap3A_290 = arith.index_cast %add3A_264 : i32 to index
        %swap3A_291 = arith.constant 32 : index
        %swap3A_292 = tpu.vector_load %arg10[%swap3A_290, %swap3A_291] {strides = array<i32>} : memref<128x128xf32, #tpu.memory_space<vmem>>, vector<1x16xf32>,
        %swap3A_293 = vector.shape_cast %swap3A_292 : vector<1x16xf32> to vector<16xf32>
        %swap3A_294 = vector.shape_cast %mul3A_289 : vector<16xf32> to vector<1x16xf32>
        tpu.vector_store %arg10[%swap3A_290, %swap3A_291], %swap3A_294 {strides = array<i32>} : memref<128x128xf32, #tpu.memory_space<vmem>>, vector<1x16xf32>,
        %get3A_295 = arith.index_cast %add3A_264 : i32 to index
        %get3A_296 = arith.constant 48 : index
        %get3A_297 = tpu.vector_load %arg10[%get3A_295, %get3A_296] {strides = array<i32>} : memref<128x128xf32, #tpu.memory_space<vmem>>, vector<1x16xf32>,
        %get3A_298 = vector.shape_cast %get3A_297 : vector<1x16xf32> to vector<16xf32>
        %mul3A_299 = arith.mulf %get3A_298, %gather3A_260 : vector<16xf32>
        %swap3A_300 = arith.index_cast %add3A_264 : i32 to index
        %swap3A_301 = arith.constant 48 : index
        %swap3A_302 = tpu.vector_load %arg10[%swap3A_300, %swap3A_301] {strides = array<i32>} : memref<128x128xf32, #tpu.memory_space<vmem>>, vector<1x16xf32>,
        %swap3A_303 = vector.shape_cast %swap3A_302 : vector<1x16xf32> to vector<16xf32>
        %swap3A_304 = vector.shape_cast %mul3A_299 : vector<16xf32> to vector<1x16xf32>
        tpu.vector_store %arg10[%swap3A_300, %swap3A_301], %swap3A_304 {strides = array<i32>} : memref<128x128xf32, #tpu.memory_space<vmem>>, vector<1x16xf32>,
        %get3A_305 = arith.index_cast %add3A_264 : i32 to index
        %get3A_306 = arith.constant 64 : index
        %get3A_307 = tpu.vector_load %arg10[%get3A_305, %get3A_306] {strides = array<i32>} : memref<128x128xf32, #tpu.memory_space<vmem>>, vector<1x16xf32>,
        %get3A_308 = vector.shape_cast %get3A_307 : vector<1x16xf32> to vector<16xf32>
        %mul3A_309 = arith.mulf %get3A_308, %gather3A_260 : vector<16xf32>
        %swap3A_310 = arith.index_cast %add3A_264 : i32 to index
        %swap3A_311 = arith.constant 64 : index
        %swap3A_312 = tpu.vector_load %arg10[%swap3A_310, %swap3A_311] {strides = array<i32>} : memref<128x128xf32, #tpu.memory_space<vmem>>, vector<1x16xf32>,
        %swap3A_313 = vector.shape_cast %swap3A_312 : vector<1x16xf32> to vector<16xf32>
        %swap3A_314 = vector.shape_cast %mul3A_309 : vector<16xf32> to vector<1x16xf32>
        tpu.vector_store %arg10[%swap3A_310, %swap3A_311], %swap3A_314 {strides = array<i32>} : memref<128x128xf32, #tpu.memory_space<vmem>>, vector<1x16xf32>,
        %get3A_315 = arith.index_cast %add3A_264 : i32 to index
        %get3A_316 = arith.constant 80 : index
        %get3A_317 = tpu.vector_load %arg10[%get3A_315, %get3A_316] {strides = array<i32>} : memref<128x128xf32, #tpu.memory_space<vmem>>, vector<1x16xf32>,
        %get3A_318 = vector.shape_cast %get3A_317 : vector<1x16xf32> to vector<16xf32>
        %mul3A_319 = arith.mulf %get3A_318, %gather3A_260 : vector<16xf32>
        %swap3A_320 = arith.index_cast %add3A_264 : i32 to index
        %swap3A_321 = arith.constant 80 : index
        %swap3A_322 = tpu.vector_load %arg10[%swap3A_320, %swap3A_321] {strides = array<i32>} : memref<128x128xf32, #tpu.memory_space<vmem>>, vector<1x16xf32>,
        %swap3A_323 = vector.shape_cast %swap3A_322 : vector<1x16xf32> to vector<16xf32>
        %swap3A_324 = vector.shape_cast %mul3A_319 : vector<16xf32> to vector<1x16xf32>
        tpu.vector_store %arg10[%swap3A_320, %swap3A_321], %swap3A_324 {strides = array<i32>} : memref<128x128xf32, #tpu.memory_space<vmem>>, vector<1x16xf32>,
        %get3A_325 = arith.index_cast %add3A_264 : i32 to index
        %get3A_326 = arith.constant 96 : index
        %get3A_327 = tpu.vector_load %arg10[%get3A_325, %get3A_326] {strides = array<i32>} : memref<128x128xf32, #tpu.memory_space<vmem>>, vector<1x16xf32>,
        %get3A_328 = vector.shape_cast %get3A_327 : vector<1x16xf32> to vector<16xf32>
        %mul3A_329 = arith.mulf %get3A_328, %gather3A_260 : vector<16xf32>
        %swap3A_330 = arith.index_cast %add3A_264 : i32 to index
        %swap3A_331 = arith.constant 96 : index
        %swap3A_332 = tpu.vector_load %arg10[%swap3A_330, %swap3A_331] {strides = array<i32>} : memref<128x128xf32, #tpu.memory_space<vmem>>, vector<1x16xf32>,
        %swap3A_333 = vector.shape_cast %swap3A_332 : vector<1x16xf32> to vector<16xf32>
        %swap3A_334 = vector.shape_cast %mul3A_329 : vector<16xf32> to vector<1x16xf32>
        tpu.vector_store %arg10[%swap3A_330, %swap3A_331], %swap3A_334 {strides = array<i32>} : memref<128x128xf32, #tpu.memory_space<vmem>>, vector<1x16xf32>,
        %get3A_335 = arith.index_cast %add3A_264 : i32 to index
        %get3A_336 = arith.constant 112 : index
        %get3A_337 = tpu.vector_load %arg10[%get3A_335, %get3A_336] {strides = array<i32>} : memref<128x128xf32, #tpu.memory_space<vmem>>, vector<1x16xf32>,
        %get3A_338 = vector.shape_cast %get3A_337 : vector<1x16xf32> to vector<16xf32>
        %mul3A_339 = arith.mulf %get3A_338, %gather3A_260 : vector<16xf32>
        %swap3A_340 = arith.index_cast %add3A_264 : i32 to index
        %swap3A_341 = arith.constant 112 : index
        %swap3A_342 = tpu.vector_load %arg10[%swap3A_340, %swap3A_341] {strides = array<i32>} : memref<128x128xf32, #tpu.memory_space<vmem>>, vector<1x16xf32>,
        %swap3A_343 = vector.shape_cast %swap3A_342 : vector<1x16xf32> to vector<16xf32>
        %swap3A_344 = vector.shape_cast %mul3A_339 : vector<16xf32> to vector<1x16xf32>
        tpu.vector_store %arg10[%swap3A_340, %swap3A_341], %swap3A_344 {strides = array<i32>} : memref<128x128xf32, #tpu.memory_space<vmem>>, vector<1x16xf32>,
        %broadcast_in_dim3A_345 = arith.constant 3 : i32
        %broadcast_in_dim3A_346 = vector.broadcast %broadcast_in_dim3A_345 : i32 to vector<16x1xi32>
        %gather3A_347 = vector.shape_cast %broadcast_in_dim3A_346 : vector<16x1xi32> to vector<16xi32>
        %gather3A_348 = tpu.dynamic_gather %get3A_82[%gather3A_347] in [0] : vector<16xf32>, vector<16xi32> -> vector<16xf32>
        %mul3A_349 = arith.constant 16 : i32
        %mul3A_350 = arith.muli %scan3A_76, %mul3A_349 : i32
        %add3A_351 = arith.constant 3 : i32
        %add3A_352 = arith.addi %mul3A_350, %add3A_351 : i32
        %get3A_353 = arith.index_cast %add3A_352 : i32 to index
        %get3A_354 = arith.constant 0 : index
        %get3A_355 = tpu.vector_load %arg10[%get3A_353, %get3A_354] {strides = array<i32>} : memref<128x128xf32, #tpu.memory_space<vmem>>, vector<1x16xf32>,
        %get3A_356 = vector.shape_cast %get3A_355 : vector<1x16xf32> to vector<16xf32>
        %mul3A_357 = arith.mulf %get3A_356, %gather3A_348 : vector<16xf32>
        %swap3A_358 = arith.index_cast %add3A_352 : i32 to index
        %swap3A_359 = arith.constant 0 : index
        %swap3A_360 = tpu.vector_load %arg10[%swap3A_358, %swap3A_359] {strides = array<i32>} : memref<128x128xf32, #tpu.memory_space<vmem>>, vector<1x16xf32>,
        %swap3A_361 = vector.shape_cast %swap3A_360 : vector<1x16xf32> to vector<16xf32>
        %swap3A_362 = vector.shape_cast %mul3A_357 : vector<16xf32> to vector<1x16xf32>
        tpu.vector_store %arg10[%swap3A_358, %swap3A_359], %swap3A_362 {strides = array<i32>} : memref<128x128xf32, #tpu.memory_space<vmem>>, vector<1x16xf32>,
        %get3A_363 = arith.index_cast %add3A_352 : i32 to index
        %get3A_364 = arith.constant 16 : index
        %get3A_365 = tpu.vector_load %arg10[%get3A_363, %get3A_364] {strides = array<i32>} : memref<128x128xf32, #tpu.memory_space<vmem>>, vector<1x16xf32>,
        %get3A_366 = vector.shape_cast %get3A_365 : vector<1x16xf32> to vector<16xf32>
        %mul3A_367 = arith.mulf %get3A_366, %gather3A_348 : vector<16xf32>
        %swap3A_368 = arith.index_cast %add3A_352 : i32 to index
        %swap3A_369 = arith.constant 16 : index
        %swap3A_370 = tpu.vector_load %arg10[%swap3A_368, %swap3A_369] {strides = array<i32>} : memref<128x128xf32, #tpu.memory_space<vmem>>, vector<1x16xf32>,
        %swap3A_371 = vector.shape_cast %swap3A_370 : vector<1x16xf32> to vector<16xf32>
        %swap3A_372 = vector.shape_cast %mul3A_367 : vector<16xf32> to vector<1x16xf32>
        tpu.vector_store %arg10[%swap3A_368, %swap3A_369], %swap3A_372 {strides = array<i32>} : memref<128x128xf32, #tpu.memory_space<vmem>>, vector<1x16xf32>,
        %get3A_373 = arith.index_cast %add3A_352 : i32 to index
        %get3A_374 = arith.constant 32 : index
        %get3A_375 = tpu.vector_load %arg10[%get3A_373, %get3A_374] {strides = array<i32>} : memref<128x128xf32, #tpu.memory_space<vmem>>, vector<1x16xf32>,
        %get3A_376 = vector.shape_cast %get3A_375 : vector<1x16xf32> to vector<16xf32>
        %mul3A_377 = arith.mulf %get3A_376, %gather3A_348 : vector<16xf32>
        %swap3A_378 = arith.index_cast %add3A_352 : i32 to index
        %swap3A_379 = arith.constant 32 : index
        %swap3A_380 = tpu.vector_load %arg10[%swap3A_378, %swap3A_379] {strides = array<i32>} : memref<128x128xf32, #tpu.memory_space<vmem>>, vector<1x16xf32>,
        %swap3A_381 = vector.shape_cast %swap3A_380 : vector<1x16xf32> to vector<16xf32>
        %swap3A_382 = vector.shape_cast %mul3A_377 : vector<16xf32> to vector<1x16xf32>
        tpu.vector_store %arg10[%swap3A_378, %swap3A_379], %swap3A_382 {strides = array<i32>} : memref<128x128xf32, #tpu.memory_space<vmem>>, vector<1x16xf32>,
        %get3A_383 = arith.index_cast %add3A_352 : i32 to index
        %get3A_384 = arith.constant 48 : index
        %get3A_385 = tpu.vector_load %arg10[%get3A_383, %get3A_384] {strides = array<i32>} : memref<128x128xf32, #tpu.memory_space<vmem>>, vector<1x16xf32>,
        %get3A_386 = vector.shape_cast %get3A_385 : vector<1x16xf32> to vector<16xf32>
        %mul3A_387 = arith.mulf %get3A_386, %gather3A_348 : vector<16xf32>
        %swap3A_388 = arith.index_cast %add3A_352 : i32 to index
        %swap3A_389 = arith.constant 48 : index
        %swap3A_390 = tpu.vector_load %arg10[%swap3A_388, %swap3A_389] {strides = array<i32>} : memref<128x128xf32, #tpu.memory_space<vmem>>, vector<1x16xf32>,
        %swap3A_391 = vector.shape_cast %swap3A_390 : vector<1x16xf32> to vector<16xf32>
        %swap3A_392 = vector.shape_cast %mul3A_387 : vector<16xf32> to vector<1x16xf32>
        tpu.vector_store %arg10[%swap3A_388, %swap3A_389], %swap3A_392 {strides = array<i32>} : memref<128x128xf32, #tpu.memory_space<vmem>>, vector<1x16xf32>,
        %get3A_393 = arith.index_cast %add3A_352 : i32 to index
        %get3A_394 = arith.constant 64 : index
        %get3A_395 = tpu.vector_load %arg10[%get3A_393, %get3A_394] {strides = array<i32>} : memref<128x128xf32, #tpu.memory_space<vmem>>, vector<1x16xf32>,
        %get3A_396 = vector.shape_cast %get3A_395 : vector<1x16xf32> to vector<16xf32>
        %mul3A_397 = arith.mulf %get3A_396, %gather3A_348 : vector<16xf32>
        %swap3A_398 = arith.index_cast %add3A_352 : i32 to index
        %swap3A_399 = arith.constant 64 : index
        %swap3A_400 = tpu.vector_load %arg10[%swap3A_398, %swap3A_399] {strides = array<i32>} : memref<128x128xf32, #tpu.memory_space<vmem>>, vector<1x16xf32>,
        %swap3A_401 = vector.shape_cast %swap3A_400 : vector<1x16xf32> to vector<16xf32>
        %swap3A_402 = vector.shape_cast %mul3A_397 : vector<16xf32> to vector<1x16xf32>
        tpu.vector_store %arg10[%swap3A_398, %swap3A_399], %swap3A_402 {strides = array<i32>} : memref<128x128xf32, #tpu.memory_space<vmem>>, vector<1x16xf32>,
        %get3A_403 = arith.index_cast %add3A_352 : i32 to index
        %get3A_404 = arith.constant 80 : index
        %get3A_405 = tpu.vector_load %arg10[%get3A_403, %get3A_404] {strides = array<i32>} : memref<128x128xf32, #tpu.memory_space<vmem>>, vector<1x16xf32>,
        %get3A_406 = vector.shape_cast %get3A_405 : vector<1x16xf32> to vector<16xf32>
        %mul3A_407 = arith.mulf %get3A_406, %gather3A_348 : vector<16xf32>
        %swap3A_408 = arith.index_cast %add3A_352 : i32 to index
        %swap3A_409 = arith.constant 80 : index
        %swap3A_410 = tpu.vector_load %arg10[%swap3A_408, %swap3A_409] {strides = array<i32>} : memref<128x128xf32, #tpu.memory_space<vmem>>, vector<1x16xf32>,
        %swap3A_411 = vector.shape_cast %swap3A_410 : vector<1x16xf32> to vector<16xf32>
        %swap3A_412 = vector.shape_cast %mul3A_407 : vector<16xf32> to vector<1x16xf32>
        tpu.vector_store %arg10[%swap3A_408, %swap3A_409], %swap3A_412 {strides = array<i32>} : memref<128x128xf32, #tpu.memory_space<vmem>>, vector<1x16xf32>,
        %get3A_413 = arith.index_cast %add3A_352 : i32 to index
        %get3A_414 = arith.constant 96 : index
        %get3A_415 = tpu.vector_load %arg10[%get3A_413, %get3A_414] {strides = array<i32>} : memref<128x128xf32, #tpu.memory_space<vmem>>, vector<1x16xf32>,
        %get3A_416 = vector.shape_cast %get3A_415 : vector<1x16xf32> to vector<16xf32>
        %mul3A_417 = arith.mulf %get3A_416, %gather3A_348 : vector<16xf32>
        %swap3A_418 = arith.index_cast %add3A_352 : i32 to index
        %swap3A_419 = arith.constant 96 : index
        %swap3A_420 = tpu.vector_load %arg10[%swap3A_418, %swap3A_419] {strides = array<i32>} : memref<128x128xf32, #tpu.memory_space<vmem>>, vector<1x16xf32>,
        %swap3A_421 = vector.shape_cast %swap3A_420 : vector<1x16xf32> to vector<16xf32>
        %swap3A_422 = vector.shape_cast %mul3A_417 : vector<16xf32> to vector<1x16xf32>
        tpu.vector_store %arg10[%swap3A_418, %swap3A_419], %swap3A_422 {strides = array<i32>} : memref<128x128xf32, #tpu.memory_space<vmem>>, vector<1x16xf32>,
        %get3A_423 = arith.index_cast %add3A_352 : i32 to index
        %get3A_424 = arith.constant 112 : index
        %get3A_425 = tpu.vector_load %arg10[%get3A_423, %get3A_424] {strides = array<i32>} : memref<128x128xf32, #tpu.memory_space<vmem>>, vector<1x16xf32>,
        %get3A_426 = vector.shape_cast %get3A_425 : vector<1x16xf32> to vector<16xf32>
        %mul3A_427 = arith.mulf %get3A_426, %gather3A_348 : vector<16xf32>
        %swap3A_428 = arith.index_cast %add3A_352 : i32 to index
        %swap3A_429 = arith.constant 112 : index
        %swap3A_430 = tpu.vector_load %arg10[%swap3A_428, %swap3A_429] {strides = array<i32>} : memref<128x128xf32, #tpu.memory_space<vmem>>, vector<1x16xf32>,
        %swap3A_431 = vector.shape_cast %swap3A_430 : vector<1x16xf32> to vector<16xf32>
        %swap3A_432 = vector.shape_cast %mul3A_427 : vector<16xf32> to vector<1x16xf32>
        tpu.vector_store %arg10[%swap3A_428, %swap3A_429], %swap3A_432 {strides = array<i32>} : memref<128x128xf32, #tpu.memory_space<vmem>>, vector<1x16xf32>,
        %broadcast_in_dim3A_433 = arith.constant 4 : i32
        %broadcast_in_dim3A_434 = vector.broadcast %broadcast_in_dim3A_433 : i32 to vector<16x1xi32>
        %gather3A_435 = vector.shape_cast %broadcast_in_dim3A_434 : vector<16x1xi32> to vector<16xi32>
        %gather3A_436 = tpu.dynamic_gather %get3A_82[%gather3A_435] in [0] : vector<16xf32>, vector<16xi32> -> vector<16xf32>
        %mul3A_437 = arith.constant 16 : i32
        %mul3A_438 = arith.muli %scan3A_76, %mul3A_437 : i32
        %add3A_439 = arith.constant 4 : i32
        %add3A_440 = arith.addi %mul3A_438, %add3A_439 : i32
        %get3A_441 = arith.index_cast %add3A_440 : i32 to index
        %get3A_442 = arith.constant 0 : index
        %get3A_443 = tpu.vector_load %arg10[%get3A_441, %get3A_442] {strides = array<i32>} : memref<128x128xf32, #tpu.memory_space<vmem>>, vector<1x16xf32>,
        %get3A_444 = vector.shape_cast %get3A_443 : vector<1x16xf32> to vector<16xf32>
        %mul3A_445 = arith.mulf %get3A_444, %gather3A_436 : vector<16xf32>
        %swap3A_446 = arith.index_cast %add3A_440 : i32 to index
        %swap3A_447 = arith.constant 0 : index
        %swap3A_448 = tpu.vector_load %arg10[%swap3A_446, %swap3A_447] {strides = array<i32>} : memref<128x128xf32, #tpu.memory_space<vmem>>, vector<1x16xf32>,
        %swap3A_449 = vector.shape_cast %swap3A_448 : vector<1x16xf32> to vector<16xf32>
        %swap3A_450 = vector.shape_cast %mul3A_445 : vector<16xf32> to vector<1x16xf32>
        tpu.vector_store %arg10[%swap3A_446, %swap3A_447], %swap3A_450 {strides = array<i32>} : memref<128x128xf32, #tpu.memory_space<vmem>>, vector<1x16xf32>,
        %get3A_451 = arith.index_cast %add3A_440 : i32 to index
        %get3A_452 = arith.constant 16 : index
        %get3A_453 = tpu.vector_load %arg10[%get3A_451, %get3A_452] {strides = array<i32>} : memref<128x128xf32, #tpu.memory_space<vmem>>, vector<1x16xf32>,
        %get3A_454 = vector.shape_cast %get3A_453 : vector<1x16xf32> to vector<16xf32>
        %mul3A_455 = arith.mulf %get3A_454, %gather3A_436 : vector<16xf32>
        %swap3A_456 = arith.index_cast %add3A_440 : i32 to index
        %swap3A_457 = arith.constant 16 : index
        %swap3A_458 = tpu.vector_load %arg10[%swap3A_456, %swap3A_457] {strides = array<i32>} : memref<128x128xf32, #tpu.memory_space<vmem>>, vector<1x16xf32>,
        %swap3A_459 = vector.shape_cast %swap3A_458 : vector<1x16xf32> to vector<16xf32>
        %swap3A_460 = vector.shape_cast %mul3A_455 : vector<16xf32> to vector<1x16xf32>
        tpu.vector_store %arg10[%swap3A_456, %swap3A_457], %swap3A_460 {strides = array<i32>} : memref<128x128xf32, #tpu.memory_space<vmem>>, vector<1x16xf32>,
        %get3A_461 = arith.index_cast %add3A_440 : i32 to index
        %get3A_462 = arith.constant 32 : index
        %get3A_463 = tpu.vector_load %arg10[%get3A_461, %get3A_462] {strides = array<i32>} : memref<128x128xf32, #tpu.memory_space<vmem>>, vector<1x16xf32>,
        %get3A_464 = vector.shape_cast %get3A_463 : vector<1x16xf32> to vector<16xf32>
        %mul3A_465 = arith.mulf %get3A_464, %gather3A_436 : vector<16xf32>
        %swap3A_466 = arith.index_cast %add3A_440 : i32 to index
        %swap3A_467 = arith.constant 32 : index
        %swap3A_468 = tpu.vector_load %arg10[%swap3A_466, %swap3A_467] {strides = array<i32>} : memref<128x128xf32, #tpu.memory_space<vmem>>, vector<1x16xf32>,
        %swap3A_469 = vector.shape_cast %swap3A_468 : vector<1x16xf32> to vector<16xf32>
        %swap3A_470 = vector.shape_cast %mul3A_465 : vector<16xf32> to vector<1x16xf32>
        tpu.vector_store %arg10[%swap3A_466, %swap3A_467], %swap3A_470 {strides = array<i32>} : memref<128x128xf32, #tpu.memory_space<vmem>>, vector<1x16xf32>,
        %get3A_471 = arith.index_cast %add3A_440 : i32 to index
        %get3A_472 = arith.constant 48 : index
        %get3A_473 = tpu.vector_load %arg10[%get3A_471, %get3A_472] {strides = array<i32>} : memref<128x128xf32, #tpu.memory_space<vmem>>, vector<1x16xf32>,
        %get3A_474 = vector.shape_cast %get3A_473 : vector<1x16xf32> to vector<16xf32>
        %mul3A_475 = arith.mulf %get3A_474, %gather3A_436 : vector<16xf32>
        %swap3A_476 = arith.index_cast %add3A_440 : i32 to index
        %swap3A_477 = arith.constant 48 : index
        %swap3A_478 = tpu.vector_load %arg10[%swap3A_476, %swap3A_477] {strides = array<i32>} : memref<128x128xf32, #tpu.memory_space<vmem>>, vector<1x16xf32>,
        %swap3A_479 = vector.shape_cast %swap3A_478 : vector<1x16xf32> to vector<16xf32>
        %swap3A_480 = vector.shape_cast %mul3A_475 : vector<16xf32> to vector<1x16xf32>
        tpu.vector_store %arg10[%swap3A_476, %swap3A_477], %swap3A_480 {strides = array<i32>} : memref<128x128xf32, #tpu.memory_space<vmem>>, vector<1x16xf32>,
        %get3A_481 = arith.index_cast %add3A_440 : i32 to index
        %get3A_482 = arith.constant 64 : index
        %get3A_483 = tpu.vector_load %arg10[%get3A_481, %get3A_482] {strides = array<i32>} : memref<128x128xf32, #tpu.memory_space<vmem>>, vector<1x16xf32>,
        %get3A_484 = vector.shape_cast %get3A_483 : vector<1x16xf32> to vector<16xf32>
        %mul3A_485 = arith.mulf %get3A_484, %gather3A_436 : vector<16xf32>
        %swap3A_486 = arith.index_cast %add3A_440 : i32 to index
        %swap3A_487 = arith.constant 64 : index
        %swap3A_488 = tpu.vector_load %arg10[%swap3A_486, %swap3A_487] {strides = array<i32>} : memref<128x128xf32, #tpu.memory_space<vmem>>, vector<1x16xf32>,
        %swap3A_489 = vector.shape_cast %swap3A_488 : vector<1x16xf32> to vector<16xf32>
        %swap3A_490 = vector.shape_cast %mul3A_485 : vector<16xf32> to vector<1x16xf32>
        tpu.vector_store %arg10[%swap3A_486, %swap3A_487], %swap3A_490 {strides = array<i32>} : memref<128x128xf32, #tpu.memory_space<vmem>>, vector<1x16xf32>,
        %get3A_491 = arith.index_cast %add3A_440 : i32 to index
        %get3A_492 = arith.constant 80 : index
        %get3A_493 = tpu.vector_load %arg10[%get3A_491, %get3A_492] {strides = array<i32>} : memref<128x128xf32, #tpu.memory_space<vmem>>, vector<1x16xf32>,
        %get3A_494 = vector.shape_cast %get3A_493 : vector<1x16xf32> to vector<16xf32>
        %mul3A_495 = arith.mulf %get3A_494, %gather3A_436 : vector<16xf32>
        %swap3A_496 = arith.index_cast %add3A_440 : i32 to index
        %swap3A_497 = arith.constant 80 : index
        %swap3A_498 = tpu.vector_load %arg10[%swap3A_496, %swap3A_497] {strides = array<i32>} : memref<128x128xf32, #tpu.memory_space<vmem>>, vector<1x16xf32>,
        %swap3A_499 = vector.shape_cast %swap3A_498 : vector<1x16xf32> to vector<16xf32>
        %swap3A_500 = vector.shape_cast %mul3A_495 : vector<16xf32> to vector<1x16xf32>
        tpu.vector_store %arg10[%swap3A_496, %swap3A_497], %swap3A_500 {strides = array<i32>} : memref<128x128xf32, #tpu.memory_space<vmem>>, vector<1x16xf32>,
        %get3A_501 = arith.index_cast %add3A_440 : i32 to index
        %get3A_502 = arith.constant 96 : index
        %get3A_503 = tpu.vector_load %arg10[%get3A_501, %get3A_502] {strides = array<i32>} : memref<128x128xf32, #tpu.memory_space<vmem>>, vector<1x16xf32>,
        %get3A_504 = vector.shape_cast %get3A_503 : vector<1x16xf32> to vector<16xf32>
        %mul3A_505 = arith.mulf %get3A_504, %gather3A_436 : vector<16xf32>
        %swap3A_506 = arith.index_cast %add3A_440 : i32 to index
        %swap3A_507 = arith.constant 96 : index
        %swap3A_508 = tpu.vector_load %arg10[%swap3A_506, %swap3A_507] {strides = array<i32>} : memref<128x128xf32, #tpu.memory_space<vmem>>, vector<1x16xf32>,
        %swap3A_509 = vector.shape_cast %swap3A_508 : vector<1x16xf32> to vector<16xf32>
        %swap3A_510 = vector.shape_cast %mul3A_505 : vector<16xf32> to vector<1x16xf32>
        tpu.vector_store %arg10[%swap3A_506, %swap3A_507], %swap3A_510 {strides = array<i32>} : memref<128x128xf32, #tpu.memory_space<vmem>>, vector<1x16xf32>,
        %get3A_511 = arith.index_cast %add3A_440 : i32 to index
        %get3A_512 = arith.constant 112 : index
        %get3A_513 = tpu.vector_load %arg10[%get3A_511, %get3A_512] {strides = array<i32>} : memref<128x128xf32, #tpu.memory_space<vmem>>, vector<1x16xf32>,
        %get3A_514 = vector.shape_cast %get3A_513 : vector<1x16xf32> to vector<16xf32>
        %mul3A_515 = arith.mulf %get3A_514, %gather3A_436 : vector<16xf32>
        %swap3A_516 = arith.index_cast %add3A_440 : i32 to index
        %swap3A_517 = arith.constant 112 : index
        %swap3A_518 = tpu.vector_load %arg10[%swap3A_516, %swap3A_517] {strides = array<i32>} : memref<128x128xf32, #tpu.memory_space<vmem>>, vector<1x16xf32>,
        %swap3A_519 = vector.shape_cast %swap3A_518 : vector<1x16xf32> to vector<16xf32>
        %swap3A_520 = vector.shape_cast %mul3A_515 : vector<16xf32> to vector<1x16xf32>
        tpu.vector_store %arg10[%swap3A_516, %swap3A_517], %swap3A_520 {strides = array<i32>} : memref<128x128xf32, #tpu.memory_space<vmem>>, vector<1x16xf32>,
        %broadcast_in_dim3A_521 = arith.constant 5 : i32
        %broadcast_in_dim3A_522 = vector.broadcast %broadcast_in_dim3A_521 : i32 to vector<16x1xi32>
        %gather3A_523 = vector.shape_cast %broadcast_in_dim3A_522 : vector<16x1xi32> to vector<16xi32>
        %gather3A_524 = tpu.dynamic_gather %get3A_82[%gather3A_523] in [0] : vector<16xf32>, vector<16xi32> -> vector<16xf32>
        %mul3A_525 = arith.constant 16 : i32
        %mul3A_526 = arith.muli %scan3A_76, %mul3A_525 : i32
        %add3A_527 = arith.constant 5 : i32
        %add3A_528 = arith.addi %mul3A_526, %add3A_527 : i32
        %get3A_529 = arith.index_cast %add3A_528 : i32 to index
        %get3A_530 = arith.constant 0 : index
        %get3A_531 = tpu.vector_load %arg10[%get3A_529, %get3A_530] {strides = array<i32>} : memref<128x128xf32, #tpu.memory_space<vmem>>, vector<1x16xf32>,
        %get3A_532 = vector.shape_cast %get3A_531 : vector<1x16xf32> to vector<16xf32>
        %mul3A_533 = arith.mulf %get3A_532, %gather3A_524 : vector<16xf32>
        %swap3A_534 = arith.index_cast %add3A_528 : i32 to index
        %swap3A_535 = arith.constant 0 : index
        %swap3A_536 = tpu.vector_load %arg10[%swap3A_534, %swap3A_535] {strides = array<i32>} : memref<128x128xf32, #tpu.memory_space<vmem>>, vector<1x16xf32>,
        %swap3A_537 = vector.shape_cast %swap3A_536 : vector<1x16xf32> to vector<16xf32>
        %swap3A_538 = vector.shape_cast %mul3A_533 : vector<16xf32> to vector<1x16xf32>
        tpu.vector_store %arg10[%swap3A_534, %swap3A_535], %swap3A_538 {strides = array<i32>} : memref<128x128xf32, #tpu.memory_space<vmem>>, vector<1x16xf32>,
        %get3A_539 = arith.index_cast %add3A_528 : i32 to index
        %get3A_540 = arith.constant 16 : index
        %get3A_541 = tpu.vector_load %arg10[%get3A_539, %get3A_540] {strides = array<i32>} : memref<128x128xf32, #tpu.memory_space<vmem>>, vector<1x16xf32>,
        %get3A_542 = vector.shape_cast %get3A_541 : vector<1x16xf32> to vector<16xf32>
        %mul3A_543 = arith.mulf %get3A_542, %gather3A_524 : vector<16xf32>
        %swap3A_544 = arith.index_cast %add3A_528 : i32 to index
        %swap3A_545 = arith.constant 16 : index
        %swap3A_546 = tpu.vector_load %arg10[%swap3A_544, %swap3A_545] {strides = array<i32>} : memref<128x128xf32, #tpu.memory_space<vmem>>, vector<1x16xf32>,
        %swap3A_547 = vector.shape_cast %swap3A_546 : vector<1x16xf32> to vector<16xf32>
        %swap3A_548 = vector.shape_cast %mul3A_543 : vector<16xf32> to vector<1x16xf32>
        tpu.vector_store %arg10[%swap3A_544, %swap3A_545], %swap3A_548 {strides = array<i32>} : memref<128x128xf32, #tpu.memory_space<vmem>>, vector<1x16xf32>,
        %get3A_549 = arith.index_cast %add3A_528 : i32 to index
        %get3A_550 = arith.constant 32 : index
        %get3A_551 = tpu.vector_load %arg10[%get3A_549, %get3A_550] {strides = array<i32>} : memref<128x128xf32, #tpu.memory_space<vmem>>, vector<1x16xf32>,
        %get3A_552 = vector.shape_cast %get3A_551 : vector<1x16xf32> to vector<16xf32>
        %mul3A_553 = arith.mulf %get3A_552, %gather3A_524 : vector<16xf32>
        %swap3A_554 = arith.index_cast %add3A_528 : i32 to index
        %swap3A_555 = arith.constant 32 : index
        %swap3A_556 = tpu.vector_load %arg10[%swap3A_554, %swap3A_555] {strides = array<i32>} : memref<128x128xf32, #tpu.memory_space<vmem>>, vector<1x16xf32>,
        %swap3A_557 = vector.shape_cast %swap3A_556 : vector<1x16xf32> to vector<16xf32>
        %swap3A_558 = vector.shape_cast %mul3A_553 : vector<16xf32> to vector<1x16xf32>
        tpu.vector_store %arg10[%swap3A_554, %swap3A_555], %swap3A_558 {strides = array<i32>} : memref<128x128xf32, #tpu.memory_space<vmem>>, vector<1x16xf32>,
        %get3A_559 = arith.index_cast %add3A_528 : i32 to index
        %get3A_560 = arith.constant 48 : index
        %get3A_561 = tpu.vector_load %arg10[%get3A_559, %get3A_560] {strides = array<i32>} : memref<128x128xf32, #tpu.memory_space<vmem>>, vector<1x16xf32>,
        %get3A_562 = vector.shape_cast %get3A_561 : vector<1x16xf32> to vector<16xf32>
        %mul3A_563 = arith.mulf %get3A_562, %gather3A_524 : vector<16xf32>
        %swap3A_564 = arith.index_cast %add3A_528 : i32 to index
        %swap3A_565 = arith.constant 48 : index
        %swap3A_566 = tpu.vector_load %arg10[%swap3A_564, %swap3A_565] {strides = array<i32>} : memref<128x128xf32, #tpu.memory_space<vmem>>, vector<1x16xf32>,
        %swap3A_567 = vector.shape_cast %swap3A_566 : vector<1x16xf32> to vector<16xf32>
        %swap3A_568 = vector.shape_cast %mul3A_563 : vector<16xf32> to vector<1x16xf32>
        tpu.vector_store %arg10[%swap3A_564, %swap3A_565], %swap3A_568 {strides = array<i32>} : memref<128x128xf32, #tpu.memory_space<vmem>>, vector<1x16xf32>,
        %get3A_569 = arith.index_cast %add3A_528 : i32 to index
        %get3A_570 = arith.constant 64 : index
        %get3A_571 = tpu.vector_load %arg10[%get3A_569, %get3A_570] {strides = array<i32>} : memref<128x128xf32, #tpu.memory_space<vmem>>, vector<1x16xf32>,
        %get3A_572 = vector.shape_cast %get3A_571 : vector<1x16xf32> to vector<16xf32>
        %mul3A_573 = arith.mulf %get3A_572, %gather3A_524 : vector<16xf32>
        %swap3A_574 = arith.index_cast %add3A_528 : i32 to index
        %swap3A_575 = arith.constant 64 : index
        %swap3A_576 = tpu.vector_load %arg10[%swap3A_574, %swap3A_575] {strides = array<i32>} : memref<128x128xf32, #tpu.memory_space<vmem>>, vector<1x16xf32>,
        %swap3A_577 = vector.shape_cast %swap3A_576 : vector<1x16xf32> to vector<16xf32>
        %swap3A_578 = vector.shape_cast %mul3A_573 : vector<16xf32> to vector<1x16xf32>
        tpu.vector_store %arg10[%swap3A_574, %swap3A_575], %swap3A_578 {strides = array<i32>} : memref<128x128xf32, #tpu.memory_space<vmem>>, vector<1x16xf32>,
        %get3A_579 = arith.index_cast %add3A_528 : i32 to index
        %get3A_580 = arith.constant 80 : index
        %get3A_581 = tpu.vector_load %arg10[%get3A_579, %get3A_580] {strides = array<i32>} : memref<128x128xf32, #tpu.memory_space<vmem>>, vector<1x16xf32>,
        %get3A_582 = vector.shape_cast %get3A_581 : vector<1x16xf32> to vector<16xf32>
        %mul3A_583 = arith.mulf %get3A_582, %gather3A_524 : vector<16xf32>
        %swap3A_584 = arith.index_cast %add3A_528 : i32 to index
        %swap3A_585 = arith.constant 80 : index
        %swap3A_586 = tpu.vector_load %arg10[%swap3A_584, %swap3A_585] {strides = array<i32>} : memref<128x128xf32, #tpu.memory_space<vmem>>, vector<1x16xf32>,
        %swap3A_587 = vector.shape_cast %swap3A_586 : vector<1x16xf32> to vector<16xf32>
        %swap3A_588 = vector.shape_cast %mul3A_583 : vector<16xf32> to vector<1x16xf32>
        tpu.vector_store %arg10[%swap3A_584, %swap3A_585], %swap3A_588 {strides = array<i32>} : memref<128x128xf32, #tpu.memory_space<vmem>>, vector<1x16xf32>,
        %get3A_589 = arith.index_cast %add3A_528 : i32 to index
        %get3A_590 = arith.constant 96 : index
        %get3A_591 = tpu.vector_load %arg10[%get3A_589, %get3A_590] {strides = array<i32>} : memref<128x128xf32, #tpu.memory_space<vmem>>, vector<1x16xf32>,
        %get3A_592 = vector.shape_cast %get3A_591 : vector<1x16xf32> to vector<16xf32>
        %mul3A_593 = arith.mulf %get3A_592, %gather3A_524 : vector<16xf32>
        %swap3A_594 = arith.index_cast %add3A_528 : i32 to index
        %swap3A_595 = arith.constant 96 : index
        %swap3A_596 = tpu.vector_load %arg10[%swap3A_594, %swap3A_595] {strides = array<i32>} : memref<128x128xf32, #tpu.memory_space<vmem>>, vector<1x16xf32>,
        %swap3A_597 = vector.shape_cast %swap3A_596 : vector<1x16xf32> to vector<16xf32>
        %swap3A_598 = vector.shape_cast %mul3A_593 : vector<16xf32> to vector<1x16xf32>
        tpu.vector_store %arg10[%swap3A_594, %swap3A_595], %swap3A_598 {strides = array<i32>} : memref<128x128xf32, #tpu.memory_space<vmem>>, vector<1x16xf32>,
        %get3A_599 = arith.index_cast %add3A_528 : i32 to index
        %get3A_600 = arith.constant 112 : index
        %get3A_601 = tpu.vector_load %arg10[%get3A_599, %get3A_600] {strides = array<i32>} : memref<128x128xf32, #tpu.memory_space<vmem>>, vector<1x16xf32>,
        %get3A_602 = vector.shape_cast %get3A_601 : vector<1x16xf32> to vector<16xf32>
        %mul3A_603 = arith.mulf %get3A_602, %gather3A_524 : vector<16xf32>
        %swap3A_604 = arith.index_cast %add3A_528 : i32 to index
        %swap3A_605 = arith.constant 112 : index
        %swap3A_606 = tpu.vector_load %arg10[%swap3A_604, %swap3A_605] {strides = array<i32>} : memref<128x128xf32, #tpu.memory_space<vmem>>, vector<1x16xf32>,
        %swap3A_607 = vector.shape_cast %swap3A_606 : vector<1x16xf32> to vector<16xf32>
        %swap3A_608 = vector.shape_cast %mul3A_603 : vector<16xf32> to vector<1x16xf32>
        tpu.vector_store %arg10[%swap3A_604, %swap3A_605], %swap3A_608 {strides = array<i32>} : memref<128x128xf32, #tpu.memory_space<vmem>>, vector<1x16xf32>,
        %broadcast_in_dim3A_609 = arith.constant 6 : i32
        %broadcast_in_dim3A_610 = vector.broadcast %broadcast_in_dim3A_609 : i32 to vector<16x1xi32>
        %gather3A_611 = vector.shape_cast %broadcast_in_dim3A_610 : vector<16x1xi32> to vector<16xi32>
        %gather3A_612 = tpu.dynamic_gather %get3A_82[%gather3A_611] in [0] : vector<16xf32>, vector<16xi32> -> vector<16xf32>
        %mul3A_613 = arith.constant 16 : i32
        %mul3A_614 = arith.muli %scan3A_76, %mul3A_613 : i32
        %add3A_615 = arith.constant 6 : i32
        %add3A_616 = arith.addi %mul3A_614, %add3A_615 : i32
        %get3A_617 = arith.index_cast %add3A_616 : i32 to index
        %get3A_618 = arith.constant 0 : index
        %get3A_619 = tpu.vector_load %arg10[%get3A_617, %get3A_618] {strides = array<i32>} : memref<128x128xf32, #tpu.memory_space<vmem>>, vector<1x16xf32>,
        %get3A_620 = vector.shape_cast %get3A_619 : vector<1x16xf32> to vector<16xf32>
        %mul3A_621 = arith.mulf %get3A_620, %gather3A_612 : vector<16xf32>
        %swap3A_622 = arith.index_cast %add3A_616 : i32 to index
        %swap3A_623 = arith.constant 0 : index
        %swap3A_624 = tpu.vector_load %arg10[%swap3A_622, %swap3A_623] {strides = array<i32>} : memref<128x128xf32, #tpu.memory_space<vmem>>, vector<1x16xf32>,
        %swap3A_625 = vector.shape_cast %swap3A_624 : vector<1x16xf32> to vector<16xf32>
        %swap3A_626 = vector.shape_cast %mul3A_621 : vector<16xf32> to vector<1x16xf32>
        tpu.vector_store %arg10[%swap3A_622, %swap3A_623], %swap3A_626 {strides = array<i32>} : memref<128x128xf32, #tpu.memory_space<vmem>>, vector<1x16xf32>,
        %get3A_627 = arith.index_cast %add3A_616 : i32 to index
        %get3A_628 = arith.constant 16 : index
        %get3A_629 = tpu.vector_load %arg10[%get3A_627, %get3A_628] {strides = array<i32>} : memref<128x128xf32, #tpu.memory_space<vmem>>, vector<1x16xf32>,
        %get3A_630 = vector.shape_cast %get3A_629 : vector<1x16xf32> to vector<16xf32>
        %mul3A_631 = arith.mulf %get3A_630, %gather3A_612 : vector<16xf32>
        %swap3A_632 = arith.index_cast %add3A_616 : i32 to index
        %swap3A_633 = arith.constant 16 : index
        %swap3A_634 = tpu.vector_load %arg10[%swap3A_632, %swap3A_633] {strides = array<i32>} : memref<128x128xf32, #tpu.memory_space<vmem>>, vector<1x16xf32>,
        %swap3A_635 = vector.shape_cast %swap3A_634 : vector<1x16xf32> to vector<16xf32>
        %swap3A_636 = vector.shape_cast %mul3A_631 : vector<16xf32> to vector<1x16xf32>
        tpu.vector_store %arg10[%swap3A_632, %swap3A_633], %swap3A_636 {strides = array<i32>} : memref<128x128xf32, #tpu.memory_space<vmem>>, vector<1x16xf32>,
        %get3A_637 = arith.index_cast %add3A_616 : i32 to index
        %get3A_638 = arith.constant 32 : index
        %get3A_639 = tpu.vector_load %arg10[%get3A_637, %get3A_638] {strides = array<i32>} : memref<128x128xf32, #tpu.memory_space<vmem>>, vector<1x16xf32>,
        %get3A_640 = vector.shape_cast %get3A_639 : vector<1x16xf32> to vector<16xf32>
        %mul3A_641 = arith.mulf %get3A_640, %gather3A_612 : vector<16xf32>
        %swap3A_642 = arith.index_cast %add3A_616 : i32 to index
        %swap3A_643 = arith.constant 32 : index
        %swap3A_644 = tpu.vector_load %arg10[%swap3A_642, %swap3A_643] {strides = array<i32>} : memref<128x128xf32, #tpu.memory_space<vmem>>, vector<1x16xf32>,
        %swap3A_645 = vector.shape_cast %swap3A_644 : vector<1x16xf32> to vector<16xf32>
        %swap3A_646 = vector.shape_cast %mul3A_641 : vector<16xf32> to vector<1x16xf32>
        tpu.vector_store %arg10[%swap3A_642, %swap3A_643], %swap3A_646 {strides = array<i32>} : memref<128x128xf32, #tpu.memory_space<vmem>>, vector<1x16xf32>,
        %get3A_647 = arith.index_cast %add3A_616 : i32 to index
        %get3A_648 = arith.constant 48 : index
        %get3A_649 = tpu.vector_load %arg10[%get3A_647, %get3A_648] {strides = array<i32>} : memref<128x128xf32, #tpu.memory_space<vmem>>, vector<1x16xf32>,
        %get3A_650 = vector.shape_cast %get3A_649 : vector<1x16xf32> to vector<16xf32>
        %mul3A_651 = arith.mulf %get3A_650, %gather3A_612 : vector<16xf32>
        %swap3A_652 = arith.index_cast %add3A_616 : i32 to index
        %swap3A_653 = arith.constant 48 : index
        %swap3A_654 = tpu.vector_load %arg10[%swap3A_652, %swap3A_653] {strides = array<i32>} : memref<128x128xf32, #tpu.memory_space<vmem>>, vector<1x16xf32>,
        %swap3A_655 = vector.shape_cast %swap3A_654 : vector<1x16xf32> to vector<16xf32>
        %swap3A_656 = vector.shape_cast %mul3A_651 : vector<16xf32> to vector<1x16xf32>
        tpu.vector_store %arg10[%swap3A_652, %swap3A_653], %swap3A_656 {strides = array<i32>} : memref<128x128xf32, #tpu.memory_space<vmem>>, vector<1x16xf32>,
        %get3A_657 = arith.index_cast %add3A_616 : i32 to index
        %get3A_658 = arith.constant 64 : index
        %get3A_659 = tpu.vector_load %arg10[%get3A_657, %get3A_658] {strides = array<i32>} : memref<128x128xf32, #tpu.memory_space<vmem>>, vector<1x16xf32>,
        %get3A_660 = vector.shape_cast %get3A_659 : vector<1x16xf32> to vector<16xf32>
        %mul3A_661 = arith.mulf %get3A_660, %gather3A_612 : vector<16xf32>
        %swap3A_662 = arith.index_cast %add3A_616 : i32 to index
        %swap3A_663 = arith.constant 64 : index
        %swap3A_664 = tpu.vector_load %arg10[%swap3A_662, %swap3A_663] {strides = array<i32>} : memref<128x128xf32, #tpu.memory_space<vmem>>, vector<1x16xf32>,
        %swap3A_665 = vector.shape_cast %swap3A_664 : vector<1x16xf32> to vector<16xf32>
        %swap3A_666 = vector.shape_cast %mul3A_661 : vector<16xf32> to vector<1x16xf32>
        tpu.vector_store %arg10[%swap3A_662, %swap3A_663], %swap3A_666 {strides = array<i32>} : memref<128x128xf32, #tpu.memory_space<vmem>>, vector<1x16xf32>,
        %get3A_667 = arith.index_cast %add3A_616 : i32 to index
        %get3A_668 = arith.constant 80 : index
        %get3A_669 = tpu.vector_load %arg10[%get3A_667, %get3A_668] {strides = array<i32>} : memref<128x128xf32, #tpu.memory_space<vmem>>, vector<1x16xf32>,
        %get3A_670 = vector.shape_cast %get3A_669 : vector<1x16xf32> to vector<16xf32>
        %mul3A_671 = arith.mulf %get3A_670, %gather3A_612 : vector<16xf32>
        %swap3A_672 = arith.index_cast %add3A_616 : i32 to index
        %swap3A_673 = arith.constant 80 : index
        %swap3A_674 = tpu.vector_load %arg10[%swap3A_672, %swap3A_673] {strides = array<i32>} : memref<128x128xf32, #tpu.memory_space<vmem>>, vector<1x16xf32>,
        %swap3A_675 = vector.shape_cast %swap3A_674 : vector<1x16xf32> to vector<16xf32>
        %swap3A_676 = vector.shape_cast %mul3A_671 : vector<16xf32> to vector<1x16xf32>
        tpu.vector_store %arg10[%swap3A_672, %swap3A_673], %swap3A_676 {strides = array<i32>} : memref<128x128xf32, #tpu.memory_space<vmem>>, vector<1x16xf32>,
        %get3A_677 = arith.index_cast %add3A_616 : i32 to index
        %get3A_678 = arith.constant 96 : index
        %get3A_679 = tpu.vector_load %arg10[%get3A_677, %get3A_678] {strides = array<i32>} : memref<128x128xf32, #tpu.memory_space<vmem>>, vector<1x16xf32>,
        %get3A_680 = vector.shape_cast %get3A_679 : vector<1x16xf32> to vector<16xf32>
        %mul3A_681 = arith.mulf %get3A_680, %gather3A_612 : vector<16xf32>
        %swap3A_682 = arith.index_cast %add3A_616 : i32 to index
        %swap3A_683 = arith.constant 96 : index
        %swap3A_684 = tpu.vector_load %arg10[%swap3A_682, %swap3A_683] {strides = array<i32>} : memref<128x128xf32, #tpu.memory_space<vmem>>, vector<1x16xf32>,
        %swap3A_685 = vector.shape_cast %swap3A_684 : vector<1x16xf32> to vector<16xf32>
        %swap3A_686 = vector.shape_cast %mul3A_681 : vector<16xf32> to vector<1x16xf32>
        tpu.vector_store %arg10[%swap3A_682, %swap3A_683], %swap3A_686 {strides = array<i32>} : memref<128x128xf32, #tpu.memory_space<vmem>>, vector<1x16xf32>,
        %get3A_687 = arith.index_cast %add3A_616 : i32 to index
        %get3A_688 = arith.constant 112 : index
        %get3A_689 = tpu.vector_load %arg10[%get3A_687, %get3A_688] {strides = array<i32>} : memref<128x128xf32, #tpu.memory_space<vmem>>, vector<1x16xf32>,
        %get3A_690 = vector.shape_cast %get3A_689 : vector<1x16xf32> to vector<16xf32>
        %mul3A_691 = arith.mulf %get3A_690, %gather3A_612 : vector<16xf32>
        %swap3A_692 = arith.index_cast %add3A_616 : i32 to index
        %swap3A_693 = arith.constant 112 : index
        %swap3A_694 = tpu.vector_load %arg10[%swap3A_692, %swap3A_693] {strides = array<i32>} : memref<128x128xf32, #tpu.memory_space<vmem>>, vector<1x16xf32>,
        %swap3A_695 = vector.shape_cast %swap3A_694 : vector<1x16xf32> to vector<16xf32>
        %swap3A_696 = vector.shape_cast %mul3A_691 : vector<16xf32> to vector<1x16xf32>
        tpu.vector_store %arg10[%swap3A_692, %swap3A_693], %swap3A_696 {strides = array<i32>} : memref<128x128xf32, #tpu.memory_space<vmem>>, vector<1x16xf32>,
        %broadcast_in_dim3A_697 = arith.constant 7 : i32
        %broadcast_in_dim3A_698 = vector.broadcast %broadcast_in_dim3A_697 : i32 to vector<16x1xi32>
        %gather3A_699 = vector.shape_cast %broadcast_in_dim3A_698 : vector<16x1xi32> to vector<16xi32>
        %gather3A_700 = tpu.dynamic_gather %get3A_82[%gather3A_699] in [0] : vector<16xf32>, vector<16xi32> -> vector<16xf32>
        %mul3A_701 = arith.constant 16 : i32
        %mul3A_702 = arith.muli %scan3A_76, %mul3A_701 : i32
        %add3A_703 = arith.constant 7 : i32
        %add3A_704 = arith.addi %mul3A_702, %add3A_703 : i32
        %get3A_705 = arith.index_cast %add3A_704 : i32 to index
        %get3A_706 = arith.constant 0 : index
        %get3A_707 = tpu.vector_load %arg10[%get3A_705, %get3A_706] {strides = array<i32>} : memref<128x128xf32, #tpu.memory_space<vmem>>, vector<1x16xf32>,
        %get3A_708 = vector.shape_cast %get3A_707 : vector<1x16xf32> to vector<16xf32>
        %mul3A_709 = arith.mulf %get3A_708, %gather3A_700 : vector<16xf32>
        %swap3A_710 = arith.index_cast %add3A_704 : i32 to index
        %swap3A_711 = arith.constant 0 : index
        %swap3A_712 = tpu.vector_load %arg10[%swap3A_710, %swap3A_711] {strides = array<i32>} : memref<128x128xf32, #tpu.memory_space<vmem>>, vector<1x16xf32>,
        %swap3A_713 = vector.shape_cast %swap3A_712 : vector<1x16xf32> to vector<16xf32>
        %swap3A_714 = vector.shape_cast %mul3A_709 : vector<16xf32> to vector<1x16xf32>
        tpu.vector_store %arg10[%swap3A_710, %swap3A_711], %swap3A_714 {strides = array<i32>} : memref<128x128xf32, #tpu.memory_space<vmem>>, vector<1x16xf32>,
        %get3A_715 = arith.index_cast %add3A_704 : i32 to index
        %get3A_716 = arith.constant 16 : index
        %get3A_717 = tpu.vector_load %arg10[%get3A_715, %get3A_716] {strides = array<i32>} : memref<128x128xf32, #tpu.memory_space<vmem>>, vector<1x16xf32>,
        %get3A_718 = vector.shape_cast %get3A_717 : vector<1x16xf32> to vector<16xf32>
        %mul3A_719 = arith.mulf %get3A_718, %gather3A_700 : vector<16xf32>
        %swap3A_720 = arith.index_cast %add3A_704 : i32 to index
        %swap3A_721 = arith.constant 16 : index
        %swap3A_722 = tpu.vector_load %arg10[%swap3A_720, %swap3A_721] {strides = array<i32>} : memref<128x128xf32, #tpu.memory_space<vmem>>, vector<1x16xf32>,
        %swap3A_723 = vector.shape_cast %swap3A_722 : vector<1x16xf32> to vector<16xf32>
        %swap3A_724 = vector.shape_cast %mul3A_719 : vector<16xf32> to vector<1x16xf32>
        tpu.vector_store %arg10[%swap3A_720, %swap3A_721], %swap3A_724 {strides = array<i32>} : memref<128x128xf32, #tpu.memory_space<vmem>>, vector<1x16xf32>,
        %get3A_725 = arith.index_cast %add3A_704 : i32 to index
        %get3A_726 = arith.constant 32 : index
        %get3A_727 = tpu.vector_load %arg10[%get3A_725, %get3A_726] {strides = array<i32>} : memref<128x128xf32, #tpu.memory_space<vmem>>, vector<1x16xf32>,
        %get3A_728 = vector.shape_cast %get3A_727 : vector<1x16xf32> to vector<16xf32>
        %mul3A_729 = arith.mulf %get3A_728, %gather3A_700 : vector<16xf32>
        %swap3A_730 = arith.index_cast %add3A_704 : i32 to index
        %swap3A_731 = arith.constant 32 : index
        %swap3A_732 = tpu.vector_load %arg10[%swap3A_730, %swap3A_731] {strides = array<i32>} : memref<128x128xf32, #tpu.memory_space<vmem>>, vector<1x16xf32>,
        %swap3A_733 = vector.shape_cast %swap3A_732 : vector<1x16xf32> to vector<16xf32>
        %swap3A_734 = vector.shape_cast %mul3A_729 : vector<16xf32> to vector<1x16xf32>
        tpu.vector_store %arg10[%swap3A_730, %swap3A_731], %swap3A_734 {strides = array<i32>} : memref<128x128xf32, #tpu.memory_space<vmem>>, vector<1x16xf32>,
        %get3A_735 = arith.index_cast %add3A_704 : i32 to index
        %get3A_736 = arith.constant 48 : index
        %get3A_737 = tpu.vector_load %arg10[%get3A_735, %get3A_736] {strides = array<i32>} : memref<128x128xf32, #tpu.memory_space<vmem>>, vector<1x16xf32>,
        %get3A_738 = vector.shape_cast %get3A_737 : vector<1x16xf32> to vector<16xf32>
        %mul3A_739 = arith.mulf %get3A_738, %gather3A_700 : vector<16xf32>
        %swap3A_740 = arith.index_cast %add3A_704 : i32 to index
        %swap3A_741 = arith.constant 48 : index
        %swap3A_742 = tpu.vector_load %arg10[%swap3A_740, %swap3A_741] {strides = array<i32>} : memref<128x128xf32, #tpu.memory_space<vmem>>, vector<1x16xf32>,
        %swap3A_743 = vector.shape_cast %swap3A_742 : vector<1x16xf32> to vector<16xf32>
        %swap3A_744 = vector.shape_cast %mul3A_739 : vector<16xf32> to vector<1x16xf32>
        tpu.vector_store %arg10[%swap3A_740, %swap3A_741], %swap3A_744 {strides = array<i32>} : memref<128x128xf32, #tpu.memory_space<vmem>>, vector<1x16xf32>,
        %get3A_745 = arith.index_cast %add3A_704 : i32 to index
        %get3A_746 = arith.constant 64 : index
        %get3A_747 = tpu.vector_load %arg10[%get3A_745, %get3A_746] {strides = array<i32>} : memref<128x128xf32, #tpu.memory_space<vmem>>, vector<1x16xf32>,
        %get3A_748 = vector.shape_cast %get3A_747 : vector<1x16xf32> to vector<16xf32>
        %mul3A_749 = arith.mulf %get3A_748, %gather3A_700 : vector<16xf32>
        %swap3A_750 = arith.index_cast %add3A_704 : i32 to index
        %swap3A_751 = arith.constant 64 : index
        %swap3A_752 = tpu.vector_load %arg10[%swap3A_750, %swap3A_751] {strides = array<i32>} : memref<128x128xf32, #tpu.memory_space<vmem>>, vector<1x16xf32>,
        %swap3A_753 = vector.shape_cast %swap3A_752 : vector<1x16xf32> to vector<16xf32>
        %swap3A_754 = vector.shape_cast %mul3A_749 : vector<16xf32> to vector<1x16xf32>
        tpu.vector_store %arg10[%swap3A_750, %swap3A_751], %swap3A_754 {strides = array<i32>} : memref<128x128xf32, #tpu.memory_space<vmem>>, vector<1x16xf32>,
        %get3A_755 = arith.index_cast %add3A_704 : i32 to index
        %get3A_756 = arith.constant 80 : index
        %get3A_757 = tpu.vector_load %arg10[%get3A_755, %get3A_756] {strides = array<i32>} : memref<128x128xf32, #tpu.memory_space<vmem>>, vector<1x16xf32>,
        %get3A_758 = vector.shape_cast %get3A_757 : vector<1x16xf32> to vector<16xf32>
        %mul3A_759 = arith.mulf %get3A_758, %gather3A_700 : vector<16xf32>
        %swap3A_760 = arith.index_cast %add3A_704 : i32 to index
        %swap3A_761 = arith.constant 80 : index
        %swap3A_762 = tpu.vector_load %arg10[%swap3A_760, %swap3A_761] {strides = array<i32>} : memref<128x128xf32, #tpu.memory_space<vmem>>, vector<1x16xf32>,
        %swap3A_763 = vector.shape_cast %swap3A_762 : vector<1x16xf32> to vector<16xf32>
        %swap3A_764 = vector.shape_cast %mul3A_759 : vector<16xf32> to vector<1x16xf32>
        tpu.vector_store %arg10[%swap3A_760, %swap3A_761], %swap3A_764 {strides = array<i32>} : memref<128x128xf32, #tpu.memory_space<vmem>>, vector<1x16xf32>,
        %get3A_765 = arith.index_cast %add3A_704 : i32 to index
        %get3A_766 = arith.constant 96 : index
        %get3A_767 = tpu.vector_load %arg10[%get3A_765, %get3A_766] {strides = array<i32>} : memref<128x128xf32, #tpu.memory_space<vmem>>, vector<1x16xf32>,
        %get3A_768 = vector.shape_cast %get3A_767 : vector<1x16xf32> to vector<16xf32>
        %mul3A_769 = arith.mulf %get3A_768, %gather3A_700 : vector<16xf32>
        %swap3A_770 = arith.index_cast %add3A_704 : i32 to index
        %swap3A_771 = arith.constant 96 : index
        %swap3A_772 = tpu.vector_load %arg10[%swap3A_770, %swap3A_771] {strides = array<i32>} : memref<128x128xf32, #tpu.memory_space<vmem>>, vector<1x16xf32>,
        %swap3A_773 = vector.shape_cast %swap3A_772 : vector<1x16xf32> to vector<16xf32>
        %swap3A_774 = vector.shape_cast %mul3A_769 : vector<16xf32> to vector<1x16xf32>
        tpu.vector_store %arg10[%swap3A_770, %swap3A_771], %swap3A_774 {strides = array<i32>} : memref<128x128xf32, #tpu.memory_space<vmem>>, vector<1x16xf32>,
        %get3A_775 = arith.index_cast %add3A_704 : i32 to index
        %get3A_776 = arith.constant 112 : index
        %get3A_777 = tpu.vector_load %arg10[%get3A_775, %get3A_776] {strides = array<i32>} : memref<128x128xf32, #tpu.memory_space<vmem>>, vector<1x16xf32>,
        %get3A_778 = vector.shape_cast %get3A_777 : vector<1x16xf32> to vector<16xf32>
        %mul3A_779 = arith.mulf %get3A_778, %gather3A_700 : vector<16xf32>
        %swap3A_780 = arith.index_cast %add3A_704 : i32 to index
        %swap3A_781 = arith.constant 112 : index
        %swap3A_782 = tpu.vector_load %arg10[%swap3A_780, %swap3A_781] {strides = array<i32>} : memref<128x128xf32, #tpu.memory_space<vmem>>, vector<1x16xf32>,
        %swap3A_783 = vector.shape_cast %swap3A_782 : vector<1x16xf32> to vector<16xf32>
        %swap3A_784 = vector.shape_cast %mul3A_779 : vector<16xf32> to vector<1x16xf32>
        tpu.vector_store %arg10[%swap3A_780, %swap3A_781], %swap3A_784 {strides = array<i32>} : memref<128x128xf32, #tpu.memory_space<vmem>>, vector<1x16xf32>,
        %broadcast_in_dim3A_785 = arith.constant 8 : i32
        %broadcast_in_dim3A_786 = vector.broadcast %broadcast_in_dim3A_785 : i32 to vector<16x1xi32>
        %gather3A_787 = vector.shape_cast %broadcast_in_dim3A_786 : vector<16x1xi32> to vector<16xi32>
        %gather3A_788 = tpu.dynamic_gather %get3A_82[%gather3A_787] in [0] : vector<16xf32>, vector<16xi32> -> vector<16xf32>
        %mul3A_789 = arith.constant 16 : i32
        %mul3A_790 = arith.muli %scan3A_76, %mul3A_789 : i32
        %add3A_791 = arith.constant 8 : i32
        %add3A_792 = arith.addi %mul3A_790, %add3A_791 : i32
        %get3A_793 = arith.index_cast %add3A_792 : i32 to index
        %get3A_794 = arith.constant 0 : index
        %get3A_795 = tpu.vector_load %arg10[%get3A_793, %get3A_794] {strides = array<i32>} : memref<128x128xf32, #tpu.memory_space<vmem>>, vector<1x16xf32>,
        %get3A_796 = vector.shape_cast %get3A_795 : vector<1x16xf32> to vector<16xf32>
        %mul3A_797 = arith.mulf %get3A_796, %gather3A_788 : vector<16xf32>
        %swap3A_798 = arith.index_cast %add3A_792 : i32 to index
        %swap3A_799 = arith.constant 0 : index
        %swap3A_800 = tpu.vector_load %arg10[%swap3A_798, %swap3A_799] {strides = array<i32>} : memref<128x128xf32, #tpu.memory_space<vmem>>, vector<1x16xf32>,
        %swap3A_801 = vector.shape_cast %swap3A_800 : vector<1x16xf32> to vector<16xf32>
        %swap3A_802 = vector.shape_cast %mul3A_797 : vector<16xf32> to vector<1x16xf32>
        tpu.vector_store %arg10[%swap3A_798, %swap3A_799], %swap3A_802 {strides = array<i32>} : memref<128x128xf32, #tpu.memory_space<vmem>>, vector<1x16xf32>,
        %get3A_803 = arith.index_cast %add3A_792 : i32 to index
        %get3A_804 = arith.constant 16 : index
        %get3A_805 = tpu.vector_load %arg10[%get3A_803, %get3A_804] {strides = array<i32>} : memref<128x128xf32, #tpu.memory_space<vmem>>, vector<1x16xf32>,
        %get3A_806 = vector.shape_cast %get3A_805 : vector<1x16xf32> to vector<16xf32>
        %mul3A_807 = arith.mulf %get3A_806, %gather3A_788 : vector<16xf32>
        %swap3A_808 = arith.index_cast %add3A_792 : i32 to index
        %swap3A_809 = arith.constant 16 : index
        %swap3A_810 = tpu.vector_load %arg10[%swap3A_808, %swap3A_809] {strides = array<i32>} : memref<128x128xf32, #tpu.memory_space<vmem>>, vector<1x16xf32>,
        %swap3A_811 = vector.shape_cast %swap3A_810 : vector<1x16xf32> to vector<16xf32>
        %swap3A_812 = vector.shape_cast %mul3A_807 : vector<16xf32> to vector<1x16xf32>
        tpu.vector_store %arg10[%swap3A_808, %swap3A_809], %swap3A_812 {strides = array<i32>} : memref<128x128xf32, #tpu.memory_space<vmem>>, vector<1x16xf32>,
        %get3A_813 = arith.index_cast %add3A_792 : i32 to index
        %get3A_814 = arith.constant 32 : index
        %get3A_815 = tpu.vector_load %arg10[%get3A_813, %get3A_814] {strides = array<i32>} : memref<128x128xf32, #tpu.memory_space<vmem>>, vector<1x16xf32>,
        %get3A_816 = vector.shape_cast %get3A_815 : vector<1x16xf32> to vector<16xf32>
        %mul3A_817 = arith.mulf %get3A_816, %gather3A_788 : vector<16xf32>
        %swap3A_818 = arith.index_cast %add3A_792 : i32 to index
        %swap3A_819 = arith.constant 32 : index
        %swap3A_820 = tpu.vector_load %arg10[%swap3A_818, %swap3A_819] {strides = array<i32>} : memref<128x128xf32, #tpu.memory_space<vmem>>, vector<1x16xf32>,
        %swap3A_821 = vector.shape_cast %swap3A_820 : vector<1x16xf32> to vector<16xf32>
        %swap3A_822 = vector.shape_cast %mul3A_817 : vector<16xf32> to vector<1x16xf32>
        tpu.vector_store %arg10[%swap3A_818, %swap3A_819], %swap3A_822 {strides = array<i32>} : memref<128x128xf32, #tpu.memory_space<vmem>>, vector<1x16xf32>,
        %get3A_823 = arith.index_cast %add3A_792 : i32 to index
        %get3A_824 = arith.constant 48 : index
        %get3A_825 = tpu.vector_load %arg10[%get3A_823, %get3A_824] {strides = array<i32>} : memref<128x128xf32, #tpu.memory_space<vmem>>, vector<1x16xf32>,
        %get3A_826 = vector.shape_cast %get3A_825 : vector<1x16xf32> to vector<16xf32>
        %mul3A_827 = arith.mulf %get3A_826, %gather3A_788 : vector<16xf32>
        %swap3A_828 = arith.index_cast %add3A_792 : i32 to index
        %swap3A_829 = arith.constant 48 : index
        %swap3A_830 = tpu.vector_load %arg10[%swap3A_828, %swap3A_829] {strides = array<i32>} : memref<128x128xf32, #tpu.memory_space<vmem>>, vector<1x16xf32>,
        %swap3A_831 = vector.shape_cast %swap3A_830 : vector<1x16xf32> to vector<16xf32>
        %swap3A_832 = vector.shape_cast %mul3A_827 : vector<16xf32> to vector<1x16xf32>
        tpu.vector_store %arg10[%swap3A_828, %swap3A_829], %swap3A_832 {strides = array<i32>} : memref<128x128xf32, #tpu.memory_space<vmem>>, vector<1x16xf32>,
        %get3A_833 = arith.index_cast %add3A_792 : i32 to index
        %get3A_834 = arith.constant 64 : index
        %get3A_835 = tpu.vector_load %arg10[%get3A_833, %get3A_834] {strides = array<i32>} : memref<128x128xf32, #tpu.memory_space<vmem>>, vector<1x16xf32>,
        %get3A_836 = vector.shape_cast %get3A_835 : vector<1x16xf32> to vector<16xf32>
        %mul3A_837 = arith.mulf %get3A_836, %gather3A_788 : vector<16xf32>
        %swap3A_838 = arith.index_cast %add3A_792 : i32 to index
        %swap3A_839 = arith.constant 64 : index
        %swap3A_840 = tpu.vector_load %arg10[%swap3A_838, %swap3A_839] {strides = array<i32>} : memref<128x128xf32, #tpu.memory_space<vmem>>, vector<1x16xf32>,
        %swap3A_841 = vector.shape_cast %swap3A_840 : vector<1x16xf32> to vector<16xf32>
        %swap3A_842 = vector.shape_cast %mul3A_837 : vector<16xf32> to vector<1x16xf32>
        tpu.vector_store %arg10[%swap3A_838, %swap3A_839], %swap3A_842 {strides = array<i32>} : memref<128x128xf32, #tpu.memory_space<vmem>>, vector<1x16xf32>,
        %get3A_843 = arith.index_cast %add3A_792 : i32 to index
        %get3A_844 = arith.constant 80 : index
        %get3A_845 = tpu.vector_load %arg10[%get3A_843, %get3A_844] {strides = array<i32>} : memref<128x128xf32, #tpu.memory_space<vmem>>, vector<1x16xf32>,
        %get3A_846 = vector.shape_cast %get3A_845 : vector<1x16xf32> to vector<16xf32>
        %mul3A_847 = arith.mulf %get3A_846, %gather3A_788 : vector<16xf32>
        %swap3A_848 = arith.index_cast %add3A_792 : i32 to index
        %swap3A_849 = arith.constant 80 : index
        %swap3A_850 = tpu.vector_load %arg10[%swap3A_848, %swap3A_849] {strides = array<i32>} : memref<128x128xf32, #tpu.memory_space<vmem>>, vector<1x16xf32>,
        %swap3A_851 = vector.shape_cast %swap3A_850 : vector<1x16xf32> to vector<16xf32>
        %swap3A_852 = vector.shape_cast %mul3A_847 : vector<16xf32> to vector<1x16xf32>
        tpu.vector_store %arg10[%swap3A_848, %swap3A_849], %swap3A_852 {strides = array<i32>} : memref<128x128xf32, #tpu.memory_space<vmem>>, vector<1x16xf32>,
        %get3A_853 = arith.index_cast %add3A_792 : i32 to index
        %get3A_854 = arith.constant 96 : index
        %get3A_855 = tpu.vector_load %arg10[%get3A_853, %get3A_854] {strides = array<i32>} : memref<128x128xf32, #tpu.memory_space<vmem>>, vector<1x16xf32>,
        %get3A_856 = vector.shape_cast %get3A_855 : vector<1x16xf32> to vector<16xf32>
        %mul3A_857 = arith.mulf %get3A_856, %gather3A_788 : vector<16xf32>
        %swap3A_858 = arith.index_cast %add3A_792 : i32 to index
        %swap3A_859 = arith.constant 96 : index
        %swap3A_860 = tpu.vector_load %arg10[%swap3A_858, %swap3A_859] {strides = array<i32>} : memref<128x128xf32, #tpu.memory_space<vmem>>, vector<1x16xf32>,
        %swap3A_861 = vector.shape_cast %swap3A_860 : vector<1x16xf32> to vector<16xf32>
        %swap3A_862 = vector.shape_cast %mul3A_857 : vector<16xf32> to vector<1x16xf32>
        tpu.vector_store %arg10[%swap3A_858, %swap3A_859], %swap3A_862 {strides = array<i32>} : memref<128x128xf32, #tpu.memory_space<vmem>>, vector<1x16xf32>,
        %get3A_863 = arith.index_cast %add3A_792 : i32 to index
        %get3A_864 = arith.constant 112 : index
        %get3A_865 = tpu.vector_load %arg10[%get3A_863, %get3A_864] {strides = array<i32>} : memref<128x128xf32, #tpu.memory_space<vmem>>, vector<1x16xf32>,
        %get3A_866 = vector.shape_cast %get3A_865 : vector<1x16xf32> to vector<16xf32>
        %mul3A_867 = arith.mulf %get3A_866, %gather3A_788 : vector<16xf32>
        %swap3A_868 = arith.index_cast %add3A_792 : i32 to index
        %swap3A_869 = arith.constant 112 : index
        %swap3A_870 = tpu.vector_load %arg10[%swap3A_868, %swap3A_869] {strides = array<i32>} : memref<128x128xf32, #tpu.memory_space<vmem>>, vector<1x16xf32>,
        %swap3A_871 = vector.shape_cast %swap3A_870 : vector<1x16xf32> to vector<16xf32>
        %swap3A_872 = vector.shape_cast %mul3A_867 : vector<16xf32> to vector<1x16xf32>
        tpu.vector_store %arg10[%swap3A_868, %swap3A_869], %swap3A_872 {strides = array<i32>} : memref<128x128xf32, #tpu.memory_space<vmem>>, vector<1x16xf32>,
        %broadcast_in_dim3A_873 = arith.constant 9 : i32
        %broadcast_in_dim3A_874 = vector.broadcast %broadcast_in_dim3A_873 : i32 to vector<16x1xi32>
        %gather3A_875 = vector.shape_cast %broadcast_in_dim3A_874 : vector<16x1xi32> to vector<16xi32>
        %gather3A_876 = tpu.dynamic_gather %get3A_82[%gather3A_875] in [0] : vector<16xf32>, vector<16xi32> -> vector<16xf32>
        %mul3A_877 = arith.constant 16 : i32
        %mul3A_878 = arith.muli %scan3A_76, %mul3A_877 : i32
        %add3A_879 = arith.constant 9 : i32
        %add3A_880 = arith.addi %mul3A_878, %add3A_879 : i32
        %get3A_881 = arith.index_cast %add3A_880 : i32 to index
        %get3A_882 = arith.constant 0 : index
        %get3A_883 = tpu.vector_load %arg10[%get3A_881, %get3A_882] {strides = array<i32>} : memref<128x128xf32, #tpu.memory_space<vmem>>, vector<1x16xf32>,
        %get3A_884 = vector.shape_cast %get3A_883 : vector<1x16xf32> to vector<16xf32>
        %mul3A_885 = arith.mulf %get3A_884, %gather3A_876 : vector<16xf32>
        %swap3A_886 = arith.index_cast %add3A_880 : i32 to index
        %swap3A_887 = arith.constant 0 : index
        %swap3A_888 = tpu.vector_load %arg10[%swap3A_886, %swap3A_887] {strides = array<i32>} : memref<128x128xf32, #tpu.memory_space<vmem>>, vector<1x16xf32>,
        %swap3A_889 = vector.shape_cast %swap3A_888 : vector<1x16xf32> to vector<16xf32>
        %swap3A_890 = vector.shape_cast %mul3A_885 : vector<16xf32> to vector<1x16xf32>
        tpu.vector_store %arg10[%swap3A_886, %swap3A_887], %swap3A_890 {strides = array<i32>} : memref<128x128xf32, #tpu.memory_space<vmem>>, vector<1x16xf32>,
        %get3A_891 = arith.index_cast %add3A_880 : i32 to index
        %get3A_892 = arith.constant 16 : index
        %get3A_893 = tpu.vector_load %arg10[%get3A_891, %get3A_892] {strides = array<i32>} : memref<128x128xf32, #tpu.memory_space<vmem>>, vector<1x16xf32>,
        %get3A_894 = vector.shape_cast %get3A_893 : vector<1x16xf32> to vector<16xf32>
        %mul3A_895 = arith.mulf %get3A_894, %gather3A_876 : vector<16xf32>
        %swap3A_896 = arith.index_cast %add3A_880 : i32 to index
        %swap3A_897 = arith.constant 16 : index
        %swap3A_898 = tpu.vector_load %arg10[%swap3A_896, %swap3A_897] {strides = array<i32>} : memref<128x128xf32, #tpu.memory_space<vmem>>, vector<1x16xf32>,
        %swap3A_899 = vector.shape_cast %swap3A_898 : vector<1x16xf32> to vector<16xf32>
        %swap3A_900 = vector.shape_cast %mul3A_895 : vector<16xf32> to vector<1x16xf32>
        tpu.vector_store %arg10[%swap3A_896, %swap3A_897], %swap3A_900 {strides = array<i32>} : memref<128x128xf32, #tpu.memory_space<vmem>>, vector<1x16xf32>,
        %get3A_901 = arith.index_cast %add3A_880 : i32 to index
        %get3A_902 = arith.constant 32 : index
        %get3A_903 = tpu.vector_load %arg10[%get3A_901, %get3A_902] {strides = array<i32>} : memref<128x128xf32, #tpu.memory_space<vmem>>, vector<1x16xf32>,
        %get3A_904 = vector.shape_cast %get3A_903 : vector<1x16xf32> to vector<16xf32>
        %mul3A_905 = arith.mulf %get3A_904, %gather3A_876 : vector<16xf32>
        %swap3A_906 = arith.index_cast %add3A_880 : i32 to index
        %swap3A_907 = arith.constant 32 : index
        %swap3A_908 = tpu.vector_load %arg10[%swap3A_906, %swap3A_907] {strides = array<i32>} : memref<128x128xf32, #tpu.memory_space<vmem>>, vector<1x16xf32>,
        %swap3A_909 = vector.shape_cast %swap3A_908 : vector<1x16xf32> to vector<16xf32>
        %swap3A_910 = vector.shape_cast %mul3A_905 : vector<16xf32> to vector<1x16xf32>
        tpu.vector_store %arg10[%swap3A_906, %swap3A_907], %swap3A_910 {strides = array<i32>} : memref<128x128xf32, #tpu.memory_space<vmem>>, vector<1x16xf32>,
        %get3A_911 = arith.index_cast %add3A_880 : i32 to index
        %get3A_912 = arith.constant 48 : index
        %get3A_913 = tpu.vector_load %arg10[%get3A_911, %get3A_912] {strides = array<i32>} : memref<128x128xf32, #tpu.memory_space<vmem>>, vector<1x16xf32>,
        %get3A_914 = vector.shape_cast %get3A_913 : vector<1x16xf32> to vector<16xf32>
        %mul3A_915 = arith.mulf %get3A_914, %gather3A_876 : vector<16xf32>
        %swap3A_916 = arith.index_cast %add3A_880 : i32 to index
        %swap3A_917 = arith.constant 48 : index
        %swap3A_918 = tpu.vector_load %arg10[%swap3A_916, %swap3A_917] {strides = array<i32>} : memref<128x128xf32, #tpu.memory_space<vmem>>, vector<1x16xf32>,
        %swap3A_919 = vector.shape_cast %swap3A_918 : vector<1x16xf32> to vector<16xf32>
        %swap3A_920 = vector.shape_cast %mul3A_915 : vector<16xf32> to vector<1x16xf32>
        tpu.vector_store %arg10[%swap3A_916, %swap3A_917], %swap3A_920 {strides = array<i32>} : memref<128x128xf32, #tpu.memory_space<vmem>>, vector<1x16xf32>,
        %get3A_921 = arith.index_cast %add3A_880 : i32 to index
        %get3A_922 = arith.constant 64 : index
        %get3A_923 = tpu.vector_load %arg10[%get3A_921, %get3A_922] {strides = array<i32>} : memref<128x128xf32, #tpu.memory_space<vmem>>, vector<1x16xf32>,
        %get3A_924 = vector.shape_cast %get3A_923 : vector<1x16xf32> to vector<16xf32>
        %mul3A_925 = arith.mulf %get3A_924, %gather3A_876 : vector<16xf32>
        %swap3A_926 = arith.index_cast %add3A_880 : i32 to index
        %swap3A_927 = arith.constant 64 : index
        %swap3A_928 = tpu.vector_load %arg10[%swap3A_926, %swap3A_927] {strides = array<i32>} : memref<128x128xf32, #tpu.memory_space<vmem>>, vector<1x16xf32>,
        %swap3A_929 = vector.shape_cast %swap3A_928 : vector<1x16xf32> to vector<16xf32>
        %swap3A_930 = vector.shape_cast %mul3A_925 : vector<16xf32> to vector<1x16xf32>
        tpu.vector_store %arg10[%swap3A_926, %swap3A_927], %swap3A_930 {strides = array<i32>} : memref<128x128xf32, #tpu.memory_space<vmem>>, vector<1x16xf32>,
        %get3A_931 = arith.index_cast %add3A_880 : i32 to index
        %get3A_932 = arith.constant 80 : index
        %get3A_933 = tpu.vector_load %arg10[%get3A_931, %get3A_932] {strides = array<i32>} : memref<128x128xf32, #tpu.memory_space<vmem>>, vector<1x16xf32>,
        %get3A_934 = vector.shape_cast %get3A_933 : vector<1x16xf32> to vector<16xf32>
        %mul3A_935 = arith.mulf %get3A_934, %gather3A_876 : vector<16xf32>
        %swap3A_936 = arith.index_cast %add3A_880 : i32 to index
        %swap3A_937 = arith.constant 80 : index
        %swap3A_938 = tpu.vector_load %arg10[%swap3A_936, %swap3A_937] {strides = array<i32>} : memref<128x128xf32, #tpu.memory_space<vmem>>, vector<1x16xf32>,
        %swap3A_939 = vector.shape_cast %swap3A_938 : vector<1x16xf32> to vector<16xf32>
        %swap3A_940 = vector.shape_cast %mul3A_935 : vector<16xf32> to vector<1x16xf32>
        tpu.vector_store %arg10[%swap3A_936, %swap3A_937], %swap3A_940 {strides = array<i32>} : memref<128x128xf32, #tpu.memory_space<vmem>>, vector<1x16xf32>,
        %get3A_941 = arith.index_cast %add3A_880 : i32 to index
        %get3A_942 = arith.constant 96 : index
        %get3A_943 = tpu.vector_load %arg10[%get3A_941, %get3A_942] {strides = array<i32>} : memref<128x128xf32, #tpu.memory_space<vmem>>, vector<1x16xf32>,
        %get3A_944 = vector.shape_cast %get3A_943 : vector<1x16xf32> to vector<16xf32>
        %mul3A_945 = arith.mulf %get3A_944, %gather3A_876 : vector<16xf32>
        %swap3A_946 = arith.index_cast %add3A_880 : i32 to index
        %swap3A_947 = arith.constant 96 : index
        %swap3A_948 = tpu.vector_load %arg10[%swap3A_946, %swap3A_947] {strides = array<i32>} : memref<128x128xf32, #tpu.memory_space<vmem>>, vector<1x16xf32>,
        %swap3A_949 = vector.shape_cast %swap3A_948 : vector<1x16xf32> to vector<16xf32>
        %swap3A_950 = vector.shape_cast %mul3A_945 : vector<16xf32> to vector<1x16xf32>
        tpu.vector_store %arg10[%swap3A_946, %swap3A_947], %swap3A_950 {strides = array<i32>} : memref<128x128xf32, #tpu.memory_space<vmem>>, vector<1x16xf32>,
        %get3A_951 = arith.index_cast %add3A_880 : i32 to index
        %get3A_952 = arith.constant 112 : index
        %get3A_953 = tpu.vector_load %arg10[%get3A_951, %get3A_952] {strides = array<i32>} : memref<128x128xf32, #tpu.memory_space<vmem>>, vector<1x16xf32>,
        %get3A_954 = vector.shape_cast %get3A_953 : vector<1x16xf32> to vector<16xf32>
        %mul3A_955 = arith.mulf %get3A_954, %gather3A_876 : vector<16xf32>
        %swap3A_956 = arith.index_cast %add3A_880 : i32 to index
        %swap3A_957 = arith.constant 112 : index
        %swap3A_958 = tpu.vector_load %arg10[%swap3A_956, %swap3A_957] {strides = array<i32>} : memref<128x128xf32, #tpu.memory_space<vmem>>, vector<1x16xf32>,
        %swap3A_959 = vector.shape_cast %swap3A_958 : vector<1x16xf32> to vector<16xf32>
        %swap3A_960 = vector.shape_cast %mul3A_955 : vector<16xf32> to vector<1x16xf32>
        tpu.vector_store %arg10[%swap3A_956, %swap3A_957], %swap3A_960 {strides = array<i32>} : memref<128x128xf32, #tpu.memory_space<vmem>>, vector<1x16xf32>,
        %broadcast_in_dim3A_961 = arith.constant 10 : i32
        %broadcast_in_dim3A_962 = vector.broadcast %broadcast_in_dim3A_961 : i32 to vector<16x1xi32>
        %gather3A_963 = vector.shape_cast %broadcast_in_dim3A_962 : vector<16x1xi32> to vector<16xi32>
        %gather3A_964 = tpu.dynamic_gather %get3A_82[%gather3A_963] in [0] : vector<16xf32>, vector<16xi32> -> vector<16xf32>
        %mul3A_965 = arith.constant 16 : i32
        %mul3A_966 = arith.muli %scan3A_76, %mul3A_965 : i32
        %add3A_967 = arith.constant 10 : i32
        %add3A_968 = arith.addi %mul3A_966, %add3A_967 : i32
        %get3A_969 = arith.index_cast %add3A_968 : i32 to index
        %get3A_970 = arith.constant 0 : index
        %get3A_971 = tpu.vector_load %arg10[%get3A_969, %get3A_970] {strides = array<i32>} : memref<128x128xf32, #tpu.memory_space<vmem>>, vector<1x16xf32>,
        %get3A_972 = vector.shape_cast %get3A_971 : vector<1x16xf32> to vector<16xf32>
        %mul3A_973 = arith.mulf %get3A_972, %gather3A_964 : vector<16xf32>
        %swap3A_974 = arith.index_cast %add3A_968 : i32 to index
        %swap3A_975 = arith.constant 0 : index
        %swap3A_976 = tpu.vector_load %arg10[%swap3A_974, %swap3A_975] {strides = array<i32>} : memref<128x128xf32, #tpu.memory_space<vmem>>, vector<1x16xf32>,
        %swap3A_977 = vector.shape_cast %swap3A_976 : vector<1x16xf32> to vector<16xf32>
        %swap3A_978 = vector.shape_cast %mul3A_973 : vector<16xf32> to vector<1x16xf32>
        tpu.vector_store %arg10[%swap3A_974, %swap3A_975], %swap3A_978 {strides = array<i32>} : memref<128x128xf32, #tpu.memory_space<vmem>>, vector<1x16xf32>,
        %get3A_979 = arith.index_cast %add3A_968 : i32 to index
        %get3A_980 = arith.constant 16 : index
        %get3A_981 = tpu.vector_load %arg10[%get3A_979, %get3A_980] {strides = array<i32>} : memref<128x128xf32, #tpu.memory_space<vmem>>, vector<1x16xf32>,
        %get3A_982 = vector.shape_cast %get3A_981 : vector<1x16xf32> to vector<16xf32>
        %mul3A_983 = arith.mulf %get3A_982, %gather3A_964 : vector<16xf32>
        %swap3A_984 = arith.index_cast %add3A_968 : i32 to index
        %swap3A_985 = arith.constant 16 : index
        %swap3A_986 = tpu.vector_load %arg10[%swap3A_984, %swap3A_985] {strides = array<i32>} : memref<128x128xf32, #tpu.memory_space<vmem>>, vector<1x16xf32>,
        %swap3A_987 = vector.shape_cast %swap3A_986 : vector<1x16xf32> to vector<16xf32>
        %swap3A_988 = vector.shape_cast %mul3A_983 : vector<16xf32> to vector<1x16xf32>
        tpu.vector_store %arg10[%swap3A_984, %swap3A_985], %swap3A_988 {strides = array<i32>} : memref<128x128xf32, #tpu.memory_space<vmem>>, vector<1x16xf32>,
        %get3A_989 = arith.index_cast %add3A_968 : i32 to index
        %get3A_990 = arith.constant 32 : index
        %get3A_991 = tpu.vector_load %arg10[%get3A_989, %get3A_990] {strides = array<i32>} : memref<128x128xf32, #tpu.memory_space<vmem>>, vector<1x16xf32>,
        %get3A_992 = vector.shape_cast %get3A_991 : vector<1x16xf32> to vector<16xf32>
        %mul3A_993 = arith.mulf %get3A_992, %gather3A_964 : vector<16xf32>
        %swap3A_994 = arith.index_cast %add3A_968 : i32 to index
        %swap3A_995 = arith.constant 32 : index
        %swap3A_996 = tpu.vector_load %arg10[%swap3A_994, %swap3A_995] {strides = array<i32>} : memref<128x128xf32, #tpu.memory_space<vmem>>, vector<1x16xf32>,
        %swap3A_997 = vector.shape_cast %swap3A_996 : vector<1x16xf32> to vector<16xf32>
        %swap3A_998 = vector.shape_cast %mul3A_993 : vector<16xf32> to vector<1x16xf32>
        tpu.vector_store %arg10[%swap3A_994, %swap3A_995], %swap3A_998 {strides = array<i32>} : memref<128x128xf32, #tpu.memory_space<vmem>>, vector<1x16xf32>,
        %get3A_999 = arith.index_cast %add3A_968 : i32 to index
        %get3A_1000 = arith.constant 48 : index
        %get3A_1001 = tpu.vector_load %arg10[%get3A_999, %get3A_1000] {strides = array<i32>} : memref<128x128xf32, #tpu.memory_space<vmem>>, vector<1x16xf32>,
        %get3A_1002 = vector.shape_cast %get3A_1001 : vector<1x16xf32> to vector<16xf32>
        %mul3A_1003 = arith.mulf %get3A_1002, %gather3A_964 : vector<16xf32>
        %swap3A_1004 = arith.index_cast %add3A_968 : i32 to index
        %swap3A_1005 = arith.constant 48 : index
        %swap3A_1006 = tpu.vector_load %arg10[%swap3A_1004, %swap3A_1005] {strides = array<i32>} : memref<128x128xf32, #tpu.memory_space<vmem>>, vector<1x16xf32>,
        %swap3A_1007 = vector.shape_cast %swap3A_1006 : vector<1x16xf32> to vector<16xf32>
        %swap3A_1008 = vector.shape_cast %mul3A_1003 : vector<16xf32> to vector<1x16xf32>
        tpu.vector_store %arg10[%swap3A_1004, %swap3A_1005], %swap3A_1008 {strides = array<i32>} : memref<128x128xf32, #tpu.memory_space<vmem>>, vector<1x16xf32>,
        %get3A_1009 = arith.index_cast %add3A_968 : i32 to index
        %get3A_1010 = arith.constant 64 : index
        %get3A_1011 = tpu.vector_load %arg10[%get3A_1009, %get3A_1010] {strides = array<i32>} : memref<128x128xf32, #tpu.memory_space<vmem>>, vector<1x16xf32>,
        %get3A_1012 = vector.shape_cast %get3A_1011 : vector<1x16xf32> to vector<16xf32>
        %mul3A_1013 = arith.mulf %get3A_1012, %gather3A_964 : vector<16xf32>
        %swap3A_1014 = arith.index_cast %add3A_968 : i32 to index
        %swap3A_1015 = arith.constant 64 : index
        %swap3A_1016 = tpu.vector_load %arg10[%swap3A_1014, %swap3A_1015] {strides = array<i32>} : memref<128x128xf32, #tpu.memory_space<vmem>>, vector<1x16xf32>,
        %swap3A_1017 = vector.shape_cast %swap3A_1016 : vector<1x16xf32> to vector<16xf32>
        %swap3A_1018 = vector.shape_cast %mul3A_1013 : vector<16xf32> to vector<1x16xf32>
        tpu.vector_store %arg10[%swap3A_1014, %swap3A_1015], %swap3A_1018 {strides = array<i32>} : memref<128x128xf32, #tpu.memory_space<vmem>>, vector<1x16xf32>,
        %get3A_1019 = arith.index_cast %add3A_968 : i32 to index
        %get3A_1020 = arith.constant 80 : index
        %get3A_1021 = tpu.vector_load %arg10[%get3A_1019, %get3A_1020] {strides = array<i32>} : memref<128x128xf32, #tpu.memory_space<vmem>>, vector<1x16xf32>,
        %get3A_1022 = vector.shape_cast %get3A_1021 : vector<1x16xf32> to vector<16xf32>
        %mul3A_1023 = arith.mulf %get3A_1022, %gather3A_964 : vector<16xf32>
        %swap3A_1024 = arith.index_cast %add3A_968 : i32 to index
        %swap3A_1025 = arith.constant 80 : index
        %swap3A_1026 = tpu.vector_load %arg10[%swap3A_1024, %swap3A_1025] {strides = array<i32>} : memref<128x128xf32, #tpu.memory_space<vmem>>, vector<1x16xf32>,
        %swap3A_1027 = vector.shape_cast %swap3A_1026 : vector<1x16xf32> to vector<16xf32>
        %swap3A_1028 = vector.shape_cast %mul3A_1023 : vector<16xf32> to vector<1x16xf32>
        tpu.vector_store %arg10[%swap3A_1024, %swap3A_1025], %swap3A_1028 {strides = array<i32>} : memref<128x128xf32, #tpu.memory_space<vmem>>, vector<1x16xf32>,
        %get3A_1029 = arith.index_cast %add3A_968 : i32 to index
        %get3A_1030 = arith.constant 96 : index
        %get3A_1031 = tpu.vector_load %arg10[%get3A_1029, %get3A_1030] {strides = array<i32>} : memref<128x128xf32, #tpu.memory_space<vmem>>, vector<1x16xf32>,
        %get3A_1032 = vector.shape_cast %get3A_1031 : vector<1x16xf32> to vector<16xf32>
        %mul3A_1033 = arith.mulf %get3A_1032, %gather3A_964 : vector<16xf32>
        %swap3A_1034 = arith.index_cast %add3A_968 : i32 to index
        %swap3A_1035 = arith.constant 96 : index
        %swap3A_1036 = tpu.vector_load %arg10[%swap3A_1034, %swap3A_1035] {strides = array<i32>} : memref<128x128xf32, #tpu.memory_space<vmem>>, vector<1x16xf32>,
        %swap3A_1037 = vector.shape_cast %swap3A_1036 : vector<1x16xf32> to vector<16xf32>
        %swap3A_1038 = vector.shape_cast %mul3A_1033 : vector<16xf32> to vector<1x16xf32>
        tpu.vector_store %arg10[%swap3A_1034, %swap3A_1035], %swap3A_1038 {strides = array<i32>} : memref<128x128xf32, #tpu.memory_space<vmem>>, vector<1x16xf32>,
        %get3A_1039 = arith.index_cast %add3A_968 : i32 to index
        %get3A_1040 = arith.constant 112 : index
        %get3A_1041 = tpu.vector_load %arg10[%get3A_1039, %get3A_1040] {strides = array<i32>} : memref<128x128xf32, #tpu.memory_space<vmem>>, vector<1x16xf32>,
        %get3A_1042 = vector.shape_cast %get3A_1041 : vector<1x16xf32> to vector<16xf32>
        %mul3A_1043 = arith.mulf %get3A_1042, %gather3A_964 : vector<16xf32>
        %swap3A_1044 = arith.index_cast %add3A_968 : i32 to index
        %swap3A_1045 = arith.constant 112 : index
        %swap3A_1046 = tpu.vector_load %arg10[%swap3A_1044, %swap3A_1045] {strides = array<i32>} : memref<128x128xf32, #tpu.memory_space<vmem>>, vector<1x16xf32>,
        %swap3A_1047 = vector.shape_cast %swap3A_1046 : vector<1x16xf32> to vector<16xf32>
        %swap3A_1048 = vector.shape_cast %mul3A_1043 : vector<16xf32> to vector<1x16xf32>
        tpu.vector_store %arg10[%swap3A_1044, %swap3A_1045], %swap3A_1048 {strides = array<i32>} : memref<128x128xf32, #tpu.memory_space<vmem>>, vector<1x16xf32>,
        %broadcast_in_dim3A_1049 = arith.constant 11 : i32
        %broadcast_in_dim3A_1050 = vector.broadcast %broadcast_in_dim3A_1049 : i32 to vector<16x1xi32>
        %gather3A_1051 = vector.shape_cast %broadcast_in_dim3A_1050 : vector<16x1xi32> to vector<16xi32>
        %gather3A_1052 = tpu.dynamic_gather %get3A_82[%gather3A_1051] in [0] : vector<16xf32>, vector<16xi32> -> vector<16xf32>
        %mul3A_1053 = arith.constant 16 : i32
        %mul3A_1054 = arith.muli %scan3A_76, %mul3A_1053 : i32
        %add3A_1055 = arith.constant 11 : i32
        %add3A_1056 = arith.addi %mul3A_1054, %add3A_1055 : i32
        %get3A_1057 = arith.index_cast %add3A_1056 : i32 to index
        %get3A_1058 = arith.constant 0 : index
        %get3A_1059 = tpu.vector_load %arg10[%get3A_1057, %get3A_1058] {strides = array<i32>} : memref<128x128xf32, #tpu.memory_space<vmem>>, vector<1x16xf32>,
        %get3A_1060 = vector.shape_cast %get3A_1059 : vector<1x16xf32> to vector<16xf32>
        %mul3A_1061 = arith.mulf %get3A_1060, %gather3A_1052 : vector<16xf32>
        %swap3A_1062 = arith.index_cast %add3A_1056 : i32 to index
        %swap3A_1063 = arith.constant 0 : index
        %swap3A_1064 = tpu.vector_load %arg10[%swap3A_1062, %swap3A_1063] {strides = array<i32>} : memref<128x128xf32, #tpu.memory_space<vmem>>, vector<1x16xf32>,
        %swap3A_1065 = vector.shape_cast %swap3A_1064 : vector<1x16xf32> to vector<16xf32>
        %swap3A_1066 = vector.shape_cast %mul3A_1061 : vector<16xf32> to vector<1x16xf32>
        tpu.vector_store %arg10[%swap3A_1062, %swap3A_1063], %swap3A_1066 {strides = array<i32>} : memref<128x128xf32, #tpu.memory_space<vmem>>, vector<1x16xf32>,
        %get3A_1067 = arith.index_cast %add3A_1056 : i32 to index
        %get3A_1068 = arith.constant 16 : index
        %get3A_1069 = tpu.vector_load %arg10[%get3A_1067, %get3A_1068] {strides = array<i32>} : memref<128x128xf32, #tpu.memory_space<vmem>>, vector<1x16xf32>,
        %get3A_1070 = vector.shape_cast %get3A_1069 : vector<1x16xf32> to vector<16xf32>
        %mul3A_1071 = arith.mulf %get3A_1070, %gather3A_1052 : vector<16xf32>
        %swap3A_1072 = arith.index_cast %add3A_1056 : i32 to index
        %swap3A_1073 = arith.constant 16 : index
        %swap3A_1074 = tpu.vector_load %arg10[%swap3A_1072, %swap3A_1073] {strides = array<i32>} : memref<128x128xf32, #tpu.memory_space<vmem>>, vector<1x16xf32>,
        %swap3A_1075 = vector.shape_cast %swap3A_1074 : vector<1x16xf32> to vector<16xf32>
        %swap3A_1076 = vector.shape_cast %mul3A_1071 : vector<16xf32> to vector<1x16xf32>
        tpu.vector_store %arg10[%swap3A_1072, %swap3A_1073], %swap3A_1076 {strides = array<i32>} : memref<128x128xf32, #tpu.memory_space<vmem>>, vector<1x16xf32>,
        %get3A_1077 = arith.index_cast %add3A_1056 : i32 to index
        %get3A_1078 = arith.constant 32 : index
        %get3A_1079 = tpu.vector_load %arg10[%get3A_1077, %get3A_1078] {strides = array<i32>} : memref<128x128xf32, #tpu.memory_space<vmem>>, vector<1x16xf32>,
        %get3A_1080 = vector.shape_cast %get3A_1079 : vector<1x16xf32> to vector<16xf32>
        %mul3A_1081 = arith.mulf %get3A_1080, %gather3A_1052 : vector<16xf32>
        %swap3A_1082 = arith.index_cast %add3A_1056 : i32 to index
        %swap3A_1083 = arith.constant 32 : index
        %swap3A_1084 = tpu.vector_load %arg10[%swap3A_1082, %swap3A_1083] {strides = array<i32>} : memref<128x128xf32, #tpu.memory_space<vmem>>, vector<1x16xf32>,
        %swap3A_1085 = vector.shape_cast %swap3A_1084 : vector<1x16xf32> to vector<16xf32>
        %swap3A_1086 = vector.shape_cast %mul3A_1081 : vector<16xf32> to vector<1x16xf32>
        tpu.vector_store %arg10[%swap3A_1082, %swap3A_1083], %swap3A_1086 {strides = array<i32>} : memref<128x128xf32, #tpu.memory_space<vmem>>, vector<1x16xf32>,
        %get3A_1087 = arith.index_cast %add3A_1056 : i32 to index
        %get3A_1088 = arith.constant 48 : index
        %get3A_1089 = tpu.vector_load %arg10[%get3A_1087, %get3A_1088] {strides = array<i32>} : memref<128x128xf32, #tpu.memory_space<vmem>>, vector<1x16xf32>,
        %get3A_1090 = vector.shape_cast %get3A_1089 : vector<1x16xf32> to vector<16xf32>
        %mul3A_1091 = arith.mulf %get3A_1090, %gather3A_1052 : vector<16xf32>
        %swap3A_1092 = arith.index_cast %add3A_1056 : i32 to index
        %swap3A_1093 = arith.constant 48 : index
        %swap3A_1094 = tpu.vector_load %arg10[%swap3A_1092, %swap3A_1093] {strides = array<i32>} : memref<128x128xf32, #tpu.memory_space<vmem>>, vector<1x16xf32>,
        %swap3A_1095 = vector.shape_cast %swap3A_1094 : vector<1x16xf32> to vector<16xf32>
        %swap3A_1096 = vector.shape_cast %mul3A_1091 : vector<16xf32> to vector<1x16xf32>
        tpu.vector_store %arg10[%swap3A_1092, %swap3A_1093], %swap3A_1096 {strides = array<i32>} : memref<128x128xf32, #tpu.memory_space<vmem>>, vector<1x16xf32>,
        %get3A_1097 = arith.index_cast %add3A_1056 : i32 to index
        %get3A_1098 = arith.constant 64 : index
        %get3A_1099 = tpu.vector_load %arg10[%get3A_1097, %get3A_1098] {strides = array<i32>} : memref<128x128xf32, #tpu.memory_space<vmem>>, vector<1x16xf32>,
        %get3A_1100 = vector.shape_cast %get3A_1099 : vector<1x16xf32> to vector<16xf32>
        %mul3A_1101 = arith.mulf %get3A_1100, %gather3A_1052 : vector<16xf32>
        %swap3A_1102 = arith.index_cast %add3A_1056 : i32 to index
        %swap3A_1103 = arith.constant 64 : index
        %swap3A_1104 = tpu.vector_load %arg10[%swap3A_1102, %swap3A_1103] {strides = array<i32>} : memref<128x128xf32, #tpu.memory_space<vmem>>, vector<1x16xf32>,
        %swap3A_1105 = vector.shape_cast %swap3A_1104 : vector<1x16xf32> to vector<16xf32>
        %swap3A_1106 = vector.shape_cast %mul3A_1101 : vector<16xf32> to vector<1x16xf32>
        tpu.vector_store %arg10[%swap3A_1102, %swap3A_1103], %swap3A_1106 {strides = array<i32>} : memref<128x128xf32, #tpu.memory_space<vmem>>, vector<1x16xf32>,
        %get3A_1107 = arith.index_cast %add3A_1056 : i32 to index
        %get3A_1108 = arith.constant 80 : index
        %get3A_1109 = tpu.vector_load %arg10[%get3A_1107, %get3A_1108] {strides = array<i32>} : memref<128x128xf32, #tpu.memory_space<vmem>>, vector<1x16xf32>,
        %get3A_1110 = vector.shape_cast %get3A_1109 : vector<1x16xf32> to vector<16xf32>
        %mul3A_1111 = arith.mulf %get3A_1110, %gather3A_1052 : vector<16xf32>
        %swap3A_1112 = arith.index_cast %add3A_1056 : i32 to index
        %swap3A_1113 = arith.constant 80 : index
        %swap3A_1114 = tpu.vector_load %arg10[%swap3A_1112, %swap3A_1113] {strides = array<i32>} : memref<128x128xf32, #tpu.memory_space<vmem>>, vector<1x16xf32>,
        %swap3A_1115 = vector.shape_cast %swap3A_1114 : vector<1x16xf32> to vector<16xf32>
        %swap3A_1116 = vector.shape_cast %mul3A_1111 : vector<16xf32> to vector<1x16xf32>
        tpu.vector_store %arg10[%swap3A_1112, %swap3A_1113], %swap3A_1116 {strides = array<i32>} : memref<128x128xf32, #tpu.memory_space<vmem>>, vector<1x16xf32>,
        %get3A_1117 = arith.index_cast %add3A_1056 : i32 to index
        %get3A_1118 = arith.constant 96 : index
        %get3A_1119 = tpu.vector_load %arg10[%get3A_1117, %get3A_1118] {strides = array<i32>} : memref<128x128xf32, #tpu.memory_space<vmem>>, vector<1x16xf32>,
        %get3A_1120 = vector.shape_cast %get3A_1119 : vector<1x16xf32> to vector<16xf32>
        %mul3A_1121 = arith.mulf %get3A_1120, %gather3A_1052 : vector<16xf32>
        %swap3A_1122 = arith.index_cast %add3A_1056 : i32 to index
        %swap3A_1123 = arith.constant 96 : index
        %swap3A_1124 = tpu.vector_load %arg10[%swap3A_1122, %swap3A_1123] {strides = array<i32>} : memref<128x128xf32, #tpu.memory_space<vmem>>, vector<1x16xf32>,
        %swap3A_1125 = vector.shape_cast %swap3A_1124 : vector<1x16xf32> to vector<16xf32>
        %swap3A_1126 = vector.shape_cast %mul3A_1121 : vector<16xf32> to vector<1x16xf32>
        tpu.vector_store %arg10[%swap3A_1122, %swap3A_1123], %swap3A_1126 {strides = array<i32>} : memref<128x128xf32, #tpu.memory_space<vmem>>, vector<1x16xf32>,
        %get3A_1127 = arith.index_cast %add3A_1056 : i32 to index
        %get3A_1128 = arith.constant 112 : index
        %get3A_1129 = tpu.vector_load %arg10[%get3A_1127, %get3A_1128] {strides = array<i32>} : memref<128x128xf32, #tpu.memory_space<vmem>>, vector<1x16xf32>,
        %get3A_1130 = vector.shape_cast %get3A_1129 : vector<1x16xf32> to vector<16xf32>
        %mul3A_1131 = arith.mulf %get3A_1130, %gather3A_1052 : vector<16xf32>
        %swap3A_1132 = arith.index_cast %add3A_1056 : i32 to index
        %swap3A_1133 = arith.constant 112 : index
        %swap3A_1134 = tpu.vector_load %arg10[%swap3A_1132, %swap3A_1133] {strides = array<i32>} : memref<128x128xf32, #tpu.memory_space<vmem>>, vector<1x16xf32>,
        %swap3A_1135 = vector.shape_cast %swap3A_1134 : vector<1x16xf32> to vector<16xf32>
        %swap3A_1136 = vector.shape_cast %mul3A_1131 : vector<16xf32> to vector<1x16xf32>
        tpu.vector_store %arg10[%swap3A_1132, %swap3A_1133], %swap3A_1136 {strides = array<i32>} : memref<128x128xf32, #tpu.memory_space<vmem>>, vector<1x16xf32>,
        %broadcast_in_dim3A_1137 = arith.constant 12 : i32
        %broadcast_in_dim3A_1138 = vector.broadcast %broadcast_in_dim3A_1137 : i32 to vector<16x1xi32>
        %gather3A_1139 = vector.shape_cast %broadcast_in_dim3A_1138 : vector<16x1xi32> to vector<16xi32>
        %gather3A_1140 = tpu.dynamic_gather %get3A_82[%gather3A_1139] in [0] : vector<16xf32>, vector<16xi32> -> vector<16xf32>
        %mul3A_1141 = arith.constant 16 : i32
        %mul3A_1142 = arith.muli %scan3A_76, %mul3A_1141 : i32
        %add3A_1143 = arith.constant 12 : i32
        %add3A_1144 = arith.addi %mul3A_1142, %add3A_1143 : i32
        %get3A_1145 = arith.index_cast %add3A_1144 : i32 to index
        %get3A_1146 = arith.constant 0 : index
        %get3A_1147 = tpu.vector_load %arg10[%get3A_1145, %get3A_1146] {strides = array<i32>} : memref<128x128xf32, #tpu.memory_space<vmem>>, vector<1x16xf32>,
        %get3A_1148 = vector.shape_cast %get3A_1147 : vector<1x16xf32> to vector<16xf32>
        %mul3A_1149 = arith.mulf %get3A_1148, %gather3A_1140 : vector<16xf32>
        %swap3A_1150 = arith.index_cast %add3A_1144 : i32 to index
        %swap3A_1151 = arith.constant 0 : index
        %swap3A_1152 = tpu.vector_load %arg10[%swap3A_1150, %swap3A_1151] {strides = array<i32>} : memref<128x128xf32, #tpu.memory_space<vmem>>, vector<1x16xf32>,
        %swap3A_1153 = vector.shape_cast %swap3A_1152 : vector<1x16xf32> to vector<16xf32>
        %swap3A_1154 = vector.shape_cast %mul3A_1149 : vector<16xf32> to vector<1x16xf32>
        tpu.vector_store %arg10[%swap3A_1150, %swap3A_1151], %swap3A_1154 {strides = array<i32>} : memref<128x128xf32, #tpu.memory_space<vmem>>, vector<1x16xf32>,
        %get3A_1155 = arith.index_cast %add3A_1144 : i32 to index
        %get3A_1156 = arith.constant 16 : index
        %get3A_1157 = tpu.vector_load %arg10[%get3A_1155, %get3A_1156] {strides = array<i32>} : memref<128x128xf32, #tpu.memory_space<vmem>>, vector<1x16xf32>,
        %get3A_1158 = vector.shape_cast %get3A_1157 : vector<1x16xf32> to vector<16xf32>
        %mul3A_1159 = arith.mulf %get3A_1158, %gather3A_1140 : vector<16xf32>
        %swap3A_1160 = arith.index_cast %add3A_1144 : i32 to index
        %swap3A_1161 = arith.constant 16 : index
        %swap3A_1162 = tpu.vector_load %arg10[%swap3A_1160, %swap3A_1161] {strides = array<i32>} : memref<128x128xf32, #tpu.memory_space<vmem>>, vector<1x16xf32>,
        %swap3A_1163 = vector.shape_cast %swap3A_1162 : vector<1x16xf32> to vector<16xf32>
        %swap3A_1164 = vector.shape_cast %mul3A_1159 : vector<16xf32> to vector<1x16xf32>
        tpu.vector_store %arg10[%swap3A_1160, %swap3A_1161], %swap3A_1164 {strides = array<i32>} : memref<128x128xf32, #tpu.memory_space<vmem>>, vector<1x16xf32>,
        %get3A_1165 = arith.index_cast %add3A_1144 : i32 to index
        %get3A_1166 = arith.constant 32 : index
        %get3A_1167 = tpu.vector_load %arg10[%get3A_1165, %get3A_1166] {strides = array<i32>} : memref<128x128xf32, #tpu.memory_space<vmem>>, vector<1x16xf32>,
        %get3A_1168 = vector.shape_cast %get3A_1167 : vector<1x16xf32> to vector<16xf32>
        %mul3A_1169 = arith.mulf %get3A_1168, %gather3A_1140 : vector<16xf32>
        %swap3A_1170 = arith.index_cast %add3A_1144 : i32 to index
        %swap3A_1171 = arith.constant 32 : index
        %swap3A_1172 = tpu.vector_load %arg10[%swap3A_1170, %swap3A_1171] {strides = array<i32>} : memref<128x128xf32, #tpu.memory_space<vmem>>, vector<1x16xf32>,
        %swap3A_1173 = vector.shape_cast %swap3A_1172 : vector<1x16xf32> to vector<16xf32>
        %swap3A_1174 = vector.shape_cast %mul3A_1169 : vector<16xf32> to vector<1x16xf32>
        tpu.vector_store %arg10[%swap3A_1170, %swap3A_1171], %swap3A_1174 {strides = array<i32>} : memref<128x128xf32, #tpu.memory_space<vmem>>, vector<1x16xf32>,
        %get3A_1175 = arith.index_cast %add3A_1144 : i32 to index
        %get3A_1176 = arith.constant 48 : index
        %get3A_1177 = tpu.vector_load %arg10[%get3A_1175, %get3A_1176] {strides = array<i32>} : memref<128x128xf32, #tpu.memory_space<vmem>>, vector<1x16xf32>,
        %get3A_1178 = vector.shape_cast %get3A_1177 : vector<1x16xf32> to vector<16xf32>
        %mul3A_1179 = arith.mulf %get3A_1178, %gather3A_1140 : vector<16xf32>
        %swap3A_1180 = arith.index_cast %add3A_1144 : i32 to index
        %swap3A_1181 = arith.constant 48 : index
        %swap3A_1182 = tpu.vector_load %arg10[%swap3A_1180, %swap3A_1181] {strides = array<i32>} : memref<128x128xf32, #tpu.memory_space<vmem>>, vector<1x16xf32>,
        %swap3A_1183 = vector.shape_cast %swap3A_1182 : vector<1x16xf32> to vector<16xf32>
        %swap3A_1184 = vector.shape_cast %mul3A_1179 : vector<16xf32> to vector<1x16xf32>
        tpu.vector_store %arg10[%swap3A_1180, %swap3A_1181], %swap3A_1184 {strides = array<i32>} : memref<128x128xf32, #tpu.memory_space<vmem>>, vector<1x16xf32>,
        %get3A_1185 = arith.index_cast %add3A_1144 : i32 to index
        %get3A_1186 = arith.constant 64 : index
        %get3A_1187 = tpu.vector_load %arg10[%get3A_1185, %get3A_1186] {strides = array<i32>} : memref<128x128xf32, #tpu.memory_space<vmem>>, vector<1x16xf32>,
        %get3A_1188 = vector.shape_cast %get3A_1187 : vector<1x16xf32> to vector<16xf32>
        %mul3A_1189 = arith.mulf %get3A_1188, %gather3A_1140 : vector<16xf32>
        %swap3A_1190 = arith.index_cast %add3A_1144 : i32 to index
        %swap3A_1191 = arith.constant 64 : index
        %swap3A_1192 = tpu.vector_load %arg10[%swap3A_1190, %swap3A_1191] {strides = array<i32>} : memref<128x128xf32, #tpu.memory_space<vmem>>, vector<1x16xf32>,
        %swap3A_1193 = vector.shape_cast %swap3A_1192 : vector<1x16xf32> to vector<16xf32>
        %swap3A_1194 = vector.shape_cast %mul3A_1189 : vector<16xf32> to vector<1x16xf32>
        tpu.vector_store %arg10[%swap3A_1190, %swap3A_1191], %swap3A_1194 {strides = array<i32>} : memref<128x128xf32, #tpu.memory_space<vmem>>, vector<1x16xf32>,
        %get3A_1195 = arith.index_cast %add3A_1144 : i32 to index
        %get3A_1196 = arith.constant 80 : index
        %get3A_1197 = tpu.vector_load %arg10[%get3A_1195, %get3A_1196] {strides = array<i32>} : memref<128x128xf32, #tpu.memory_space<vmem>>, vector<1x16xf32>,
        %get3A_1198 = vector.shape_cast %get3A_1197 : vector<1x16xf32> to vector<16xf32>
        %mul3A_1199 = arith.mulf %get3A_1198, %gather3A_1140 : vector<16xf32>
        %swap3A_1200 = arith.index_cast %add3A_1144 : i32 to index
        %swap3A_1201 = arith.constant 80 : index
        %swap3A_1202 = tpu.vector_load %arg10[%swap3A_1200, %swap3A_1201] {strides = array<i32>} : memref<128x128xf32, #tpu.memory_space<vmem>>, vector<1x16xf32>,
        %swap3A_1203 = vector.shape_cast %swap3A_1202 : vector<1x16xf32> to vector<16xf32>
        %swap3A_1204 = vector.shape_cast %mul3A_1199 : vector<16xf32> to vector<1x16xf32>
        tpu.vector_store %arg10[%swap3A_1200, %swap3A_1201], %swap3A_1204 {strides = array<i32>} : memref<128x128xf32, #tpu.memory_space<vmem>>, vector<1x16xf32>,
        %get3A_1205 = arith.index_cast %add3A_1144 : i32 to index
        %get3A_1206 = arith.constant 96 : index
        %get3A_1207 = tpu.vector_load %arg10[%get3A_1205, %get3A_1206] {strides = array<i32>} : memref<128x128xf32, #tpu.memory_space<vmem>>, vector<1x16xf32>,
        %get3A_1208 = vector.shape_cast %get3A_1207 : vector<1x16xf32> to vector<16xf32>
        %mul3A_1209 = arith.mulf %get3A_1208, %gather3A_1140 : vector<16xf32>
        %swap3A_1210 = arith.index_cast %add3A_1144 : i32 to index
        %swap3A_1211 = arith.constant 96 : index
        %swap3A_1212 = tpu.vector_load %arg10[%swap3A_1210, %swap3A_1211] {strides = array<i32>} : memref<128x128xf32, #tpu.memory_space<vmem>>, vector<1x16xf32>,
        %swap3A_1213 = vector.shape_cast %swap3A_1212 : vector<1x16xf32> to vector<16xf32>
        %swap3A_1214 = vector.shape_cast %mul3A_1209 : vector<16xf32> to vector<1x16xf32>
        tpu.vector_store %arg10[%swap3A_1210, %swap3A_1211], %swap3A_1214 {strides = array<i32>} : memref<128x128xf32, #tpu.memory_space<vmem>>, vector<1x16xf32>,
        %get3A_1215 = arith.index_cast %add3A_1144 : i32 to index
        %get3A_1216 = arith.constant 112 : index
        %get3A_1217 = tpu.vector_load %arg10[%get3A_1215, %get3A_1216] {strides = array<i32>} : memref<128x128xf32, #tpu.memory_space<vmem>>, vector<1x16xf32>,
        %get3A_1218 = vector.shape_cast %get3A_1217 : vector<1x16xf32> to vector<16xf32>
        %mul3A_1219 = arith.mulf %get3A_1218, %gather3A_1140 : vector<16xf32>
        %swap3A_1220 = arith.index_cast %add3A_1144 : i32 to index
        %swap3A_1221 = arith.constant 112 : index
        %swap3A_1222 = tpu.vector_load %arg10[%swap3A_1220, %swap3A_1221] {strides = array<i32>} : memref<128x128xf32, #tpu.memory_space<vmem>>, vector<1x16xf32>,
        %swap3A_1223 = vector.shape_cast %swap3A_1222 : vector<1x16xf32> to vector<16xf32>
        %swap3A_1224 = vector.shape_cast %mul3A_1219 : vector<16xf32> to vector<1x16xf32>
        tpu.vector_store %arg10[%swap3A_1220, %swap3A_1221], %swap3A_1224 {strides = array<i32>} : memref<128x128xf32, #tpu.memory_space<vmem>>, vector<1x16xf32>,
        %broadcast_in_dim3A_1225 = arith.constant 13 : i32
        %broadcast_in_dim3A_1226 = vector.broadcast %broadcast_in_dim3A_1225 : i32 to vector<16x1xi32>
        %gather3A_1227 = vector.shape_cast %broadcast_in_dim3A_1226 : vector<16x1xi32> to vector<16xi32>
        %gather3A_1228 = tpu.dynamic_gather %get3A_82[%gather3A_1227] in [0] : vector<16xf32>, vector<16xi32> -> vector<16xf32>
        %mul3A_1229 = arith.constant 16 : i32
        %mul3A_1230 = arith.muli %scan3A_76, %mul3A_1229 : i32
        %add3A_1231 = arith.constant 13 : i32
        %add3A_1232 = arith.addi %mul3A_1230, %add3A_1231 : i32
        %get3A_1233 = arith.index_cast %add3A_1232 : i32 to index
        %get3A_1234 = arith.constant 0 : index
        %get3A_1235 = tpu.vector_load %arg10[%get3A_1233, %get3A_1234] {strides = array<i32>} : memref<128x128xf32, #tpu.memory_space<vmem>>, vector<1x16xf32>,
        %get3A_1236 = vector.shape_cast %get3A_1235 : vector<1x16xf32> to vector<16xf32>
        %mul3A_1237 = arith.mulf %get3A_1236, %gather3A_1228 : vector<16xf32>
        %swap3A_1238 = arith.index_cast %add3A_1232 : i32 to index
        %swap3A_1239 = arith.constant 0 : index
        %swap3A_1240 = tpu.vector_load %arg10[%swap3A_1238, %swap3A_1239] {strides = array<i32>} : memref<128x128xf32, #tpu.memory_space<vmem>>, vector<1x16xf32>,
        %swap3A_1241 = vector.shape_cast %swap3A_1240 : vector<1x16xf32> to vector<16xf32>
        %swap3A_1242 = vector.shape_cast %mul3A_1237 : vector<16xf32> to vector<1x16xf32>
        tpu.vector_store %arg10[%swap3A_1238, %swap3A_1239], %swap3A_1242 {strides = array<i32>} : memref<128x128xf32, #tpu.memory_space<vmem>>, vector<1x16xf32>,
        %get3A_1243 = arith.index_cast %add3A_1232 : i32 to index
        %get3A_1244 = arith.constant 16 : index
        %get3A_1245 = tpu.vector_load %arg10[%get3A_1243, %get3A_1244] {strides = array<i32>} : memref<128x128xf32, #tpu.memory_space<vmem>>, vector<1x16xf32>,
        %get3A_1246 = vector.shape_cast %get3A_1245 : vector<1x16xf32> to vector<16xf32>
        %mul3A_1247 = arith.mulf %get3A_1246, %gather3A_1228 : vector<16xf32>
        %swap3A_1248 = arith.index_cast %add3A_1232 : i32 to index
        %swap3A_1249 = arith.constant 16 : index
        %swap3A_1250 = tpu.vector_load %arg10[%swap3A_1248, %swap3A_1249] {strides = array<i32>} : memref<128x128xf32, #tpu.memory_space<vmem>>, vector<1x16xf32>,
        %swap3A_1251 = vector.shape_cast %swap3A_1250 : vector<1x16xf32> to vector<16xf32>
        %swap3A_1252 = vector.shape_cast %mul3A_1247 : vector<16xf32> to vector<1x16xf32>
        tpu.vector_store %arg10[%swap3A_1248, %swap3A_1249], %swap3A_1252 {strides = array<i32>} : memref<128x128xf32, #tpu.memory_space<vmem>>, vector<1x16xf32>,
        %get3A_1253 = arith.index_cast %add3A_1232 : i32 to index
        %get3A_1254 = arith.constant 32 : index
        %get3A_1255 = tpu.vector_load %arg10[%get3A_1253, %get3A_1254] {strides = array<i32>} : memref<128x128xf32, #tpu.memory_space<vmem>>, vector<1x16xf32>,
        %get3A_1256 = vector.shape_cast %get3A_1255 : vector<1x16xf32> to vector<16xf32>
        %mul3A_1257 = arith.mulf %get3A_1256, %gather3A_1228 : vector<16xf32>
        %swap3A_1258 = arith.index_cast %add3A_1232 : i32 to index
        %swap3A_1259 = arith.constant 32 : index
        %swap3A_1260 = tpu.vector_load %arg10[%swap3A_1258, %swap3A_1259] {strides = array<i32>} : memref<128x128xf32, #tpu.memory_space<vmem>>, vector<1x16xf32>,
        %swap3A_1261 = vector.shape_cast %swap3A_1260 : vector<1x16xf32> to vector<16xf32>
        %swap3A_1262 = vector.shape_cast %mul3A_1257 : vector<16xf32> to vector<1x16xf32>
        tpu.vector_store %arg10[%swap3A_1258, %swap3A_1259], %swap3A_1262 {strides = array<i32>} : memref<128x128xf32, #tpu.memory_space<vmem>>, vector<1x16xf32>,
        %get3A_1263 = arith.index_cast %add3A_1232 : i32 to index
        %get3A_1264 = arith.constant 48 : index
        %get3A_1265 = tpu.vector_load %arg10[%get3A_1263, %get3A_1264] {strides = array<i32>} : memref<128x128xf32, #tpu.memory_space<vmem>>, vector<1x16xf32>,
        %get3A_1266 = vector.shape_cast %get3A_1265 : vector<1x16xf32> to vector<16xf32>
        %mul3A_1267 = arith.mulf %get3A_1266, %gather3A_1228 : vector<16xf32>
        %swap3A_1268 = arith.index_cast %add3A_1232 : i32 to index
        %swap3A_1269 = arith.constant 48 : index
        %swap3A_1270 = tpu.vector_load %arg10[%swap3A_1268, %swap3A_1269] {strides = array<i32>} : memref<128x128xf32, #tpu.memory_space<vmem>>, vector<1x16xf32>,
        %swap3A_1271 = vector.shape_cast %swap3A_1270 : vector<1x16xf32> to vector<16xf32>
        %swap3A_1272 = vector.shape_cast %mul3A_1267 : vector<16xf32> to vector<1x16xf32>
        tpu.vector_store %arg10[%swap3A_1268, %swap3A_1269], %swap3A_1272 {strides = array<i32>} : memref<128x128xf32, #tpu.memory_space<vmem>>, vector<1x16xf32>,
        %get3A_1273 = arith.index_cast %add3A_1232 : i32 to index
        %get3A_1274 = arith.constant 64 : index
        %get3A_1275 = tpu.vector_load %arg10[%get3A_1273, %get3A_1274] {strides = array<i32>} : memref<128x128xf32, #tpu.memory_space<vmem>>, vector<1x16xf32>,
        %get3A_1276 = vector.shape_cast %get3A_1275 : vector<1x16xf32> to vector<16xf32>
        %mul3A_1277 = arith.mulf %get3A_1276, %gather3A_1228 : vector<16xf32>
        %swap3A_1278 = arith.index_cast %add3A_1232 : i32 to index
        %swap3A_1279 = arith.constant 64 : index
        %swap3A_1280 = tpu.vector_load %arg10[%swap3A_1278, %swap3A_1279] {strides = array<i32>} : memref<128x128xf32, #tpu.memory_space<vmem>>, vector<1x16xf32>,
        %swap3A_1281 = vector.shape_cast %swap3A_1280 : vector<1x16xf32> to vector<16xf32>
        %swap3A_1282 = vector.shape_cast %mul3A_1277 : vector<16xf32> to vector<1x16xf32>
        tpu.vector_store %arg10[%swap3A_1278, %swap3A_1279], %swap3A_1282 {strides = array<i32>} : memref<128x128xf32, #tpu.memory_space<vmem>>, vector<1x16xf32>,
        %get3A_1283 = arith.index_cast %add3A_1232 : i32 to index
        %get3A_1284 = arith.constant 80 : index
        %get3A_1285 = tpu.vector_load %arg10[%get3A_1283, %get3A_1284] {strides = array<i32>} : memref<128x128xf32, #tpu.memory_space<vmem>>, vector<1x16xf32>,
        %get3A_1286 = vector.shape_cast %get3A_1285 : vector<1x16xf32> to vector<16xf32>
        %mul3A_1287 = arith.mulf %get3A_1286, %gather3A_1228 : vector<16xf32>
        %swap3A_1288 = arith.index_cast %add3A_1232 : i32 to index
        %swap3A_1289 = arith.constant 80 : index
        %swap3A_1290 = tpu.vector_load %arg10[%swap3A_1288, %swap3A_1289] {strides = array<i32>} : memref<128x128xf32, #tpu.memory_space<vmem>>, vector<1x16xf32>,
        %swap3A_1291 = vector.shape_cast %swap3A_1290 : vector<1x16xf32> to vector<16xf32>
        %swap3A_1292 = vector.shape_cast %mul3A_1287 : vector<16xf32> to vector<1x16xf32>
        tpu.vector_store %arg10[%swap3A_1288, %swap3A_1289], %swap3A_1292 {strides = array<i32>} : memref<128x128xf32, #tpu.memory_space<vmem>>, vector<1x16xf32>,
        %get3A_1293 = arith.index_cast %add3A_1232 : i32 to index
        %get3A_1294 = arith.constant 96 : index
        %get3A_1295 = tpu.vector_load %arg10[%get3A_1293, %get3A_1294] {strides = array<i32>} : memref<128x128xf32, #tpu.memory_space<vmem>>, vector<1x16xf32>,
        %get3A_1296 = vector.shape_cast %get3A_1295 : vector<1x16xf32> to vector<16xf32>
        %mul3A_1297 = arith.mulf %get3A_1296, %gather3A_1228 : vector<16xf32>
        %swap3A_1298 = arith.index_cast %add3A_1232 : i32 to index
        %swap3A_1299 = arith.constant 96 : index
        %swap3A_1300 = tpu.vector_load %arg10[%swap3A_1298, %swap3A_1299] {strides = array<i32>} : memref<128x128xf32, #tpu.memory_space<vmem>>, vector<1x16xf32>,
        %swap3A_1301 = vector.shape_cast %swap3A_1300 : vector<1x16xf32> to vector<16xf32>
        %swap3A_1302 = vector.shape_cast %mul3A_1297 : vector<16xf32> to vector<1x16xf32>
        tpu.vector_store %arg10[%swap3A_1298, %swap3A_1299], %swap3A_1302 {strides = array<i32>} : memref<128x128xf32, #tpu.memory_space<vmem>>, vector<1x16xf32>,
        %get3A_1303 = arith.index_cast %add3A_1232 : i32 to index
        %get3A_1304 = arith.constant 112 : index
        %get3A_1305 = tpu.vector_load %arg10[%get3A_1303, %get3A_1304] {strides = array<i32>} : memref<128x128xf32, #tpu.memory_space<vmem>>, vector<1x16xf32>,
        %get3A_1306 = vector.shape_cast %get3A_1305 : vector<1x16xf32> to vector<16xf32>
        %mul3A_1307 = arith.mulf %get3A_1306, %gather3A_1228 : vector<16xf32>
        %swap3A_1308 = arith.index_cast %add3A_1232 : i32 to index
        %swap3A_1309 = arith.constant 112 : index
        %swap3A_1310 = tpu.vector_load %arg10[%swap3A_1308, %swap3A_1309] {strides = array<i32>} : memref<128x128xf32, #tpu.memory_space<vmem>>, vector<1x16xf32>,
        %swap3A_1311 = vector.shape_cast %swap3A_1310 : vector<1x16xf32> to vector<16xf32>
        %swap3A_1312 = vector.shape_cast %mul3A_1307 : vector<16xf32> to vector<1x16xf32>
        tpu.vector_store %arg10[%swap3A_1308, %swap3A_1309], %swap3A_1312 {strides = array<i32>} : memref<128x128xf32, #tpu.memory_space<vmem>>, vector<1x16xf32>,
        %broadcast_in_dim3A_1313 = arith.constant 14 : i32
        %broadcast_in_dim3A_1314 = vector.broadcast %broadcast_in_dim3A_1313 : i32 to vector<16x1xi32>
        %gather3A_1315 = vector.shape_cast %broadcast_in_dim3A_1314 : vector<16x1xi32> to vector<16xi32>
        %gather3A_1316 = tpu.dynamic_gather %get3A_82[%gather3A_1315] in [0] : vector<16xf32>, vector<16xi32> -> vector<16xf32>
        %mul3A_1317 = arith.constant 16 : i32
        %mul3A_1318 = arith.muli %scan3A_76, %mul3A_1317 : i32
        %add3A_1319 = arith.constant 14 : i32
        %add3A_1320 = arith.addi %mul3A_1318, %add3A_1319 : i32
        %get3A_1321 = arith.index_cast %add3A_1320 : i32 to index
        %get3A_1322 = arith.constant 0 : index
        %get3A_1323 = tpu.vector_load %arg10[%get3A_1321, %get3A_1322] {strides = array<i32>} : memref<128x128xf32, #tpu.memory_space<vmem>>, vector<1x16xf32>,
        %get3A_1324 = vector.shape_cast %get3A_1323 : vector<1x16xf32> to vector<16xf32>
        %mul3A_1325 = arith.mulf %get3A_1324, %gather3A_1316 : vector<16xf32>
        %swap3A_1326 = arith.index_cast %add3A_1320 : i32 to index
        %swap3A_1327 = arith.constant 0 : index
        %swap3A_1328 = tpu.vector_load %arg10[%swap3A_1326, %swap3A_1327] {strides = array<i32>} : memref<128x128xf32, #tpu.memory_space<vmem>>, vector<1x16xf32>,
        %swap3A_1329 = vector.shape_cast %swap3A_1328 : vector<1x16xf32> to vector<16xf32>
        %swap3A_1330 = vector.shape_cast %mul3A_1325 : vector<16xf32> to vector<1x16xf32>
        tpu.vector_store %arg10[%swap3A_1326, %swap3A_1327], %swap3A_1330 {strides = array<i32>} : memref<128x128xf32, #tpu.memory_space<vmem>>, vector<1x16xf32>,
        %get3A_1331 = arith.index_cast %add3A_1320 : i32 to index
        %get3A_1332 = arith.constant 16 : index
        %get3A_1333 = tpu.vector_load %arg10[%get3A_1331, %get3A_1332] {strides = array<i32>} : memref<128x128xf32, #tpu.memory_space<vmem>>, vector<1x16xf32>,
        %get3A_1334 = vector.shape_cast %get3A_1333 : vector<1x16xf32> to vector<16xf32>
        %mul3A_1335 = arith.mulf %get3A_1334, %gather3A_1316 : vector<16xf32>
        %swap3A_1336 = arith.index_cast %add3A_1320 : i32 to index
        %swap3A_1337 = arith.constant 16 : index
        %swap3A_1338 = tpu.vector_load %arg10[%swap3A_1336, %swap3A_1337] {strides = array<i32>} : memref<128x128xf32, #tpu.memory_space<vmem>>, vector<1x16xf32>,
        %swap3A_1339 = vector.shape_cast %swap3A_1338 : vector<1x16xf32> to vector<16xf32>
        %swap3A_1340 = vector.shape_cast %mul3A_1335 : vector<16xf32> to vector<1x16xf32>
        tpu.vector_store %arg10[%swap3A_1336, %swap3A_1337], %swap3A_1340 {strides = array<i32>} : memref<128x128xf32, #tpu.memory_space<vmem>>, vector<1x16xf32>,
        %get3A_1341 = arith.index_cast %add3A_1320 : i32 to index
        %get3A_1342 = arith.constant 32 : index
        %get3A_1343 = tpu.vector_load %arg10[%get3A_1341, %get3A_1342] {strides = array<i32>} : memref<128x128xf32, #tpu.memory_space<vmem>>, vector<1x16xf32>,
        %get3A_1344 = vector.shape_cast %get3A_1343 : vector<1x16xf32> to vector<16xf32>
        %mul3A_1345 = arith.mulf %get3A_1344, %gather3A_1316 : vector<16xf32>
        %swap3A_1346 = arith.index_cast %add3A_1320 : i32 to index
        %swap3A_1347 = arith.constant 32 : index
        %swap3A_1348 = tpu.vector_load %arg10[%swap3A_1346, %swap3A_1347] {strides = array<i32>} : memref<128x128xf32, #tpu.memory_space<vmem>>, vector<1x16xf32>,
        %swap3A_1349 = vector.shape_cast %swap3A_1348 : vector<1x16xf32> to vector<16xf32>
        %swap3A_1350 = vector.shape_cast %mul3A_1345 : vector<16xf32> to vector<1x16xf32>
        tpu.vector_store %arg10[%swap3A_1346, %swap3A_1347], %swap3A_1350 {strides = array<i32>} : memref<128x128xf32, #tpu.memory_space<vmem>>, vector<1x16xf32>,
        %get3A_1351 = arith.index_cast %add3A_1320 : i32 to index
        %get3A_1352 = arith.constant 48 : index
        %get3A_1353 = tpu.vector_load %arg10[%get3A_1351, %get3A_1352] {strides = array<i32>} : memref<128x128xf32, #tpu.memory_space<vmem>>, vector<1x16xf32>,
        %get3A_1354 = vector.shape_cast %get3A_1353 : vector<1x16xf32> to vector<16xf32>
        %mul3A_1355 = arith.mulf %get3A_1354, %gather3A_1316 : vector<16xf32>
        %swap3A_1356 = arith.index_cast %add3A_1320 : i32 to index
        %swap3A_1357 = arith.constant 48 : index
        %swap3A_1358 = tpu.vector_load %arg10[%swap3A_1356, %swap3A_1357] {strides = array<i32>} : memref<128x128xf32, #tpu.memory_space<vmem>>, vector<1x16xf32>,
        %swap3A_1359 = vector.shape_cast %swap3A_1358 : vector<1x16xf32> to vector<16xf32>
        %swap3A_1360 = vector.shape_cast %mul3A_1355 : vector<16xf32> to vector<1x16xf32>
        tpu.vector_store %arg10[%swap3A_1356, %swap3A_1357], %swap3A_1360 {strides = array<i32>} : memref<128x128xf32, #tpu.memory_space<vmem>>, vector<1x16xf32>,
        %get3A_1361 = arith.index_cast %add3A_1320 : i32 to index
        %get3A_1362 = arith.constant 64 : index
        %get3A_1363 = tpu.vector_load %arg10[%get3A_1361, %get3A_1362] {strides = array<i32>} : memref<128x128xf32, #tpu.memory_space<vmem>>, vector<1x16xf32>,
        %get3A_1364 = vector.shape_cast %get3A_1363 : vector<1x16xf32> to vector<16xf32>
        %mul3A_1365 = arith.mulf %get3A_1364, %gather3A_1316 : vector<16xf32>
        %swap3A_1366 = arith.index_cast %add3A_1320 : i32 to index
        %swap3A_1367 = arith.constant 64 : index
        %swap3A_1368 = tpu.vector_load %arg10[%swap3A_1366, %swap3A_1367] {strides = array<i32>} : memref<128x128xf32, #tpu.memory_space<vmem>>, vector<1x16xf32>,
        %swap3A_1369 = vector.shape_cast %swap3A_1368 : vector<1x16xf32> to vector<16xf32>
        %swap3A_1370 = vector.shape_cast %mul3A_1365 : vector<16xf32> to vector<1x16xf32>
        tpu.vector_store %arg10[%swap3A_1366, %swap3A_1367], %swap3A_1370 {strides = array<i32>} : memref<128x128xf32, #tpu.memory_space<vmem>>, vector<1x16xf32>,
        %get3A_1371 = arith.index_cast %add3A_1320 : i32 to index
        %get3A_1372 = arith.constant 80 : index
        %get3A_1373 = tpu.vector_load %arg10[%get3A_1371, %get3A_1372] {strides = array<i32>} : memref<128x128xf32, #tpu.memory_space<vmem>>, vector<1x16xf32>,
        %get3A_1374 = vector.shape_cast %get3A_1373 : vector<1x16xf32> to vector<16xf32>
        %mul3A_1375 = arith.mulf %get3A_1374, %gather3A_1316 : vector<16xf32>
        %swap3A_1376 = arith.index_cast %add3A_1320 : i32 to index
        %swap3A_1377 = arith.constant 80 : index
        %swap3A_1378 = tpu.vector_load %arg10[%swap3A_1376, %swap3A_1377] {strides = array<i32>} : memref<128x128xf32, #tpu.memory_space<vmem>>, vector<1x16xf32>,
        %swap3A_1379 = vector.shape_cast %swap3A_1378 : vector<1x16xf32> to vector<16xf32>
        %swap3A_1380 = vector.shape_cast %mul3A_1375 : vector<16xf32> to vector<1x16xf32>
        tpu.vector_store %arg10[%swap3A_1376, %swap3A_1377], %swap3A_1380 {strides = array<i32>} : memref<128x128xf32, #tpu.memory_space<vmem>>, vector<1x16xf32>,
        %get3A_1381 = arith.index_cast %add3A_1320 : i32 to index
        %get3A_1382 = arith.constant 96 : index
        %get3A_1383 = tpu.vector_load %arg10[%get3A_1381, %get3A_1382] {strides = array<i32>} : memref<128x128xf32, #tpu.memory_space<vmem>>, vector<1x16xf32>,
        %get3A_1384 = vector.shape_cast %get3A_1383 : vector<1x16xf32> to vector<16xf32>
        %mul3A_1385 = arith.mulf %get3A_1384, %gather3A_1316 : vector<16xf32>
        %swap3A_1386 = arith.index_cast %add3A_1320 : i32 to index
        %swap3A_1387 = arith.constant 96 : index
        %swap3A_1388 = tpu.vector_load %arg10[%swap3A_1386, %swap3A_1387] {strides = array<i32>} : memref<128x128xf32, #tpu.memory_space<vmem>>, vector<1x16xf32>,
        %swap3A_1389 = vector.shape_cast %swap3A_1388 : vector<1x16xf32> to vector<16xf32>
        %swap3A_1390 = vector.shape_cast %mul3A_1385 : vector<16xf32> to vector<1x16xf32>
        tpu.vector_store %arg10[%swap3A_1386, %swap3A_1387], %swap3A_1390 {strides = array<i32>} : memref<128x128xf32, #tpu.memory_space<vmem>>, vector<1x16xf32>,
        %get3A_1391 = arith.index_cast %add3A_1320 : i32 to index
        %get3A_1392 = arith.constant 112 : index
        %get3A_1393 = tpu.vector_load %arg10[%get3A_1391, %get3A_1392] {strides = array<i32>} : memref<128x128xf32, #tpu.memory_space<vmem>>, vector<1x16xf32>,
        %get3A_1394 = vector.shape_cast %get3A_1393 : vector<1x16xf32> to vector<16xf32>
        %mul3A_1395 = arith.mulf %get3A_1394, %gather3A_1316 : vector<16xf32>
        %swap3A_1396 = arith.index_cast %add3A_1320 : i32 to index
        %swap3A_1397 = arith.constant 112 : index
        %swap3A_1398 = tpu.vector_load %arg10[%swap3A_1396, %swap3A_1397] {strides = array<i32>} : memref<128x128xf32, #tpu.memory_space<vmem>>, vector<1x16xf32>,
        %swap3A_1399 = vector.shape_cast %swap3A_1398 : vector<1x16xf32> to vector<16xf32>
        %swap3A_1400 = vector.shape_cast %mul3A_1395 : vector<16xf32> to vector<1x16xf32>
        tpu.vector_store %arg10[%swap3A_1396, %swap3A_1397], %swap3A_1400 {strides = array<i32>} : memref<128x128xf32, #tpu.memory_space<vmem>>, vector<1x16xf32>,
        %broadcast_in_dim3A_1401 = arith.constant 15 : i32
        %broadcast_in_dim3A_1402 = vector.broadcast %broadcast_in_dim3A_1401 : i32 to vector<16x1xi32>
        %gather3A_1403 = vector.shape_cast %broadcast_in_dim3A_1402 : vector<16x1xi32> to vector<16xi32>
        %gather3A_1404 = tpu.dynamic_gather %get3A_82[%gather3A_1403] in [0] : vector<16xf32>, vector<16xi32> -> vector<16xf32>
        %mul3A_1405 = arith.constant 16 : i32
        %mul3A_1406 = arith.muli %scan3A_76, %mul3A_1405 : i32
        %add3A_1407 = arith.constant 15 : i32
        %add3A_1408 = arith.addi %mul3A_1406, %add3A_1407 : i32
        %get3A_1409 = arith.index_cast %add3A_1408 : i32 to index
        %get3A_1410 = arith.constant 0 : index
        %get3A_1411 = tpu.vector_load %arg10[%get3A_1409, %get3A_1410] {strides = array<i32>} : memref<128x128xf32, #tpu.memory_space<vmem>>, vector<1x16xf32>,
        %get3A_1412 = vector.shape_cast %get3A_1411 : vector<1x16xf32> to vector<16xf32>
        %mul3A_1413 = arith.mulf %get3A_1412, %gather3A_1404 : vector<16xf32>
        %swap3A_1414 = arith.index_cast %add3A_1408 : i32 to index
        %swap3A_1415 = arith.constant 0 : index
        %swap3A_1416 = tpu.vector_load %arg10[%swap3A_1414, %swap3A_1415] {strides = array<i32>} : memref<128x128xf32, #tpu.memory_space<vmem>>, vector<1x16xf32>,
        %swap3A_1417 = vector.shape_cast %swap3A_1416 : vector<1x16xf32> to vector<16xf32>
        %swap3A_1418 = vector.shape_cast %mul3A_1413 : vector<16xf32> to vector<1x16xf32>
        tpu.vector_store %arg10[%swap3A_1414, %swap3A_1415], %swap3A_1418 {strides = array<i32>} : memref<128x128xf32, #tpu.memory_space<vmem>>, vector<1x16xf32>,
        %get3A_1419 = arith.index_cast %add3A_1408 : i32 to index
        %get3A_1420 = arith.constant 16 : index
        %get3A_1421 = tpu.vector_load %arg10[%get3A_1419, %get3A_1420] {strides = array<i32>} : memref<128x128xf32, #tpu.memory_space<vmem>>, vector<1x16xf32>,
        %get3A_1422 = vector.shape_cast %get3A_1421 : vector<1x16xf32> to vector<16xf32>
        %mul3A_1423 = arith.mulf %get3A_1422, %gather3A_1404 : vector<16xf32>
        %swap3A_1424 = arith.index_cast %add3A_1408 : i32 to index
        %swap3A_1425 = arith.constant 16 : index
        %swap3A_1426 = tpu.vector_load %arg10[%swap3A_1424, %swap3A_1425] {strides = array<i32>} : memref<128x128xf32, #tpu.memory_space<vmem>>, vector<1x16xf32>,
        %swap3A_1427 = vector.shape_cast %swap3A_1426 : vector<1x16xf32> to vector<16xf32>
        %swap3A_1428 = vector.shape_cast %mul3A_1423 : vector<16xf32> to vector<1x16xf32>
        tpu.vector_store %arg10[%swap3A_1424, %swap3A_1425], %swap3A_1428 {strides = array<i32>} : memref<128x128xf32, #tpu.memory_space<vmem>>, vector<1x16xf32>,
        %get3A_1429 = arith.index_cast %add3A_1408 : i32 to index
        %get3A_1430 = arith.constant 32 : index
        %get3A_1431 = tpu.vector_load %arg10[%get3A_1429, %get3A_1430] {strides = array<i32>} : memref<128x128xf32, #tpu.memory_space<vmem>>, vector<1x16xf32>,
        %get3A_1432 = vector.shape_cast %get3A_1431 : vector<1x16xf32> to vector<16xf32>
        %mul3A_1433 = arith.mulf %get3A_1432, %gather3A_1404 : vector<16xf32>
        %swap3A_1434 = arith.index_cast %add3A_1408 : i32 to index
        %swap3A_1435 = arith.constant 32 : index
        %swap3A_1436 = tpu.vector_load %arg10[%swap3A_1434, %swap3A_1435] {strides = array<i32>} : memref<128x128xf32, #tpu.memory_space<vmem>>, vector<1x16xf32>,
        %swap3A_1437 = vector.shape_cast %swap3A_1436 : vector<1x16xf32> to vector<16xf32>
        %swap3A_1438 = vector.shape_cast %mul3A_1433 : vector<16xf32> to vector<1x16xf32>
        tpu.vector_store %arg10[%swap3A_1434, %swap3A_1435], %swap3A_1438 {strides = array<i32>} : memref<128x128xf32, #tpu.memory_space<vmem>>, vector<1x16xf32>,
        %get3A_1439 = arith.index_cast %add3A_1408 : i32 to index
        %get3A_1440 = arith.constant 48 : index
        %get3A_1441 = tpu.vector_load %arg10[%get3A_1439, %get3A_1440] {strides = array<i32>} : memref<128x128xf32, #tpu.memory_space<vmem>>, vector<1x16xf32>,
        %get3A_1442 = vector.shape_cast %get3A_1441 : vector<1x16xf32> to vector<16xf32>
        %mul3A_1443 = arith.mulf %get3A_1442, %gather3A_1404 : vector<16xf32>
        %swap3A_1444 = arith.index_cast %add3A_1408 : i32 to index
        %swap3A_1445 = arith.constant 48 : index
        %swap3A_1446 = tpu.vector_load %arg10[%swap3A_1444, %swap3A_1445] {strides = array<i32>} : memref<128x128xf32, #tpu.memory_space<vmem>>, vector<1x16xf32>,
        %swap3A_1447 = vector.shape_cast %swap3A_1446 : vector<1x16xf32> to vector<16xf32>
        %swap3A_1448 = vector.shape_cast %mul3A_1443 : vector<16xf32> to vector<1x16xf32>
        tpu.vector_store %arg10[%swap3A_1444, %swap3A_1445], %swap3A_1448 {strides = array<i32>} : memref<128x128xf32, #tpu.memory_space<vmem>>, vector<1x16xf32>,
        %get3A_1449 = arith.index_cast %add3A_1408 : i32 to index
        %get3A_1450 = arith.constant 64 : index
        %get3A_1451 = tpu.vector_load %arg10[%get3A_1449, %get3A_1450] {strides = array<i32>} : memref<128x128xf32, #tpu.memory_space<vmem>>, vector<1x16xf32>,
        %get3A_1452 = vector.shape_cast %get3A_1451 : vector<1x16xf32> to vector<16xf32>
        %mul3A_1453 = arith.mulf %get3A_1452, %gather3A_1404 : vector<16xf32>
        %swap3A_1454 = arith.index_cast %add3A_1408 : i32 to index
        %swap3A_1455 = arith.constant 64 : index
        %swap3A_1456 = tpu.vector_load %arg10[%swap3A_1454, %swap3A_1455] {strides = array<i32>} : memref<128x128xf32, #tpu.memory_space<vmem>>, vector<1x16xf32>,
        %swap3A_1457 = vector.shape_cast %swap3A_1456 : vector<1x16xf32> to vector<16xf32>
        %swap3A_1458 = vector.shape_cast %mul3A_1453 : vector<16xf32> to vector<1x16xf32>
        tpu.vector_store %arg10[%swap3A_1454, %swap3A_1455], %swap3A_1458 {strides = array<i32>} : memref<128x128xf32, #tpu.memory_space<vmem>>, vector<1x16xf32>,
        %get3A_1459 = arith.index_cast %add3A_1408 : i32 to index
        %get3A_1460 = arith.constant 80 : index
        %get3A_1461 = tpu.vector_load %arg10[%get3A_1459, %get3A_1460] {strides = array<i32>} : memref<128x128xf32, #tpu.memory_space<vmem>>, vector<1x16xf32>,
        %get3A_1462 = vector.shape_cast %get3A_1461 : vector<1x16xf32> to vector<16xf32>
        %mul3A_1463 = arith.mulf %get3A_1462, %gather3A_1404 : vector<16xf32>
        %swap3A_1464 = arith.index_cast %add3A_1408 : i32 to index
        %swap3A_1465 = arith.constant 80 : index
        %swap3A_1466 = tpu.vector_load %arg10[%swap3A_1464, %swap3A_1465] {strides = array<i32>} : memref<128x128xf32, #tpu.memory_space<vmem>>, vector<1x16xf32>,
        %swap3A_1467 = vector.shape_cast %swap3A_1466 : vector<1x16xf32> to vector<16xf32>
        %swap3A_1468 = vector.shape_cast %mul3A_1463 : vector<16xf32> to vector<1x16xf32>
        tpu.vector_store %arg10[%swap3A_1464, %swap3A_1465], %swap3A_1468 {strides = array<i32>} : memref<128x128xf32, #tpu.memory_space<vmem>>, vector<1x16xf32>,
        %get3A_1469 = arith.index_cast %add3A_1408 : i32 to index
        %get3A_1470 = arith.constant 96 : index
        %get3A_1471 = tpu.vector_load %arg10[%get3A_1469, %get3A_1470] {strides = array<i32>} : memref<128x128xf32, #tpu.memory_space<vmem>>, vector<1x16xf32>,
        %get3A_1472 = vector.shape_cast %get3A_1471 : vector<1x16xf32> to vector<16xf32>
        %mul3A_1473 = arith.mulf %get3A_1472, %gather3A_1404 : vector<16xf32>
        %swap3A_1474 = arith.index_cast %add3A_1408 : i32 to index
        %swap3A_1475 = arith.constant 96 : index
        %swap3A_1476 = tpu.vector_load %arg10[%swap3A_1474, %swap3A_1475] {strides = array<i32>} : memref<128x128xf32, #tpu.memory_space<vmem>>, vector<1x16xf32>,
        %swap3A_1477 = vector.shape_cast %swap3A_1476 : vector<1x16xf32> to vector<16xf32>
        %swap3A_1478 = vector.shape_cast %mul3A_1473 : vector<16xf32> to vector<1x16xf32>
        tpu.vector_store %arg10[%swap3A_1474, %swap3A_1475], %swap3A_1478 {strides = array<i32>} : memref<128x128xf32, #tpu.memory_space<vmem>>, vector<1x16xf32>,
        %get3A_1479 = arith.index_cast %add3A_1408 : i32 to index
        %get3A_1480 = arith.constant 112 : index
        %get3A_1481 = tpu.vector_load %arg10[%get3A_1479, %get3A_1480] {strides = array<i32>} : memref<128x128xf32, #tpu.memory_space<vmem>>, vector<1x16xf32>,
        %get3A_1482 = vector.shape_cast %get3A_1481 : vector<1x16xf32> to vector<16xf32>
        %mul3A_1483 = arith.mulf %get3A_1482, %gather3A_1404 : vector<16xf32>
        %swap3A_1484 = arith.index_cast %add3A_1408 : i32 to index
        %swap3A_1485 = arith.constant 112 : index
        %swap3A_1486 = tpu.vector_load %arg10[%swap3A_1484, %swap3A_1485] {strides = array<i32>} : memref<128x128xf32, #tpu.memory_space<vmem>>, vector<1x16xf32>,
        %swap3A_1487 = vector.shape_cast %swap3A_1486 : vector<1x16xf32> to vector<16xf32>
        %swap3A_1488 = vector.shape_cast %mul3A_1483 : vector<16xf32> to vector<1x16xf32>
        tpu.vector_store %arg10[%swap3A_1484, %swap3A_1485], %swap3A_1488 {strides = array<i32>} : memref<128x128xf32, #tpu.memory_space<vmem>>, vector<1x16xf32>,
        %scan3A_1489 = arith.constant 0 : i32
        scf.yield %scan3A_1489 : i32
      }
      %scan3A_74 = arith.constant 8 : i32
      "tpu.region"() ({
        %run_scoped3A = tpu.sem_alloc : memref<!tpu.dma_semaphore, #tpu.memory_space<semaphore_mem>>
        %dma_start3A_76 = arith.constant 0 : i32
        %dma_start3A_77 = tpu.memref_slice %arg8[%while3A_52, %dma_start3A_76] : memref<104x128xi32, #tpu.memory_space<vmem>> -> memref<1x128xi32, #tpu.memory_space<vmem>>
        %dma_start3A_78 = tpu.memref_squeeze %dma_start3A_77 : memref<1x128xi32, #tpu.memory_space<vmem>> -> memref<128xi32, #tpu.memory_space<vmem>>
        %dma_start3A_79 = arith.constant 0 : i32
        %dma_start3A_80 = arith.constant 0 : i32
        %dma_start3A_81 = tpu.memref_slice %arg11[%dma_start3A_79, %dma_start3A_80] : memref<10240x128xf32, #tpu.memory_space<vmem_shared>> -> memref<10240x128xf32, #tpu.memory_space<vmem_shared>>
        tpu.enqueue_indirect_dma source(%arg10 : memref<128x128xf32, #tpu.memory_space<vmem>>) target(%dma_start3A_81 : memref<10240x128xf32, #tpu.memory_space<vmem_shared>>) offsets(%dma_start3A_78 : memref<128xi32, #tpu.memory_space<vmem>>) semaphore(%run_scoped3A : memref<!tpu.dma_semaphore, #tpu.memory_space<semaphore_mem>>) {add = true}
        %dma_wait3A_82 = arith.constant 0 : i32
        %dma_wait3A_83 = tpu.memref_slice %arg8[%while3A_52, %dma_wait3A_82] : memref<104x128xi32, #tpu.memory_space<vmem>> -> memref<1x128xi32, #tpu.memory_space<vmem>>
        %dma_wait3A_84 = tpu.memref_squeeze %dma_wait3A_83 : memref<1x128xi32, #tpu.memory_space<vmem>> -> memref<128xi32, #tpu.memory_space<vmem>>
        %dma_wait3A_85 = arith.constant 0 : i32
        %dma_wait3A_86 = arith.constant 0 : i32
        %dma_wait3A_87 = tpu.memref_slice %arg11[%dma_wait3A_85, %dma_wait3A_86] : memref<10240x128xf32, #tpu.memory_space<vmem_shared>> -> memref<10240x128xf32, #tpu.memory_space<vmem_shared>>
        tpu.wait_indirect_dma semaphore(%run_scoped3A : memref<!tpu.dma_semaphore, #tpu.memory_space<semaphore_mem>>) src(%arg10 : memref<128x128xf32, #tpu.memory_space<vmem>>) dst(%dma_wait3A_87 : memref<10240x128xf32, #tpu.memory_space<vmem_shared>>)
        tpu.yield
      }) : () -> ()
      %while3A_75 = arith.constant 0 : i32
      scf.yield %while3A_75 : i32
    }
    %barrier3A_47 = arith.constant 0 : index
    tpu.barrier barrier_id(%barrier3A_47)
    %mul3A_48 = arith.constant 640 : i32
    %mul3A_49 = arith.muli %arg1, %mul3A_48 : i32
    %mul3A_50 = arith.constant 640 : i32
    %mul3A_51 = arith.muli %arg1, %mul3A_50 : i32
    "tpu.region"() ({
      %run_scoped3A = tpu.sem_alloc : memref<!tpu.dma_semaphore, #tpu.memory_space<semaphore_mem>>
      %dma_start3A = arith.constant 0 : i32
      %dma_start3A_52 = tpu.memref_slice %arg6[%arg0, %mul3A_51, %dma_start3A] : memref<2x10240x128xf32, #tpu.memory_space<hbm>> -> memref<1x640x128xf32, #tpu.memory_space<hbm>>
      %dma_start3A_53 = tpu.memref_squeeze %dma_start3A_52 : memref<1x640x128xf32, #tpu.memory_space<hbm>> -> memref<640x128xf32, #tpu.memory_space<hbm>>
      %dma_start3A_54 = arith.constant 0 : i32
      %dma_start3A_55 = tpu.memref_slice %arg11[%mul3A_49, %dma_start3A_54] : memref<10240x128xf32, #tpu.memory_space<vmem_shared>> -> memref<640x128xf32, #tpu.memory_space<vmem_shared>>
      tpu.enqueue_dma source(%dma_start3A_55 : memref<640x128xf32, #tpu.memory_space<vmem_shared>>) target(%dma_start3A_53 : memref<640x128xf32, #tpu.memory_space<hbm>>) target_semaphore(%run_scoped3A : memref<!tpu.dma_semaphore, #tpu.memory_space<semaphore_mem>>)
      %dma_wait3A = arith.constant 0 : i32
      %dma_wait3A_56 = tpu.memref_slice %arg6[%arg0, %mul3A_51, %dma_wait3A] : memref<2x10240x128xf32, #tpu.memory_space<hbm>> -> memref<1x640x128xf32, #tpu.memory_space<hbm>>
      %dma_wait3A_57 = tpu.memref_squeeze %dma_wait3A_56 : memref<1x640x128xf32, #tpu.memory_space<hbm>> -> memref<640x128xf32, #tpu.memory_space<hbm>>
      %dma_wait3A_58 = arith.constant 0 : i32
      %dma_wait3A_59 = tpu.memref_slice %arg11[%mul3A_49, %dma_wait3A_58] : memref<10240x128xf32, #tpu.memory_space<vmem_shared>> -> memref<640x128xf32, #tpu.memory_space<vmem_shared>>
      tpu.wait_dma2 semaphore(%run_scoped3A : memref<!tpu.dma_semaphore, #tpu.memory_space<semaphore_mem>>) src(%dma_wait3A_59 : memref<640x128xf32, #tpu.memory_space<vmem_shared>>) dst(%dma_wait3A_57 : memref<640x128xf32, #tpu.memory_space<hbm>>)
      tpu.yield
    }) : () -> ()
    return
  }
}

module attributes {stable_mosaic.version = 14 : i64} {
  func.func @body(%arg0: i32, %arg1: memref<2x1024x128xf32, #tpu.memory_space<vmem>>, %arg2: memref<128x128xf32, #tpu.memory_space<vmem>>, %arg3: memref<1x128xf32, #tpu.memory_space<vmem>>, %arg4: memref<1024x128xf32, #tpu.memory_space<vmem>>) attributes {dimension_semantics = [#tpu.dimension_semantics<arbitrary>], iteration_bounds = array<i64: 10>, scalar_prefetch = 0 : i64, scratch_operands = 0 : i64, tpu.core_type = #tpu.core_type<tc>, window_params = [{transform_indices = @transform_0, window_bounds = array<i64: 2, 1024, 128>}, {pipeline_mode = #tpu.pipeline_mode<synchronous>, transform_indices = @transform_1, window_bounds = array<i64: 128, 128>}, {pipeline_mode = #tpu.pipeline_mode<synchronous>, transform_indices = @transform_2, window_bounds = array<i64: 1, 128>}, {transform_indices = @transform_3, window_bounds = array<i64: 1024, 128>}]} {
    %get3A = arith.constant 0 : index
    %get3A_0 = arith.constant 0 : index
    %get3A_1 = arith.constant 0 : index
    %get3A_2 = vector.load %arg1[%get3A, %get3A_0, %get3A_1] : memref<2x1024x128xf32, #tpu.memory_space<vmem>>, vector<1x1024x128xf32>
    %get3A_3 = vector.shape_cast %get3A_2 : vector<1x1024x128xf32> to vector<1024x128xf32>
    %get3A_4 = arith.constant 1 : index
    %get3A_5 = arith.constant 0 : index
    %get3A_6 = arith.constant 0 : index
    %get3A_7 = vector.load %arg1[%get3A_4, %get3A_5, %get3A_6] : memref<2x1024x128xf32, #tpu.memory_space<vmem>>, vector<1x1024x128xf32>
    %get3A_8 = vector.shape_cast %get3A_7 : vector<1x1024x128xf32> to vector<1024x128xf32>
    %add3A = arith.addf %get3A_3, %get3A_8 : vector<1024x128xf32>
    %get3A_9 = arith.constant 0 : index
    %get3A_10 = arith.constant 0 : index
    %get3A_11 = vector.load %arg2[%get3A_9, %get3A_10] : memref<128x128xf32, #tpu.memory_space<vmem>>, vector<128x128xf32>
    %dot_general3A = arith.constant dense<0.000000e+00> : vector<1024x128xf32>
    %dot_general3A_12 = tpu.matmul %add3A, %get3A_11, %dot_general3A {dimension_numbers = #tpu.dot_dimension_numbers<[1], [0], [0], [1], [0, 0, 1, 1], [], []>, transpose_lhs_hint = false} : vector<1024x128xf32>, vector<128x128xf32>, vector<1024x128xf32> -> vector<1024x128xf32>
    %get3A_13 = arith.constant 0 : index
    %get3A_14 = arith.constant 0 : index
    %get3A_15 = vector.load %arg3[%get3A_13, %get3A_14] : memref<1x128xf32, #tpu.memory_space<vmem>>, vector<1x128xf32>
    %add3A_16 = vector.broadcast %get3A_15 : vector<1x128xf32> to vector<1024x128xf32>
    %add3A_17 = arith.addf %dot_general3A_12, %add3A_16 : vector<1024x128xf32>
    %swap3A = arith.constant 0 : index
    %swap3A_18 = arith.constant 0 : index
    %swap3A_19 = vector.load %arg4[%swap3A, %swap3A_18] : memref<1024x128xf32, #tpu.memory_space<vmem>>, vector<1024x128xf32>
    tpu.vector_store %arg4[%swap3A, %swap3A_18], %add3A_17 {strides = array<i32>} : memref<1024x128xf32, #tpu.memory_space<vmem>>, vector<1024x128xf32>,
    return
  }
  func.func @transform_0(%arg0: i32) -> (i32, i32, i32) {
    %c0_i32 = arith.constant 0 : i32
    %c0_i32_0 = arith.constant 0 : i32
    %c0_i32_1 = arith.constant 0 : i32
    return %c0_i32, %arg0, %c0_i32_0 : i32, i32, i32
  }
  func.func @transform_1(%arg0: i32) -> (i32, i32) {
    %c0_i32 = arith.constant 0 : i32
    %c0_i32_0 = arith.constant 0 : i32
    %c0_i32_1 = arith.constant 0 : i32
    return %c0_i32, %c0_i32_0 : i32, i32
  }
  func.func @transform_2(%arg0: i32) -> (i32, i32) {
    %c0_i32 = arith.constant 0 : i32
    %c0_i32_0 = arith.constant 0 : i32
    %c0_i32_1 = arith.constant 0 : i32
    return %c0_i32, %c0_i32_0 : i32, i32
  }
  func.func @transform_3(%arg0: i32) -> (i32, i32) {
    %c0_i32 = arith.constant 0 : i32
    %c0_i32_0 = arith.constant 0 : i32
    return %arg0, %c0_i32 : i32, i32
  }
}

</mosaic_0001>

<sc_bundles>
// kernel: kernel.4.cloned.1.call-start
scs
__scs_entry_jumppad:
0x0: {  	(pc) =	sbr.rel $0x88, $3  }
0x1: {  	(tag) =	ssettag $0x0;
	lr =	simm.s32 $0x1  }
0x2: {  	[smem:$0x3F9C] =	sst lr;
	_ =	strace $0xD0000000  }
0x3: {  	_ = 	snop  }
0x4: {  	_ = 	snop  }
0x5: {  	_ = 	snop  }
0x6: {  	_ = 	snop  }
0x7: {  	_ = 	snop  }
__scs_overlays_trampoline_lowered:
0x8: {  	[smem:$0x3FAB] =	sst s0  }
0x9: {  	[smem:$0x3FAC] =	sst s1  }
0xa: {  	[smem:$0x3FAD] =	sst s2  }
0xb: {  	[smem:$0x3FAE] =	sst s3  }
0xc: {  	[smem:$0x3FAF] =	sst s4  }
0xd: {  	[smem:$0x3FB0] =	sst s5  }
0xe: {  	[smem:$0x3FB1] =	sst s6  }
0xf: {  	[smem:$0x3FB2] =	sst s7  }
0x10: {  	[smem:$0x3FB3] =	sst s8  }
0x11: {  	[smem:$0x3FB4] =	sst s9;
	s0 =	simm.s32 @!p0 $0x0  }
0x12: {  	s1 =	sld [smem:$0x3F9A];
	s0 =	simm.s32 @p0 $0x1  }
0x13: {  	[smem:$0x3FB5] =	sst s0;
	s0 =	simm.s32 @!p1 $0x0  }
0x14: {  	s2 =	sld [smem:$0x3F99];
	s0 =	simm.s32 @p1 $0x1  }
0x15: {  	[smem:$0x3FB6] =	sst s0;
	s0 =	simm.s32 @!p2 $0x0  }
0x16: {  	s3 =	sld [smem:$0x3FDB];
	s0 =	simm.s32 @p2 $0x1  }
0x17: {  	s4 =	simm.s32 $0x1BF5;
	[smem:$0x3FB8] =	sst s0  }
0x18: {  	s0 =	sld [smem:$0x3F9B];
	_ =	swait.ge [sflag:s4], $0x0  }
0x19: {  	s7 =	sld [smem:$0x3F9C]  }
0x1a: {  	s8 =	sadd.s32 $0xFFFFE003, lr  }
0x1b: {  	s9 =	sadd.s32 $0xFFFFFEF7, lr;
	s5 =	simm.s32 $0xFFFFFFFF;
	p2 =	slt.u32 s8, $0xFFFFF086  }
0x1c: {  	p1 =	slt.u32 s9, $0xF7A;
	s5 =	simm.s32 @!p2 $0x0  }
0x1d: {  	s5 =	simm.s32 @p1 $0x1;
	p0 =	seq.s32 s7, s2  }
0x1e: {  	s7 =	smul.u32 @!p0 $0xF7A, s2;
	p2 =	seq.s32 @!p0 s5, $0x0  }
0x1f: {  	s9 =	smul.u32 $0xF7A, s1;
	s8 =	simm.s32 @!p0 $0x1BF5;
	p2 =	por !p2, p0  }
0x20: {  	[sflag:s8] =	ssyncset.s32 @!p0 $0xFFFFF086;
	s6 =	sadd.s32 @!p0 s3, s7;
	s7 =	simm.s32 @!p0 $0x108  }
0x21: {  	s3 =	sadd.s32 s3, s9;
	s6 =	sadd.s32 @!p0 $0x88, s6;
	s7 =	simm.s32 @p2 $0x1082  }
0x22: {  	[simem:s7], [sflag:s8] =	dma.local @!p0 [hbm:s6], $0xF7A  }
0x23: {  	s9 =	sor.u32 $0xD0000000, s2;
	s6 =	simm.s32 $0x108;
	_ =	swait.ge @!p0 [sflag:s8], $0x0  }
0x24: {  	s3 =	sadd.s32 $0x88, s3;
	s6 =	simm.s32 @!p1 $0x1082;
	[sflag:s4] =	ssyncset.s32 $0xFFFFF086  }
0x25: {  	[simem:s6], [sflag:s4] =	dma.local [hbm:s3], $0xF7A  }
0x26: {  	[smem:$0x3F9C] =	sst s1;
	(tag) =	ssettag s2;
	_ =	strace s9  }
0x27: {  	s1 =	sld [smem:$0x3FAC]  }
0x28: {  	s2 =	sld [smem:$0x3FAD]  }
0x29: {  	s4 =	sld [smem:$0x3FAF]  }
0x2a: {  	p0 =	seq.s32 s5, $0x0;
	s5 =	sld [smem:$0x3FB0]  }
0x2b: {  	s6 =	sld [smem:$0x3FB1]  }
0x2c: {  	s7 =	sld [smem:$0x3FB2]  }
0x2d: {  	s3 =	simm.s32 $0x108;
	s8 =	sld [smem:$0x3FB3]  }
0x2e: {  	s3 =	simm.s32 @!p0 $0x1082;
	s9 =	sld [smem:$0x3FB4]  }
0x2f: {  	lr =	sadd.s32 s0, s3;
	s0 =	sld [smem:$0x3FAB]  }
0x30: {  	s3 =	sld [smem:$0x3FAE]  }
0x31: {  	[smem:$0x3FB7] =	sst s10  }
0x32: {  	s10 =	sld [smem:$0x3FB5];
	_ =	sdelay $0x3  }
0x33: {  	p0 =	seq.s32 s10, $0x1;
	s10 =	sld [smem:$0x3FB7];
	_ =	sdelay $0x3  }
0x34: {  	[smem:$0x3FB7] =	sst s10  }
0x35: {  	s10 =	sld [smem:$0x3FB6];
	_ =	sdelay $0x3  }
0x36: {  	p1 =	seq.s32 s10, $0x1;
	s10 =	sld [smem:$0x3FB7];
	_ =	sdelay $0x3  }
0x37: {  	[smem:$0x3FB7] =	sst s10  }
0x38: {  	s10 =	sld [smem:$0x3FB8]  }
0x39: {  	_ = 	snop;
	(pc) =	sbr.ind lr, $3  }
0x3a: {  	_ = 	snop  }
0x3b: {  	_ = 	snop  }
0x3c: {  	p2 =	seq.s32 s10, $0x1;
	s10 =	sld [smem:$0x3FB7]  }
0x3d: {  	_ =	shalt  }
0x3e: {  	_ =	shalt  }
0x3f: {  	_ =	shalt  }
0x40: {  	_ =	shalt  }
0x41: {  	_ =	shalt  }
0x42: {  	_ =	shalt  }
0x43: {  	_ =	shalt  }
0x44: {  	_ =	shalt  }
0x45: {  	_ =	shalt  }
0x46: {  	_ =	shalt  }
0x47: {  	_ =	shalt  }
0x48: {  	_ =	shalt  }
0x49: {  	_ =	shalt  }
0x4a: {  	_ =	shalt  }
0x4b: {  	_ =	shalt  }
0x4c: {  	_ =	shalt  }
0x4d: {  	_ =	shalt  }
0x4e: {  	_ =	shalt  }
0x4f: {  	_ =	shalt  }
0x50: {  	_ =	shalt  }
0x51: {  	_ =	shalt  }
0x52: {  	_ =	shalt  }
0x53: {  	_ =	shalt  }
0x54: {  	_ =	shalt  }
0x55: {  	_ =	shalt  }
0x56: {  	_ =	shalt  }
0x57: {  	_ =	shalt  }
0x58: {  	_ =	shalt  }
0x59: {  	_ =	shalt  }
0x5a: {  	_ =	shalt  }
0x5b: {  	_ =	shalt  }
0x5c: {  	_ =	shalt  }
0x5d: {  	_ =	shalt  }
0x5e: {  	_ =	shalt  }
0x5f: {  	_ =	shalt  }
0x60: {  	_ =	shalt  }
0x61: {  	_ =	shalt  }
0x62: {  	_ =	shalt  }
0x63: {  	_ =	shalt  }
0x64: {  	_ =	shalt  }
0x65: {  	_ =	shalt  }
0x66: {  	_ =	shalt  }
0x67: {  	_ =	shalt  }
0x68: {  	_ =	shalt  }
0x69: {  	_ =	shalt  }
0x6a: {  	_ =	shalt  }
0x6b: {  	_ =	shalt  }
0x6c: {  	_ =	shalt  }
0x6d: {  	_ =	shalt  }
0x6e: {  	_ =	shalt  }
0x6f: {  	_ =	shalt  }
0x70: {  	_ =	shalt  }
0x71: {  	_ =	shalt  }
0x72: {  	_ =	shalt  }
0x73: {  	_ =	shalt  }
0x74: {  	_ =	shalt  }
0x75: {  	_ =	shalt  }
0x76: {  	_ =	shalt  }
0x77: {  	_ =	shalt  }
0x78: {  	_ =	shalt  }
0x79: {  	_ =	shalt  }
0x7a: {  	_ =	shalt  }
0x7b: {  	_ =	shalt  }
0x7c: {  	_ =	shalt  }
0x7d: {  	_ =	shalt  }
0x7e: {  	_ =	shalt  }
0x7f: {  	_ =	shalt  }
0x80: {  	_ =	shalt  }
0x81: {  	_ =	shalt  }
0x82: {  	_ =	shalt  }
0x83: {  	_ =	shalt  }
0x84: {  	_ =	shalt  }
0x85: {  	_ =	shalt  }
0x86: {  	_ =	shalt  }
0x87: {  	_ =	shalt  }
.Lfunc_end0:
.L_simem_size_0:
called_computation_lowered:
.L_overlay_start_0:
0x88: {  	s2 =	sld [smem:$0x3FD9]  }
0x89: {  	s3 =	sld [smem:$0x3FFE];
	_ =	sdelay $0x1  }
0x8a: {  	s1 =	srdreg.scid  }
0x8b: {  	s0 =	sand.u32 $0x1, s1  }
0x8c: {  	s17 =	sshll.u32 s0, $0xA;
	s2 =	sadd.s32 s3, s2  }
0x8d: {  	s2 =	sadd.s32 s2, s17  }
0x8e: {  	[smem:$0x3FC3] =	sst s2  }
0x8f: {  	_ = 	snop  }
0x90: {  	s2 =	sld [smem:$0x3FC9]  }
0x91: {  	s18 =	sld [smem:$0x3FD0];
	(tm) =	ssettm $0x1  }
0x92: {  	s4 =	sld [smem:$0x3FFB];
	_ =	sdelay $0x3  }
0x93: {  	_ =	strace s4  }
0x94: {  	s4 =	sld [smem:$0x3FFC];
	_ =	sdelay $0x3  }
0x95: {  	_ =	strace s4  }
0x96: {  	s4 =	sld [smem:$0x3FFD];
	_ =	sdelay $0x3  }
0x97: {  	_ =	strace s4  }
0x98: {  	_ =	strace $0x8FFFFFFF  }
0x99: {  	s19 =	sld [smem:$0x3FDB];
	_ =	sdelay $0x1  }
0x9a: {  	s5 =	simm.s32 $_scs_section_size  }
0x9b: {  	s6 =	simm.s32 $_size__tile_overlayer_lowered;
	s7 =	simm.s32 $_tile_overlayer_lowered  }
0x9c: {  	s22 =	simm.s32 $0x1BFF;
	s21 =	sshll.u32 s7, $0x1;
	s4 =	sadd.s32 s5, s19  }
0x9d: {  	s8 =	simm.s32 $0x0;
	s20 =	sshll.u32 s6, $0x1;
	s6 =	sadd.s32 s21, s4  }
0x9e: {  	[timem:s8], [sflag:s22] =	dma.local [hbm:s6], s20  }
0x9f: {  	_ =	swait.ge [sflag:s22], s20  }
0xa0: {  	s5 =	ssub.s32 $0x0, s20;
	[sflag:s22] =	ssyncset.done $0x0  }
0xa1: {  	[sflag:s22] =	ssyncadd.s32 s5;
	_ =	sdelay $0x1  }
0xa2: {  	s23 =	simm.s32 $0x1B8B  }
0xa3: {  	_ =	swait.ge [sflag:s23], $0x1  }
0xa4: {  	[sflag:s23] =	ssyncset.done $0x0  }
0xa5: {  	s25 =	simm.s32 $0x1B8E;
	s24 =	sld [smem:$0x3FFE];
	[sflag:s23] =	ssyncadd.s32 $0xFFFFFFFF  }
0xa6: {  	s26 =	simm.s32 $execute0_lowered;
	[smem:$0x3FD2] =	sst s25  }
0xa7: {  	s6 =	sshll.u32 s26, $0x1;
	_ =	strace $0x80000046;
	[dreg:$0x1] =	wrdreg $0xFFFFFFFF  }
0xa8: {  	s28 =	simm.s32 $_size_execute0_lowered;
	s4 =	sadd.s32 s4, s6;
	[dreg:$0x0] =	wrdreg $0x0  }
0xa9: {  	s6 =	sshll.u32 s28, $0x1;
	[dreg:$0x2] =	wrdreg s4  }
0xaa: {  	[dreg:$0x3] =	wrdreg s6  }
0xab: {  	[dreg:$0x4] =	wrdreg $0xC0  }
0xac: {  	_ =	task [dreg:s8], $0x5FFFF  }
0xad: {  	[dreg:$0x1] =	wrdreg $0xFFFFFFFF  }
0xae: {  	[dreg:$0x0] =	wrdreg $0x60  }
0xaf: {  	[dreg:$0x2] =	wrdreg s2  }
0xb0: {  	[dreg:$0x3] =	wrdreg s24  }
0xb1: {  	[dreg:$0x4] =	wrdreg s18  }
0xb2: {  	[dreg:$0x5] =	wrdreg $0xB0000  }
0xb3: {  	[dreg:$0x6] =	wrdreg $0x9  }
0xb4: {  	_ =	task.clear_ibuf [dreg:s8], $0x7FFFF;
	_ =	strace $0x90000046  }
0xb5: {  	s29 =	simm.s32 $0x9;
	_ =	strace $0x80000048  }
0xb6: {  	_ =	swait.ge [sflag:s29], $0x1  }
0xb7: {  	[sflag:s29] =	ssyncadd.s32 $0xFFFFFFFF  }
0xb8: {  	_ =	strace $0x90000048  }
0xb9: {  	_ =	sfence  }
0xba: {  	s30 =	sld [smem:$0x0];
	_ =	sdelay $0x2  }
0xbb: {  	s31 =	sshll.u32 s1, $0xD;
	s1 =	sshrl.u32 s1, $0x2  }
0xbc: {  	s3 =	sand.u32 $0x4000, s31;
	s1 =	sadd.s32 s1, s30  }
0xbd: {  	s0 =	sor.u32 s3, s0;
	s1 =	sshll.u32 s1, $0x11  }
0xbe: {  	s0 =	sor.u32 s1, s0  }
0xbf: {  	s0 =	sadd.s32 $0x8F2B, s0  }
0xc0: {  	[sflag:s0] =	ssyncadd.remote.s32 $0x1  }
0xc1: {  	_ =	sfence.sel $0xFFFF  }
0xc2: {  	[dreg:$0x0] =	wrdreg $0xFFFFFFFF;
	(pc) =	sbr.abs _section_cstart, $3  }
0xc3: {  	[dreg:$0x1] =	wrdreg $0xFFFFFFFF  }
0xc4: {  	_ =	task.clear_ibuf [dreg:s8], $0x2FFFF;
	_ =	strace $0x9FFFFFFF  }
0xc5: {  	(tm) =	ssettm $0x7FFFFFFF  }
tec
execute0_lowered:
.L_overlay_start_1:
0x0: {  	(tag) =	ssettag $0x1  }
0x1: {  	s1 =	rddreg [dreg:$0x0]  }
0x2: {  	s7 =	rddreg [dreg:$0x1]  }
0x3: {  	s14 =	rddreg [dreg:$0x2]  }
0x4: {  	s3 =	rddreg [dreg:$0x3]  }
0x5: {  	s0 =	rddreg [dreg:$0x4];
	s2 =	stileid.u32  }
0x6: {  	s5 =	srdreg.scid;
	s4 =	simm.s32 $0x0;
	s6 =	smul.u32 $0x68, s2  }
0x7: {  	s18 =	simm.s32 $0x2;
	s19 =	simm.s32 $0x3400;
	s26 =	smul.u32 $0x38, s2  }
0x8: {  	s20 =	simm.s32 $0x80;
	s21 =	simm.s32 $0x1;
	s10 =	smul.u32 $0x14000, s2  }
0x9: {  	s8 =	sand.u32 $0x1, s5;
	[smem:$0x7FF] =	sst s4;
	s28 =	smul.u32 $0x50000, s2  }
0xa: {  	s9 =	smul.u32 $0x140000, s8;
	p0 =	seq.s32 s8, $0x0;
	_ =	strace $0x80000047  }
0xb: {  	s29 =	ssub.s32 $0x2, s8;
	s5 =	sadd.s32 $0x680, s26;
	s30 =	sshrl.u32 s28, $0x2  }
0xc: {  	s31 =	sshrl.u32 s29, $0x1;
	s5 =	smov.u32 @p0 s6;
	s9 =	sadd.s32 s10, s9  }
0xd: {  	v0 =	vimm.f32 $0.0e+00;
	v1 =	vimm.s32 $0x0;
	s6 =	sadd.s32 $0x600, s7;
	s8 =	sadd.s32 s30, s3;
	s17 =	ssub.s32 s29, s31  }
0xe: {  	v2 =	vimm.s32 $0x1;
	v3 =	vimm.s32 $0x2;
	v4 =	vimm.s32 $0x3;
	s15 =	sshll.u32 s5, $0x4;
	s9 =	sshrl.u32 s9, $0x3;
	s10 =	sadd.s32 $0x8000, s8  }
0xf: {  	v5 =	vimm.s32 $0x4;
	v6 =	vimm.s32 $0x5;
	v7 =	vimm.s32 $0x6;
	s11 =	sadd.s32 $0xC000, s8;
	s12 =	sadd.s32 $0x10000, s8;
	s13 =	sadd.s32 s15, s7  }
0x10: {  	v8 =	vimm.s32 $0x7;
	v9 =	vimm.s32 $0x8;
	v10 =	vimm.s32 $0x9;
	s16 =	sadd.s32 s9, s7;
	s7 =	simm.s32 $0x68;
	s9 =	sadd.s32 $0x4000, s8  }
0x11: {  	v11 =	vimm.s32 $0xA;
	v12 =	vimm.s32 $0xB;
	v13 =	vimm.s32 $0xC;
	s14 =	sadd.s32 s14, s15;
	s7 =	simm.s32 @!p0 $0x38;
	s13 =	sadd.s32 $0xA800, s13  }
0x12: {  	v14 =	vimm.s32 $0xD;
	v15 =	vimm.s32 $0xE;
	v16 =	vimm.s32 $0xF;
	s15 =	sadd.s32 $0x14A00, s16;
	s16 =	smax.u32 s17, $0x1;
	s17 =	simm.s32 $0x7000  }
.LBB2_1:
0x13: {  	s22 =	simm.s32 $0x0;
	s23 =	simm.s32 $0x200  }
.LBB2_2:
0x14: {  	p0 =	sne.s32 s23, $0xFE00;
	[tilespmem:s22+$0x7070] =	vst v0  }
0x15: {  	[tilespmem:s22+$0x7000] =	vst v0  }
0x16: {  	[tilespmem:s22+$0x7010] =	vst v0  }
.Ltmp0:
0x17: {  	[tilespmem:s22+$0x7020] =	vst v0;
	(pc) =	sbr.rel @p0 .LBB2_2-.Ltmp0, $4  }
0x18: {  	[tilespmem:s22+$0x7030] =	vst v0  }
0x19: {  	[tilespmem:s22+$0x7040] =	vst v0  }
0x1a: {  	[tilespmem:s22+$0x7050] =	vst v0  }
0x1b: {  	[tilespmem:s22+$0x7060] =	vst v0;
	s22 =	sshra.s32 s23, $0x2;
	s23 =	sadd.s32 $0x200, s23  }
0x1c: {  	[tilespmem:s22+$0x7070] =	vst v0  }
0x1d: {  	[tilespmem:s22+$0x7000] =	vst v0  }
0x1e: {  	[tilespmem:s22+$0x7010] =	vst v0  }
0x1f: {  	[tilespmem:s22+$0x7020] =	vst v0  }
0x20: {  	[tilespmem:s22+$0x7030] =	vst v0  }
0x21: {  	[tilespmem:s22+$0x7040] =	vst v0  }
0x22: {  	[tilespmem:s22+$0x7050] =	vst v0  }
0x23: {  	[tilespmem:s22+$0x7060] =	vst v0  }
0x24: {  	[spmem:s8] =	stream.linear.scatter [tilespmem:s17], [sflag:$0x2], $0x4000, $0x38;
	[tilespmem:$0x1F000] =	vst v63  }
0x25: {  	_ =	swait.ge [sflag:s18], $0x4000  }
0x26: {  	[sflag:s18] =	ssyncset.done $0x0  }
0x27: {  	[sflag:s18] =	ssyncadd.s32 $0xFFFFC000  }
0x28: {  	[spmem:s9] =	stream.linear.scatter [tilespmem:s17], [sflag:$0x2], $0x4000, $0x38;
	[tilespmem:$0x1F000] =	vst v63  }
0x29: {  	_ =	swait.ge [sflag:s18], $0x4000  }
0x2a: {  	[sflag:s18] =	ssyncset.done $0x0  }
0x2b: {  	[sflag:s18] =	ssyncadd.s32 $0xFFFFC000  }
0x2c: {  	[spmem:s10] =	stream.linear.scatter [tilespmem:s17], [sflag:$0x2], $0x4000, $0x38;
	[tilespmem:$0x1F000] =	vst v63  }
0x2d: {  	_ =	swait.ge [sflag:s18], $0x4000  }
0x2e: {  	[sflag:s18] =	ssyncset.done $0x0  }
0x2f: {  	[sflag:s18] =	ssyncadd.s32 $0xFFFFC000  }
0x30: {  	[spmem:s11] =	stream.linear.scatter [tilespmem:s17], [sflag:$0x2], $0x4000, $0x38;
	[tilespmem:$0x1F000] =	vst v63  }
0x31: {  	_ =	swait.ge [sflag:s18], $0x4000  }
0x32: {  	[sflag:s18] =	ssyncset.done $0x0  }
0x33: {  	[sflag:s18] =	ssyncadd.s32 $0xFFFFC000  }
0x34: {  	[spmem:s12] =	stream.linear.scatter [tilespmem:s17], [sflag:$0x2], $0x4000, $0x38;
	[tilespmem:$0x1F000] =	vst v63  }
0x35: {  	_ =	swait.ge [sflag:s18], $0x4000  }
0x36: {  	[sflag:s18] =	ssyncset.done $0x0  }
0x37: {  	[sflag:s18] =	ssyncadd.s32 $0xFFFFC000  }
0x38: {  	s22 =	simm.s32 $0x0;
	[bflag:$0x0] =	sbarrier.arrive $0xFFFF  }
0x39: {  	[tilespmem:s22], [sflag:$0x2] =	stream.linear.gather [hbm4b:s13+s22], $0x3400, $0x38;
	[tilespmem:$0x1F000] =	vst v63  }
0x3a: {  	_ =	swait.ge [sflag:s18], $0x3400  }
0x3b: {  	[sflag:s18] =	ssyncset.done $0x0  }
0x3c: {  	[sflag:s18] =	ssyncadd.s32 $0xFFFFCC00  }
0x3d: {  	[tilespmem:s19], [sflag:$0x2] =	stream.linear.gather [hbm4b:s14+s22], $0x3400, $0x38;
	[tilespmem:$0x1F000] =	vst v63  }
0x3e: {  	_ =	swait.ge [sflag:s18], $0x3400  }
0x3f: {  	[sflag:s18] =	ssyncset.done $0x0  }
0x40: {  	[sflag:s18] =	ssyncadd.s32 $0xFFFFCC00  }
.LBB2_4:
0x41: {  	s24 =	sand.u32 $0xF, s22  }
0x42: {  	p0 =	sne.s32 s24, $0x0  }
0x43: {  	s23 =	sadd.s32 @!p0 s5, s22  }
0x44: {  	s23 =	sshll.u32 @!p0 s23, $0x4  }
0x45: {  	s23 =	sand.u32 @!p0 $0xFFFFF80, s23  }
0x46: {  	s25 =	simm.s32 @!p0 $0x0;
	s26 =	simm.s32 @!p0 $0x6800;
	s23 =	sadd.s32 @!p0 s6, s23  }
0x47: {  	[tilespmem:s26], [sflag:$0x2] =	stream.linear.gather @!p0 [hbm4b:s23+s25], $0x800, $0x38;
	[tilespmem:$0x1F000] =	vst v63  }
0x48: {  	s23 =	simm.s32 @!p0 $0x2  }
0x49: {  	_ =	swait.ge @!p0 [sflag:s23], $0x800  }
0x4a: {  	s24 =	sshll.u32 s24, $0x7;
	[sflag:s23] =	ssyncset.done @!p0 $0x0  }
0x4b: {  	s24 =	sor.u32 $0x6800, s24;
	[sflag:s23] =	ssyncadd.s32 @!p0 $0xFFFFF800;
	s23 =	sshll.u32 s22, $0x7  }
0x4c: {  	[tilespmem:s17], [sflag:$0x1] =	stream.indirect.gather [hbm4b:s1+s20], $0x80, s23, s20, $0xb8;
	[tilespmem:$0x1F000] =	vst v63  }
0x4d: {  	v17 =	vmov s24;
	_ =	swait.ge [sflag:s21], $0x4000  }
0x4e: {  	[sflag:s21] =	ssyncset.done $0x0  }
0x4f: {  	s24 =	simm.s32 $0x0;
	[sflag:s21] =	ssyncadd.s32 $0xFFFFC000  }
.LBB2_5:
0x50: {  	s25 =	sshll.u32 s24, $0x4  }
0x51: {  	s25 =	sand.u32 $0x3FFFFFF0, s25  }
0x52: {  	s31 =	sshll.u32 s24, $0xB;
	v18 =	vld.idx.msk [tilespmem:v17+s25+$0x0 ss:$0x1], $0xffff  }
0x53: {  	s25 =	sand.u32 $0x3FFFF800, s31  }
0x54: {  	v19 =	vld [tilespmem:s25+$0x7000]  }
0x55: {  	v20 =	vld [tilespmem:s25+$0x7010]  }
0x56: {  	v21 =	vld [tilespmem:s25+$0x7020]  }
0x57: {  	v23 =	vld [tilespmem:s25+$0x7030];
	v22 =	vperm.xlane v18, v1  }
0x58: {  	v24 =	vld [tilespmem:s25+$0x7040]  }
0x59: {  	v25 =	vld [tilespmem:s25+$0x7050];
	v19 =	vmul.f32 v19, v22  }
0x5a: {  	v26 =	vld [tilespmem:s25+$0x7060];
	v20 =	vmul.f32 v20, v22  }
0x5b: {  	v43 =	vld [tilespmem:s25+$0x7070];
	[tilespmem:s25+$0x7000] =	vst v19;
	v19 =	vmul.f32 v21, v22  }
0x5c: {  	v45 =	vld [tilespmem:s25+$0x7080];
	v44 =	vmul.f32 v23, v22;
	[tilespmem:s25+$0x7010] =	vst v20  }
0x5d: {  	v46 =	vld [tilespmem:s25+$0x7090];
	[tilespmem:s25+$0x7020] =	vst v19;
	v19 =	vmul.f32 v24, v22  }
0x5e: {  	v48 =	vld [tilespmem:s25+$0x70A0];
	v47 =	vmul.f32 v25, v22;
	[tilespmem:s25+$0x7030] =	vst v44  }
0x5f: {  	v27 =	vld [tilespmem:s25+$0x70B0];
	v49 =	vperm.xlane v18, v2;
	[tilespmem:s25+$0x7040] =	vst v19;
	v19 =	vmul.f32 v26, v22  }
0x60: {  	v51 =	vld [tilespmem:s25+$0x70C0];
	v50 =	vmul.f32 v43, v22;
	[tilespmem:s25+$0x7050] =	vst v47  }
0x61: {  	v52 =	vld [tilespmem:s25+$0x70D0];
	[tilespmem:s25+$0x7060] =	vst v19;
	v19 =	vmul.f32 v45, v49  }
0x62: {  	v54 =	vld [tilespmem:s25+$0x70E0];
	v53 =	vmul.f32 v46, v49;
	[tilespmem:s25+$0x7070] =	vst v50  }
0x63: {  	v55 =	vld [tilespmem:s25+$0x70F0];
	[tilespmem:s25+$0x7080] =	vst v19;
	v19 =	vmul.f32 v48, v49  }
0x64: {  	v57 =	vld [tilespmem:s25+$0x7100];
	v56 =	vmul.f32 v27, v49;
	[tilespmem:s25+$0x7090] =	vst v53  }
0x65: {  	v58 =	vld [tilespmem:s25+$0x7110];
	[tilespmem:s25+$0x70A0] =	vst v19;
	v19 =	vmul.f32 v51, v49  }
0x66: {  	v60 =	vld [tilespmem:s25+$0x7120];
	v59 =	vmul.f32 v52, v49;
	[tilespmem:s25+$0x70B0] =	vst v56  }
0x67: {  	v62 =	vld [tilespmem:s25+$0x7130];
	v61 =	vperm.xlane v18, v3;
	[tilespmem:s25+$0x70C0] =	vst v19;
	v19 =	vmul.f32 v54, v49  }
0x68: {  	v28 =	vld [tilespmem:s25+$0x7140];
	v63 =	vmul.f32 v55, v49;
	[tilespmem:s25+$0x70D0] =	vst v59  }
0x69: {  	v29 =	vld [tilespmem:s25+$0x7150];
	[tilespmem:s25+$0x70E0] =	vst v19;
	v19 =	vmul.f32 v57, v61  }
0x6a: {  	v31 =	vld [tilespmem:s25+$0x7160];
	v30 =	vmul.f32 v58, v61;
	[tilespmem:s25+$0x70F0] =	vst v63  }
0x6b: {  	v32 =	vld [tilespmem:s25+$0x7170];
	[tilespmem:s25+$0x7100] =	vst v19;
	v19 =	vmul.f32 v60, v61  }
0x6c: {  	v34 =	vld [tilespmem:s25+$0x7180];
	v33 =	vmul.f32 v62, v61;
	[tilespmem:s25+$0x7110] =	vst v30  }
0x6d: {  	v35 =	vld [tilespmem:s25+$0x7190];
	[tilespmem:s25+$0x7120] =	vst v19;
	v19 =	vmul.f32 v28, v61  }
0x6e: {  	v37 =	vld [tilespmem:s25+$0x71A0];
	v36 =	vmul.f32 v29, v61;
	[tilespmem:s25+$0x7130] =	vst v33  }
0x6f: {  	v39 =	vld [tilespmem:s25+$0x71B0];
	v38 =	vperm.xlane v18, v4;
	[tilespmem:s25+$0x7140] =	vst v19;
	v19 =	vmul.f32 v31, v61  }
0x70: {  	v41 =	vld [tilespmem:s25+$0x71C0];
	v40 =	vmul.f32 v32, v61;
	[tilespmem:s25+$0x7150] =	vst v36  }
0x71: {  	v45 =	vld [tilespmem:s25+$0x71F0];
	[tilespmem:s25+$0x7160] =	vst v19;
	v19 =	vmul.f32 v34, v38  }
0x72: {  	v43 =	vmul.f32 v35, v38;
	[tilespmem:s25+$0x7170] =	vst v40;
	v44 =	vld [tilespmem:s25+$0x71E0]  }
0x73: {  	v42 =	vld [tilespmem:s25+$0x71D0];
	[tilespmem:s25+$0x7180] =	vst v19;
	v19 =	vmul.f32 v37, v38  }
0x74: {  	v46 =	vmul.f32 v39, v38;
	[tilespmem:s25+$0x7190] =	vst v43;
	v47 =	vld [tilespmem:s25+$0x7200]  }
0x75: {  	v52 =	vld [tilespmem:s25+$0x7230];
	[tilespmem:s25+$0x71A0] =	vst v19;
	v19 =	vmul.f32 v41, v38  }
0x76: {  	[tilespmem:s25+$0x71B0] =	vst v46;
	v50 =	vld [tilespmem:s25+$0x7220];
	v53 =	vmul.f32 v45, v38  }
0x77: {  	v55 =	vld [tilespmem:s25+$0x7250];
	v51 =	vperm.xlane v18, v5;
	[tilespmem:s25+$0x71C0] =	vst v19;
	v19 =	vmul.f32 v44, v38  }
0x78: {  	v49 =	vmul.f32 v42, v38;
	v54 =	vld [tilespmem:s25+$0x7240];
	[tilespmem:s25+$0x71F0] =	vst v53  }
0x79: {  	v58 =	vld [tilespmem:s25+$0x7270];
	[tilespmem:s25+$0x71E0] =	vst v19;
	v19 =	vmul.f32 v47, v51  }
0x7a: {  	v59 =	vmul.f32 v52, v51;
	[tilespmem:s25+$0x71D0] =	vst v49;
	v57 =	vld [tilespmem:s25+$0x7260]  }
0x7b: {  	v48 =	vld [tilespmem:s25+$0x7210];
	[tilespmem:s25+$0x7200] =	vst v19;
	v19 =	vmul.f32 v50, v51  }
0x7c: {  	v62 =	vmul.f32 v55, v51;
	[tilespmem:s25+$0x7230] =	vst v59;
	v60 =	vld [tilespmem:s25+$0x7280]  }
0x7d: {  	v40 =	vld [tilespmem:s25+$0x7310];
	[tilespmem:s25+$0x7220] =	vst v19;
	v19 =	vmul.f32 v54, v51  }
0x7e: {  	v63 =	vld [tilespmem:s25+$0x72A0];
	v32 =	vmul.f32 v58, v51;
	[tilespmem:s25+$0x7250] =	vst v62  }
0x7f: {  	v30 =	vperm.xlane v18, v6;
	v61 =	vld [tilespmem:s25+$0x7290];
	[tilespmem:s25+$0x7240] =	vst v19;
	v19 =	vmul.f32 v57, v51  }
0x80: {  	v33 =	vld [tilespmem:s25+$0x72C0];
	v43 =	vperm.xlane v18, v7;
	v56 =	vmul.f32 v48, v51;
	[tilespmem:s25+$0x7270] =	vst v32  }
0x81: {  	v53 =	vld [tilespmem:s25+$0x7390];
	[tilespmem:s25+$0x7260] =	vst v19;
	v19 =	vmul.f32 v60, v30  }
0x82: {  	v36 =	vld [tilespmem:s25+$0x72E0];
	v48 =	vmul.f32 v40, v43;
	[tilespmem:s25+$0x7210] =	vst v56  }
0x83: {  	v31 =	vld [tilespmem:s25+$0x72B0];
	[tilespmem:s25+$0x7280] =	vst v19;
	v19 =	vmul.f32 v63, v30  }
0x84: {  	v39 =	vld [tilespmem:s25+$0x7300];
	[tilespmem:s25+$0x7310] =	vst v48;
	v56 =	vperm.xlane v18, v8;
	v35 =	vmul.f32 v61, v30  }
0x85: {  	v34 =	vld [tilespmem:s25+$0x72D0];
	[tilespmem:s25+$0x72A0] =	vst v19;
	v19 =	vmul.f32 v33, v30  }
0x86: {  	v42 =	vld [tilespmem:s25+$0x7320];
	v61 =	vmul.f32 v53, v56;
	[tilespmem:s25+$0x7290] =	vst v35  }
0x87: {  	v37 =	vld [tilespmem:s25+$0x72F0];
	[tilespmem:s25+$0x72C0] =	vst v19;
	v19 =	vmul.f32 v36, v30  }
0x88: {  	v46 =	vld [tilespmem:s25+$0x7340];
	[tilespmem:s25+$0x7390] =	vst v61;
	v38 =	vmul.f32 v31, v30  }
0x89: {  	v47 =	vld [tilespmem:s25+$0x7350];
	[tilespmem:s25+$0x72E0] =	vst v19;
	v19 =	vmul.f32 v39, v43  }
0x8a: {  	v49 =	vld [tilespmem:s25+$0x7360];
	v41 =	vmul.f32 v34, v30;
	[tilespmem:s25+$0x72B0] =	vst v38  }
0x8b: {  	v38 =	vld [tilespmem:s25+$0x7450];
	[tilespmem:s25+$0x7300] =	vst v19;
	v19 =	vmul.f32 v42, v43  }
0x8c: {  	v52 =	vld [tilespmem:s25+$0x7380];
	[tilespmem:s25+$0x72D0] =	vst v41;
	v45 =	vmul.f32 v37, v30  }
0x8d: {  	v44 =	vld [tilespmem:s25+$0x7330];
	[tilespmem:s25+$0x7320] =	vst v19;
	v19 =	vmul.f32 v46, v43  }
0x8e: {  	v55 =	vld [tilespmem:s25+$0x73A0];
	v34 =	vperm.xlane v18, v9;
	[tilespmem:s25+$0x72F0] =	vst v45;
	v54 =	vmul.f32 v47, v43  }
0x8f: {  	v50 =	vld [tilespmem:s25+$0x7370];
	[tilespmem:s25+$0x7340] =	vst v19;
	v19 =	vmul.f32 v49, v43  }
0x90: {  	v59 =	vld [tilespmem:s25+$0x73C0];
	v45 =	vmul.f32 v38, v34;
	[tilespmem:s25+$0x7350] =	vst v54  }
0x91: {  	v57 =	vld [tilespmem:s25+$0x73B0];
	[tilespmem:s25+$0x7360] =	vst v19;
	v19 =	vmul.f32 v52, v56  }
0x92: {  	v62 =	vld [tilespmem:s25+$0x73E0];
	v51 =	vmul.f32 v44, v43;
	[tilespmem:s25+$0x7450] =	vst v45  }
0x93: {  	v60 =	vld [tilespmem:s25+$0x73D0];
	[tilespmem:s25+$0x7380] =	vst v19;
	v19 =	vmul.f32 v55, v56  }
0x94: {  	v58 =	vmul.f32 v50, v43;
	[tilespmem:s25+$0x7330] =	vst v51;
	v30 =	vld [tilespmem:s25+$0x7400]  }
0x95: {  	v51 =	vld [tilespmem:s25+$0x74D0];
	[tilespmem:s25+$0x73A0] =	vst v19;
	v19 =	vmul.f32 v59, v56  }
0x96: {  	[tilespmem:s25+$0x7370] =	vst v58;
	v29 =	vmul.f32 v57, v56;
	v33 =	vld [tilespmem:s25+$0x7420]  }
0x97: {  	v63 =	vld [tilespmem:s25+$0x73F0];
	[tilespmem:s25+$0x73C0] =	vst v19;
	v19 =	vmul.f32 v62, v56  }
0x98: {  	v37 =	vld [tilespmem:s25+$0x7440];
	v47 =	vperm.xlane v18, v10;
	[tilespmem:s25+$0x73B0] =	vst v29;
	v32 =	vmul.f32 v60, v56  }
0x99: {  	v61 =	vld [tilespmem:s25+$0x7530];
	[tilespmem:s25+$0x73E0] =	vst v19;
	v19 =	vmul.f32 v30, v34  }
0x9a: {  	v40 =	vld [tilespmem:s25+$0x7460];
	v58 =	vmul.f32 v51, v47;
	[tilespmem:s25+$0x73D0] =	vst v32  }
0x9b: {  	v31 =	vld [tilespmem:s25+$0x7410];
	[tilespmem:s25+$0x7400] =	vst v19;
	v19 =	vmul.f32 v33, v34  }
0x9c: {  	v60 =	vperm.xlane v18, v11;
	v36 =	vmul.f32 v63, v56;
	[tilespmem:s25+$0x74D0] =	vst v58;
	v43 =	vld [tilespmem:s25+$0x7480]  }
0x9d: {  	v57 =	vld [tilespmem:s25+$0x7510];
	[tilespmem:s25+$0x7420] =	vst v19;
	v19 =	vmul.f32 v37, v34  }
0x9e: {  	v32 =	vmul.f32 v61, v60;
	[tilespmem:s25+$0x73F0] =	vst v36;
	v46 =	vld [tilespmem:s25+$0x74A0]  }
0x9f: {  	v35 =	vld [tilespmem:s25+$0x7430];
	[tilespmem:s25+$0x7440] =	vst v19;
	v19 =	vmul.f32 v40, v34  }
0xa0: {  	v50 =	vld [tilespmem:s25+$0x74C0];
	v39 =	vmul.f32 v31, v34;
	[tilespmem:s25+$0x7530] =	vst v32  }
0xa1: {  	v28 =	vld [tilespmem:s25+$0x7550];
	[tilespmem:s25+$0x7460] =	vst v19;
	v19 =	vmul.f32 v43, v47  }
0xa2: {  	v53 =	vld [tilespmem:s25+$0x74E0];
	v29 =	vmul.f32 v57, v60;
	[tilespmem:s25+$0x7410] =	vst v39  }
0xa3: {  	v31 =	vld [tilespmem:s25+$0x7570];
	[tilespmem:s25+$0x7480] =	vst v19;
	v19 =	vmul.f32 v46, v47  }
0xa4: {  	v42 =	vmul.f32 v35, v34;
	[tilespmem:s25+$0x7510] =	vst v29;
	v56 =	vld [tilespmem:s25+$0x7500]  }
0xa5: {  	v41 =	vld [tilespmem:s25+$0x7470];
	[tilespmem:s25+$0x74A0] =	vst v19;
	v19 =	vmul.f32 v50, v47  }
0xa6: {  	v35 =	vmul.f32 v28, v60;
	[tilespmem:s25+$0x7430] =	vst v42;
	v59 =	vld [tilespmem:s25+$0x7520]  }
0xa7: {  	v44 =	vld [tilespmem:s25+$0x7490];
	[tilespmem:s25+$0x74C0] =	vst v19;
	v19 =	vmul.f32 v53, v47  }
0xa8: {  	v63 =	vld [tilespmem:s25+$0x7540];
	[tilespmem:s25+$0x7550] =	vst v35;
	v39 =	vmul.f32 v31, v60  }
0xa9: {  	v48 =	vld [tilespmem:s25+$0x74B0];
	[tilespmem:s25+$0x74E0] =	vst v19;
	v19 =	vmul.f32 v56, v60  }
0xaa: {  	v49 =	vmul.f32 v41, v34;
	[tilespmem:s25+$0x7570] =	vst v39;
	v30 =	vld [tilespmem:s25+$0x7560]  }
0xab: {  	v54 =	vld [tilespmem:s25+$0x74F0];
	[tilespmem:s25+$0x7500] =	vst v19;
	v19 =	vmul.f32 v59, v60  }
0xac: {  	[tilespmem:s25+$0x7470] =	vst v49;
	v52 =	vmul.f32 v44, v47;
	v33 =	vld [tilespmem:s25+$0x7580]  }
0xad: {  	v38 =	vld [tilespmem:s25+$0x75B0];
	[tilespmem:s25+$0x7520] =	vst v19;
	v19 =	vmul.f32 v63, v60  }
0xae: {  	v36 =	vld [tilespmem:s25+$0x75A0];
	[tilespmem:s25+$0x7490] =	vst v52;
	v55 =	vmul.f32 v48, v47  }
0xaf: {  	v41 =	vld [tilespmem:s25+$0x75D0];
	v37 =	vperm.xlane v18, v12;
	[tilespmem:s25+$0x7540] =	vst v19;
	v19 =	vmul.f32 v30, v60  }
0xb0: {  	[tilespmem:s25+$0x74B0] =	vst v55;
	v62 =	vmul.f32 v54, v47;
	v40 =	vld [tilespmem:s25+$0x75C0]  }
0xb1: {  	v44 =	vld [tilespmem:s25+$0x75F0];
	[tilespmem:s25+$0x7560] =	vst v19;
	v19 =	vmul.f32 v33, v37  }
0xb2: {  	[tilespmem:s25+$0x74F0] =	vst v62;
	v45 =	vmul.f32 v38, v37;
	v43 =	vld [tilespmem:s25+$0x75E0]  }
0xb3: {  	v34 =	vld [tilespmem:s25+$0x7590];
	[tilespmem:s25+$0x7580] =	vst v19;
	v19 =	vmul.f32 v36, v37  }
0xb4: {  	v48 =	vmul.f32 v41, v37;
	[tilespmem:s25+$0x75B0] =	vst v45;
	v46 =	vld [tilespmem:s25+$0x7600]  }
0xb5: {  	v51 =	vld [tilespmem:s25+$0x7630];
	[tilespmem:s25+$0x75A0] =	vst v19;
	v19 =	vmul.f32 v40, v37  }
0xb6: {  	v49 =	vld [tilespmem:s25+$0x7620];
	v52 =	vmul.f32 v44, v37;
	[tilespmem:s25+$0x75D0] =	vst v48  }
0xb7: {  	v54 =	vld [tilespmem:s25+$0x7650];
	v50 =	vperm.xlane v18, v13;
	[tilespmem:s25+$0x75C0] =	vst v19;
	v19 =	vmul.f32 v43, v37  }
0xb8: {  	[tilespmem:s25+$0x75F0] =	vst v52;
	v42 =	vmul.f32 v34, v37;
	v53 =	vld [tilespmem:s25+$0x7640]  }
0xb9: {  	v57 =	vld [tilespmem:s25+$0x7670];
	[tilespmem:s25+$0x75E0] =	vst v19;
	v19 =	vmul.f32 v46, v50  }
0xba: {  	[tilespmem:s25+$0x7590] =	vst v42;
	v58 =	vmul.f32 v51, v50;
	v56 =	vld [tilespmem:s25+$0x7660]  }
0xbb: {  	v47 =	vld [tilespmem:s25+$0x7610];
	[tilespmem:s25+$0x7600] =	vst v19;
	v19 =	vmul.f32 v49, v50  }
0xbc: {  	v61 =	vmul.f32 v54, v50;
	[tilespmem:s25+$0x7630] =	vst v58;
	v59 =	vld [tilespmem:s25+$0x7680]  }
0xbd: {  	v39 =	vld [tilespmem:s25+$0x7710];
	[tilespmem:s25+$0x7620] =	vst v19;
	v19 =	vmul.f32 v53, v50  }
0xbe: {  	v62 =	vld [tilespmem:s25+$0x76A0];
	v31 =	vmul.f32 v57, v50;
	[tilespmem:s25+$0x7650] =	vst v61  }
0xbf: {  	v63 =	vperm.xlane v18, v14;
	v60 =	vld [tilespmem:s25+$0x7690];
	[tilespmem:s25+$0x7640] =	vst v19;
	v19 =	vmul.f32 v56, v50  }
0xc0: {  	v32 =	vld [tilespmem:s25+$0x76C0];
	v42 =	vperm.xlane v18, v15;
	[tilespmem:s25+$0x7670] =	vst v31;
	v55 =	vmul.f32 v47, v50  }
0xc1: {  	v33 =	vld [tilespmem:s25+$0x76D0];
	[tilespmem:s25+$0x7660] =	vst v19;
	v19 =	vmul.f32 v59, v63  }
0xc2: {  	v35 =	vld [tilespmem:s25+$0x76E0];
	v47 =	vmul.f32 v39, v42;
	[tilespmem:s25+$0x7610] =	vst v55  }
0xc3: {  	v30 =	vld [tilespmem:s25+$0x76B0];
	[tilespmem:s25+$0x7680] =	vst v19;
	v19 =	vmul.f32 v62, v63  }
0xc4: {  	v38 =	vld [tilespmem:s25+$0x7700];
	[tilespmem:s25+$0x7710] =	vst v47;
	v34 =	vmul.f32 v60, v63  }
0xc5: {  	v36 =	vld [tilespmem:s25+$0x76F0];
	[tilespmem:s25+$0x76A0] =	vst v19;
	v19 =	vmul.f32 v32, v63  }
0xc6: {  	v41 =	vld [tilespmem:s25+$0x7720];
	[tilespmem:s25+$0x7690] =	vst v34;
	v40 =	vmul.f32 v33, v63  }
0xc7: {  	v46 =	vld [tilespmem:s25+$0x7750];
	[tilespmem:s25+$0x76C0] =	vst v19;
	v19 =	vmul.f32 v35, v63  }
0xc8: {  	v45 =	vld [tilespmem:s25+$0x7740];
	v37 =	vmul.f32 v30, v63;
	[tilespmem:s25+$0x76D0] =	vst v40  }
0xc9: {  	v43 =	vld [tilespmem:s25+$0x7730];
	[tilespmem:s25+$0x76E0] =	vst v19;
	v19 =	vmul.f32 v38, v42  }
0xca: {  	v48 =	vld [tilespmem:s25+$0x7760];
	v44 =	vmul.f32 v36, v63;
	[tilespmem:s25+$0x76B0] =	vst v37  }
0xcb: {  	v49 =	vld [tilespmem:s25+$0x7770];
	[tilespmem:s25+$0x7700] =	vst v19;
	v19 =	vmul.f32 v41, v42  }
0xcc: {  	v51 =	vld [tilespmem:s25+$0x7780];
	[tilespmem:s25+$0x76F0] =	vst v44;
	v53 =	vmul.f32 v46, v42  }
0xcd: {  	v52 =	vld [tilespmem:s25+$0x7790];
	[tilespmem:s25+$0x7720] =	vst v19;
	v19 =	vmul.f32 v45, v42  }
0xce: {  	v54 =	vld [tilespmem:s25+$0x77A0];
	v50 =	vmul.f32 v43, v42;
	[tilespmem:s25+$0x7750] =	vst v53  }
0xcf: {  	v18 =	vperm.xlane v18, v16;
	v55 =	vld [tilespmem:s25+$0x77B0];
	[tilespmem:s25+$0x7740] =	vst v19;
	v19 =	vmul.f32 v48, v42  }
0xd0: {  	v57 =	vld [tilespmem:s25+$0x77C0];
	v56 =	vmul.f32 v49, v42;
	[tilespmem:s25+$0x7730] =	vst v50  }
0xd1: {  	v58 =	vld [tilespmem:s25+$0x77D0];
	[tilespmem:s25+$0x7760] =	vst v19;
	v19 =	vmul.f32 v51, v18  }
0xd2: {  	v60 =	vld [tilespmem:s25+$0x77E0];
	v59 =	vmul.f32 v52, v18;
	[tilespmem:s25+$0x7770] =	vst v56  }
0xd3: {  	v61 =	vld [tilespmem:s25+$0x77F0];
	[tilespmem:s25+$0x7780] =	vst v19;
	v19 =	vmul.f32 v54, v18  }
0xd4: {  	[tilespmem:s25+$0x7790] =	vst v59;
	v62 =	vmul.f32 v55, v18  }
0xd5: {  	p0 =	sne.s32 s24, $0x7;
	[tilespmem:s25+$0x77A0] =	vst v19;
	v19 =	vmul.f32 v57, v18  }
.Ltmp1:
0xd6: {  	[tilespmem:s25+$0x77B0] =	vst v62;
	v63 =	vmul.f32 v58, v18;
	(pc) =	sbr.rel @p0 .LBB2_5-.Ltmp1, $4  }
0xd7: {  	[tilespmem:s25+$0x77C0] =	vst v19;
	v19 =	vmul.f32 v60, v18  }
0xd8: {  	[tilespmem:s25+$0x77D0] =	vst v63;
	v18 =	vmul.f32 v61, v18  }
0xd9: {  	[tilespmem:s25+$0x77E0] =	vst v19  }
0xda: {  	s24 =	sadd.s32 $0x1, s24;
	[tilespmem:s25+$0x77F0] =	vst v18  }
0xdb: {  	s22 =	sadd.s32 $0x1, s22  }
0xdc: {  	p0 =	sne.s32 s22, s7  }
.Ltmp2:
0xdd: {  	s23 =	sadd.s32 $0x3400, s23;
	(pc) =	sbr.rel @p0 .LBB2_4-.Ltmp2, $4  }
0xde: {  	[spmem:s3] =	stream.indirect.scatter.add.f32 [tilespmem:s17], [sflag:$0x2], $0x80, s23, s20, $0xb8;
	[tilespmem:$0x1F000] =	vst v63  }
0xdf: {  	_ =	swait.ge [sflag:s18], $0x4000  }
0xe0: {  	[sflag:s18] =	ssyncset.done $0x0  }
0xe1: {  	[sflag:s18] =	ssyncadd.s32 $0xFFFFC000  }
0xe2: {  	s4 =	sadd.s32 $0x1, s4  }
0xe3: {  	s22 =	sshll.u32 s2, $0x6;
	[bflag:$0x0] =	sbarrier.arrive $0xFFFF;
	p0 =	sne.s32 s4, s16  }
.Ltmp3:
0xe4: {  	s23 =	sshrl.u32 s8, $0x3;
	s22 =	sor.u32 $0x1C02, s22;
	(pc) =	sbr.rel @p0 .LBB2_1-.Ltmp3, $4  }
0xe5: {  	[hbm:s15], [sflag:s22] =	dma.local [spmem:s23], $0x2800  }
0xe6: {  	_ =	swait.ge [sflag:s18], $0x2800  }
0xe7: {  	[sflag:s18] =	ssyncset.done $0x0  }
0xe8: {  	[sflag:s18] =	ssyncadd.s32 $0xFFFFD800  }
0xe9: {  	_ =	sfence.sel $0x180000  }
0xea: {  	[bflag:$0x0] =	sbarrier.arrive $0xFFFF  }
0xeb: {  	p0 =	sne.s32 s2, $0x0;
	_ =	strace $0x90000047  }
0xec: {  	s0 =	sadd.s32 @!p0 $0x100000, s0;
	[bflag:$0x2] =	sbarrier.arrive $0xFFFF  }
0xed: {  	[sflag:s0] =	ssyncadd.tile.s32 @!p0 $0x1;
	_ =	shalt  }
.Lfunc_end2:
_tile_overlayer_lowered:
.L_overlay_start_2:
0xee: {  	(tag) =	ssettag $0x2  }
0xef: {  	s0 =	rddreg [dreg:$0x0];
	s2 =	stileid.u32  }
0xf0: {  	s1 =	rddreg [dreg:$0x1];
	p0 =	sne.s32 s2, $0x0  }
0xf1: {  	s3 =	rddreg [dreg:$0x2];
	[bflag:$0x3] =	sbarrier.arrive $0xFFFF;
	s2 =	simm.s32 @!p0 $0x1C02  }
0xf2: {  	[timem:s3], [sflag:s2] =	dma.local @!p0 [hbm:s0], s1  }
0xf3: {  	s0 =	simm.s32 @!p0 $0x2  }
0xf4: {  	_ =	swait.ge @!p0 [sflag:s0], s1  }
0xf5: {  	s1 =	ssub.s32 @!p0 $0x0, s1;
	[sflag:s0] =	ssyncset.done @!p0 $0x0  }
0xf6: {  	[sflag:s0] =	ssyncadd.s32 @!p0 s1  }
0xf7: {  	[bflag:$0x3] =	sbarrier.arrive $0xFFFF  }
0xf8: {  	_ =	shalt  }

</sc_bundles>
